<compile_context>
chip_gen: v7x
topology: tpu7x:2x2x1
jax: 0.10.2.dev20260603
libtpu: 0.0.44.dev20260713+nightly
codegen_flags: <defaults>
</compile_context>

<pallas_src>
import functools

import jax
import jax.numpy as jnp
from jax import lax
from jax.experimental import pallas as pl
from jax.experimental.pallas import tpu as pltpu
from jax.experimental.pallas import tpu_sc as plsc

_F32 = jnp.float32
_LANES = 384
_CH = 1
_NTILES = 16
_ZROWS = 1000


def _leaky(x):
    return jnp.where(x >= 0, x, 0.5 * x)


@functools.lru_cache(maxsize=None)
def _make_sc_agg(n, nz, g, stage=False):
    gpt = g // _NTILES
    npair = gpt // (2 * _CH)
    mesh = plsc.VectorSubcoreMesh(core_axis_name="c", subcore_axis_name="s")

    @functools.partial(
        pl.kernel,
        mesh=mesh,
        compiler_params=pltpu.CompilerParams(use_tc_tiling_on_sc=False),
        out_type=[jax.ShapeDtypeStruct((n, 32), _F32),
                  jax.ShapeDtypeStruct((n, 32), _F32)],
        scratch_types=[
            pltpu.VMEM((_CH, 2, _LANES), jnp.int32),
            pltpu.VMEM((_CH, 2, _LANES), jnp.int32),
            pltpu.VMEM((_CH * _LANES, 32), _F32),
            pltpu.VMEM((_CH * _LANES, 32), _F32),
            pltpu.VMEM_SHARED((nz, 32), _F32),
        ] + ([pltpu.VMEM_SHARED((n, 32), _F32)] if stage else []) + [
            pltpu.SemaphoreType.DMA,
            pltpu.SemaphoreType.DMA,
            pltpu.SemaphoreType.DMA,
            pltpu.SemaphoreType.DMA,
        ],
    )
    def agg(nf0, nf1, idx2, zrows, out0, out1, *refs):
        if stage:
            idxa, idxb, bufa, bufb, acc, table, semga, semgb, semsa, semsb = refs
        else:
            idxa, idxb, bufa, bufb, acc, semga, semgb, semsa, semsb = refs
            table = None
        c = lax.axis_index("c")
        s = lax.axis_index("s")

        def zb(z, carry):
            @pl.when(lax.rem(z, _NTILES) == s)
            def _():
                pltpu.sync_copy(zrows, acc.at[pl.ds(z * _ZROWS, _ZROWS)])
            return carry
        lax.fori_loop(0, nz // _ZROWS, zb, 0)
        if stage:
            def stage_in(nf):
                def sb(z, carry):
                    @pl.when(lax.rem(z, _NTILES) == s)
                    def _():
                        pltpu.sync_copy(nf.at[pl.ds(z * _ZROWS, _ZROWS)],
                                        table.at[pl.ds(z * _ZROWS, _ZROWS)])
                    return carry
                lax.fori_loop(0, n // _ZROWS, sb, 0)

            @pl.when(c == 0)
            def _():
                stage_in(nf0)

            @pl.when(c == 1)
            def _():
                stage_in(nf1)
        plsc.subcore_barrier()

        def edges(nf):
            buf_bytes_src = nf.at[pl.ds(0, _CH * _LANES)]
            src = table if stage else nf

            def half(k, g0, idxv, bufv, semg, sems):
                @pl.when(k > 0)
                def _():
                    pltpu.make_async_copy(buf_bytes_src, bufv, sems).wait()
                pltpu.sync_copy(idx2.at[pl.ds(g0, _CH)], idxv)
                return [pltpu.async_copy(src.at[idxv.at[j, 0]],
                                         bufv.at[pl.ds(j * _LANES, _LANES)],
                                         semg)
                        for j in range(_CH)]

            def scatter(idxv, bufv, sems, gh):
                for h in gh:
                    h.wait()
                for j in range(_CH):
                    pltpu.async_copy(bufv.at[pl.ds(j * _LANES, _LANES)],
                                     acc.at[idxv.at[j, 1]], sems, add=True)

            def cb(k, carry):
                g0 = s * gpt + k * (2 * _CH)
                gha = half(k, g0, idxa, bufa, semga, semsa)
                ghb = half(k, g0 + _CH, idxb, bufb, semgb, semsb)
                scatter(idxa, bufa, semsa, gha)
                scatter(idxb, bufb, semsb, ghb)
                return carry
            lax.fori_loop(0, npair, cb, 0)
            pltpu.make_async_copy(buf_bytes_src, bufa, semsa).wait()
            pltpu.make_async_copy(buf_bytes_src, bufb, semsb).wait()

        @pl.when(c == 0)
        def _():
            edges(nf0)

        @pl.when(c == 1)
        def _():
            edges(nf1)

        plsc.subcore_barrier()

        def drain(out):
            def db(d, carry):
                @pl.when(lax.rem(d, _NTILES) == s)
                def _():
                    pltpu.sync_copy(acc.at[pl.ds(d * _ZROWS, _ZROWS)],
                                    out.at[pl.ds(d * _ZROWS, _ZROWS)])
                return carry
            lax.fori_loop(0, n // _ZROWS, db, 0)

        @pl.when(c == 0)
        def _():
            drain(out0)

        @pl.when(c == 1)
        def _():
            drain(out1)

    return agg


_BN = 1000


def _mm_split(emb, w):
    n = emb.shape[0]

    def body(e_ref, w_ref, o0_ref, o1_ref):
        p = jnp.dot(e_ref[...], w_ref[...], preferred_element_type=_F32)
        o0_ref[...] = p[:, :32]
        o1_ref[...] = p[:, 32:]

    return pl.pallas_call(
        body,
        grid=(n // _BN,),
        in_specs=[pl.BlockSpec((_BN, 64), lambda i: (i, 0)),
                  pl.BlockSpec((64, 64), lambda i: (0, 0))],
        out_specs=[pl.BlockSpec((_BN, 32), lambda i: (i, 0)),
                   pl.BlockSpec((_BN, 32), lambda i: (i, 0))],
        out_shape=[jax.ShapeDtypeStruct((n, 32), _F32),
                   jax.ShapeDtypeStruct((n, 32), _F32)],
    )(emb, w)


def _mid_layer(a0, a1, w):
    n = a0.shape[0]

    def body(a0_ref, a1_ref, w_ref, on_ref, o0_ref, o1_ref):
        e = jnp.concatenate([_leaky(a0_ref[...]), _leaky(a1_ref[...])], axis=1)
        nrm = jnp.sqrt(jnp.sum(e * e, axis=1, keepdims=True))
        on_ref[...] = e / jnp.maximum(nrm, 1e-12)
        p = jnp.dot(e, w_ref[...], preferred_element_type=_F32)
        o0_ref[...] = p[:, :32]
        o1_ref[...] = p[:, 32:]

    return pl.pallas_call(
        body,
        grid=(n // _BN,),
        in_specs=[pl.BlockSpec((_BN, 32), lambda i: (i, 0)),
                  pl.BlockSpec((_BN, 32), lambda i: (i, 0)),
                  pl.BlockSpec((64, 64), lambda i: (0, 0))],
        out_specs=[pl.BlockSpec((_BN, 64), lambda i: (i, 0)),
                   pl.BlockSpec((_BN, 32), lambda i: (i, 0)),
                   pl.BlockSpec((_BN, 32), lambda i: (i, 0))],
        out_shape=[jax.ShapeDtypeStruct((n, 64), _F32),
                   jax.ShapeDtypeStruct((n, 32), _F32),
                   jax.ShapeDtypeStruct((n, 32), _F32)],
    )(a0, a1, w)


def _final_layer(a0, a1, base, n1):
    n = a0.shape[0]

    def body(a0_ref, a1_ref, b_ref, n1_ref, o_ref):
        e = jnp.concatenate([_leaky(a0_ref[...]), _leaky(a1_ref[...])], axis=1)
        nrm = jnp.sqrt(jnp.sum(e * e, axis=1, keepdims=True))
        o_ref[...] = b_ref[...] + n1_ref[...] + e / jnp.maximum(nrm, 1e-12)

    return pl.pallas_call(
        body,
        grid=(n // _BN,),
        in_specs=[pl.BlockSpec((_BN, 32), lambda i: (i, 0)),
                  pl.BlockSpec((_BN, 32), lambda i: (i, 0)),
                  pl.BlockSpec((_BN, 64), lambda i: (i, 0)),
                  pl.BlockSpec((_BN, 64), lambda i: (i, 0))],
        out_specs=pl.BlockSpec((_BN, 64), lambda i: (i, 0)),
        out_shape=jax.ShapeDtypeStruct((n, 64), _F32),
    )(a0, a1, base, n1)


def _prep_edges(adj, e_pad, trash):
    row = adj[0].astype(jnp.int32)
    col = adj[1].astype(jnp.int32)
    pad = e_pad - row.shape[0]
    col_p = jnp.concatenate([col, jnp.zeros((pad,), jnp.int32)])
    row_p = jnp.concatenate([row, jnp.full((pad,), trash, jnp.int32)])
    return jnp.stack([col_p.reshape(-1, _LANES),
                      row_p.reshape(-1, _LANES)], axis=1)


def kernel(ui_adj, social_adj, user_emb, item_emb, W_ui0, W_ui1, W_s0, W_s1):
    n_user = user_emb.shape[0]
    n_ui = n_user + item_emb.shape[0]

    e0 = jnp.concatenate([user_emb, item_emb], axis=0)
    zrows = jnp.zeros((_ZROWS, 32), _F32)

    ui_idx = _prep_edges(ui_adj, 811008, n_ui)
    s_idx = _prep_edges(social_adj, 405504, n_user)

    agg_ui = _make_sc_agg(n_ui, 51000, ui_idx.shape[0])
    agg_s = _make_sc_agg(n_user, 26000, s_idx.shape[0], stage=True)

    nfu0, nfu1 = _mm_split(e0, W_ui0)
    au0, au1 = agg_ui(nfu0, nfu1, ui_idx, zrows)
    nu1, nfu0b, nfu1b = _mid_layer(au0, au1, W_ui1)
    bu0, bu1 = agg_ui(nfu0b, nfu1b, ui_idx, zrows)
    ui_emb = _final_layer(bu0, bu1, e0, nu1)

    nfs0, nfs1 = _mm_split(user_emb, W_s0)
    as0, as1 = agg_s(nfs0, nfs1, s_idx, zrows)
    ns1, nfs0b, nfs1b = _mid_layer(as0, as1, W_s1)
    bs0, bs1 = agg_s(nfs0b, nfs1b, s_idx, zrows)
    social_emb = _final_layer(bs0, bs1, user_emb, ns1)

    return (ui_emb, social_emb)

# --- scband reference (transcript-rebuilt; emitter-appended) ---
"""Pipeline reference for scband-gcnmodel-72945724555834 (READ-ONLY COPY).

The authoritative reference and input builder live on the scoring server;
editing this copy changes nothing except your own understanding.
"""

import jax, jax.numpy as jnp
import numpy as np

N_USER = 25000
N_ITEM = 25000
N_HID = 64
E_UI = 800000
E_S = 400000


def _xavier(key, shape):
    fan_in, fan_out = shape[0], shape[1]
    s = float(np.sqrt(6.0 / (fan_in + fan_out)))
    return jax.random.uniform(key, shape, minval=-s, maxval=s, dtype=jnp.float32)


def setup_inputs(seed: int = 0) -> dict:
    key = jax.random.key(seed)
    ks = jax.random.split(key, 8)
    ui_adj = jax.random.randint(ks[0], (2, E_UI), 0, N_USER + N_ITEM)
    social_adj = jax.random.randint(ks[1], (2, E_S), 0, N_USER)
    user_emb = _xavier(ks[2], (N_USER, N_HID))
    item_emb = _xavier(ks[3], (N_ITEM, N_HID))
    W_ui0 = _xavier(ks[4], (N_HID, N_HID))
    W_ui1 = _xavier(ks[5], (N_HID, N_HID))
    W_s0 = _xavier(ks[6], (N_HID, N_HID))
    W_s1 = _xavier(ks[7], (N_HID, N_HID))
    return {"ui_adj": ui_adj, "social_adj": social_adj, "user_emb": user_emb,
            "item_emb": item_emb, "W_ui0": W_ui0, "W_ui1": W_ui1,
            "W_s0": W_s0, "W_s1": W_s1}


def reference(ui_adj, social_adj, user_emb, item_emb, W_ui0, W_ui1, W_s0, W_s1):
    def leaky(x):
        return jnp.where(x >= 0, x, 0.5 * x)

    def l2norm(x):
        return x / jnp.maximum(jnp.linalg.norm(x, axis=1, keepdims=True), 1e-12)

    n_user = user_emb.shape[0]
    N = n_user + item_emb.shape[0]
    row, col = ui_adj[0], ui_adj[1]
    srow, scol = social_adj[0], social_adj[1]

    # user-item bipartite GCN stack (adj values implicitly 1.0)
    u, i = user_emb, item_emb
    ui_embs = [jnp.concatenate([u, i], axis=0)]
    for W in (W_ui0, W_ui1):
        node_f = jnp.concatenate([u, i], axis=0) @ W
        agg = jax.ops.segment_sum(node_f[col], row, num_segments=N)
        emb = leaky(agg)
        u, i = emb[:n_user], emb[n_user:]
        ui_embs.append(l2norm(emb))
    ui_emb = ui_embs[0] + ui_embs[1] + ui_embs[2]

    # social GCN stack over users
    u = user_emb
    s_embs = [u]
    for W in (W_s0, W_s1):
        h = u @ W
        agg = jax.ops.segment_sum(h[scol], srow, num_segments=n_user)
        u = leaky(agg)
        s_embs.append(l2norm(u))
    social_emb = s_embs[0] + s_embs[1] + s_embs[2]

    return (ui_emb, social_emb)

if __name__ == "__main__":
    import jax
    _d = setup_inputs()
    print(jax.jit(kernel)(*tuple(_d.values())))

</pallas_src>

<mosaic_0001>
#map = affine_map<(d0, d1) -> (0, 0)>
#map1 = affine_map<(d0, d1) -> (0, 0, 0)>
module attributes {stable_mosaic.version = 14 : i64} {
  func.func @agg(%arg0: i32, %arg1: i32, %arg2: memref<25000x32xf32, #tpu.memory_space<hbm>>, %arg3: memref<25000x32xf32, #tpu.memory_space<hbm>>, %arg4: memref<1056x2x384xi32, #tpu.memory_space<hbm>>, %arg5: memref<1000x32xf32, #tpu.memory_space<hbm>>, %arg6: memref<25000x32xf32, #tpu.memory_space<hbm>>, %arg7: memref<25000x32xf32, #tpu.memory_space<hbm>>, %arg8: memref<1x2x384xi32, #tpu.memory_space<vmem>>, %arg9: memref<1x2x384xi32, #tpu.memory_space<vmem>>, %arg10: memref<384x32xf32, #tpu.memory_space<vmem>>, %arg11: memref<384x32xf32, #tpu.memory_space<vmem>>, %arg12: memref<26000x32xf32, #tpu.memory_space<vmem_shared>>, %arg13: memref<25000x32xf32, #tpu.memory_space<vmem_shared>>, %arg14: memref<!tpu.dma_semaphore, #tpu.memory_space<semaphore_mem>>, %arg15: memref<!tpu.dma_semaphore, #tpu.memory_space<semaphore_mem>>, %arg16: memref<!tpu.dma_semaphore, #tpu.memory_space<semaphore_mem>>, %arg17: memref<!tpu.dma_semaphore, #tpu.memory_space<semaphore_mem>>) attributes {dimension_semantics = [#tpu.dimension_semantics<core_parallel>, #tpu.dimension_semantics<subcore_parallel>], iteration_bounds = array<i64: 2, 16>, scalar_prefetch = 0 : i64, scratch_operands = 10 : i64, tpu.core_type = #tpu.core_type<sc_vector_subcore>, window_params = [{transform_indices = #map}, {transform_indices = #map}, {transform_indices = #map1}, {transform_indices = #map}, {transform_indices = #map}, {transform_indices = #map}]} {
    %scan3A = arith.constant 0 : i32
    %scan3A_0 = arith.constant 0 : i32
    %scan3A_1 = arith.constant 26 : i32
    %scan3A_2 = arith.addi %scan3A_0, %scan3A_1 : i32
    %scan3A_3 = arith.constant 1 : i32
    scf.for %scan3A_33 = %scan3A_0 to %scan3A_2 step %scan3A_3  : i32 {
      %rem3A = arith.constant 16 : i32
      %rem3A_34 = arith.remsi %scan3A_33, %rem3A : i32
      %eq3A_35 = arith.cmpi eq, %rem3A_34, %arg1 : i32
      %convert_element_type3A_36 = arith.extui %eq3A_35 : i1 to i32
      %cond3A_37 = arith.constant 0 : i32
      %cond3A_38 = arith.cmpi ne, %convert_element_type3A_36, %cond3A_37 : i32
      scf.if %cond3A_38 {
        %mul3A = arith.constant 1000 : i32
        %mul3A_39 = arith.muli %scan3A_33, %mul3A : i32
        "tpu.region"() ({
          %run_scoped3A = tpu.sem_alloc : memref<!tpu.dma_semaphore, #tpu.memory_space<semaphore_mem>>
          %dma_start3A = arith.constant 0 : i32
          %dma_start3A_40 = tpu.memref_slice %arg12[%mul3A_39, %dma_start3A] : memref<26000x32xf32, #tpu.memory_space<vmem_shared>> -> memref<1000x32xf32, #tpu.memory_space<vmem_shared>>
          tpu.enqueue_dma source(%arg5 : memref<1000x32xf32, #tpu.memory_space<hbm>>) target(%dma_start3A_40 : memref<1000x32xf32, #tpu.memory_space<vmem_shared>>) target_semaphore(%run_scoped3A : memref<!tpu.dma_semaphore, #tpu.memory_space<semaphore_mem>>)
          %dma_wait3A = arith.constant 0 : i32
          %dma_wait3A_41 = tpu.memref_slice %arg12[%mul3A_39, %dma_wait3A] : memref<26000x32xf32, #tpu.memory_space<vmem_shared>> -> memref<1000x32xf32, #tpu.memory_space<vmem_shared>>
          tpu.wait_dma2 semaphore(%run_scoped3A : memref<!tpu.dma_semaphore, #tpu.memory_space<semaphore_mem>>) src(%arg5 : memref<1000x32xf32, #tpu.memory_space<hbm>>) dst(%dma_wait3A_41 : memref<1000x32xf32, #tpu.memory_space<vmem_shared>>)
          tpu.yield
        }) : () -> ()
      } else {
      }
    }
    %scan3A_4 = arith.constant 26 : i32
    %eq3A = arith.constant 0 : i32
    %eq3A_5 = arith.cmpi eq, %arg0, %eq3A : i32
    %convert_element_type3A = arith.extui %eq3A_5 : i1 to i32
    %cond3A = arith.constant 0 : i32
    %cond3A_6 = arith.cmpi ne, %convert_element_type3A, %cond3A : i32
    scf.if %cond3A_6 {
      %scan3A_33 = arith.constant 0 : i32
      %scan3A_34 = arith.constant 0 : i32
      %scan3A_35 = arith.constant 25 : i32
      %scan3A_36 = arith.addi %scan3A_34, %scan3A_35 : i32
      %scan3A_37 = arith.constant 1 : i32
      scf.for %scan3A_39 = %scan3A_34 to %scan3A_36 step %scan3A_37  : i32 {
        %rem3A = arith.constant 16 : i32
        %rem3A_40 = arith.remsi %scan3A_39, %rem3A : i32
        %eq3A_41 = arith.cmpi eq, %rem3A_40, %arg1 : i32
        %convert_element_type3A_42 = arith.extui %eq3A_41 : i1 to i32
        %cond3A_43 = arith.constant 0 : i32
        %cond3A_44 = arith.cmpi ne, %convert_element_type3A_42, %cond3A_43 : i32
        scf.if %cond3A_44 {
          %mul3A = arith.constant 1000 : i32
          %mul3A_45 = arith.muli %scan3A_39, %mul3A : i32
          %mul3A_46 = arith.constant 1000 : i32
          %mul3A_47 = arith.muli %scan3A_39, %mul3A_46 : i32
          "tpu.region"() ({
            %run_scoped3A = tpu.sem_alloc : memref<!tpu.dma_semaphore, #tpu.memory_space<semaphore_mem>>
            %dma_start3A = arith.constant 0 : i32
            %dma_start3A_48 = tpu.memref_slice %arg13[%mul3A_47, %dma_start3A] : memref<25000x32xf32, #tpu.memory_space<vmem_shared>> -> memref<1000x32xf32, #tpu.memory_space<vmem_shared>>
            %dma_start3A_49 = arith.constant 0 : i32
            %dma_start3A_50 = tpu.memref_slice %arg2[%mul3A_45, %dma_start3A_49] : memref<25000x32xf32, #tpu.memory_space<hbm>> -> memref<1000x32xf32, #tpu.memory_space<hbm>>
            tpu.enqueue_dma source(%dma_start3A_50 : memref<1000x32xf32, #tpu.memory_space<hbm>>) target(%dma_start3A_48 : memref<1000x32xf32, #tpu.memory_space<vmem_shared>>) target_semaphore(%run_scoped3A : memref<!tpu.dma_semaphore, #tpu.memory_space<semaphore_mem>>)
            %dma_wait3A = arith.constant 0 : i32
            %dma_wait3A_51 = tpu.memref_slice %arg13[%mul3A_47, %dma_wait3A] : memref<25000x32xf32, #tpu.memory_space<vmem_shared>> -> memref<1000x32xf32, #tpu.memory_space<vmem_shared>>
            %dma_wait3A_52 = arith.constant 0 : i32
            %dma_wait3A_53 = tpu.memref_slice %arg2[%mul3A_45, %dma_wait3A_52] : memref<25000x32xf32, #tpu.memory_space<hbm>> -> memref<1000x32xf32, #tpu.memory_space<hbm>>
            tpu.wait_dma2 semaphore(%run_scoped3A : memref<!tpu.dma_semaphore, #tpu.memory_space<semaphore_mem>>) src(%dma_wait3A_53 : memref<1000x32xf32, #tpu.memory_space<hbm>>) dst(%dma_wait3A_51 : memref<1000x32xf32, #tpu.memory_space<vmem_shared>>)
            tpu.yield
          }) : () -> ()
        } else {
        }
      }
      %scan3A_38 = arith.constant 25 : i32
    } else {
    }
    %eq3A_7 = arith.constant 1 : i32
    %eq3A_8 = arith.cmpi eq, %arg0, %eq3A_7 : i32
    %convert_element_type3A_9 = arith.extui %eq3A_8 : i1 to i32
    %cond3A_10 = arith.constant 0 : i32
    %cond3A_11 = arith.cmpi ne, %convert_element_type3A_9, %cond3A_10 : i32
    scf.if %cond3A_11 {
      %scan3A_33 = arith.constant 0 : i32
      %scan3A_34 = arith.constant 0 : i32
      %scan3A_35 = arith.constant 25 : i32
      %scan3A_36 = arith.addi %scan3A_34, %scan3A_35 : i32
      %scan3A_37 = arith.constant 1 : i32
      scf.for %scan3A_39 = %scan3A_34 to %scan3A_36 step %scan3A_37  : i32 {
        %rem3A = arith.constant 16 : i32
        %rem3A_40 = arith.remsi %scan3A_39, %rem3A : i32
        %eq3A_41 = arith.cmpi eq, %rem3A_40, %arg1 : i32
        %convert_element_type3A_42 = arith.extui %eq3A_41 : i1 to i32
        %cond3A_43 = arith.constant 0 : i32
        %cond3A_44 = arith.cmpi ne, %convert_element_type3A_42, %cond3A_43 : i32
        scf.if %cond3A_44 {
          %mul3A = arith.constant 1000 : i32
          %mul3A_45 = arith.muli %scan3A_39, %mul3A : i32
          %mul3A_46 = arith.constant 1000 : i32
          %mul3A_47 = arith.muli %scan3A_39, %mul3A_46 : i32
          "tpu.region"() ({
            %run_scoped3A = tpu.sem_alloc : memref<!tpu.dma_semaphore, #tpu.memory_space<semaphore_mem>>
            %dma_start3A = arith.constant 0 : i32
            %dma_start3A_48 = tpu.memref_slice %arg13[%mul3A_47, %dma_start3A] : memref<25000x32xf32, #tpu.memory_space<vmem_shared>> -> memref<1000x32xf32, #tpu.memory_space<vmem_shared>>
            %dma_start3A_49 = arith.constant 0 : i32
            %dma_start3A_50 = tpu.memref_slice %arg3[%mul3A_45, %dma_start3A_49] : memref<25000x32xf32, #tpu.memory_space<hbm>> -> memref<1000x32xf32, #tpu.memory_space<hbm>>
            tpu.enqueue_dma source(%dma_start3A_50 : memref<1000x32xf32, #tpu.memory_space<hbm>>) target(%dma_start3A_48 : memref<1000x32xf32, #tpu.memory_space<vmem_shared>>) target_semaphore(%run_scoped3A : memref<!tpu.dma_semaphore, #tpu.memory_space<semaphore_mem>>)
            %dma_wait3A = arith.constant 0 : i32
            %dma_wait3A_51 = tpu.memref_slice %arg13[%mul3A_47, %dma_wait3A] : memref<25000x32xf32, #tpu.memory_space<vmem_shared>> -> memref<1000x32xf32, #tpu.memory_space<vmem_shared>>
            %dma_wait3A_52 = arith.constant 0 : i32
            %dma_wait3A_53 = tpu.memref_slice %arg3[%mul3A_45, %dma_wait3A_52] : memref<25000x32xf32, #tpu.memory_space<hbm>> -> memref<1000x32xf32, #tpu.memory_space<hbm>>
            tpu.wait_dma2 semaphore(%run_scoped3A : memref<!tpu.dma_semaphore, #tpu.memory_space<semaphore_mem>>) src(%dma_wait3A_53 : memref<1000x32xf32, #tpu.memory_space<hbm>>) dst(%dma_wait3A_51 : memref<1000x32xf32, #tpu.memory_space<vmem_shared>>)
            tpu.yield
          }) : () -> ()
        } else {
        }
      }
      %scan3A_38 = arith.constant 25 : i32
    } else {
    }
    %barrier3A = arith.constant 0 : index
    tpu.barrier barrier_id(%barrier3A)
    %eq3A_12 = arith.constant 0 : i32
    %eq3A_13 = arith.cmpi eq, %arg0, %eq3A_12 : i32
    %convert_element_type3A_14 = arith.extui %eq3A_13 : i1 to i32
    %cond3A_15 = arith.constant 0 : i32
    %cond3A_16 = arith.cmpi ne, %convert_element_type3A_14, %cond3A_15 : i32
    scf.if %cond3A_16 {
      %scan3A_33 = arith.constant 0 : i32
      %scan3A_34 = arith.constant 0 : i32
      %scan3A_35 = arith.constant 33 : i32
      %scan3A_36 = arith.addi %scan3A_34, %scan3A_35 : i32
      %scan3A_37 = arith.constant 1 : i32
      scf.for %scan3A_50 = %scan3A_34 to %scan3A_36 step %scan3A_37  : i32 {
        %mul3A = arith.constant 66 : i32
        %mul3A_51 = arith.muli %arg1, %mul3A : i32
        %mul3A_52 = arith.constant 2 : i32
        %mul3A_53 = arith.muli %scan3A_50, %mul3A_52 : i32
        %add3A = arith.addi %mul3A_51, %mul3A_53 : i32
        %gt3A = arith.constant 0 : i32
        %gt3A_54 = arith.cmpi sgt, %scan3A_50, %gt3A : i32
        %convert_element_type3A_55 = arith.extui %gt3A_54 : i1 to i32
        %cond3A_56 = arith.constant 0 : i32
        %cond3A_57 = arith.cmpi ne, %convert_element_type3A_55, %cond3A_56 : i32
        scf.if %cond3A_57 {
          %dma_wait3A_130 = arith.constant 0 : i32
          %dma_wait3A_131 = arith.constant 0 : i32
          %dma_wait3A_132 = tpu.memref_slice %arg2[%dma_wait3A_130, %dma_wait3A_131] : memref<25000x32xf32, #tpu.memory_space<hbm>> -> memref<384x32xf32, #tpu.memory_space<hbm>>
          %dma_wait3A_133 = arith.constant 0 : i32
          %dma_wait3A_134 = arith.constant 0 : i32
          %dma_wait3A_135 = tpu.memref_slice %arg2[%dma_wait3A_133, %dma_wait3A_134] : memref<25000x32xf32, #tpu.memory_space<hbm>> -> memref<384x32xf32, #tpu.memory_space<hbm>>
          tpu.wait_dma2 semaphore(%arg16 : memref<!tpu.dma_semaphore, #tpu.memory_space<semaphore_mem>>) src(%dma_wait3A_135 : memref<384x32xf32, #tpu.memory_space<hbm>>) dst(%arg10 : memref<384x32xf32, #tpu.memory_space<vmem>>)
        } else {
        }
        "tpu.region"() ({
          %run_scoped3A = tpu.sem_alloc : memref<!tpu.dma_semaphore, #tpu.memory_space<semaphore_mem>>
          %dma_start3A_130 = arith.constant 0 : i32
          %dma_start3A_131 = arith.constant 0 : i32
          %dma_start3A_132 = tpu.memref_slice %arg4[%add3A, %dma_start3A_130, %dma_start3A_131] : memref<1056x2x384xi32, #tpu.memory_space<hbm>> -> memref<1x2x384xi32, #tpu.memory_space<hbm>>
          %dma_start3A_133 = arith.constant 0 : i32
          %dma_start3A_134 = arith.constant 0 : i32
          %dma_start3A_135 = tpu.memref_slice %arg4[%add3A, %dma_start3A_133, %dma_start3A_134] : memref<1056x2x384xi32, #tpu.memory_space<hbm>> -> memref<1x2x384xi32, #tpu.memory_space<hbm>>
          tpu.enqueue_dma source(%dma_start3A_135 : memref<1x2x384xi32, #tpu.memory_space<hbm>>) target(%arg8 : memref<1x2x384xi32, #tpu.memory_space<vmem>>) target_semaphore(%run_scoped3A : memref<!tpu.dma_semaphore, #tpu.memory_space<semaphore_mem>>)
          %dma_wait3A_136 = arith.constant 0 : i32
          %dma_wait3A_137 = arith.constant 0 : i32
          %dma_wait3A_138 = tpu.memref_slice %arg4[%add3A, %dma_wait3A_136, %dma_wait3A_137] : memref<1056x2x384xi32, #tpu.memory_space<hbm>> -> memref<1x2x384xi32, #tpu.memory_space<hbm>>
          %dma_wait3A_139 = arith.constant 0 : i32
          %dma_wait3A_140 = arith.constant 0 : i32
          %dma_wait3A_141 = tpu.memref_slice %arg4[%add3A, %dma_wait3A_139, %dma_wait3A_140] : memref<1056x2x384xi32, #tpu.memory_space<hbm>> -> memref<1x2x384xi32, #tpu.memory_space<hbm>>
          tpu.wait_dma2 semaphore(%run_scoped3A : memref<!tpu.dma_semaphore, #tpu.memory_space<semaphore_mem>>) src(%dma_wait3A_141 : memref<1x2x384xi32, #tpu.memory_space<hbm>>) dst(%arg8 : memref<1x2x384xi32, #tpu.memory_space<vmem>>)
          tpu.yield
        }) : () -> ()
        %dma_start3A = arith.constant 0 : i32
        %dma_start3A_58 = arith.constant 0 : i32
        %dma_start3A_59 = arith.constant 0 : i32
        %dma_start3A_60 = arith.constant 0 : i32
        %dma_start3A_61 = tpu.memref_slice %arg10[%dma_start3A_59, %dma_start3A_60] : memref<384x32xf32, #tpu.memory_space<vmem>> -> memref<384x32xf32, #tpu.memory_space<vmem>>
        %dma_start3A_62 = arith.constant 0 : i32
        %dma_start3A_63 = tpu.memref_slice %arg8[%dma_start3A, %dma_start3A_58, %dma_start3A_62] : memref<1x2x384xi32, #tpu.memory_space<vmem>> -> memref<1x1x384xi32, #tpu.memory_space<vmem>>
        %dma_start3A_64 = tpu.memref_squeeze %dma_start3A_63 : memref<1x1x384xi32, #tpu.memory_space<vmem>> -> memref<384xi32, #tpu.memory_space<vmem>>
        %dma_start3A_65 = arith.constant 0 : i32
        %dma_start3A_66 = arith.constant 0 : i32
        %dma_start3A_67 = tpu.memref_slice %arg13[%dma_start3A_65, %dma_start3A_66] : memref<25000x32xf32, #tpu.memory_space<vmem_shared>> -> memref<25000x32xf32, #tpu.memory_space<vmem_shared>>
        tpu.enqueue_indirect_dma source(%dma_start3A_67 : memref<25000x32xf32, #tpu.memory_space<vmem_shared>>) target(%dma_start3A_61 : memref<384x32xf32, #tpu.memory_space<vmem>>) offsets(%dma_start3A_64 : memref<384xi32, #tpu.memory_space<vmem>>) semaphore(%arg14 : memref<!tpu.dma_semaphore, #tpu.memory_space<semaphore_mem>>)
        %add3A_68 = arith.constant 1 : i32
        %add3A_69 = arith.addi %add3A, %add3A_68 : i32
        %gt3A_70 = arith.constant 0 : i32
        %gt3A_71 = arith.cmpi sgt, %scan3A_50, %gt3A_70 : i32
        %convert_element_type3A_72 = arith.extui %gt3A_71 : i1 to i32
        %cond3A_73 = arith.constant 0 : i32
        %cond3A_74 = arith.cmpi ne, %convert_element_type3A_72, %cond3A_73 : i32
        scf.if %cond3A_74 {
          %dma_wait3A_130 = arith.constant 0 : i32
          %dma_wait3A_131 = arith.constant 0 : i32
          %dma_wait3A_132 = tpu.memref_slice %arg2[%dma_wait3A_130, %dma_wait3A_131] : memref<25000x32xf32, #tpu.memory_space<hbm>> -> memref<384x32xf32, #tpu.memory_space<hbm>>
          %dma_wait3A_133 = arith.constant 0 : i32
          %dma_wait3A_134 = arith.constant 0 : i32
          %dma_wait3A_135 = tpu.memref_slice %arg2[%dma_wait3A_133, %dma_wait3A_134] : memref<25000x32xf32, #tpu.memory_space<hbm>> -> memref<384x32xf32, #tpu.memory_space<hbm>>
          tpu.wait_dma2 semaphore(%arg17 : memref<!tpu.dma_semaphore, #tpu.memory_space<semaphore_mem>>) src(%dma_wait3A_135 : memref<384x32xf32, #tpu.memory_space<hbm>>) dst(%arg11 : memref<384x32xf32, #tpu.memory_space<vmem>>)
        } else {
        }
        "tpu.region"() ({
          %run_scoped3A = tpu.sem_alloc : memref<!tpu.dma_semaphore, #tpu.memory_space<semaphore_mem>>
          %dma_start3A_130 = arith.constant 0 : i32
          %dma_start3A_131 = arith.constant 0 : i32
          %dma_start3A_132 = tpu.memref_slice %arg4[%add3A_69, %dma_start3A_130, %dma_start3A_131] : memref<1056x2x384xi32, #tpu.memory_space<hbm>> -> memref<1x2x384xi32, #tpu.memory_space<hbm>>
          %dma_start3A_133 = arith.constant 0 : i32
          %dma_start3A_134 = arith.constant 0 : i32
          %dma_start3A_135 = tpu.memref_slice %arg4[%add3A_69, %dma_start3A_133, %dma_start3A_134] : memref<1056x2x384xi32, #tpu.memory_space<hbm>> -> memref<1x2x384xi32, #tpu.memory_space<hbm>>
          tpu.enqueue_dma source(%dma_start3A_135 : memref<1x2x384xi32, #tpu.memory_space<hbm>>) target(%arg9 : memref<1x2x384xi32, #tpu.memory_space<vmem>>) target_semaphore(%run_scoped3A : memref<!tpu.dma_semaphore, #tpu.memory_space<semaphore_mem>>)
          %dma_wait3A_136 = arith.constant 0 : i32
          %dma_wait3A_137 = arith.constant 0 : i32
          %dma_wait3A_138 = tpu.memref_slice %arg4[%add3A_69, %dma_wait3A_136, %dma_wait3A_137] : memref<1056x2x384xi32, #tpu.memory_space<hbm>> -> memref<1x2x384xi32, #tpu.memory_space<hbm>>
          %dma_wait3A_139 = arith.constant 0 : i32
          %dma_wait3A_140 = arith.constant 0 : i32
          %dma_wait3A_141 = tpu.memref_slice %arg4[%add3A_69, %dma_wait3A_139, %dma_wait3A_140] : memref<1056x2x384xi32, #tpu.memory_space<hbm>> -> memref<1x2x384xi32, #tpu.memory_space<hbm>>
          tpu.wait_dma2 semaphore(%run_scoped3A : memref<!tpu.dma_semaphore, #tpu.memory_space<semaphore_mem>>) src(%dma_wait3A_141 : memref<1x2x384xi32, #tpu.memory_space<hbm>>) dst(%arg9 : memref<1x2x384xi32, #tpu.memory_space<vmem>>)
          tpu.yield
        }) : () -> ()
        %dma_start3A_75 = arith.constant 0 : i32
        %dma_start3A_76 = arith.constant 0 : i32
        %dma_start3A_77 = arith.constant 0 : i32
        %dma_start3A_78 = arith.constant 0 : i32
        %dma_start3A_79 = tpu.memref_slice %arg11[%dma_start3A_77, %dma_start3A_78] : memref<384x32xf32, #tpu.memory_space<vmem>> -> memref<384x32xf32, #tpu.memory_space<vmem>>
        %dma_start3A_80 = arith.constant 0 : i32
        %dma_start3A_81 = tpu.memref_slice %arg9[%dma_start3A_75, %dma_start3A_76, %dma_start3A_80] : memref<1x2x384xi32, #tpu.memory_space<vmem>> -> memref<1x1x384xi32, #tpu.memory_space<vmem>>
        %dma_start3A_82 = tpu.memref_squeeze %dma_start3A_81 : memref<1x1x384xi32, #tpu.memory_space<vmem>> -> memref<384xi32, #tpu.memory_space<vmem>>
        %dma_start3A_83 = arith.constant 0 : i32
        %dma_start3A_84 = arith.constant 0 : i32
        %dma_start3A_85 = tpu.memref_slice %arg13[%dma_start3A_83, %dma_start3A_84] : memref<25000x32xf32, #tpu.memory_space<vmem_shared>> -> memref<25000x32xf32, #tpu.memory_space<vmem_shared>>
        tpu.enqueue_indirect_dma source(%dma_start3A_85 : memref<25000x32xf32, #tpu.memory_space<vmem_shared>>) target(%dma_start3A_79 : memref<384x32xf32, #tpu.memory_space<vmem>>) offsets(%dma_start3A_82 : memref<384xi32, #tpu.memory_space<vmem>>) semaphore(%arg15 : memref<!tpu.dma_semaphore, #tpu.memory_space<semaphore_mem>>)
        %dma_wait3A_86 = arith.constant 0 : i32
        %dma_wait3A_87 = arith.constant 0 : i32
        %dma_wait3A_88 = arith.constant 0 : i32
        %dma_wait3A_89 = arith.constant 0 : i32
        %dma_wait3A_90 = tpu.memref_slice %arg10[%dma_wait3A_88, %dma_wait3A_89] : memref<384x32xf32, #tpu.memory_space<vmem>> -> memref<384x32xf32, #tpu.memory_space<vmem>>
        %dma_wait3A_91 = arith.constant 0 : i32
        %dma_wait3A_92 = tpu.memref_slice %arg8[%dma_wait3A_86, %dma_wait3A_87, %dma_wait3A_91] : memref<1x2x384xi32, #tpu.memory_space<vmem>> -> memref<1x1x384xi32, #tpu.memory_space<vmem>>
        %dma_wait3A_93 = tpu.memref_squeeze %dma_wait3A_92 : memref<1x1x384xi32, #tpu.memory_space<vmem>> -> memref<384xi32, #tpu.memory_space<vmem>>
        %dma_wait3A_94 = arith.constant 0 : i32
        %dma_wait3A_95 = arith.constant 0 : i32
        %dma_wait3A_96 = tpu.memref_slice %arg13[%dma_wait3A_94, %dma_wait3A_95] : memref<25000x32xf32, #tpu.memory_space<vmem_shared>> -> memref<25000x32xf32, #tpu.memory_space<vmem_shared>>
        tpu.wait_indirect_dma semaphore(%arg14 : memref<!tpu.dma_semaphore, #tpu.memory_space<semaphore_mem>>) src(%dma_wait3A_96 : memref<25000x32xf32, #tpu.memory_space<vmem_shared>>) dst(%dma_wait3A_90 : memref<384x32xf32, #tpu.memory_space<vmem>>)
        %dma_start3A_97 = arith.constant 0 : i32
        %dma_start3A_98 = arith.constant 1 : i32
        %dma_start3A_99 = arith.constant 0 : i32
        %dma_start3A_100 = arith.constant 0 : i32
        %dma_start3A_101 = tpu.memref_slice %arg10[%dma_start3A_99, %dma_start3A_100] : memref<384x32xf32, #tpu.memory_space<vmem>> -> memref<384x32xf32, #tpu.memory_space<vmem>>
        %dma_start3A_102 = arith.constant 0 : i32
        %dma_start3A_103 = tpu.memref_slice %arg8[%dma_start3A_97, %dma_start3A_98, %dma_start3A_102] : memref<1x2x384xi32, #tpu.memory_space<vmem>> -> memref<1x1x384xi32, #tpu.memory_space<vmem>>
        %dma_start3A_104 = tpu.memref_squeeze %dma_start3A_103 : memref<1x1x384xi32, #tpu.memory_space<vmem>> -> memref<384xi32, #tpu.memory_space<vmem>>
        %dma_start3A_105 = arith.constant 0 : i32
        %dma_start3A_106 = arith.constant 0 : i32
        %dma_start3A_107 = tpu.memref_slice %arg12[%dma_start3A_105, %dma_start3A_106] : memref<26000x32xf32, #tpu.memory_space<vmem_shared>> -> memref<26000x32xf32, #tpu.memory_space<vmem_shared>>
        tpu.enqueue_indirect_dma source(%dma_start3A_101 : memref<384x32xf32, #tpu.memory_space<vmem>>) target(%dma_start3A_107 : memref<26000x32xf32, #tpu.memory_space<vmem_shared>>) offsets(%dma_start3A_104 : memref<384xi32, #tpu.memory_space<vmem>>) semaphore(%arg16 : memref<!tpu.dma_semaphore, #tpu.memory_space<semaphore_mem>>) {add = true}
        %dma_wait3A_108 = arith.constant 0 : i32
        %dma_wait3A_109 = arith.constant 0 : i32
        %dma_wait3A_110 = arith.constant 0 : i32
        %dma_wait3A_111 = arith.constant 0 : i32
        %dma_wait3A_112 = tpu.memref_slice %arg11[%dma_wait3A_110, %dma_wait3A_111] : memref<384x32xf32, #tpu.memory_space<vmem>> -> memref<384x32xf32, #tpu.memory_space<vmem>>
        %dma_wait3A_113 = arith.constant 0 : i32
        %dma_wait3A_114 = tpu.memref_slice %arg9[%dma_wait3A_108, %dma_wait3A_109, %dma_wait3A_113] : memref<1x2x384xi32, #tpu.memory_space<vmem>> -> memref<1x1x384xi32, #tpu.memory_space<vmem>>
        %dma_wait3A_115 = tpu.memref_squeeze %dma_wait3A_114 : memref<1x1x384xi32, #tpu.memory_space<vmem>> -> memref<384xi32, #tpu.memory_space<vmem>>
        %dma_wait3A_116 = arith.constant 0 : i32
        %dma_wait3A_117 = arith.constant 0 : i32
        %dma_wait3A_118 = tpu.memref_slice %arg13[%dma_wait3A_116, %dma_wait3A_117] : memref<25000x32xf32, #tpu.memory_space<vmem_shared>> -> memref<25000x32xf32, #tpu.memory_space<vmem_shared>>
        tpu.wait_indirect_dma semaphore(%arg15 : memref<!tpu.dma_semaphore, #tpu.memory_space<semaphore_mem>>) src(%dma_wait3A_118 : memref<25000x32xf32, #tpu.memory_space<vmem_shared>>) dst(%dma_wait3A_112 : memref<384x32xf32, #tpu.memory_space<vmem>>)
        %dma_start3A_119 = arith.constant 0 : i32
        %dma_start3A_120 = arith.constant 1 : i32
        %dma_start3A_121 = arith.constant 0 : i32
        %dma_start3A_122 = arith.constant 0 : i32
        %dma_start3A_123 = tpu.memref_slice %arg11[%dma_start3A_121, %dma_start3A_122] : memref<384x32xf32, #tpu.memory_space<vmem>> -> memref<384x32xf32, #tpu.memory_space<vmem>>
        %dma_start3A_124 = arith.constant 0 : i32
        %dma_start3A_125 = tpu.memref_slice %arg9[%dma_start3A_119, %dma_start3A_120, %dma_start3A_124] : memref<1x2x384xi32, #tpu.memory_space<vmem>> -> memref<1x1x384xi32, #tpu.memory_space<vmem>>
        %dma_start3A_126 = tpu.memref_squeeze %dma_start3A_125 : memref<1x1x384xi32, #tpu.memory_space<vmem>> -> memref<384xi32, #tpu.memory_space<vmem>>
        %dma_start3A_127 = arith.constant 0 : i32
        %dma_start3A_128 = arith.constant 0 : i32
        %dma_start3A_129 = tpu.memref_slice %arg12[%dma_start3A_127, %dma_start3A_128] : memref<26000x32xf32, #tpu.memory_space<vmem_shared>> -> memref<26000x32xf32, #tpu.memory_space<vmem_shared>>
        tpu.enqueue_indirect_dma source(%dma_start3A_123 : memref<384x32xf32, #tpu.memory_space<vmem>>) target(%dma_start3A_129 : memref<26000x32xf32, #tpu.memory_space<vmem_shared>>) offsets(%dma_start3A_126 : memref<384xi32, #tpu.memory_space<vmem>>) semaphore(%arg17 : memref<!tpu.dma_semaphore, #tpu.memory_space<semaphore_mem>>) {add = true}
      }
      %scan3A_38 = arith.constant 33 : i32
      %dma_wait3A = arith.constant 0 : i32
      %dma_wait3A_39 = arith.constant 0 : i32
      %dma_wait3A_40 = tpu.memref_slice %arg2[%dma_wait3A, %dma_wait3A_39] : memref<25000x32xf32, #tpu.memory_space<hbm>> -> memref<384x32xf32, #tpu.memory_space<hbm>>
      %dma_wait3A_41 = arith.constant 0 : i32
      %dma_wait3A_42 = arith.constant 0 : i32
      %dma_wait3A_43 = tpu.memref_slice %arg2[%dma_wait3A_41, %dma_wait3A_42] : memref<25000x32xf32, #tpu.memory_space<hbm>> -> memref<384x32xf32, #tpu.memory_space<hbm>>
      tpu.wait_dma2 semaphore(%arg16 : memref<!tpu.dma_semaphore, #tpu.memory_space<semaphore_mem>>) src(%dma_wait3A_43 : memref<384x32xf32, #tpu.memory_space<hbm>>) dst(%arg10 : memref<384x32xf32, #tpu.memory_space<vmem>>)
      %dma_wait3A_44 = arith.constant 0 : i32
      %dma_wait3A_45 = arith.constant 0 : i32
      %dma_wait3A_46 = tpu.memref_slice %arg2[%dma_wait3A_44, %dma_wait3A_45] : memref<25000x32xf32, #tpu.memory_space<hbm>> -> memref<384x32xf32, #tpu.memory_space<hbm>>
      %dma_wait3A_47 = arith.constant 0 : i32
      %dma_wait3A_48 = arith.constant 0 : i32
      %dma_wait3A_49 = tpu.memref_slice %arg2[%dma_wait3A_47, %dma_wait3A_48] : memref<25000x32xf32, #tpu.memory_space<hbm>> -> memref<384x32xf32, #tpu.memory_space<hbm>>
      tpu.wait_dma2 semaphore(%arg17 : memref<!tpu.dma_semaphore, #tpu.memory_space<semaphore_mem>>) src(%dma_wait3A_49 : memref<384x32xf32, #tpu.memory_space<hbm>>) dst(%arg11 : memref<384x32xf32, #tpu.memory_space<vmem>>)
    } else {
    }
    %eq3A_17 = arith.constant 1 : i32
    %eq3A_18 = arith.cmpi eq, %arg0, %eq3A_17 : i32
    %convert_element_type3A_19 = arith.extui %eq3A_18 : i1 to i32
    %cond3A_20 = arith.constant 0 : i32
    %cond3A_21 = arith.cmpi ne, %convert_element_type3A_19, %cond3A_20 : i32
    scf.if %cond3A_21 {
      %scan3A_33 = arith.constant 0 : i32
      %scan3A_34 = arith.constant 0 : i32
      %scan3A_35 = arith.constant 33 : i32
      %scan3A_36 = arith.addi %scan3A_34, %scan3A_35 : i32
      %scan3A_37 = arith.constant 1 : i32
      scf.for %scan3A_50 = %scan3A_34 to %scan3A_36 step %scan3A_37  : i32 {
        %mul3A = arith.constant 66 : i32
        %mul3A_51 = arith.muli %arg1, %mul3A : i32
        %mul3A_52 = arith.constant 2 : i32
        %mul3A_53 = arith.muli %scan3A_50, %mul3A_52 : i32
        %add3A = arith.addi %mul3A_51, %mul3A_53 : i32
        %gt3A = arith.constant 0 : i32
        %gt3A_54 = arith.cmpi sgt, %scan3A_50, %gt3A : i32
        %convert_element_type3A_55 = arith.extui %gt3A_54 : i1 to i32
        %cond3A_56 = arith.constant 0 : i32
        %cond3A_57 = arith.cmpi ne, %convert_element_type3A_55, %cond3A_56 : i32
        scf.if %cond3A_57 {
          %dma_wait3A_130 = arith.constant 0 : i32
          %dma_wait3A_131 = arith.constant 0 : i32
          %dma_wait3A_132 = tpu.memref_slice %arg3[%dma_wait3A_130, %dma_wait3A_131] : memref<25000x32xf32, #tpu.memory_space<hbm>> -> memref<384x32xf32, #tpu.memory_space<hbm>>
          %dma_wait3A_133 = arith.constant 0 : i32
          %dma_wait3A_134 = arith.constant 0 : i32
          %dma_wait3A_135 = tpu.memref_slice %arg3[%dma_wait3A_133, %dma_wait3A_134] : memref<25000x32xf32, #tpu.memory_space<hbm>> -> memref<384x32xf32, #tpu.memory_space<hbm>>
          tpu.wait_dma2 semaphore(%arg16 : memref<!tpu.dma_semaphore, #tpu.memory_space<semaphore_mem>>) src(%dma_wait3A_135 : memref<384x32xf32, #tpu.memory_space<hbm>>) dst(%arg10 : memref<384x32xf32, #tpu.memory_space<vmem>>)
        } else {
        }
        "tpu.region"() ({
          %run_scoped3A = tpu.sem_alloc : memref<!tpu.dma_semaphore, #tpu.memory_space<semaphore_mem>>
          %dma_start3A_130 = arith.constant 0 : i32
          %dma_start3A_131 = arith.constant 0 : i32
          %dma_start3A_132 = tpu.memref_slice %arg4[%add3A, %dma_start3A_130, %dma_start3A_131] : memref<1056x2x384xi32, #tpu.memory_space<hbm>> -> memref<1x2x384xi32, #tpu.memory_space<hbm>>
          %dma_start3A_133 = arith.constant 0 : i32
          %dma_start3A_134 = arith.constant 0 : i32
          %dma_start3A_135 = tpu.memref_slice %arg4[%add3A, %dma_start3A_133, %dma_start3A_134] : memref<1056x2x384xi32, #tpu.memory_space<hbm>> -> memref<1x2x384xi32, #tpu.memory_space<hbm>>
          tpu.enqueue_dma source(%dma_start3A_135 : memref<1x2x384xi32, #tpu.memory_space<hbm>>) target(%arg8 : memref<1x2x384xi32, #tpu.memory_space<vmem>>) target_semaphore(%run_scoped3A : memref<!tpu.dma_semaphore, #tpu.memory_space<semaphore_mem>>)
          %dma_wait3A_136 = arith.constant 0 : i32
          %dma_wait3A_137 = arith.constant 0 : i32
          %dma_wait3A_138 = tpu.memref_slice %arg4[%add3A, %dma_wait3A_136, %dma_wait3A_137] : memref<1056x2x384xi32, #tpu.memory_space<hbm>> -> memref<1x2x384xi32, #tpu.memory_space<hbm>>
          %dma_wait3A_139 = arith.constant 0 : i32
          %dma_wait3A_140 = arith.constant 0 : i32
          %dma_wait3A_141 = tpu.memref_slice %arg4[%add3A, %dma_wait3A_139, %dma_wait3A_140] : memref<1056x2x384xi32, #tpu.memory_space<hbm>> -> memref<1x2x384xi32, #tpu.memory_space<hbm>>
          tpu.wait_dma2 semaphore(%run_scoped3A : memref<!tpu.dma_semaphore, #tpu.memory_space<semaphore_mem>>) src(%dma_wait3A_141 : memref<1x2x384xi32, #tpu.memory_space<hbm>>) dst(%arg8 : memref<1x2x384xi32, #tpu.memory_space<vmem>>)
          tpu.yield
        }) : () -> ()
        %dma_start3A = arith.constant 0 : i32
        %dma_start3A_58 = arith.constant 0 : i32
        %dma_start3A_59 = arith.constant 0 : i32
        %dma_start3A_60 = arith.constant 0 : i32
        %dma_start3A_61 = tpu.memref_slice %arg10[%dma_start3A_59, %dma_start3A_60] : memref<384x32xf32, #tpu.memory_space<vmem>> -> memref<384x32xf32, #tpu.memory_space<vmem>>
        %dma_start3A_62 = arith.constant 0 : i32
        %dma_start3A_63 = tpu.memref_slice %arg8[%dma_start3A, %dma_start3A_58, %dma_start3A_62] : memref<1x2x384xi32, #tpu.memory_space<vmem>> -> memref<1x1x384xi32, #tpu.memory_space<vmem>>
        %dma_start3A_64 = tpu.memref_squeeze %dma_start3A_63 : memref<1x1x384xi32, #tpu.memory_space<vmem>> -> memref<384xi32, #tpu.memory_space<vmem>>
        %dma_start3A_65 = arith.constant 0 : i32
        %dma_start3A_66 = arith.constant 0 : i32
        %dma_start3A_67 = tpu.memref_slice %arg13[%dma_start3A_65, %dma_start3A_66] : memref<25000x32xf32, #tpu.memory_space<vmem_shared>> -> memref<25000x32xf32, #tpu.memory_space<vmem_shared>>
        tpu.enqueue_indirect_dma source(%dma_start3A_67 : memref<25000x32xf32, #tpu.memory_space<vmem_shared>>) target(%dma_start3A_61 : memref<384x32xf32, #tpu.memory_space<vmem>>) offsets(%dma_start3A_64 : memref<384xi32, #tpu.memory_space<vmem>>) semaphore(%arg14 : memref<!tpu.dma_semaphore, #tpu.memory_space<semaphore_mem>>)
        %add3A_68 = arith.constant 1 : i32
        %add3A_69 = arith.addi %add3A, %add3A_68 : i32
        %gt3A_70 = arith.constant 0 : i32
        %gt3A_71 = arith.cmpi sgt, %scan3A_50, %gt3A_70 : i32
        %convert_element_type3A_72 = arith.extui %gt3A_71 : i1 to i32
        %cond3A_73 = arith.constant 0 : i32
        %cond3A_74 = arith.cmpi ne, %convert_element_type3A_72, %cond3A_73 : i32
        scf.if %cond3A_74 {
          %dma_wait3A_130 = arith.constant 0 : i32
          %dma_wait3A_131 = arith.constant 0 : i32
          %dma_wait3A_132 = tpu.memref_slice %arg3[%dma_wait3A_130, %dma_wait3A_131] : memref<25000x32xf32, #tpu.memory_space<hbm>> -> memref<384x32xf32, #tpu.memory_space<hbm>>
          %dma_wait3A_133 = arith.constant 0 : i32
          %dma_wait3A_134 = arith.constant 0 : i32
          %dma_wait3A_135 = tpu.memref_slice %arg3[%dma_wait3A_133, %dma_wait3A_134] : memref<25000x32xf32, #tpu.memory_space<hbm>> -> memref<384x32xf32, #tpu.memory_space<hbm>>
          tpu.wait_dma2 semaphore(%arg17 : memref<!tpu.dma_semaphore, #tpu.memory_space<semaphore_mem>>) src(%dma_wait3A_135 : memref<384x32xf32, #tpu.memory_space<hbm>>) dst(%arg11 : memref<384x32xf32, #tpu.memory_space<vmem>>)
        } else {
        }
        "tpu.region"() ({
          %run_scoped3A = tpu.sem_alloc : memref<!tpu.dma_semaphore, #tpu.memory_space<semaphore_mem>>
          %dma_start3A_130 = arith.constant 0 : i32
          %dma_start3A_131 = arith.constant 0 : i32
          %dma_start3A_132 = tpu.memref_slice %arg4[%add3A_69, %dma_start3A_130, %dma_start3A_131] : memref<1056x2x384xi32, #tpu.memory_space<hbm>> -> memref<1x2x384xi32, #tpu.memory_space<hbm>>
          %dma_start3A_133 = arith.constant 0 : i32
          %dma_start3A_134 = arith.constant 0 : i32
          %dma_start3A_135 = tpu.memref_slice %arg4[%add3A_69, %dma_start3A_133, %dma_start3A_134] : memref<1056x2x384xi32, #tpu.memory_space<hbm>> -> memref<1x2x384xi32, #tpu.memory_space<hbm>>
          tpu.enqueue_dma source(%dma_start3A_135 : memref<1x2x384xi32, #tpu.memory_space<hbm>>) target(%arg9 : memref<1x2x384xi32, #tpu.memory_space<vmem>>) target_semaphore(%run_scoped3A : memref<!tpu.dma_semaphore, #tpu.memory_space<semaphore_mem>>)
          %dma_wait3A_136 = arith.constant 0 : i32
          %dma_wait3A_137 = arith.constant 0 : i32
          %dma_wait3A_138 = tpu.memref_slice %arg4[%add3A_69, %dma_wait3A_136, %dma_wait3A_137] : memref<1056x2x384xi32, #tpu.memory_space<hbm>> -> memref<1x2x384xi32, #tpu.memory_space<hbm>>
          %dma_wait3A_139 = arith.constant 0 : i32
          %dma_wait3A_140 = arith.constant 0 : i32
          %dma_wait3A_141 = tpu.memref_slice %arg4[%add3A_69, %dma_wait3A_139, %dma_wait3A_140] : memref<1056x2x384xi32, #tpu.memory_space<hbm>> -> memref<1x2x384xi32, #tpu.memory_space<hbm>>
          tpu.wait_dma2 semaphore(%run_scoped3A : memref<!tpu.dma_semaphore, #tpu.memory_space<semaphore_mem>>) src(%dma_wait3A_141 : memref<1x2x384xi32, #tpu.memory_space<hbm>>) dst(%arg9 : memref<1x2x384xi32, #tpu.memory_space<vmem>>)
          tpu.yield
        }) : () -> ()
        %dma_start3A_75 = arith.constant 0 : i32
        %dma_start3A_76 = arith.constant 0 : i32
        %dma_start3A_77 = arith.constant 0 : i32
        %dma_start3A_78 = arith.constant 0 : i32
        %dma_start3A_79 = tpu.memref_slice %arg11[%dma_start3A_77, %dma_start3A_78] : memref<384x32xf32, #tpu.memory_space<vmem>> -> memref<384x32xf32, #tpu.memory_space<vmem>>
        %dma_start3A_80 = arith.constant 0 : i32
        %dma_start3A_81 = tpu.memref_slice %arg9[%dma_start3A_75, %dma_start3A_76, %dma_start3A_80] : memref<1x2x384xi32, #tpu.memory_space<vmem>> -> memref<1x1x384xi32, #tpu.memory_space<vmem>>
        %dma_start3A_82 = tpu.memref_squeeze %dma_start3A_81 : memref<1x1x384xi32, #tpu.memory_space<vmem>> -> memref<384xi32, #tpu.memory_space<vmem>>
        %dma_start3A_83 = arith.constant 0 : i32
        %dma_start3A_84 = arith.constant 0 : i32
        %dma_start3A_85 = tpu.memref_slice %arg13[%dma_start3A_83, %dma_start3A_84] : memref<25000x32xf32, #tpu.memory_space<vmem_shared>> -> memref<25000x32xf32, #tpu.memory_space<vmem_shared>>
        tpu.enqueue_indirect_dma source(%dma_start3A_85 : memref<25000x32xf32, #tpu.memory_space<vmem_shared>>) target(%dma_start3A_79 : memref<384x32xf32, #tpu.memory_space<vmem>>) offsets(%dma_start3A_82 : memref<384xi32, #tpu.memory_space<vmem>>) semaphore(%arg15 : memref<!tpu.dma_semaphore, #tpu.memory_space<semaphore_mem>>)
        %dma_wait3A_86 = arith.constant 0 : i32
        %dma_wait3A_87 = arith.constant 0 : i32
        %dma_wait3A_88 = arith.constant 0 : i32
        %dma_wait3A_89 = arith.constant 0 : i32
        %dma_wait3A_90 = tpu.memref_slice %arg10[%dma_wait3A_88, %dma_wait3A_89] : memref<384x32xf32, #tpu.memory_space<vmem>> -> memref<384x32xf32, #tpu.memory_space<vmem>>
        %dma_wait3A_91 = arith.constant 0 : i32
        %dma_wait3A_92 = tpu.memref_slice %arg8[%dma_wait3A_86, %dma_wait3A_87, %dma_wait3A_91] : memref<1x2x384xi32, #tpu.memory_space<vmem>> -> memref<1x1x384xi32, #tpu.memory_space<vmem>>
        %dma_wait3A_93 = tpu.memref_squeeze %dma_wait3A_92 : memref<1x1x384xi32, #tpu.memory_space<vmem>> -> memref<384xi32, #tpu.memory_space<vmem>>
        %dma_wait3A_94 = arith.constant 0 : i32
        %dma_wait3A_95 = arith.constant 0 : i32
        %dma_wait3A_96 = tpu.memref_slice %arg13[%dma_wait3A_94, %dma_wait3A_95] : memref<25000x32xf32, #tpu.memory_space<vmem_shared>> -> memref<25000x32xf32, #tpu.memory_space<vmem_shared>>
        tpu.wait_indirect_dma semaphore(%arg14 : memref<!tpu.dma_semaphore, #tpu.memory_space<semaphore_mem>>) src(%dma_wait3A_96 : memref<25000x32xf32, #tpu.memory_space<vmem_shared>>) dst(%dma_wait3A_90 : memref<384x32xf32, #tpu.memory_space<vmem>>)
        %dma_start3A_97 = arith.constant 0 : i32
        %dma_start3A_98 = arith.constant 1 : i32
        %dma_start3A_99 = arith.constant 0 : i32
        %dma_start3A_100 = arith.constant 0 : i32
        %dma_start3A_101 = tpu.memref_slice %arg10[%dma_start3A_99, %dma_start3A_100] : memref<384x32xf32, #tpu.memory_space<vmem>> -> memref<384x32xf32, #tpu.memory_space<vmem>>
        %dma_start3A_102 = arith.constant 0 : i32
        %dma_start3A_103 = tpu.memref_slice %arg8[%dma_start3A_97, %dma_start3A_98, %dma_start3A_102] : memref<1x2x384xi32, #tpu.memory_space<vmem>> -> memref<1x1x384xi32, #tpu.memory_space<vmem>>
        %dma_start3A_104 = tpu.memref_squeeze %dma_start3A_103 : memref<1x1x384xi32, #tpu.memory_space<vmem>> -> memref<384xi32, #tpu.memory_space<vmem>>
        %dma_start3A_105 = arith.constant 0 : i32
        %dma_start3A_106 = arith.constant 0 : i32
        %dma_start3A_107 = tpu.memref_slice %arg12[%dma_start3A_105, %dma_start3A_106] : memref<26000x32xf32, #tpu.memory_space<vmem_shared>> -> memref<26000x32xf32, #tpu.memory_space<vmem_shared>>
        tpu.enqueue_indirect_dma source(%dma_start3A_101 : memref<384x32xf32, #tpu.memory_space<vmem>>) target(%dma_start3A_107 : memref<26000x32xf32, #tpu.memory_space<vmem_shared>>) offsets(%dma_start3A_104 : memref<384xi32, #tpu.memory_space<vmem>>) semaphore(%arg16 : memref<!tpu.dma_semaphore, #tpu.memory_space<semaphore_mem>>) {add = true}
        %dma_wait3A_108 = arith.constant 0 : i32
        %dma_wait3A_109 = arith.constant 0 : i32
        %dma_wait3A_110 = arith.constant 0 : i32
        %dma_wait3A_111 = arith.constant 0 : i32
        %dma_wait3A_112 = tpu.memref_slice %arg11[%dma_wait3A_110, %dma_wait3A_111] : memref<384x32xf32, #tpu.memory_space<vmem>> -> memref<384x32xf32, #tpu.memory_space<vmem>>
        %dma_wait3A_113 = arith.constant 0 : i32
        %dma_wait3A_114 = tpu.memref_slice %arg9[%dma_wait3A_108, %dma_wait3A_109, %dma_wait3A_113] : memref<1x2x384xi32, #tpu.memory_space<vmem>> -> memref<1x1x384xi32, #tpu.memory_space<vmem>>
        %dma_wait3A_115 = tpu.memref_squeeze %dma_wait3A_114 : memref<1x1x384xi32, #tpu.memory_space<vmem>> -> memref<384xi32, #tpu.memory_space<vmem>>
        %dma_wait3A_116 = arith.constant 0 : i32
        %dma_wait3A_117 = arith.constant 0 : i32
        %dma_wait3A_118 = tpu.memref_slice %arg13[%dma_wait3A_116, %dma_wait3A_117] : memref<25000x32xf32, #tpu.memory_space<vmem_shared>> -> memref<25000x32xf32, #tpu.memory_space<vmem_shared>>
        tpu.wait_indirect_dma semaphore(%arg15 : memref<!tpu.dma_semaphore, #tpu.memory_space<semaphore_mem>>) src(%dma_wait3A_118 : memref<25000x32xf32, #tpu.memory_space<vmem_shared>>) dst(%dma_wait3A_112 : memref<384x32xf32, #tpu.memory_space<vmem>>)
        %dma_start3A_119 = arith.constant 0 : i32
        %dma_start3A_120 = arith.constant 1 : i32
        %dma_start3A_121 = arith.constant 0 : i32
        %dma_start3A_122 = arith.constant 0 : i32
        %dma_start3A_123 = tpu.memref_slice %arg11[%dma_start3A_121, %dma_start3A_122] : memref<384x32xf32, #tpu.memory_space<vmem>> -> memref<384x32xf32, #tpu.memory_space<vmem>>
        %dma_start3A_124 = arith.constant 0 : i32
        %dma_start3A_125 = tpu.memref_slice %arg9[%dma_start3A_119, %dma_start3A_120, %dma_start3A_124] : memref<1x2x384xi32, #tpu.memory_space<vmem>> -> memref<1x1x384xi32, #tpu.memory_space<vmem>>
        %dma_start3A_126 = tpu.memref_squeeze %dma_start3A_125 : memref<1x1x384xi32, #tpu.memory_space<vmem>> -> memref<384xi32, #tpu.memory_space<vmem>>
        %dma_start3A_127 = arith.constant 0 : i32
        %dma_start3A_128 = arith.constant 0 : i32
        %dma_start3A_129 = tpu.memref_slice %arg12[%dma_start3A_127, %dma_start3A_128] : memref<26000x32xf32, #tpu.memory_space<vmem_shared>> -> memref<26000x32xf32, #tpu.memory_space<vmem_shared>>
        tpu.enqueue_indirect_dma source(%dma_start3A_123 : memref<384x32xf32, #tpu.memory_space<vmem>>) target(%dma_start3A_129 : memref<26000x32xf32, #tpu.memory_space<vmem_shared>>) offsets(%dma_start3A_126 : memref<384xi32, #tpu.memory_space<vmem>>) semaphore(%arg17 : memref<!tpu.dma_semaphore, #tpu.memory_space<semaphore_mem>>) {add = true}
      }
      %scan3A_38 = arith.constant 33 : i32
      %dma_wait3A = arith.constant 0 : i32
      %dma_wait3A_39 = arith.constant 0 : i32
      %dma_wait3A_40 = tpu.memref_slice %arg3[%dma_wait3A, %dma_wait3A_39] : memref<25000x32xf32, #tpu.memory_space<hbm>> -> memref<384x32xf32, #tpu.memory_space<hbm>>
      %dma_wait3A_41 = arith.constant 0 : i32
      %dma_wait3A_42 = arith.constant 0 : i32
      %dma_wait3A_43 = tpu.memref_slice %arg3[%dma_wait3A_41, %dma_wait3A_42] : memref<25000x32xf32, #tpu.memory_space<hbm>> -> memref<384x32xf32, #tpu.memory_space<hbm>>
      tpu.wait_dma2 semaphore(%arg16 : memref<!tpu.dma_semaphore, #tpu.memory_space<semaphore_mem>>) src(%dma_wait3A_43 : memref<384x32xf32, #tpu.memory_space<hbm>>) dst(%arg10 : memref<384x32xf32, #tpu.memory_space<vmem>>)
      %dma_wait3A_44 = arith.constant 0 : i32
      %dma_wait3A_45 = arith.constant 0 : i32
      %dma_wait3A_46 = tpu.memref_slice %arg3[%dma_wait3A_44, %dma_wait3A_45] : memref<25000x32xf32, #tpu.memory_space<hbm>> -> memref<384x32xf32, #tpu.memory_space<hbm>>
      %dma_wait3A_47 = arith.constant 0 : i32
      %dma_wait3A_48 = arith.constant 0 : i32
      %dma_wait3A_49 = tpu.memref_slice %arg3[%dma_wait3A_47, %dma_wait3A_48] : memref<25000x32xf32, #tpu.memory_space<hbm>> -> memref<384x32xf32, #tpu.memory_space<hbm>>
      tpu.wait_dma2 semaphore(%arg17 : memref<!tpu.dma_semaphore, #tpu.memory_space<semaphore_mem>>) src(%dma_wait3A_49 : memref<384x32xf32, #tpu.memory_space<hbm>>) dst(%arg11 : memref<384x32xf32, #tpu.memory_space<vmem>>)
    } else {
    }
    %barrier3A_22 = arith.constant 0 : index
    tpu.barrier barrier_id(%barrier3A_22)
    %eq3A_23 = arith.constant 0 : i32
    %eq3A_24 = arith.cmpi eq, %arg0, %eq3A_23 : i32
    %convert_element_type3A_25 = arith.extui %eq3A_24 : i1 to i32
    %cond3A_26 = arith.constant 0 : i32
    %cond3A_27 = arith.cmpi ne, %convert_element_type3A_25, %cond3A_26 : i32
    scf.if %cond3A_27 {
      %scan3A_33 = arith.constant 0 : i32
      %scan3A_34 = arith.constant 0 : i32
      %scan3A_35 = arith.constant 25 : i32
      %scan3A_36 = arith.addi %scan3A_34, %scan3A_35 : i32
      %scan3A_37 = arith.constant 1 : i32
      scf.for %scan3A_39 = %scan3A_34 to %scan3A_36 step %scan3A_37  : i32 {
        %rem3A = arith.constant 16 : i32
        %rem3A_40 = arith.remsi %scan3A_39, %rem3A : i32
        %eq3A_41 = arith.cmpi eq, %rem3A_40, %arg1 : i32
        %convert_element_type3A_42 = arith.extui %eq3A_41 : i1 to i32
        %cond3A_43 = arith.constant 0 : i32
        %cond3A_44 = arith.cmpi ne, %convert_element_type3A_42, %cond3A_43 : i32
        scf.if %cond3A_44 {
          %mul3A = arith.constant 1000 : i32
          %mul3A_45 = arith.muli %scan3A_39, %mul3A : i32
          %mul3A_46 = arith.constant 1000 : i32
          %mul3A_47 = arith.muli %scan3A_39, %mul3A_46 : i32
          "tpu.region"() ({
            %run_scoped3A = tpu.sem_alloc : memref<!tpu.dma_semaphore, #tpu.memory_space<semaphore_mem>>
            %dma_start3A = arith.constant 0 : i32
            %dma_start3A_48 = tpu.memref_slice %arg6[%mul3A_47, %dma_start3A] : memref<25000x32xf32, #tpu.memory_space<hbm>> -> memref<1000x32xf32, #tpu.memory_space<hbm>>
            %dma_start3A_49 = arith.constant 0 : i32
            %dma_start3A_50 = tpu.memref_slice %arg12[%mul3A_45, %dma_start3A_49] : memref<26000x32xf32, #tpu.memory_space<vmem_shared>> -> memref<1000x32xf32, #tpu.memory_space<vmem_shared>>
            tpu.enqueue_dma source(%dma_start3A_50 : memref<1000x32xf32, #tpu.memory_space<vmem_shared>>) target(%dma_start3A_48 : memref<1000x32xf32, #tpu.memory_space<hbm>>) target_semaphore(%run_scoped3A : memref<!tpu.dma_semaphore, #tpu.memory_space<semaphore_mem>>)
            %dma_wait3A = arith.constant 0 : i32
            %dma_wait3A_51 = tpu.memref_slice %arg6[%mul3A_47, %dma_wait3A] : memref<25000x32xf32, #tpu.memory_space<hbm>> -> memref<1000x32xf32, #tpu.memory_space<hbm>>
            %dma_wait3A_52 = arith.constant 0 : i32
            %dma_wait3A_53 = tpu.memref_slice %arg12[%mul3A_45, %dma_wait3A_52] : memref<26000x32xf32, #tpu.memory_space<vmem_shared>> -> memref<1000x32xf32, #tpu.memory_space<vmem_shared>>
            tpu.wait_dma2 semaphore(%run_scoped3A : memref<!tpu.dma_semaphore, #tpu.memory_space<semaphore_mem>>) src(%dma_wait3A_53 : memref<1000x32xf32, #tpu.memory_space<vmem_shared>>) dst(%dma_wait3A_51 : memref<1000x32xf32, #tpu.memory_space<hbm>>)
            tpu.yield
          }) : () -> ()
        } else {
        }
      }
      %scan3A_38 = arith.constant 25 : i32
    } else {
    }
    %eq3A_28 = arith.constant 1 : i32
    %eq3A_29 = arith.cmpi eq, %arg0, %eq3A_28 : i32
    %convert_element_type3A_30 = arith.extui %eq3A_29 : i1 to i32
    %cond3A_31 = arith.constant 0 : i32
    %cond3A_32 = arith.cmpi ne, %convert_element_type3A_30, %cond3A_31 : i32
    scf.if %cond3A_32 {
      %scan3A_33 = arith.constant 0 : i32
      %scan3A_34 = arith.constant 0 : i32
      %scan3A_35 = arith.constant 25 : i32
      %scan3A_36 = arith.addi %scan3A_34, %scan3A_35 : i32
      %scan3A_37 = arith.constant 1 : i32
      scf.for %scan3A_39 = %scan3A_34 to %scan3A_36 step %scan3A_37  : i32 {
        %rem3A = arith.constant 16 : i32
        %rem3A_40 = arith.remsi %scan3A_39, %rem3A : i32
        %eq3A_41 = arith.cmpi eq, %rem3A_40, %arg1 : i32
        %convert_element_type3A_42 = arith.extui %eq3A_41 : i1 to i32
        %cond3A_43 = arith.constant 0 : i32
        %cond3A_44 = arith.cmpi ne, %convert_element_type3A_42, %cond3A_43 : i32
        scf.if %cond3A_44 {
          %mul3A = arith.constant 1000 : i32
          %mul3A_45 = arith.muli %scan3A_39, %mul3A : i32
          %mul3A_46 = arith.constant 1000 : i32
          %mul3A_47 = arith.muli %scan3A_39, %mul3A_46 : i32
          "tpu.region"() ({
            %run_scoped3A = tpu.sem_alloc : memref<!tpu.dma_semaphore, #tpu.memory_space<semaphore_mem>>
            %dma_start3A = arith.constant 0 : i32
            %dma_start3A_48 = tpu.memref_slice %arg7[%mul3A_47, %dma_start3A] : memref<25000x32xf32, #tpu.memory_space<hbm>> -> memref<1000x32xf32, #tpu.memory_space<hbm>>
            %dma_start3A_49 = arith.constant 0 : i32
            %dma_start3A_50 = tpu.memref_slice %arg12[%mul3A_45, %dma_start3A_49] : memref<26000x32xf32, #tpu.memory_space<vmem_shared>> -> memref<1000x32xf32, #tpu.memory_space<vmem_shared>>
            tpu.enqueue_dma source(%dma_start3A_50 : memref<1000x32xf32, #tpu.memory_space<vmem_shared>>) target(%dma_start3A_48 : memref<1000x32xf32, #tpu.memory_space<hbm>>) target_semaphore(%run_scoped3A : memref<!tpu.dma_semaphore, #tpu.memory_space<semaphore_mem>>)
            %dma_wait3A = arith.constant 0 : i32
            %dma_wait3A_51 = tpu.memref_slice %arg7[%mul3A_47, %dma_wait3A] : memref<25000x32xf32, #tpu.memory_space<hbm>> -> memref<1000x32xf32, #tpu.memory_space<hbm>>
            %dma_wait3A_52 = arith.constant 0 : i32
            %dma_wait3A_53 = tpu.memref_slice %arg12[%mul3A_45, %dma_wait3A_52] : memref<26000x32xf32, #tpu.memory_space<vmem_shared>> -> memref<1000x32xf32, #tpu.memory_space<vmem_shared>>
            tpu.wait_dma2 semaphore(%run_scoped3A : memref<!tpu.dma_semaphore, #tpu.memory_space<semaphore_mem>>) src(%dma_wait3A_53 : memref<1000x32xf32, #tpu.memory_space<vmem_shared>>) dst(%dma_wait3A_51 : memref<1000x32xf32, #tpu.memory_space<hbm>>)
            tpu.yield
          }) : () -> ()
        } else {
        }
      }
      %scan3A_38 = arith.constant 25 : i32
    } else {
    }
    return
  }
}

#map = affine_map<(d0, d1) -> (0, 0)>
#map1 = affine_map<(d0, d1) -> (0, 0, 0)>
module attributes {stable_mosaic.version = 14 : i64} {
  func.func @agg(%arg0: i32, %arg1: i32, %arg2: memref<50000x32xf32, #tpu.memory_space<hbm>>, %arg3: memref<50000x32xf32, #tpu.memory_space<hbm>>, %arg4: memref<2112x2x384xi32, #tpu.memory_space<hbm>>, %arg5: memref<1000x32xf32, #tpu.memory_space<hbm>>, %arg6: memref<50000x32xf32, #tpu.memory_space<hbm>>, %arg7: memref<50000x32xf32, #tpu.memory_space<hbm>>, %arg8: memref<1x2x384xi32, #tpu.memory_space<vmem>>, %arg9: memref<1x2x384xi32, #tpu.memory_space<vmem>>, %arg10: memref<384x32xf32, #tpu.memory_space<vmem>>, %arg11: memref<384x32xf32, #tpu.memory_space<vmem>>, %arg12: memref<51000x32xf32, #tpu.memory_space<vmem_shared>>, %arg13: memref<!tpu.dma_semaphore, #tpu.memory_space<semaphore_mem>>, %arg14: memref<!tpu.dma_semaphore, #tpu.memory_space<semaphore_mem>>, %arg15: memref<!tpu.dma_semaphore, #tpu.memory_space<semaphore_mem>>, %arg16: memref<!tpu.dma_semaphore, #tpu.memory_space<semaphore_mem>>) attributes {dimension_semantics = [#tpu.dimension_semantics<core_parallel>, #tpu.dimension_semantics<subcore_parallel>], iteration_bounds = array<i64: 2, 16>, scalar_prefetch = 0 : i64, scratch_operands = 9 : i64, tpu.core_type = #tpu.core_type<sc_vector_subcore>, window_params = [{transform_indices = #map}, {transform_indices = #map}, {transform_indices = #map1}, {transform_indices = #map}, {transform_indices = #map}, {transform_indices = #map}]} {
    %scan3A = arith.constant 0 : i32
    %scan3A_0 = arith.constant 0 : i32
    %scan3A_1 = arith.constant 51 : i32
    %scan3A_2 = arith.addi %scan3A_0, %scan3A_1 : i32
    %scan3A_3 = arith.constant 1 : i32
    scf.for %scan3A_23 = %scan3A_0 to %scan3A_2 step %scan3A_3  : i32 {
      %rem3A = arith.constant 16 : i32
      %rem3A_24 = arith.remsi %scan3A_23, %rem3A : i32
      %eq3A_25 = arith.cmpi eq, %rem3A_24, %arg1 : i32
      %convert_element_type3A_26 = arith.extui %eq3A_25 : i1 to i32
      %cond3A_27 = arith.constant 0 : i32
      %cond3A_28 = arith.cmpi ne, %convert_element_type3A_26, %cond3A_27 : i32
      scf.if %cond3A_28 {
        %mul3A = arith.constant 1000 : i32
        %mul3A_29 = arith.muli %scan3A_23, %mul3A : i32
        "tpu.region"() ({
          %run_scoped3A = tpu.sem_alloc : memref<!tpu.dma_semaphore, #tpu.memory_space<semaphore_mem>>
          %dma_start3A = arith.constant 0 : i32
          %dma_start3A_30 = tpu.memref_slice %arg12[%mul3A_29, %dma_start3A] : memref<51000x32xf32, #tpu.memory_space<vmem_shared>> -> memref<1000x32xf32, #tpu.memory_space<vmem_shared>>
          tpu.enqueue_dma source(%arg5 : memref<1000x32xf32, #tpu.memory_space<hbm>>) target(%dma_start3A_30 : memref<1000x32xf32, #tpu.memory_space<vmem_shared>>) target_semaphore(%run_scoped3A : memref<!tpu.dma_semaphore, #tpu.memory_space<semaphore_mem>>)
          %dma_wait3A = arith.constant 0 : i32
          %dma_wait3A_31 = tpu.memref_slice %arg12[%mul3A_29, %dma_wait3A] : memref<51000x32xf32, #tpu.memory_space<vmem_shared>> -> memref<1000x32xf32, #tpu.memory_space<vmem_shared>>
          tpu.wait_dma2 semaphore(%run_scoped3A : memref<!tpu.dma_semaphore, #tpu.memory_space<semaphore_mem>>) src(%arg5 : memref<1000x32xf32, #tpu.memory_space<hbm>>) dst(%dma_wait3A_31 : memref<1000x32xf32, #tpu.memory_space<vmem_shared>>)
          tpu.yield
        }) : () -> ()
      } else {
      }
    }
    %scan3A_4 = arith.constant 51 : i32
    %barrier3A = arith.constant 0 : index
    tpu.barrier barrier_id(%barrier3A)
    %eq3A = arith.constant 0 : i32
    %eq3A_5 = arith.cmpi eq, %arg0, %eq3A : i32
    %convert_element_type3A = arith.extui %eq3A_5 : i1 to i32
    %cond3A = arith.constant 0 : i32
    %cond3A_6 = arith.cmpi ne, %convert_element_type3A, %cond3A : i32
    scf.if %cond3A_6 {
      %scan3A_23 = arith.constant 0 : i32
      %scan3A_24 = arith.constant 0 : i32
      %scan3A_25 = arith.constant 66 : i32
      %scan3A_26 = arith.addi %scan3A_24, %scan3A_25 : i32
      %scan3A_27 = arith.constant 1 : i32
      scf.for %scan3A_40 = %scan3A_24 to %scan3A_26 step %scan3A_27  : i32 {
        %mul3A = arith.constant 132 : i32
        %mul3A_41 = arith.muli %arg1, %mul3A : i32
        %mul3A_42 = arith.constant 2 : i32
        %mul3A_43 = arith.muli %scan3A_40, %mul3A_42 : i32
        %add3A = arith.addi %mul3A_41, %mul3A_43 : i32
        %gt3A = arith.constant 0 : i32
        %gt3A_44 = arith.cmpi sgt, %scan3A_40, %gt3A : i32
        %convert_element_type3A_45 = arith.extui %gt3A_44 : i1 to i32
        %cond3A_46 = arith.constant 0 : i32
        %cond3A_47 = arith.cmpi ne, %convert_element_type3A_45, %cond3A_46 : i32
        scf.if %cond3A_47 {
          %dma_wait3A_120 = arith.constant 0 : i32
          %dma_wait3A_121 = arith.constant 0 : i32
          %dma_wait3A_122 = tpu.memref_slice %arg2[%dma_wait3A_120, %dma_wait3A_121] : memref<50000x32xf32, #tpu.memory_space<hbm>> -> memref<384x32xf32, #tpu.memory_space<hbm>>
          %dma_wait3A_123 = arith.constant 0 : i32
          %dma_wait3A_124 = arith.constant 0 : i32
          %dma_wait3A_125 = tpu.memref_slice %arg2[%dma_wait3A_123, %dma_wait3A_124] : memref<50000x32xf32, #tpu.memory_space<hbm>> -> memref<384x32xf32, #tpu.memory_space<hbm>>
          tpu.wait_dma2 semaphore(%arg15 : memref<!tpu.dma_semaphore, #tpu.memory_space<semaphore_mem>>) src(%dma_wait3A_125 : memref<384x32xf32, #tpu.memory_space<hbm>>) dst(%arg10 : memref<384x32xf32, #tpu.memory_space<vmem>>)
        } else {
        }
        "tpu.region"() ({
          %run_scoped3A = tpu.sem_alloc : memref<!tpu.dma_semaphore, #tpu.memory_space<semaphore_mem>>
          %dma_start3A_120 = arith.constant 0 : i32
          %dma_start3A_121 = arith.constant 0 : i32
          %dma_start3A_122 = tpu.memref_slice %arg4[%add3A, %dma_start3A_120, %dma_start3A_121] : memref<2112x2x384xi32, #tpu.memory_space<hbm>> -> memref<1x2x384xi32, #tpu.memory_space<hbm>>
          %dma_start3A_123 = arith.constant 0 : i32
          %dma_start3A_124 = arith.constant 0 : i32
          %dma_start3A_125 = tpu.memref_slice %arg4[%add3A, %dma_start3A_123, %dma_start3A_124] : memref<2112x2x384xi32, #tpu.memory_space<hbm>> -> memref<1x2x384xi32, #tpu.memory_space<hbm>>
          tpu.enqueue_dma source(%dma_start3A_125 : memref<1x2x384xi32, #tpu.memory_space<hbm>>) target(%arg8 : memref<1x2x384xi32, #tpu.memory_space<vmem>>) target_semaphore(%run_scoped3A : memref<!tpu.dma_semaphore, #tpu.memory_space<semaphore_mem>>)
          %dma_wait3A_126 = arith.constant 0 : i32
          %dma_wait3A_127 = arith.constant 0 : i32
          %dma_wait3A_128 = tpu.memref_slice %arg4[%add3A, %dma_wait3A_126, %dma_wait3A_127] : memref<2112x2x384xi32, #tpu.memory_space<hbm>> -> memref<1x2x384xi32, #tpu.memory_space<hbm>>
          %dma_wait3A_129 = arith.constant 0 : i32
          %dma_wait3A_130 = arith.constant 0 : i32
          %dma_wait3A_131 = tpu.memref_slice %arg4[%add3A, %dma_wait3A_129, %dma_wait3A_130] : memref<2112x2x384xi32, #tpu.memory_space<hbm>> -> memref<1x2x384xi32, #tpu.memory_space<hbm>>
          tpu.wait_dma2 semaphore(%run_scoped3A : memref<!tpu.dma_semaphore, #tpu.memory_space<semaphore_mem>>) src(%dma_wait3A_131 : memref<1x2x384xi32, #tpu.memory_space<hbm>>) dst(%arg8 : memref<1x2x384xi32, #tpu.memory_space<vmem>>)
          tpu.yield
        }) : () -> ()
        %dma_start3A = arith.constant 0 : i32
        %dma_start3A_48 = arith.constant 0 : i32
        %dma_start3A_49 = arith.constant 0 : i32
        %dma_start3A_50 = arith.constant 0 : i32
        %dma_start3A_51 = tpu.memref_slice %arg10[%dma_start3A_49, %dma_start3A_50] : memref<384x32xf32, #tpu.memory_space<vmem>> -> memref<384x32xf32, #tpu.memory_space<vmem>>
        %dma_start3A_52 = arith.constant 0 : i32
        %dma_start3A_53 = tpu.memref_slice %arg8[%dma_start3A, %dma_start3A_48, %dma_start3A_52] : memref<1x2x384xi32, #tpu.memory_space<vmem>> -> memref<1x1x384xi32, #tpu.memory_space<vmem>>
        %dma_start3A_54 = tpu.memref_squeeze %dma_start3A_53 : memref<1x1x384xi32, #tpu.memory_space<vmem>> -> memref<384xi32, #tpu.memory_space<vmem>>
        %dma_start3A_55 = arith.constant 0 : i32
        %dma_start3A_56 = arith.constant 0 : i32
        %dma_start3A_57 = tpu.memref_slice %arg2[%dma_start3A_55, %dma_start3A_56] : memref<50000x32xf32, #tpu.memory_space<hbm>> -> memref<50000x32xf32, #tpu.memory_space<hbm>>
        tpu.enqueue_indirect_dma source(%dma_start3A_57 : memref<50000x32xf32, #tpu.memory_space<hbm>>) target(%dma_start3A_51 : memref<384x32xf32, #tpu.memory_space<vmem>>) offsets(%dma_start3A_54 : memref<384xi32, #tpu.memory_space<vmem>>) semaphore(%arg13 : memref<!tpu.dma_semaphore, #tpu.memory_space<semaphore_mem>>)
        %add3A_58 = arith.constant 1 : i32
        %add3A_59 = arith.addi %add3A, %add3A_58 : i32
        %gt3A_60 = arith.constant 0 : i32
        %gt3A_61 = arith.cmpi sgt, %scan3A_40, %gt3A_60 : i32
        %convert_element_type3A_62 = arith.extui %gt3A_61 : i1 to i32
        %cond3A_63 = arith.constant 0 : i32
        %cond3A_64 = arith.cmpi ne, %convert_element_type3A_62, %cond3A_63 : i32
        scf.if %cond3A_64 {
          %dma_wait3A_120 = arith.constant 0 : i32
          %dma_wait3A_121 = arith.constant 0 : i32
          %dma_wait3A_122 = tpu.memref_slice %arg2[%dma_wait3A_120, %dma_wait3A_121] : memref<50000x32xf32, #tpu.memory_space<hbm>> -> memref<384x32xf32, #tpu.memory_space<hbm>>
          %dma_wait3A_123 = arith.constant 0 : i32
          %dma_wait3A_124 = arith.constant 0 : i32
          %dma_wait3A_125 = tpu.memref_slice %arg2[%dma_wait3A_123, %dma_wait3A_124] : memref<50000x32xf32, #tpu.memory_space<hbm>> -> memref<384x32xf32, #tpu.memory_space<hbm>>
          tpu.wait_dma2 semaphore(%arg16 : memref<!tpu.dma_semaphore, #tpu.memory_space<semaphore_mem>>) src(%dma_wait3A_125 : memref<384x32xf32, #tpu.memory_space<hbm>>) dst(%arg11 : memref<384x32xf32, #tpu.memory_space<vmem>>)
        } else {
        }
        "tpu.region"() ({
          %run_scoped3A = tpu.sem_alloc : memref<!tpu.dma_semaphore, #tpu.memory_space<semaphore_mem>>
          %dma_start3A_120 = arith.constant 0 : i32
          %dma_start3A_121 = arith.constant 0 : i32
          %dma_start3A_122 = tpu.memref_slice %arg4[%add3A_59, %dma_start3A_120, %dma_start3A_121] : memref<2112x2x384xi32, #tpu.memory_space<hbm>> -> memref<1x2x384xi32, #tpu.memory_space<hbm>>
          %dma_start3A_123 = arith.constant 0 : i32
          %dma_start3A_124 = arith.constant 0 : i32
          %dma_start3A_125 = tpu.memref_slice %arg4[%add3A_59, %dma_start3A_123, %dma_start3A_124] : memref<2112x2x384xi32, #tpu.memory_space<hbm>> -> memref<1x2x384xi32, #tpu.memory_space<hbm>>
          tpu.enqueue_dma source(%dma_start3A_125 : memref<1x2x384xi32, #tpu.memory_space<hbm>>) target(%arg9 : memref<1x2x384xi32, #tpu.memory_space<vmem>>) target_semaphore(%run_scoped3A : memref<!tpu.dma_semaphore, #tpu.memory_space<semaphore_mem>>)
          %dma_wait3A_126 = arith.constant 0 : i32
          %dma_wait3A_127 = arith.constant 0 : i32
          %dma_wait3A_128 = tpu.memref_slice %arg4[%add3A_59, %dma_wait3A_126, %dma_wait3A_127] : memref<2112x2x384xi32, #tpu.memory_space<hbm>> -> memref<1x2x384xi32, #tpu.memory_space<hbm>>
          %dma_wait3A_129 = arith.constant 0 : i32
          %dma_wait3A_130 = arith.constant 0 : i32
          %dma_wait3A_131 = tpu.memref_slice %arg4[%add3A_59, %dma_wait3A_129, %dma_wait3A_130] : memref<2112x2x384xi32, #tpu.memory_space<hbm>> -> memref<1x2x384xi32, #tpu.memory_space<hbm>>
          tpu.wait_dma2 semaphore(%run_scoped3A : memref<!tpu.dma_semaphore, #tpu.memory_space<semaphore_mem>>) src(%dma_wait3A_131 : memref<1x2x384xi32, #tpu.memory_space<hbm>>) dst(%arg9 : memref<1x2x384xi32, #tpu.memory_space<vmem>>)
          tpu.yield
        }) : () -> ()
        %dma_start3A_65 = arith.constant 0 : i32
        %dma_start3A_66 = arith.constant 0 : i32
        %dma_start3A_67 = arith.constant 0 : i32
        %dma_start3A_68 = arith.constant 0 : i32
        %dma_start3A_69 = tpu.memref_slice %arg11[%dma_start3A_67, %dma_start3A_68] : memref<384x32xf32, #tpu.memory_space<vmem>> -> memref<384x32xf32, #tpu.memory_space<vmem>>
        %dma_start3A_70 = arith.constant 0 : i32
        %dma_start3A_71 = tpu.memref_slice %arg9[%dma_start3A_65, %dma_start3A_66, %dma_start3A_70] : memref<1x2x384xi32, #tpu.memory_space<vmem>> -> memref<1x1x384xi32, #tpu.memory_space<vmem>>
        %dma_start3A_72 = tpu.memref_squeeze %dma_start3A_71 : memref<1x1x384xi32, #tpu.memory_space<vmem>> -> memref<384xi32, #tpu.memory_space<vmem>>
        %dma_start3A_73 = arith.constant 0 : i32
        %dma_start3A_74 = arith.constant 0 : i32
        %dma_start3A_75 = tpu.memref_slice %arg2[%dma_start3A_73, %dma_start3A_74] : memref<50000x32xf32, #tpu.memory_space<hbm>> -> memref<50000x32xf32, #tpu.memory_space<hbm>>
        tpu.enqueue_indirect_dma source(%dma_start3A_75 : memref<50000x32xf32, #tpu.memory_space<hbm>>) target(%dma_start3A_69 : memref<384x32xf32, #tpu.memory_space<vmem>>) offsets(%dma_start3A_72 : memref<384xi32, #tpu.memory_space<vmem>>) semaphore(%arg14 : memref<!tpu.dma_semaphore, #tpu.memory_space<semaphore_mem>>)
        %dma_wait3A_76 = arith.constant 0 : i32
        %dma_wait3A_77 = arith.constant 0 : i32
        %dma_wait3A_78 = arith.constant 0 : i32
        %dma_wait3A_79 = arith.constant 0 : i32
        %dma_wait3A_80 = tpu.memref_slice %arg10[%dma_wait3A_78, %dma_wait3A_79] : memref<384x32xf32, #tpu.memory_space<vmem>> -> memref<384x32xf32, #tpu.memory_space<vmem>>
        %dma_wait3A_81 = arith.constant 0 : i32
        %dma_wait3A_82 = tpu.memref_slice %arg8[%dma_wait3A_76, %dma_wait3A_77, %dma_wait3A_81] : memref<1x2x384xi32, #tpu.memory_space<vmem>> -> memref<1x1x384xi32, #tpu.memory_space<vmem>>
        %dma_wait3A_83 = tpu.memref_squeeze %dma_wait3A_82 : memref<1x1x384xi32, #tpu.memory_space<vmem>> -> memref<384xi32, #tpu.memory_space<vmem>>
        %dma_wait3A_84 = arith.constant 0 : i32
        %dma_wait3A_85 = arith.constant 0 : i32
        %dma_wait3A_86 = tpu.memref_slice %arg2[%dma_wait3A_84, %dma_wait3A_85] : memref<50000x32xf32, #tpu.memory_space<hbm>> -> memref<50000x32xf32, #tpu.memory_space<hbm>>
        tpu.wait_indirect_dma semaphore(%arg13 : memref<!tpu.dma_semaphore, #tpu.memory_space<semaphore_mem>>) src(%dma_wait3A_86 : memref<50000x32xf32, #tpu.memory_space<hbm>>) dst(%dma_wait3A_80 : memref<384x32xf32, #tpu.memory_space<vmem>>)
        %dma_start3A_87 = arith.constant 0 : i32
        %dma_start3A_88 = arith.constant 1 : i32
        %dma_start3A_89 = arith.constant 0 : i32
        %dma_start3A_90 = arith.constant 0 : i32
        %dma_start3A_91 = tpu.memref_slice %arg10[%dma_start3A_89, %dma_start3A_90] : memref<384x32xf32, #tpu.memory_space<vmem>> -> memref<384x32xf32, #tpu.memory_space<vmem>>
        %dma_start3A_92 = arith.constant 0 : i32
        %dma_start3A_93 = tpu.memref_slice %arg8[%dma_start3A_87, %dma_start3A_88, %dma_start3A_92] : memref<1x2x384xi32, #tpu.memory_space<vmem>> -> memref<1x1x384xi32, #tpu.memory_space<vmem>>
        %dma_start3A_94 = tpu.memref_squeeze %dma_start3A_93 : memref<1x1x384xi32, #tpu.memory_space<vmem>> -> memref<384xi32, #tpu.memory_space<vmem>>
        %dma_start3A_95 = arith.constant 0 : i32
        %dma_start3A_96 = arith.constant 0 : i32
        %dma_start3A_97 = tpu.memref_slice %arg12[%dma_start3A_95, %dma_start3A_96] : memref<51000x32xf32, #tpu.memory_space<vmem_shared>> -> memref<51000x32xf32, #tpu.memory_space<vmem_shared>>
        tpu.enqueue_indirect_dma source(%dma_start3A_91 : memref<384x32xf32, #tpu.memory_space<vmem>>) target(%dma_start3A_97 : memref<51000x32xf32, #tpu.memory_space<vmem_shared>>) offsets(%dma_start3A_94 : memref<384xi32, #tpu.memory_space<vmem>>) semaphore(%arg15 : memref<!tpu.dma_semaphore, #tpu.memory_space<semaphore_mem>>) {add = true}
        %dma_wait3A_98 = arith.constant 0 : i32
        %dma_wait3A_99 = arith.constant 0 : i32
        %dma_wait3A_100 = arith.constant 0 : i32
        %dma_wait3A_101 = arith.constant 0 : i32
        %dma_wait3A_102 = tpu.memref_slice %arg11[%dma_wait3A_100, %dma_wait3A_101] : memref<384x32xf32, #tpu.memory_space<vmem>> -> memref<384x32xf32, #tpu.memory_space<vmem>>
        %dma_wait3A_103 = arith.constant 0 : i32
        %dma_wait3A_104 = tpu.memref_slice %arg9[%dma_wait3A_98, %dma_wait3A_99, %dma_wait3A_103] : memref<1x2x384xi32, #tpu.memory_space<vmem>> -> memref<1x1x384xi32, #tpu.memory_space<vmem>>
        %dma_wait3A_105 = tpu.memref_squeeze %dma_wait3A_104 : memref<1x1x384xi32, #tpu.memory_space<vmem>> -> memref<384xi32, #tpu.memory_space<vmem>>
        %dma_wait3A_106 = arith.constant 0 : i32
        %dma_wait3A_107 = arith.constant 0 : i32
        %dma_wait3A_108 = tpu.memref_slice %arg2[%dma_wait3A_106, %dma_wait3A_107] : memref<50000x32xf32, #tpu.memory_space<hbm>> -> memref<50000x32xf32, #tpu.memory_space<hbm>>
        tpu.wait_indirect_dma semaphore(%arg14 : memref<!tpu.dma_semaphore, #tpu.memory_space<semaphore_mem>>) src(%dma_wait3A_108 : memref<50000x32xf32, #tpu.memory_space<hbm>>) dst(%dma_wait3A_102 : memref<384x32xf32, #tpu.memory_space<vmem>>)
        %dma_start3A_109 = arith.constant 0 : i32
        %dma_start3A_110 = arith.constant 1 : i32
        %dma_start3A_111 = arith.constant 0 : i32
        %dma_start3A_112 = arith.constant 0 : i32
        %dma_start3A_113 = tpu.memref_slice %arg11[%dma_start3A_111, %dma_start3A_112] : memref<384x32xf32, #tpu.memory_space<vmem>> -> memref<384x32xf32, #tpu.memory_space<vmem>>
        %dma_start3A_114 = arith.constant 0 : i32
        %dma_start3A_115 = tpu.memref_slice %arg9[%dma_start3A_109, %dma_start3A_110, %dma_start3A_114] : memref<1x2x384xi32, #tpu.memory_space<vmem>> -> memref<1x1x384xi32, #tpu.memory_space<vmem>>
        %dma_start3A_116 = tpu.memref_squeeze %dma_start3A_115 : memref<1x1x384xi32, #tpu.memory_space<vmem>> -> memref<384xi32, #tpu.memory_space<vmem>>
        %dma_start3A_117 = arith.constant 0 : i32
        %dma_start3A_118 = arith.constant 0 : i32
        %dma_start3A_119 = tpu.memref_slice %arg12[%dma_start3A_117, %dma_start3A_118] : memref<51000x32xf32, #tpu.memory_space<vmem_shared>> -> memref<51000x32xf32, #tpu.memory_space<vmem_shared>>
        tpu.enqueue_indirect_dma source(%dma_start3A_113 : memref<384x32xf32, #tpu.memory_space<vmem>>) target(%dma_start3A_119 : memref<51000x32xf32, #tpu.memory_space<vmem_shared>>) offsets(%dma_start3A_116 : memref<384xi32, #tpu.memory_space<vmem>>) semaphore(%arg16 : memref<!tpu.dma_semaphore, #tpu.memory_space<semaphore_mem>>) {add = true}
      }
      %scan3A_28 = arith.constant 66 : i32
      %dma_wait3A = arith.constant 0 : i32
      %dma_wait3A_29 = arith.constant 0 : i32
      %dma_wait3A_30 = tpu.memref_slice %arg2[%dma_wait3A, %dma_wait3A_29] : memref<50000x32xf32, #tpu.memory_space<hbm>> -> memref<384x32xf32, #tpu.memory_space<hbm>>
      %dma_wait3A_31 = arith.constant 0 : i32
      %dma_wait3A_32 = arith.constant 0 : i32
      %dma_wait3A_33 = tpu.memref_slice %arg2[%dma_wait3A_31, %dma_wait3A_32] : memref<50000x32xf32, #tpu.memory_space<hbm>> -> memref<384x32xf32, #tpu.memory_space<hbm>>
      tpu.wait_dma2 semaphore(%arg15 : memref<!tpu.dma_semaphore, #tpu.memory_space<semaphore_mem>>) src(%dma_wait3A_33 : memref<384x32xf32, #tpu.memory_space<hbm>>) dst(%arg10 : memref<384x32xf32, #tpu.memory_space<vmem>>)
      %dma_wait3A_34 = arith.constant 0 : i32
      %dma_wait3A_35 = arith.constant 0 : i32
      %dma_wait3A_36 = tpu.memref_slice %arg2[%dma_wait3A_34, %dma_wait3A_35] : memref<50000x32xf32, #tpu.memory_space<hbm>> -> memref<384x32xf32, #tpu.memory_space<hbm>>
      %dma_wait3A_37 = arith.constant 0 : i32
      %dma_wait3A_38 = arith.constant 0 : i32
      %dma_wait3A_39 = tpu.memref_slice %arg2[%dma_wait3A_37, %dma_wait3A_38] : memref<50000x32xf32, #tpu.memory_space<hbm>> -> memref<384x32xf32, #tpu.memory_space<hbm>>
      tpu.wait_dma2 semaphore(%arg16 : memref<!tpu.dma_semaphore, #tpu.memory_space<semaphore_mem>>) src(%dma_wait3A_39 : memref<384x32xf32, #tpu.memory_space<hbm>>) dst(%arg11 : memref<384x32xf32, #tpu.memory_space<vmem>>)
    } else {
    }
    %eq3A_7 = arith.constant 1 : i32
    %eq3A_8 = arith.cmpi eq, %arg0, %eq3A_7 : i32
    %convert_element_type3A_9 = arith.extui %eq3A_8 : i1 to i32
    %cond3A_10 = arith.constant 0 : i32
    %cond3A_11 = arith.cmpi ne, %convert_element_type3A_9, %cond3A_10 : i32
    scf.if %cond3A_11 {
      %scan3A_23 = arith.constant 0 : i32
      %scan3A_24 = arith.constant 0 : i32
      %scan3A_25 = arith.constant 66 : i32
      %scan3A_26 = arith.addi %scan3A_24, %scan3A_25 : i32
      %scan3A_27 = arith.constant 1 : i32
      scf.for %scan3A_40 = %scan3A_24 to %scan3A_26 step %scan3A_27  : i32 {
        %mul3A = arith.constant 132 : i32
        %mul3A_41 = arith.muli %arg1, %mul3A : i32
        %mul3A_42 = arith.constant 2 : i32
        %mul3A_43 = arith.muli %scan3A_40, %mul3A_42 : i32
        %add3A = arith.addi %mul3A_41, %mul3A_43 : i32
        %gt3A = arith.constant 0 : i32
        %gt3A_44 = arith.cmpi sgt, %scan3A_40, %gt3A : i32
        %convert_element_type3A_45 = arith.extui %gt3A_44 : i1 to i32
        %cond3A_46 = arith.constant 0 : i32
        %cond3A_47 = arith.cmpi ne, %convert_element_type3A_45, %cond3A_46 : i32
        scf.if %cond3A_47 {
          %dma_wait3A_120 = arith.constant 0 : i32
          %dma_wait3A_121 = arith.constant 0 : i32
          %dma_wait3A_122 = tpu.memref_slice %arg3[%dma_wait3A_120, %dma_wait3A_121] : memref<50000x32xf32, #tpu.memory_space<hbm>> -> memref<384x32xf32, #tpu.memory_space<hbm>>
          %dma_wait3A_123 = arith.constant 0 : i32
          %dma_wait3A_124 = arith.constant 0 : i32
          %dma_wait3A_125 = tpu.memref_slice %arg3[%dma_wait3A_123, %dma_wait3A_124] : memref<50000x32xf32, #tpu.memory_space<hbm>> -> memref<384x32xf32, #tpu.memory_space<hbm>>
          tpu.wait_dma2 semaphore(%arg15 : memref<!tpu.dma_semaphore, #tpu.memory_space<semaphore_mem>>) src(%dma_wait3A_125 : memref<384x32xf32, #tpu.memory_space<hbm>>) dst(%arg10 : memref<384x32xf32, #tpu.memory_space<vmem>>)
        } else {
        }
        "tpu.region"() ({
          %run_scoped3A = tpu.sem_alloc : memref<!tpu.dma_semaphore, #tpu.memory_space<semaphore_mem>>
          %dma_start3A_120 = arith.constant 0 : i32
          %dma_start3A_121 = arith.constant 0 : i32
          %dma_start3A_122 = tpu.memref_slice %arg4[%add3A, %dma_start3A_120, %dma_start3A_121] : memref<2112x2x384xi32, #tpu.memory_space<hbm>> -> memref<1x2x384xi32, #tpu.memory_space<hbm>>
          %dma_start3A_123 = arith.constant 0 : i32
          %dma_start3A_124 = arith.constant 0 : i32
          %dma_start3A_125 = tpu.memref_slice %arg4[%add3A, %dma_start3A_123, %dma_start3A_124] : memref<2112x2x384xi32, #tpu.memory_space<hbm>> -> memref<1x2x384xi32, #tpu.memory_space<hbm>>
          tpu.enqueue_dma source(%dma_start3A_125 : memref<1x2x384xi32, #tpu.memory_space<hbm>>) target(%arg8 : memref<1x2x384xi32, #tpu.memory_space<vmem>>) target_semaphore(%run_scoped3A : memref<!tpu.dma_semaphore, #tpu.memory_space<semaphore_mem>>)
          %dma_wait3A_126 = arith.constant 0 : i32
          %dma_wait3A_127 = arith.constant 0 : i32
          %dma_wait3A_128 = tpu.memref_slice %arg4[%add3A, %dma_wait3A_126, %dma_wait3A_127] : memref<2112x2x384xi32, #tpu.memory_space<hbm>> -> memref<1x2x384xi32, #tpu.memory_space<hbm>>
          %dma_wait3A_129 = arith.constant 0 : i32
          %dma_wait3A_130 = arith.constant 0 : i32
          %dma_wait3A_131 = tpu.memref_slice %arg4[%add3A, %dma_wait3A_129, %dma_wait3A_130] : memref<2112x2x384xi32, #tpu.memory_space<hbm>> -> memref<1x2x384xi32, #tpu.memory_space<hbm>>
          tpu.wait_dma2 semaphore(%run_scoped3A : memref<!tpu.dma_semaphore, #tpu.memory_space<semaphore_mem>>) src(%dma_wait3A_131 : memref<1x2x384xi32, #tpu.memory_space<hbm>>) dst(%arg8 : memref<1x2x384xi32, #tpu.memory_space<vmem>>)
          tpu.yield
        }) : () -> ()
        %dma_start3A = arith.constant 0 : i32
        %dma_start3A_48 = arith.constant 0 : i32
        %dma_start3A_49 = arith.constant 0 : i32
        %dma_start3A_50 = arith.constant 0 : i32
        %dma_start3A_51 = tpu.memref_slice %arg10[%dma_start3A_49, %dma_start3A_50] : memref<384x32xf32, #tpu.memory_space<vmem>> -> memref<384x32xf32, #tpu.memory_space<vmem>>
        %dma_start3A_52 = arith.constant 0 : i32
        %dma_start3A_53 = tpu.memref_slice %arg8[%dma_start3A, %dma_start3A_48, %dma_start3A_52] : memref<1x2x384xi32, #tpu.memory_space<vmem>> -> memref<1x1x384xi32, #tpu.memory_space<vmem>>
        %dma_start3A_54 = tpu.memref_squeeze %dma_start3A_53 : memref<1x1x384xi32, #tpu.memory_space<vmem>> -> memref<384xi32, #tpu.memory_space<vmem>>
        %dma_start3A_55 = arith.constant 0 : i32
        %dma_start3A_56 = arith.constant 0 : i32
        %dma_start3A_57 = tpu.memref_slice %arg3[%dma_start3A_55, %dma_start3A_56] : memref<50000x32xf32, #tpu.memory_space<hbm>> -> memref<50000x32xf32, #tpu.memory_space<hbm>>
        tpu.enqueue_indirect_dma source(%dma_start3A_57 : memref<50000x32xf32, #tpu.memory_space<hbm>>) target(%dma_start3A_51 : memref<384x32xf32, #tpu.memory_space<vmem>>) offsets(%dma_start3A_54 : memref<384xi32, #tpu.memory_space<vmem>>) semaphore(%arg13 : memref<!tpu.dma_semaphore, #tpu.memory_space<semaphore_mem>>)
        %add3A_58 = arith.constant 1 : i32
        %add3A_59 = arith.addi %add3A, %add3A_58 : i32
        %gt3A_60 = arith.constant 0 : i32
        %gt3A_61 = arith.cmpi sgt, %scan3A_40, %gt3A_60 : i32
        %convert_element_type3A_62 = arith.extui %gt3A_61 : i1 to i32
        %cond3A_63 = arith.constant 0 : i32
        %cond3A_64 = arith.cmpi ne, %convert_element_type3A_62, %cond3A_63 : i32
        scf.if %cond3A_64 {
          %dma_wait3A_120 = arith.constant 0 : i32
          %dma_wait3A_121 = arith.constant 0 : i32
          %dma_wait3A_122 = tpu.memref_slice %arg3[%dma_wait3A_120, %dma_wait3A_121] : memref<50000x32xf32, #tpu.memory_space<hbm>> -> memref<384x32xf32, #tpu.memory_space<hbm>>
          %dma_wait3A_123 = arith.constant 0 : i32
          %dma_wait3A_124 = arith.constant 0 : i32
          %dma_wait3A_125 = tpu.memref_slice %arg3[%dma_wait3A_123, %dma_wait3A_124] : memref<50000x32xf32, #tpu.memory_space<hbm>> -> memref<384x32xf32, #tpu.memory_space<hbm>>
          tpu.wait_dma2 semaphore(%arg16 : memref<!tpu.dma_semaphore, #tpu.memory_space<semaphore_mem>>) src(%dma_wait3A_125 : memref<384x32xf32, #tpu.memory_space<hbm>>) dst(%arg11 : memref<384x32xf32, #tpu.memory_space<vmem>>)
        } else {
        }
        "tpu.region"() ({
          %run_scoped3A = tpu.sem_alloc : memref<!tpu.dma_semaphore, #tpu.memory_space<semaphore_mem>>
          %dma_start3A_120 = arith.constant 0 : i32
          %dma_start3A_121 = arith.constant 0 : i32
          %dma_start3A_122 = tpu.memref_slice %arg4[%add3A_59, %dma_start3A_120, %dma_start3A_121] : memref<2112x2x384xi32, #tpu.memory_space<hbm>> -> memref<1x2x384xi32, #tpu.memory_space<hbm>>
          %dma_start3A_123 = arith.constant 0 : i32
          %dma_start3A_124 = arith.constant 0 : i32
          %dma_start3A_125 = tpu.memref_slice %arg4[%add3A_59, %dma_start3A_123, %dma_start3A_124] : memref<2112x2x384xi32, #tpu.memory_space<hbm>> -> memref<1x2x384xi32, #tpu.memory_space<hbm>>
          tpu.enqueue_dma source(%dma_start3A_125 : memref<1x2x384xi32, #tpu.memory_space<hbm>>) target(%arg9 : memref<1x2x384xi32, #tpu.memory_space<vmem>>) target_semaphore(%run_scoped3A : memref<!tpu.dma_semaphore, #tpu.memory_space<semaphore_mem>>)
          %dma_wait3A_126 = arith.constant 0 : i32
          %dma_wait3A_127 = arith.constant 0 : i32
          %dma_wait3A_128 = tpu.memref_slice %arg4[%add3A_59, %dma_wait3A_126, %dma_wait3A_127] : memref<2112x2x384xi32, #tpu.memory_space<hbm>> -> memref<1x2x384xi32, #tpu.memory_space<hbm>>
          %dma_wait3A_129 = arith.constant 0 : i32
          %dma_wait3A_130 = arith.constant 0 : i32
          %dma_wait3A_131 = tpu.memref_slice %arg4[%add3A_59, %dma_wait3A_129, %dma_wait3A_130] : memref<2112x2x384xi32, #tpu.memory_space<hbm>> -> memref<1x2x384xi32, #tpu.memory_space<hbm>>
          tpu.wait_dma2 semaphore(%run_scoped3A : memref<!tpu.dma_semaphore, #tpu.memory_space<semaphore_mem>>) src(%dma_wait3A_131 : memref<1x2x384xi32, #tpu.memory_space<hbm>>) dst(%arg9 : memref<1x2x384xi32, #tpu.memory_space<vmem>>)
          tpu.yield
        }) : () -> ()
        %dma_start3A_65 = arith.constant 0 : i32
        %dma_start3A_66 = arith.constant 0 : i32
        %dma_start3A_67 = arith.constant 0 : i32
        %dma_start3A_68 = arith.constant 0 : i32
        %dma_start3A_69 = tpu.memref_slice %arg11[%dma_start3A_67, %dma_start3A_68] : memref<384x32xf32, #tpu.memory_space<vmem>> -> memref<384x32xf32, #tpu.memory_space<vmem>>
        %dma_start3A_70 = arith.constant 0 : i32
        %dma_start3A_71 = tpu.memref_slice %arg9[%dma_start3A_65, %dma_start3A_66, %dma_start3A_70] : memref<1x2x384xi32, #tpu.memory_space<vmem>> -> memref<1x1x384xi32, #tpu.memory_space<vmem>>
        %dma_start3A_72 = tpu.memref_squeeze %dma_start3A_71 : memref<1x1x384xi32, #tpu.memory_space<vmem>> -> memref<384xi32, #tpu.memory_space<vmem>>
        %dma_start3A_73 = arith.constant 0 : i32
        %dma_start3A_74 = arith.constant 0 : i32
        %dma_start3A_75 = tpu.memref_slice %arg3[%dma_start3A_73, %dma_start3A_74] : memref<50000x32xf32, #tpu.memory_space<hbm>> -> memref<50000x32xf32, #tpu.memory_space<hbm>>
        tpu.enqueue_indirect_dma source(%dma_start3A_75 : memref<50000x32xf32, #tpu.memory_space<hbm>>) target(%dma_start3A_69 : memref<384x32xf32, #tpu.memory_space<vmem>>) offsets(%dma_start3A_72 : memref<384xi32, #tpu.memory_space<vmem>>) semaphore(%arg14 : memref<!tpu.dma_semaphore, #tpu.memory_space<semaphore_mem>>)
        %dma_wait3A_76 = arith.constant 0 : i32
        %dma_wait3A_77 = arith.constant 0 : i32
        %dma_wait3A_78 = arith.constant 0 : i32
        %dma_wait3A_79 = arith.constant 0 : i32
        %dma_wait3A_80 = tpu.memref_slice %arg10[%dma_wait3A_78, %dma_wait3A_79] : memref<384x32xf32, #tpu.memory_space<vmem>> -> memref<384x32xf32, #tpu.memory_space<vmem>>
        %dma_wait3A_81 = arith.constant 0 : i32
        %dma_wait3A_82 = tpu.memref_slice %arg8[%dma_wait3A_76, %dma_wait3A_77, %dma_wait3A_81] : memref<1x2x384xi32, #tpu.memory_space<vmem>> -> memref<1x1x384xi32, #tpu.memory_space<vmem>>
        %dma_wait3A_83 = tpu.memref_squeeze %dma_wait3A_82 : memref<1x1x384xi32, #tpu.memory_space<vmem>> -> memref<384xi32, #tpu.memory_space<vmem>>
        %dma_wait3A_84 = arith.constant 0 : i32
        %dma_wait3A_85 = arith.constant 0 : i32
        %dma_wait3A_86 = tpu.memref_slice %arg3[%dma_wait3A_84, %dma_wait3A_85] : memref<50000x32xf32, #tpu.memory_space<hbm>> -> memref<50000x32xf32, #tpu.memory_space<hbm>>
        tpu.wait_indirect_dma semaphore(%arg13 : memref<!tpu.dma_semaphore, #tpu.memory_space<semaphore_mem>>) src(%dma_wait3A_86 : memref<50000x32xf32, #tpu.memory_space<hbm>>) dst(%dma_wait3A_80 : memref<384x32xf32, #tpu.memory_space<vmem>>)
        %dma_start3A_87 = arith.constant 0 : i32
        %dma_start3A_88 = arith.constant 1 : i32
        %dma_start3A_89 = arith.constant 0 : i32
        %dma_start3A_90 = arith.constant 0 : i32
        %dma_start3A_91 = tpu.memref_slice %arg10[%dma_start3A_89, %dma_start3A_90] : memref<384x32xf32, #tpu.memory_space<vmem>> -> memref<384x32xf32, #tpu.memory_space<vmem>>
        %dma_start3A_92 = arith.constant 0 : i32
        %dma_start3A_93 = tpu.memref_slice %arg8[%dma_start3A_87, %dma_start3A_88, %dma_start3A_92] : memref<1x2x384xi32, #tpu.memory_space<vmem>> -> memref<1x1x384xi32, #tpu.memory_space<vmem>>
        %dma_start3A_94 = tpu.memref_squeeze %dma_start3A_93 : memref<1x1x384xi32, #tpu.memory_space<vmem>> -> memref<384xi32, #tpu.memory_space<vmem>>
        %dma_start3A_95 = arith.constant 0 : i32
        %dma_start3A_96 = arith.constant 0 : i32
        %dma_start3A_97 = tpu.memref_slice %arg12[%dma_start3A_95, %dma_start3A_96] : memref<51000x32xf32, #tpu.memory_space<vmem_shared>> -> memref<51000x32xf32, #tpu.memory_space<vmem_shared>>
        tpu.enqueue_indirect_dma source(%dma_start3A_91 : memref<384x32xf32, #tpu.memory_space<vmem>>) target(%dma_start3A_97 : memref<51000x32xf32, #tpu.memory_space<vmem_shared>>) offsets(%dma_start3A_94 : memref<384xi32, #tpu.memory_space<vmem>>) semaphore(%arg15 : memref<!tpu.dma_semaphore, #tpu.memory_space<semaphore_mem>>) {add = true}
        %dma_wait3A_98 = arith.constant 0 : i32
        %dma_wait3A_99 = arith.constant 0 : i32
        %dma_wait3A_100 = arith.constant 0 : i32
        %dma_wait3A_101 = arith.constant 0 : i32
        %dma_wait3A_102 = tpu.memref_slice %arg11[%dma_wait3A_100, %dma_wait3A_101] : memref<384x32xf32, #tpu.memory_space<vmem>> -> memref<384x32xf32, #tpu.memory_space<vmem>>
        %dma_wait3A_103 = arith.constant 0 : i32
        %dma_wait3A_104 = tpu.memref_slice %arg9[%dma_wait3A_98, %dma_wait3A_99, %dma_wait3A_103] : memref<1x2x384xi32, #tpu.memory_space<vmem>> -> memref<1x1x384xi32, #tpu.memory_space<vmem>>
        %dma_wait3A_105 = tpu.memref_squeeze %dma_wait3A_104 : memref<1x1x384xi32, #tpu.memory_space<vmem>> -> memref<384xi32, #tpu.memory_space<vmem>>
        %dma_wait3A_106 = arith.constant 0 : i32
        %dma_wait3A_107 = arith.constant 0 : i32
        %dma_wait3A_108 = tpu.memref_slice %arg3[%dma_wait3A_106, %dma_wait3A_107] : memref<50000x32xf32, #tpu.memory_space<hbm>> -> memref<50000x32xf32, #tpu.memory_space<hbm>>
        tpu.wait_indirect_dma semaphore(%arg14 : memref<!tpu.dma_semaphore, #tpu.memory_space<semaphore_mem>>) src(%dma_wait3A_108 : memref<50000x32xf32, #tpu.memory_space<hbm>>) dst(%dma_wait3A_102 : memref<384x32xf32, #tpu.memory_space<vmem>>)
        %dma_start3A_109 = arith.constant 0 : i32
        %dma_start3A_110 = arith.constant 1 : i32
        %dma_start3A_111 = arith.constant 0 : i32
        %dma_start3A_112 = arith.constant 0 : i32
        %dma_start3A_113 = tpu.memref_slice %arg11[%dma_start3A_111, %dma_start3A_112] : memref<384x32xf32, #tpu.memory_space<vmem>> -> memref<384x32xf32, #tpu.memory_space<vmem>>
        %dma_start3A_114 = arith.constant 0 : i32
        %dma_start3A_115 = tpu.memref_slice %arg9[%dma_start3A_109, %dma_start3A_110, %dma_start3A_114] : memref<1x2x384xi32, #tpu.memory_space<vmem>> -> memref<1x1x384xi32, #tpu.memory_space<vmem>>
        %dma_start3A_116 = tpu.memref_squeeze %dma_start3A_115 : memref<1x1x384xi32, #tpu.memory_space<vmem>> -> memref<384xi32, #tpu.memory_space<vmem>>
        %dma_start3A_117 = arith.constant 0 : i32
        %dma_start3A_118 = arith.constant 0 : i32
        %dma_start3A_119 = tpu.memref_slice %arg12[%dma_start3A_117, %dma_start3A_118] : memref<51000x32xf32, #tpu.memory_space<vmem_shared>> -> memref<51000x32xf32, #tpu.memory_space<vmem_shared>>
        tpu.enqueue_indirect_dma source(%dma_start3A_113 : memref<384x32xf32, #tpu.memory_space<vmem>>) target(%dma_start3A_119 : memref<51000x32xf32, #tpu.memory_space<vmem_shared>>) offsets(%dma_start3A_116 : memref<384xi32, #tpu.memory_space<vmem>>) semaphore(%arg16 : memref<!tpu.dma_semaphore, #tpu.memory_space<semaphore_mem>>) {add = true}
      }
      %scan3A_28 = arith.constant 66 : i32
      %dma_wait3A = arith.constant 0 : i32
      %dma_wait3A_29 = arith.constant 0 : i32
      %dma_wait3A_30 = tpu.memref_slice %arg3[%dma_wait3A, %dma_wait3A_29] : memref<50000x32xf32, #tpu.memory_space<hbm>> -> memref<384x32xf32, #tpu.memory_space<hbm>>
      %dma_wait3A_31 = arith.constant 0 : i32
      %dma_wait3A_32 = arith.constant 0 : i32
      %dma_wait3A_33 = tpu.memref_slice %arg3[%dma_wait3A_31, %dma_wait3A_32] : memref<50000x32xf32, #tpu.memory_space<hbm>> -> memref<384x32xf32, #tpu.memory_space<hbm>>
      tpu.wait_dma2 semaphore(%arg15 : memref<!tpu.dma_semaphore, #tpu.memory_space<semaphore_mem>>) src(%dma_wait3A_33 : memref<384x32xf32, #tpu.memory_space<hbm>>) dst(%arg10 : memref<384x32xf32, #tpu.memory_space<vmem>>)
      %dma_wait3A_34 = arith.constant 0 : i32
      %dma_wait3A_35 = arith.constant 0 : i32
      %dma_wait3A_36 = tpu.memref_slice %arg3[%dma_wait3A_34, %dma_wait3A_35] : memref<50000x32xf32, #tpu.memory_space<hbm>> -> memref<384x32xf32, #tpu.memory_space<hbm>>
      %dma_wait3A_37 = arith.constant 0 : i32
      %dma_wait3A_38 = arith.constant 0 : i32
      %dma_wait3A_39 = tpu.memref_slice %arg3[%dma_wait3A_37, %dma_wait3A_38] : memref<50000x32xf32, #tpu.memory_space<hbm>> -> memref<384x32xf32, #tpu.memory_space<hbm>>
      tpu.wait_dma2 semaphore(%arg16 : memref<!tpu.dma_semaphore, #tpu.memory_space<semaphore_mem>>) src(%dma_wait3A_39 : memref<384x32xf32, #tpu.memory_space<hbm>>) dst(%arg11 : memref<384x32xf32, #tpu.memory_space<vmem>>)
    } else {
    }
    %barrier3A_12 = arith.constant 0 : index
    tpu.barrier barrier_id(%barrier3A_12)
    %eq3A_13 = arith.constant 0 : i32
    %eq3A_14 = arith.cmpi eq, %arg0, %eq3A_13 : i32
    %convert_element_type3A_15 = arith.extui %eq3A_14 : i1 to i32
    %cond3A_16 = arith.constant 0 : i32
    %cond3A_17 = arith.cmpi ne, %convert_element_type3A_15, %cond3A_16 : i32
    scf.if %cond3A_17 {
      %scan3A_23 = arith.constant 0 : i32
      %scan3A_24 = arith.constant 0 : i32
      %scan3A_25 = arith.constant 50 : i32
      %scan3A_26 = arith.addi %scan3A_24, %scan3A_25 : i32
      %scan3A_27 = arith.constant 1 : i32
      scf.for %scan3A_29 = %scan3A_24 to %scan3A_26 step %scan3A_27  : i32 {
        %rem3A = arith.constant 16 : i32
        %rem3A_30 = arith.remsi %scan3A_29, %rem3A : i32
        %eq3A_31 = arith.cmpi eq, %rem3A_30, %arg1 : i32
        %convert_element_type3A_32 = arith.extui %eq3A_31 : i1 to i32
        %cond3A_33 = arith.constant 0 : i32
        %cond3A_34 = arith.cmpi ne, %convert_element_type3A_32, %cond3A_33 : i32
        scf.if %cond3A_34 {
          %mul3A = arith.constant 1000 : i32
          %mul3A_35 = arith.muli %scan3A_29, %mul3A : i32
          %mul3A_36 = arith.constant 1000 : i32
          %mul3A_37 = arith.muli %scan3A_29, %mul3A_36 : i32
          "tpu.region"() ({
            %run_scoped3A = tpu.sem_alloc : memref<!tpu.dma_semaphore, #tpu.memory_space<semaphore_mem>>
            %dma_start3A = arith.constant 0 : i32
            %dma_start3A_38 = tpu.memref_slice %arg6[%mul3A_37, %dma_start3A] : memref<50000x32xf32, #tpu.memory_space<hbm>> -> memref<1000x32xf32, #tpu.memory_space<hbm>>
            %dma_start3A_39 = arith.constant 0 : i32
            %dma_start3A_40 = tpu.memref_slice %arg12[%mul3A_35, %dma_start3A_39] : memref<51000x32xf32, #tpu.memory_space<vmem_shared>> -> memref<1000x32xf32, #tpu.memory_space<vmem_shared>>
            tpu.enqueue_dma source(%dma_start3A_40 : memref<1000x32xf32, #tpu.memory_space<vmem_shared>>) target(%dma_start3A_38 : memref<1000x32xf32, #tpu.memory_space<hbm>>) target_semaphore(%run_scoped3A : memref<!tpu.dma_semaphore, #tpu.memory_space<semaphore_mem>>)
            %dma_wait3A = arith.constant 0 : i32
            %dma_wait3A_41 = tpu.memref_slice %arg6[%mul3A_37, %dma_wait3A] : memref<50000x32xf32, #tpu.memory_space<hbm>> -> memref<1000x32xf32, #tpu.memory_space<hbm>>
            %dma_wait3A_42 = arith.constant 0 : i32
            %dma_wait3A_43 = tpu.memref_slice %arg12[%mul3A_35, %dma_wait3A_42] : memref<51000x32xf32, #tpu.memory_space<vmem_shared>> -> memref<1000x32xf32, #tpu.memory_space<vmem_shared>>
            tpu.wait_dma2 semaphore(%run_scoped3A : memref<!tpu.dma_semaphore, #tpu.memory_space<semaphore_mem>>) src(%dma_wait3A_43 : memref<1000x32xf32, #tpu.memory_space<vmem_shared>>) dst(%dma_wait3A_41 : memref<1000x32xf32, #tpu.memory_space<hbm>>)
            tpu.yield
          }) : () -> ()
        } else {
        }
      }
      %scan3A_28 = arith.constant 50 : i32
    } else {
    }
    %eq3A_18 = arith.constant 1 : i32
    %eq3A_19 = arith.cmpi eq, %arg0, %eq3A_18 : i32
    %convert_element_type3A_20 = arith.extui %eq3A_19 : i1 to i32
    %cond3A_21 = arith.constant 0 : i32
    %cond3A_22 = arith.cmpi ne, %convert_element_type3A_20, %cond3A_21 : i32
    scf.if %cond3A_22 {
      %scan3A_23 = arith.constant 0 : i32
      %scan3A_24 = arith.constant 0 : i32
      %scan3A_25 = arith.constant 50 : i32
      %scan3A_26 = arith.addi %scan3A_24, %scan3A_25 : i32
      %scan3A_27 = arith.constant 1 : i32
      scf.for %scan3A_29 = %scan3A_24 to %scan3A_26 step %scan3A_27  : i32 {
        %rem3A = arith.constant 16 : i32
        %rem3A_30 = arith.remsi %scan3A_29, %rem3A : i32
        %eq3A_31 = arith.cmpi eq, %rem3A_30, %arg1 : i32
        %convert_element_type3A_32 = arith.extui %eq3A_31 : i1 to i32
        %cond3A_33 = arith.constant 0 : i32
        %cond3A_34 = arith.cmpi ne, %convert_element_type3A_32, %cond3A_33 : i32
        scf.if %cond3A_34 {
          %mul3A = arith.constant 1000 : i32
          %mul3A_35 = arith.muli %scan3A_29, %mul3A : i32
          %mul3A_36 = arith.constant 1000 : i32
          %mul3A_37 = arith.muli %scan3A_29, %mul3A_36 : i32
          "tpu.region"() ({
            %run_scoped3A = tpu.sem_alloc : memref<!tpu.dma_semaphore, #tpu.memory_space<semaphore_mem>>
            %dma_start3A = arith.constant 0 : i32
            %dma_start3A_38 = tpu.memref_slice %arg7[%mul3A_37, %dma_start3A] : memref<50000x32xf32, #tpu.memory_space<hbm>> -> memref<1000x32xf32, #tpu.memory_space<hbm>>
            %dma_start3A_39 = arith.constant 0 : i32
            %dma_start3A_40 = tpu.memref_slice %arg12[%mul3A_35, %dma_start3A_39] : memref<51000x32xf32, #tpu.memory_space<vmem_shared>> -> memref<1000x32xf32, #tpu.memory_space<vmem_shared>>
            tpu.enqueue_dma source(%dma_start3A_40 : memref<1000x32xf32, #tpu.memory_space<vmem_shared>>) target(%dma_start3A_38 : memref<1000x32xf32, #tpu.memory_space<hbm>>) target_semaphore(%run_scoped3A : memref<!tpu.dma_semaphore, #tpu.memory_space<semaphore_mem>>)
            %dma_wait3A = arith.constant 0 : i32
            %dma_wait3A_41 = tpu.memref_slice %arg7[%mul3A_37, %dma_wait3A] : memref<50000x32xf32, #tpu.memory_space<hbm>> -> memref<1000x32xf32, #tpu.memory_space<hbm>>
            %dma_wait3A_42 = arith.constant 0 : i32
            %dma_wait3A_43 = tpu.memref_slice %arg12[%mul3A_35, %dma_wait3A_42] : memref<51000x32xf32, #tpu.memory_space<vmem_shared>> -> memref<1000x32xf32, #tpu.memory_space<vmem_shared>>
            tpu.wait_dma2 semaphore(%run_scoped3A : memref<!tpu.dma_semaphore, #tpu.memory_space<semaphore_mem>>) src(%dma_wait3A_43 : memref<1000x32xf32, #tpu.memory_space<vmem_shared>>) dst(%dma_wait3A_41 : memref<1000x32xf32, #tpu.memory_space<hbm>>)
            tpu.yield
          }) : () -> ()
        } else {
        }
      }
      %scan3A_28 = arith.constant 50 : i32
    } else {
    }
    return
  }
}

#map = affine_map<(d0, d1) -> (0, 0)>
#map1 = affine_map<(d0, d1) -> (0, 0, 0)>
module attributes {stable_mosaic.version = 14 : i64} {
  func.func @agg(%arg0: i32, %arg1: i32, %arg2: memref<25000x32xf32, #tpu.memory_space<hbm>>, %arg3: memref<25000x32xf32, #tpu.memory_space<hbm>>, %arg4: memref<1056x2x384xi32, #tpu.memory_space<hbm>>, %arg5: memref<1000x32xf32, #tpu.memory_space<hbm>>, %arg6: memref<25000x32xf32, #tpu.memory_space<hbm>>, %arg7: memref<25000x32xf32, #tpu.memory_space<hbm>>, %arg8: memref<1x2x384xi32, #tpu.memory_space<vmem>>, %arg9: memref<1x2x384xi32, #tpu.memory_space<vmem>>, %arg10: memref<384x32xf32, #tpu.memory_space<vmem>>, %arg11: memref<384x32xf32, #tpu.memory_space<vmem>>, %arg12: memref<26000x32xf32, #tpu.memory_space<vmem_shared>>, %arg13: memref<25000x32xf32, #tpu.memory_space<vmem_shared>>, %arg14: memref<!tpu.dma_semaphore, #tpu.memory_space<semaphore_mem>>, %arg15: memref<!tpu.dma_semaphore, #tpu.memory_space<semaphore_mem>>, %arg16: memref<!tpu.dma_semaphore, #tpu.memory_space<semaphore_mem>>, %arg17: memref<!tpu.dma_semaphore, #tpu.memory_space<semaphore_mem>>) attributes {dimension_semantics = [#tpu.dimension_semantics<core_parallel>, #tpu.dimension_semantics<subcore_parallel>], iteration_bounds = array<i64: 2, 16>, scalar_prefetch = 0 : i64, scratch_operands = 10 : i64, tpu.core_type = #tpu.core_type<sc_vector_subcore>, window_params = [{transform_indices = #map}, {transform_indices = #map}, {transform_indices = #map1}, {transform_indices = #map}, {transform_indices = #map}, {transform_indices = #map}]} {
    %scan3A = arith.constant 0 : i32
    %scan3A_0 = arith.constant 0 : i32
    %scan3A_1 = arith.constant 26 : i32
    %scan3A_2 = arith.addi %scan3A_0, %scan3A_1 : i32
    %scan3A_3 = arith.constant 1 : i32
    scf.for %scan3A_33 = %scan3A_0 to %scan3A_2 step %scan3A_3  : i32 {
      %rem3A = arith.constant 16 : i32
      %rem3A_34 = arith.remsi %scan3A_33, %rem3A : i32
      %eq3A_35 = arith.cmpi eq, %rem3A_34, %arg1 : i32
      %convert_element_type3A_36 = arith.extui %eq3A_35 : i1 to i32
      %cond3A_37 = arith.constant 0 : i32
      %cond3A_38 = arith.cmpi ne, %convert_element_type3A_36, %cond3A_37 : i32
      scf.if %cond3A_38 {
        %mul3A = arith.constant 1000 : i32
        %mul3A_39 = arith.muli %scan3A_33, %mul3A : i32
        "tpu.region"() ({
          %run_scoped3A = tpu.sem_alloc : memref<!tpu.dma_semaphore, #tpu.memory_space<semaphore_mem>>
          %dma_start3A = arith.constant 0 : i32
          %dma_start3A_40 = tpu.memref_slice %arg12[%mul3A_39, %dma_start3A] : memref<26000x32xf32, #tpu.memory_space<vmem_shared>> -> memref<1000x32xf32, #tpu.memory_space<vmem_shared>>
          tpu.enqueue_dma source(%arg5 : memref<1000x32xf32, #tpu.memory_space<hbm>>) target(%dma_start3A_40 : memref<1000x32xf32, #tpu.memory_space<vmem_shared>>) target_semaphore(%run_scoped3A : memref<!tpu.dma_semaphore, #tpu.memory_space<semaphore_mem>>)
          %dma_wait3A = arith.constant 0 : i32
          %dma_wait3A_41 = tpu.memref_slice %arg12[%mul3A_39, %dma_wait3A] : memref<26000x32xf32, #tpu.memory_space<vmem_shared>> -> memref<1000x32xf32, #tpu.memory_space<vmem_shared>>
          tpu.wait_dma2 semaphore(%run_scoped3A : memref<!tpu.dma_semaphore, #tpu.memory_space<semaphore_mem>>) src(%arg5 : memref<1000x32xf32, #tpu.memory_space<hbm>>) dst(%dma_wait3A_41 : memref<1000x32xf32, #tpu.memory_space<vmem_shared>>)
          tpu.yield
        }) : () -> ()
      } else {
      }
    }
    %scan3A_4 = arith.constant 26 : i32
    %eq3A = arith.constant 0 : i32
    %eq3A_5 = arith.cmpi eq, %arg0, %eq3A : i32
    %convert_element_type3A = arith.extui %eq3A_5 : i1 to i32
    %cond3A = arith.constant 0 : i32
    %cond3A_6 = arith.cmpi ne, %convert_element_type3A, %cond3A : i32
    scf.if %cond3A_6 {
      %scan3A_33 = arith.constant 0 : i32
      %scan3A_34 = arith.constant 0 : i32
      %scan3A_35 = arith.constant 25 : i32
      %scan3A_36 = arith.addi %scan3A_34, %scan3A_35 : i32
      %scan3A_37 = arith.constant 1 : i32
      scf.for %scan3A_39 = %scan3A_34 to %scan3A_36 step %scan3A_37  : i32 {
        %rem3A = arith.constant 16 : i32
        %rem3A_40 = arith.remsi %scan3A_39, %rem3A : i32
        %eq3A_41 = arith.cmpi eq, %rem3A_40, %arg1 : i32
        %convert_element_type3A_42 = arith.extui %eq3A_41 : i1 to i32
        %cond3A_43 = arith.constant 0 : i32
        %cond3A_44 = arith.cmpi ne, %convert_element_type3A_42, %cond3A_43 : i32
        scf.if %cond3A_44 {
          %mul3A = arith.constant 1000 : i32
          %mul3A_45 = arith.muli %scan3A_39, %mul3A : i32
          %mul3A_46 = arith.constant 1000 : i32
          %mul3A_47 = arith.muli %scan3A_39, %mul3A_46 : i32
          "tpu.region"() ({
            %run_scoped3A = tpu.sem_alloc : memref<!tpu.dma_semaphore, #tpu.memory_space<semaphore_mem>>
            %dma_start3A = arith.constant 0 : i32
            %dma_start3A_48 = tpu.memref_slice %arg13[%mul3A_47, %dma_start3A] : memref<25000x32xf32, #tpu.memory_space<vmem_shared>> -> memref<1000x32xf32, #tpu.memory_space<vmem_shared>>
            %dma_start3A_49 = arith.constant 0 : i32
            %dma_start3A_50 = tpu.memref_slice %arg2[%mul3A_45, %dma_start3A_49] : memref<25000x32xf32, #tpu.memory_space<hbm>> -> memref<1000x32xf32, #tpu.memory_space<hbm>>
            tpu.enqueue_dma source(%dma_start3A_50 : memref<1000x32xf32, #tpu.memory_space<hbm>>) target(%dma_start3A_48 : memref<1000x32xf32, #tpu.memory_space<vmem_shared>>) target_semaphore(%run_scoped3A : memref<!tpu.dma_semaphore, #tpu.memory_space<semaphore_mem>>)
            %dma_wait3A = arith.constant 0 : i32
            %dma_wait3A_51 = tpu.memref_slice %arg13[%mul3A_47, %dma_wait3A] : memref<25000x32xf32, #tpu.memory_space<vmem_shared>> -> memref<1000x32xf32, #tpu.memory_space<vmem_shared>>
            %dma_wait3A_52 = arith.constant 0 : i32
            %dma_wait3A_53 = tpu.memref_slice %arg2[%mul3A_45, %dma_wait3A_52] : memref<25000x32xf32, #tpu.memory_space<hbm>> -> memref<1000x32xf32, #tpu.memory_space<hbm>>
            tpu.wait_dma2 semaphore(%run_scoped3A : memref<!tpu.dma_semaphore, #tpu.memory_space<semaphore_mem>>) src(%dma_wait3A_53 : memref<1000x32xf32, #tpu.memory_space<hbm>>) dst(%dma_wait3A_51 : memref<1000x32xf32, #tpu.memory_space<vmem_shared>>)
            tpu.yield
          }) : () -> ()
        } else {
        }
      }
      %scan3A_38 = arith.constant 25 : i32
    } else {
    }
    %eq3A_7 = arith.constant 1 : i32
    %eq3A_8 = arith.cmpi eq, %arg0, %eq3A_7 : i32
    %convert_element_type3A_9 = arith.extui %eq3A_8 : i1 to i32
    %cond3A_10 = arith.constant 0 : i32
    %cond3A_11 = arith.cmpi ne, %convert_element_type3A_9, %cond3A_10 : i32
    scf.if %cond3A_11 {
      %scan3A_33 = arith.constant 0 : i32
      %scan3A_34 = arith.constant 0 : i32
      %scan3A_35 = arith.constant 25 : i32
      %scan3A_36 = arith.addi %scan3A_34, %scan3A_35 : i32
      %scan3A_37 = arith.constant 1 : i32
      scf.for %scan3A_39 = %scan3A_34 to %scan3A_36 step %scan3A_37  : i32 {
        %rem3A = arith.constant 16 : i32
        %rem3A_40 = arith.remsi %scan3A_39, %rem3A : i32
        %eq3A_41 = arith.cmpi eq, %rem3A_40, %arg1 : i32
        %convert_element_type3A_42 = arith.extui %eq3A_41 : i1 to i32
        %cond3A_43 = arith.constant 0 : i32
        %cond3A_44 = arith.cmpi ne, %convert_element_type3A_42, %cond3A_43 : i32
        scf.if %cond3A_44 {
          %mul3A = arith.constant 1000 : i32
          %mul3A_45 = arith.muli %scan3A_39, %mul3A : i32
          %mul3A_46 = arith.constant 1000 : i32
          %mul3A_47 = arith.muli %scan3A_39, %mul3A_46 : i32
          "tpu.region"() ({
            %run_scoped3A = tpu.sem_alloc : memref<!tpu.dma_semaphore, #tpu.memory_space<semaphore_mem>>
            %dma_start3A = arith.constant 0 : i32
            %dma_start3A_48 = tpu.memref_slice %arg13[%mul3A_47, %dma_start3A] : memref<25000x32xf32, #tpu.memory_space<vmem_shared>> -> memref<1000x32xf32, #tpu.memory_space<vmem_shared>>
            %dma_start3A_49 = arith.constant 0 : i32
            %dma_start3A_50 = tpu.memref_slice %arg3[%mul3A_45, %dma_start3A_49] : memref<25000x32xf32, #tpu.memory_space<hbm>> -> memref<1000x32xf32, #tpu.memory_space<hbm>>
            tpu.enqueue_dma source(%dma_start3A_50 : memref<1000x32xf32, #tpu.memory_space<hbm>>) target(%dma_start3A_48 : memref<1000x32xf32, #tpu.memory_space<vmem_shared>>) target_semaphore(%run_scoped3A : memref<!tpu.dma_semaphore, #tpu.memory_space<semaphore_mem>>)
            %dma_wait3A = arith.constant 0 : i32
            %dma_wait3A_51 = tpu.memref_slice %arg13[%mul3A_47, %dma_wait3A] : memref<25000x32xf32, #tpu.memory_space<vmem_shared>> -> memref<1000x32xf32, #tpu.memory_space<vmem_shared>>
            %dma_wait3A_52 = arith.constant 0 : i32
            %dma_wait3A_53 = tpu.memref_slice %arg3[%mul3A_45, %dma_wait3A_52] : memref<25000x32xf32, #tpu.memory_space<hbm>> -> memref<1000x32xf32, #tpu.memory_space<hbm>>
            tpu.wait_dma2 semaphore(%run_scoped3A : memref<!tpu.dma_semaphore, #tpu.memory_space<semaphore_mem>>) src(%dma_wait3A_53 : memref<1000x32xf32, #tpu.memory_space<hbm>>) dst(%dma_wait3A_51 : memref<1000x32xf32, #tpu.memory_space<vmem_shared>>)
            tpu.yield
          }) : () -> ()
        } else {
        }
      }
      %scan3A_38 = arith.constant 25 : i32
    } else {
    }
    %barrier3A = arith.constant 0 : index
    tpu.barrier barrier_id(%barrier3A)
    %eq3A_12 = arith.constant 0 : i32
    %eq3A_13 = arith.cmpi eq, %arg0, %eq3A_12 : i32
    %convert_element_type3A_14 = arith.extui %eq3A_13 : i1 to i32
    %cond3A_15 = arith.constant 0 : i32
    %cond3A_16 = arith.cmpi ne, %convert_element_type3A_14, %cond3A_15 : i32
    scf.if %cond3A_16 {
      %scan3A_33 = arith.constant 0 : i32
      %scan3A_34 = arith.constant 0 : i32
      %scan3A_35 = arith.constant 33 : i32
      %scan3A_36 = arith.addi %scan3A_34, %scan3A_35 : i32
      %scan3A_37 = arith.constant 1 : i32
      scf.for %scan3A_50 = %scan3A_34 to %scan3A_36 step %scan3A_37  : i32 {
        %mul3A = arith.constant 66 : i32
        %mul3A_51 = arith.muli %arg1, %mul3A : i32
        %mul3A_52 = arith.constant 2 : i32
        %mul3A_53 = arith.muli %scan3A_50, %mul3A_52 : i32
        %add3A = arith.addi %mul3A_51, %mul3A_53 : i32
        %gt3A = arith.constant 0 : i32
        %gt3A_54 = arith.cmpi sgt, %scan3A_50, %gt3A : i32
        %convert_element_type3A_55 = arith.extui %gt3A_54 : i1 to i32
        %cond3A_56 = arith.constant 0 : i32
        %cond3A_57 = arith.cmpi ne, %convert_element_type3A_55, %cond3A_56 : i32
        scf.if %cond3A_57 {
          %dma_wait3A_130 = arith.constant 0 : i32
          %dma_wait3A_131 = arith.constant 0 : i32
          %dma_wait3A_132 = tpu.memref_slice %arg2[%dma_wait3A_130, %dma_wait3A_131] : memref<25000x32xf32, #tpu.memory_space<hbm>> -> memref<384x32xf32, #tpu.memory_space<hbm>>
          %dma_wait3A_133 = arith.constant 0 : i32
          %dma_wait3A_134 = arith.constant 0 : i32
          %dma_wait3A_135 = tpu.memref_slice %arg2[%dma_wait3A_133, %dma_wait3A_134] : memref<25000x32xf32, #tpu.memory_space<hbm>> -> memref<384x32xf32, #tpu.memory_space<hbm>>
          tpu.wait_dma2 semaphore(%arg16 : memref<!tpu.dma_semaphore, #tpu.memory_space<semaphore_mem>>) src(%dma_wait3A_135 : memref<384x32xf32, #tpu.memory_space<hbm>>) dst(%arg10 : memref<384x32xf32, #tpu.memory_space<vmem>>)
        } else {
        }
        "tpu.region"() ({
          %run_scoped3A = tpu.sem_alloc : memref<!tpu.dma_semaphore, #tpu.memory_space<semaphore_mem>>
          %dma_start3A_130 = arith.constant 0 : i32
          %dma_start3A_131 = arith.constant 0 : i32
          %dma_start3A_132 = tpu.memref_slice %arg4[%add3A, %dma_start3A_130, %dma_start3A_131] : memref<1056x2x384xi32, #tpu.memory_space<hbm>> -> memref<1x2x384xi32, #tpu.memory_space<hbm>>
          %dma_start3A_133 = arith.constant 0 : i32
          %dma_start3A_134 = arith.constant 0 : i32
          %dma_start3A_135 = tpu.memref_slice %arg4[%add3A, %dma_start3A_133, %dma_start3A_134] : memref<1056x2x384xi32, #tpu.memory_space<hbm>> -> memref<1x2x384xi32, #tpu.memory_space<hbm>>
          tpu.enqueue_dma source(%dma_start3A_135 : memref<1x2x384xi32, #tpu.memory_space<hbm>>) target(%arg8 : memref<1x2x384xi32, #tpu.memory_space<vmem>>) target_semaphore(%run_scoped3A : memref<!tpu.dma_semaphore, #tpu.memory_space<semaphore_mem>>)
          %dma_wait3A_136 = arith.constant 0 : i32
          %dma_wait3A_137 = arith.constant 0 : i32
          %dma_wait3A_138 = tpu.memref_slice %arg4[%add3A, %dma_wait3A_136, %dma_wait3A_137] : memref<1056x2x384xi32, #tpu.memory_space<hbm>> -> memref<1x2x384xi32, #tpu.memory_space<hbm>>
          %dma_wait3A_139 = arith.constant 0 : i32
          %dma_wait3A_140 = arith.constant 0 : i32
          %dma_wait3A_141 = tpu.memref_slice %arg4[%add3A, %dma_wait3A_139, %dma_wait3A_140] : memref<1056x2x384xi32, #tpu.memory_space<hbm>> -> memref<1x2x384xi32, #tpu.memory_space<hbm>>
          tpu.wait_dma2 semaphore(%run_scoped3A : memref<!tpu.dma_semaphore, #tpu.memory_space<semaphore_mem>>) src(%dma_wait3A_141 : memref<1x2x384xi32, #tpu.memory_space<hbm>>) dst(%arg8 : memref<1x2x384xi32, #tpu.memory_space<vmem>>)
          tpu.yield
        }) : () -> ()
        %dma_start3A = arith.constant 0 : i32
        %dma_start3A_58 = arith.constant 0 : i32
        %dma_start3A_59 = arith.constant 0 : i32
        %dma_start3A_60 = arith.constant 0 : i32
        %dma_start3A_61 = tpu.memref_slice %arg10[%dma_start3A_59, %dma_start3A_60] : memref<384x32xf32, #tpu.memory_space<vmem>> -> memref<384x32xf32, #tpu.memory_space<vmem>>
        %dma_start3A_62 = arith.constant 0 : i32
        %dma_start3A_63 = tpu.memref_slice %arg8[%dma_start3A, %dma_start3A_58, %dma_start3A_62] : memref<1x2x384xi32, #tpu.memory_space<vmem>> -> memref<1x1x384xi32, #tpu.memory_space<vmem>>
        %dma_start3A_64 = tpu.memref_squeeze %dma_start3A_63 : memref<1x1x384xi32, #tpu.memory_space<vmem>> -> memref<384xi32, #tpu.memory_space<vmem>>
        %dma_start3A_65 = arith.constant 0 : i32
        %dma_start3A_66 = arith.constant 0 : i32
        %dma_start3A_67 = tpu.memref_slice %arg13[%dma_start3A_65, %dma_start3A_66] : memref<25000x32xf32, #tpu.memory_space<vmem_shared>> -> memref<25000x32xf32, #tpu.memory_space<vmem_shared>>
        tpu.enqueue_indirect_dma source(%dma_start3A_67 : memref<25000x32xf32, #tpu.memory_space<vmem_shared>>) target(%dma_start3A_61 : memref<384x32xf32, #tpu.memory_space<vmem>>) offsets(%dma_start3A_64 : memref<384xi32, #tpu.memory_space<vmem>>) semaphore(%arg14 : memref<!tpu.dma_semaphore, #tpu.memory_space<semaphore_mem>>)
        %add3A_68 = arith.constant 1 : i32
        %add3A_69 = arith.addi %add3A, %add3A_68 : i32
        %gt3A_70 = arith.constant 0 : i32
        %gt3A_71 = arith.cmpi sgt, %scan3A_50, %gt3A_70 : i32
        %convert_element_type3A_72 = arith.extui %gt3A_71 : i1 to i32
        %cond3A_73 = arith.constant 0 : i32
        %cond3A_74 = arith.cmpi ne, %convert_element_type3A_72, %cond3A_73 : i32
        scf.if %cond3A_74 {
          %dma_wait3A_130 = arith.constant 0 : i32
          %dma_wait3A_131 = arith.constant 0 : i32
          %dma_wait3A_132 = tpu.memref_slice %arg2[%dma_wait3A_130, %dma_wait3A_131] : memref<25000x32xf32, #tpu.memory_space<hbm>> -> memref<384x32xf32, #tpu.memory_space<hbm>>
          %dma_wait3A_133 = arith.constant 0 : i32
          %dma_wait3A_134 = arith.constant 0 : i32
          %dma_wait3A_135 = tpu.memref_slice %arg2[%dma_wait3A_133, %dma_wait3A_134] : memref<25000x32xf32, #tpu.memory_space<hbm>> -> memref<384x32xf32, #tpu.memory_space<hbm>>
          tpu.wait_dma2 semaphore(%arg17 : memref<!tpu.dma_semaphore, #tpu.memory_space<semaphore_mem>>) src(%dma_wait3A_135 : memref<384x32xf32, #tpu.memory_space<hbm>>) dst(%arg11 : memref<384x32xf32, #tpu.memory_space<vmem>>)
        } else {
        }
        "tpu.region"() ({
          %run_scoped3A = tpu.sem_alloc : memref<!tpu.dma_semaphore, #tpu.memory_space<semaphore_mem>>
          %dma_start3A_130 = arith.constant 0 : i32
          %dma_start3A_131 = arith.constant 0 : i32
          %dma_start3A_132 = tpu.memref_slice %arg4[%add3A_69, %dma_start3A_130, %dma_start3A_131] : memref<1056x2x384xi32, #tpu.memory_space<hbm>> -> memref<1x2x384xi32, #tpu.memory_space<hbm>>
          %dma_start3A_133 = arith.constant 0 : i32
          %dma_start3A_134 = arith.constant 0 : i32
          %dma_start3A_135 = tpu.memref_slice %arg4[%add3A_69, %dma_start3A_133, %dma_start3A_134] : memref<1056x2x384xi32, #tpu.memory_space<hbm>> -> memref<1x2x384xi32, #tpu.memory_space<hbm>>
          tpu.enqueue_dma source(%dma_start3A_135 : memref<1x2x384xi32, #tpu.memory_space<hbm>>) target(%arg9 : memref<1x2x384xi32, #tpu.memory_space<vmem>>) target_semaphore(%run_scoped3A : memref<!tpu.dma_semaphore, #tpu.memory_space<semaphore_mem>>)
          %dma_wait3A_136 = arith.constant 0 : i32
          %dma_wait3A_137 = arith.constant 0 : i32
          %dma_wait3A_138 = tpu.memref_slice %arg4[%add3A_69, %dma_wait3A_136, %dma_wait3A_137] : memref<1056x2x384xi32, #tpu.memory_space<hbm>> -> memref<1x2x384xi32, #tpu.memory_space<hbm>>
          %dma_wait3A_139 = arith.constant 0 : i32
          %dma_wait3A_140 = arith.constant 0 : i32
          %dma_wait3A_141 = tpu.memref_slice %arg4[%add3A_69, %dma_wait3A_139, %dma_wait3A_140] : memref<1056x2x384xi32, #tpu.memory_space<hbm>> -> memref<1x2x384xi32, #tpu.memory_space<hbm>>
          tpu.wait_dma2 semaphore(%run_scoped3A : memref<!tpu.dma_semaphore, #tpu.memory_space<semaphore_mem>>) src(%dma_wait3A_141 : memref<1x2x384xi32, #tpu.memory_space<hbm>>) dst(%arg9 : memref<1x2x384xi32, #tpu.memory_space<vmem>>)
          tpu.yield
        }) : () -> ()
        %dma_start3A_75 = arith.constant 0 : i32
        %dma_start3A_76 = arith.constant 0 : i32
        %dma_start3A_77 = arith.constant 0 : i32
        %dma_start3A_78 = arith.constant 0 : i32
        %dma_start3A_79 = tpu.memref_slice %arg11[%dma_start3A_77, %dma_start3A_78] : memref<384x32xf32, #tpu.memory_space<vmem>> -> memref<384x32xf32, #tpu.memory_space<vmem>>
        %dma_start3A_80 = arith.constant 0 : i32
        %dma_start3A_81 = tpu.memref_slice %arg9[%dma_start3A_75, %dma_start3A_76, %dma_start3A_80] : memref<1x2x384xi32, #tpu.memory_space<vmem>> -> memref<1x1x384xi32, #tpu.memory_space<vmem>>
        %dma_start3A_82 = tpu.memref_squeeze %dma_start3A_81 : memref<1x1x384xi32, #tpu.memory_space<vmem>> -> memref<384xi32, #tpu.memory_space<vmem>>
        %dma_start3A_83 = arith.constant 0 : i32
        %dma_start3A_84 = arith.constant 0 : i32
        %dma_start3A_85 = tpu.memref_slice %arg13[%dma_start3A_83, %dma_start3A_84] : memref<25000x32xf32, #tpu.memory_space<vmem_shared>> -> memref<25000x32xf32, #tpu.memory_space<vmem_shared>>
        tpu.enqueue_indirect_dma source(%dma_start3A_85 : memref<25000x32xf32, #tpu.memory_space<vmem_shared>>) target(%dma_start3A_79 : memref<384x32xf32, #tpu.memory_space<vmem>>) offsets(%dma_start3A_82 : memref<384xi32, #tpu.memory_space<vmem>>) semaphore(%arg15 : memref<!tpu.dma_semaphore, #tpu.memory_space<semaphore_mem>>)
        %dma_wait3A_86 = arith.constant 0 : i32
        %dma_wait3A_87 = arith.constant 0 : i32
        %dma_wait3A_88 = arith.constant 0 : i32
        %dma_wait3A_89 = arith.constant 0 : i32
        %dma_wait3A_90 = tpu.memref_slice %arg10[%dma_wait3A_88, %dma_wait3A_89] : memref<384x32xf32, #tpu.memory_space<vmem>> -> memref<384x32xf32, #tpu.memory_space<vmem>>
        %dma_wait3A_91 = arith.constant 0 : i32
        %dma_wait3A_92 = tpu.memref_slice %arg8[%dma_wait3A_86, %dma_wait3A_87, %dma_wait3A_91] : memref<1x2x384xi32, #tpu.memory_space<vmem>> -> memref<1x1x384xi32, #tpu.memory_space<vmem>>
        %dma_wait3A_93 = tpu.memref_squeeze %dma_wait3A_92 : memref<1x1x384xi32, #tpu.memory_space<vmem>> -> memref<384xi32, #tpu.memory_space<vmem>>
        %dma_wait3A_94 = arith.constant 0 : i32
        %dma_wait3A_95 = arith.constant 0 : i32
        %dma_wait3A_96 = tpu.memref_slice %arg13[%dma_wait3A_94, %dma_wait3A_95] : memref<25000x32xf32, #tpu.memory_space<vmem_shared>> -> memref<25000x32xf32, #tpu.memory_space<vmem_shared>>
        tpu.wait_indirect_dma semaphore(%arg14 : memref<!tpu.dma_semaphore, #tpu.memory_space<semaphore_mem>>) src(%dma_wait3A_96 : memref<25000x32xf32, #tpu.memory_space<vmem_shared>>) dst(%dma_wait3A_90 : memref<384x32xf32, #tpu.memory_space<vmem>>)
        %dma_start3A_97 = arith.constant 0 : i32
        %dma_start3A_98 = arith.constant 1 : i32
        %dma_start3A_99 = arith.constant 0 : i32
        %dma_start3A_100 = arith.constant 0 : i32
        %dma_start3A_101 = tpu.memref_slice %arg10[%dma_start3A_99, %dma_start3A_100] : memref<384x32xf32, #tpu.memory_space<vmem>> -> memref<384x32xf32, #tpu.memory_space<vmem>>
        %dma_start3A_102 = arith.constant 0 : i32
        %dma_start3A_103 = tpu.memref_slice %arg8[%dma_start3A_97, %dma_start3A_98, %dma_start3A_102] : memref<1x2x384xi32, #tpu.memory_space<vmem>> -> memref<1x1x384xi32, #tpu.memory_space<vmem>>
        %dma_start3A_104 = tpu.memref_squeeze %dma_start3A_103 : memref<1x1x384xi32, #tpu.memory_space<vmem>> -> memref<384xi32, #tpu.memory_space<vmem>>
        %dma_start3A_105 = arith.constant 0 : i32
        %dma_start3A_106 = arith.constant 0 : i32
        %dma_start3A_107 = tpu.memref_slice %arg12[%dma_start3A_105, %dma_start3A_106] : memref<26000x32xf32, #tpu.memory_space<vmem_shared>> -> memref<26000x32xf32, #tpu.memory_space<vmem_shared>>
        tpu.enqueue_indirect_dma source(%dma_start3A_101 : memref<384x32xf32, #tpu.memory_space<vmem>>) target(%dma_start3A_107 : memref<26000x32xf32, #tpu.memory_space<vmem_shared>>) offsets(%dma_start3A_104 : memref<384xi32, #tpu.memory_space<vmem>>) semaphore(%arg16 : memref<!tpu.dma_semaphore, #tpu.memory_space<semaphore_mem>>) {add = true}
        %dma_wait3A_108 = arith.constant 0 : i32
        %dma_wait3A_109 = arith.constant 0 : i32
        %dma_wait3A_110 = arith.constant 0 : i32
        %dma_wait3A_111 = arith.constant 0 : i32
        %dma_wait3A_112 = tpu.memref_slice %arg11[%dma_wait3A_110, %dma_wait3A_111] : memref<384x32xf32, #tpu.memory_space<vmem>> -> memref<384x32xf32, #tpu.memory_space<vmem>>
        %dma_wait3A_113 = arith.constant 0 : i32
        %dma_wait3A_114 = tpu.memref_slice %arg9[%dma_wait3A_108, %dma_wait3A_109, %dma_wait3A_113] : memref<1x2x384xi32, #tpu.memory_space<vmem>> -> memref<1x1x384xi32, #tpu.memory_space<vmem>>
        %dma_wait3A_115 = tpu.memref_squeeze %dma_wait3A_114 : memref<1x1x384xi32, #tpu.memory_space<vmem>> -> memref<384xi32, #tpu.memory_space<vmem>>
        %dma_wait3A_116 = arith.constant 0 : i32
        %dma_wait3A_117 = arith.constant 0 : i32
        %dma_wait3A_118 = tpu.memref_slice %arg13[%dma_wait3A_116, %dma_wait3A_117] : memref<25000x32xf32, #tpu.memory_space<vmem_shared>> -> memref<25000x32xf32, #tpu.memory_space<vmem_shared>>
        tpu.wait_indirect_dma semaphore(%arg15 : memref<!tpu.dma_semaphore, #tpu.memory_space<semaphore_mem>>) src(%dma_wait3A_118 : memref<25000x32xf32, #tpu.memory_space<vmem_shared>>) dst(%dma_wait3A_112 : memref<384x32xf32, #tpu.memory_space<vmem>>)
        %dma_start3A_119 = arith.constant 0 : i32
        %dma_start3A_120 = arith.constant 1 : i32
        %dma_start3A_121 = arith.constant 0 : i32
        %dma_start3A_122 = arith.constant 0 : i32
        %dma_start3A_123 = tpu.memref_slice %arg11[%dma_start3A_121, %dma_start3A_122] : memref<384x32xf32, #tpu.memory_space<vmem>> -> memref<384x32xf32, #tpu.memory_space<vmem>>
        %dma_start3A_124 = arith.constant 0 : i32
        %dma_start3A_125 = tpu.memref_slice %arg9[%dma_start3A_119, %dma_start3A_120, %dma_start3A_124] : memref<1x2x384xi32, #tpu.memory_space<vmem>> -> memref<1x1x384xi32, #tpu.memory_space<vmem>>
        %dma_start3A_126 = tpu.memref_squeeze %dma_start3A_125 : memref<1x1x384xi32, #tpu.memory_space<vmem>> -> memref<384xi32, #tpu.memory_space<vmem>>
        %dma_start3A_127 = arith.constant 0 : i32
        %dma_start3A_128 = arith.constant 0 : i32
        %dma_start3A_129 = tpu.memref_slice %arg12[%dma_start3A_127, %dma_start3A_128] : memref<26000x32xf32, #tpu.memory_space<vmem_shared>> -> memref<26000x32xf32, #tpu.memory_space<vmem_shared>>
        tpu.enqueue_indirect_dma source(%dma_start3A_123 : memref<384x32xf32, #tpu.memory_space<vmem>>) target(%dma_start3A_129 : memref<26000x32xf32, #tpu.memory_space<vmem_shared>>) offsets(%dma_start3A_126 : memref<384xi32, #tpu.memory_space<vmem>>) semaphore(%arg17 : memref<!tpu.dma_semaphore, #tpu.memory_space<semaphore_mem>>) {add = true}
      }
      %scan3A_38 = arith.constant 33 : i32
      %dma_wait3A = arith.constant 0 : i32
      %dma_wait3A_39 = arith.constant 0 : i32
      %dma_wait3A_40 = tpu.memref_slice %arg2[%dma_wait3A, %dma_wait3A_39] : memref<25000x32xf32, #tpu.memory_space<hbm>> -> memref<384x32xf32, #tpu.memory_space<hbm>>
      %dma_wait3A_41 = arith.constant 0 : i32
      %dma_wait3A_42 = arith.constant 0 : i32
      %dma_wait3A_43 = tpu.memref_slice %arg2[%dma_wait3A_41, %dma_wait3A_42] : memref<25000x32xf32, #tpu.memory_space<hbm>> -> memref<384x32xf32, #tpu.memory_space<hbm>>
      tpu.wait_dma2 semaphore(%arg16 : memref<!tpu.dma_semaphore, #tpu.memory_space<semaphore_mem>>) src(%dma_wait3A_43 : memref<384x32xf32, #tpu.memory_space<hbm>>) dst(%arg10 : memref<384x32xf32, #tpu.memory_space<vmem>>)
      %dma_wait3A_44 = arith.constant 0 : i32
      %dma_wait3A_45 = arith.constant 0 : i32
      %dma_wait3A_46 = tpu.memref_slice %arg2[%dma_wait3A_44, %dma_wait3A_45] : memref<25000x32xf32, #tpu.memory_space<hbm>> -> memref<384x32xf32, #tpu.memory_space<hbm>>
      %dma_wait3A_47 = arith.constant 0 : i32
      %dma_wait3A_48 = arith.constant 0 : i32
      %dma_wait3A_49 = tpu.memref_slice %arg2[%dma_wait3A_47, %dma_wait3A_48] : memref<25000x32xf32, #tpu.memory_space<hbm>> -> memref<384x32xf32, #tpu.memory_space<hbm>>
      tpu.wait_dma2 semaphore(%arg17 : memref<!tpu.dma_semaphore, #tpu.memory_space<semaphore_mem>>) src(%dma_wait3A_49 : memref<384x32xf32, #tpu.memory_space<hbm>>) dst(%arg11 : memref<384x32xf32, #tpu.memory_space<vmem>>)
    } else {
    }
    %eq3A_17 = arith.constant 1 : i32
    %eq3A_18 = arith.cmpi eq, %arg0, %eq3A_17 : i32
    %convert_element_type3A_19 = arith.extui %eq3A_18 : i1 to i32
    %cond3A_20 = arith.constant 0 : i32
    %cond3A_21 = arith.cmpi ne, %convert_element_type3A_19, %cond3A_20 : i32
    scf.if %cond3A_21 {
      %scan3A_33 = arith.constant 0 : i32
      %scan3A_34 = arith.constant 0 : i32
      %scan3A_35 = arith.constant 33 : i32
      %scan3A_36 = arith.addi %scan3A_34, %scan3A_35 : i32
      %scan3A_37 = arith.constant 1 : i32
      scf.for %scan3A_50 = %scan3A_34 to %scan3A_36 step %scan3A_37  : i32 {
        %mul3A = arith.constant 66 : i32
        %mul3A_51 = arith.muli %arg1, %mul3A : i32
        %mul3A_52 = arith.constant 2 : i32
        %mul3A_53 = arith.muli %scan3A_50, %mul3A_52 : i32
        %add3A = arith.addi %mul3A_51, %mul3A_53 : i32
        %gt3A = arith.constant 0 : i32
        %gt3A_54 = arith.cmpi sgt, %scan3A_50, %gt3A : i32
        %convert_element_type3A_55 = arith.extui %gt3A_54 : i1 to i32
        %cond3A_56 = arith.constant 0 : i32
        %cond3A_57 = arith.cmpi ne, %convert_element_type3A_55, %cond3A_56 : i32
        scf.if %cond3A_57 {
          %dma_wait3A_130 = arith.constant 0 : i32
          %dma_wait3A_131 = arith.constant 0 : i32
          %dma_wait3A_132 = tpu.memref_slice %arg3[%dma_wait3A_130, %dma_wait3A_131] : memref<25000x32xf32, #tpu.memory_space<hbm>> -> memref<384x32xf32, #tpu.memory_space<hbm>>
          %dma_wait3A_133 = arith.constant 0 : i32
          %dma_wait3A_134 = arith.constant 0 : i32
          %dma_wait3A_135 = tpu.memref_slice %arg3[%dma_wait3A_133, %dma_wait3A_134] : memref<25000x32xf32, #tpu.memory_space<hbm>> -> memref<384x32xf32, #tpu.memory_space<hbm>>
          tpu.wait_dma2 semaphore(%arg16 : memref<!tpu.dma_semaphore, #tpu.memory_space<semaphore_mem>>) src(%dma_wait3A_135 : memref<384x32xf32, #tpu.memory_space<hbm>>) dst(%arg10 : memref<384x32xf32, #tpu.memory_space<vmem>>)
        } else {
        }
        "tpu.region"() ({
          %run_scoped3A = tpu.sem_alloc : memref<!tpu.dma_semaphore, #tpu.memory_space<semaphore_mem>>
          %dma_start3A_130 = arith.constant 0 : i32
          %dma_start3A_131 = arith.constant 0 : i32
          %dma_start3A_132 = tpu.memref_slice %arg4[%add3A, %dma_start3A_130, %dma_start3A_131] : memref<1056x2x384xi32, #tpu.memory_space<hbm>> -> memref<1x2x384xi32, #tpu.memory_space<hbm>>
          %dma_start3A_133 = arith.constant 0 : i32
          %dma_start3A_134 = arith.constant 0 : i32
          %dma_start3A_135 = tpu.memref_slice %arg4[%add3A, %dma_start3A_133, %dma_start3A_134] : memref<1056x2x384xi32, #tpu.memory_space<hbm>> -> memref<1x2x384xi32, #tpu.memory_space<hbm>>
          tpu.enqueue_dma source(%dma_start3A_135 : memref<1x2x384xi32, #tpu.memory_space<hbm>>) target(%arg8 : memref<1x2x384xi32, #tpu.memory_space<vmem>>) target_semaphore(%run_scoped3A : memref<!tpu.dma_semaphore, #tpu.memory_space<semaphore_mem>>)
          %dma_wait3A_136 = arith.constant 0 : i32
          %dma_wait3A_137 = arith.constant 0 : i32
          %dma_wait3A_138 = tpu.memref_slice %arg4[%add3A, %dma_wait3A_136, %dma_wait3A_137] : memref<1056x2x384xi32, #tpu.memory_space<hbm>> -> memref<1x2x384xi32, #tpu.memory_space<hbm>>
          %dma_wait3A_139 = arith.constant 0 : i32
          %dma_wait3A_140 = arith.constant 0 : i32
          %dma_wait3A_141 = tpu.memref_slice %arg4[%add3A, %dma_wait3A_139, %dma_wait3A_140] : memref<1056x2x384xi32, #tpu.memory_space<hbm>> -> memref<1x2x384xi32, #tpu.memory_space<hbm>>
          tpu.wait_dma2 semaphore(%run_scoped3A : memref<!tpu.dma_semaphore, #tpu.memory_space<semaphore_mem>>) src(%dma_wait3A_141 : memref<1x2x384xi32, #tpu.memory_space<hbm>>) dst(%arg8 : memref<1x2x384xi32, #tpu.memory_space<vmem>>)
          tpu.yield
        }) : () -> ()
        %dma_start3A = arith.constant 0 : i32
        %dma_start3A_58 = arith.constant 0 : i32
        %dma_start3A_59 = arith.constant 0 : i32
        %dma_start3A_60 = arith.constant 0 : i32
        %dma_start3A_61 = tpu.memref_slice %arg10[%dma_start3A_59, %dma_start3A_60] : memref<384x32xf32, #tpu.memory_space<vmem>> -> memref<384x32xf32, #tpu.memory_space<vmem>>
        %dma_start3A_62 = arith.constant 0 : i32
        %dma_start3A_63 = tpu.memref_slice %arg8[%dma_start3A, %dma_start3A_58, %dma_start3A_62] : memref<1x2x384xi32, #tpu.memory_space<vmem>> -> memref<1x1x384xi32, #tpu.memory_space<vmem>>
        %dma_start3A_64 = tpu.memref_squeeze %dma_start3A_63 : memref<1x1x384xi32, #tpu.memory_space<vmem>> -> memref<384xi32, #tpu.memory_space<vmem>>
        %dma_start3A_65 = arith.constant 0 : i32
        %dma_start3A_66 = arith.constant 0 : i32
        %dma_start3A_67 = tpu.memref_slice %arg13[%dma_start3A_65, %dma_start3A_66] : memref<25000x32xf32, #tpu.memory_space<vmem_shared>> -> memref<25000x32xf32, #tpu.memory_space<vmem_shared>>
        tpu.enqueue_indirect_dma source(%dma_start3A_67 : memref<25000x32xf32, #tpu.memory_space<vmem_shared>>) target(%dma_start3A_61 : memref<384x32xf32, #tpu.memory_space<vmem>>) offsets(%dma_start3A_64 : memref<384xi32, #tpu.memory_space<vmem>>) semaphore(%arg14 : memref<!tpu.dma_semaphore, #tpu.memory_space<semaphore_mem>>)
        %add3A_68 = arith.constant 1 : i32
        %add3A_69 = arith.addi %add3A, %add3A_68 : i32
        %gt3A_70 = arith.constant 0 : i32
        %gt3A_71 = arith.cmpi sgt, %scan3A_50, %gt3A_70 : i32
        %convert_element_type3A_72 = arith.extui %gt3A_71 : i1 to i32
        %cond3A_73 = arith.constant 0 : i32
        %cond3A_74 = arith.cmpi ne, %convert_element_type3A_72, %cond3A_73 : i32
        scf.if %cond3A_74 {
          %dma_wait3A_130 = arith.constant 0 : i32
          %dma_wait3A_131 = arith.constant 0 : i32
          %dma_wait3A_132 = tpu.memref_slice %arg3[%dma_wait3A_130, %dma_wait3A_131] : memref<25000x32xf32, #tpu.memory_space<hbm>> -> memref<384x32xf32, #tpu.memory_space<hbm>>
          %dma_wait3A_133 = arith.constant 0 : i32
          %dma_wait3A_134 = arith.constant 0 : i32
          %dma_wait3A_135 = tpu.memref_slice %arg3[%dma_wait3A_133, %dma_wait3A_134] : memref<25000x32xf32, #tpu.memory_space<hbm>> -> memref<384x32xf32, #tpu.memory_space<hbm>>
          tpu.wait_dma2 semaphore(%arg17 : memref<!tpu.dma_semaphore, #tpu.memory_space<semaphore_mem>>) src(%dma_wait3A_135 : memref<384x32xf32, #tpu.memory_space<hbm>>) dst(%arg11 : memref<384x32xf32, #tpu.memory_space<vmem>>)
        } else {
        }
        "tpu.region"() ({
          %run_scoped3A = tpu.sem_alloc : memref<!tpu.dma_semaphore, #tpu.memory_space<semaphore_mem>>
          %dma_start3A_130 = arith.constant 0 : i32
          %dma_start3A_131 = arith.constant 0 : i32
          %dma_start3A_132 = tpu.memref_slice %arg4[%add3A_69, %dma_start3A_130, %dma_start3A_131] : memref<1056x2x384xi32, #tpu.memory_space<hbm>> -> memref<1x2x384xi32, #tpu.memory_space<hbm>>
          %dma_start3A_133 = arith.constant 0 : i32
          %dma_start3A_134 = arith.constant 0 : i32
          %dma_start3A_135 = tpu.memref_slice %arg4[%add3A_69, %dma_start3A_133, %dma_start3A_134] : memref<1056x2x384xi32, #tpu.memory_space<hbm>> -> memref<1x2x384xi32, #tpu.memory_space<hbm>>
          tpu.enqueue_dma source(%dma_start3A_135 : memref<1x2x384xi32, #tpu.memory_space<hbm>>) target(%arg9 : memref<1x2x384xi32, #tpu.memory_space<vmem>>) target_semaphore(%run_scoped3A : memref<!tpu.dma_semaphore, #tpu.memory_space<semaphore_mem>>)
          %dma_wait3A_136 = arith.constant 0 : i32
          %dma_wait3A_137 = arith.constant 0 : i32
          %dma_wait3A_138 = tpu.memref_slice %arg4[%add3A_69, %dma_wait3A_136, %dma_wait3A_137] : memref<1056x2x384xi32, #tpu.memory_space<hbm>> -> memref<1x2x384xi32, #tpu.memory_space<hbm>>
          %dma_wait3A_139 = arith.constant 0 : i32
          %dma_wait3A_140 = arith.constant 0 : i32
          %dma_wait3A_141 = tpu.memref_slice %arg4[%add3A_69, %dma_wait3A_139, %dma_wait3A_140] : memref<1056x2x384xi32, #tpu.memory_space<hbm>> -> memref<1x2x384xi32, #tpu.memory_space<hbm>>
          tpu.wait_dma2 semaphore(%run_scoped3A : memref<!tpu.dma_semaphore, #tpu.memory_space<semaphore_mem>>) src(%dma_wait3A_141 : memref<1x2x384xi32, #tpu.memory_space<hbm>>) dst(%arg9 : memref<1x2x384xi32, #tpu.memory_space<vmem>>)
          tpu.yield
        }) : () -> ()
        %dma_start3A_75 = arith.constant 0 : i32
        %dma_start3A_76 = arith.constant 0 : i32
        %dma_start3A_77 = arith.constant 0 : i32
        %dma_start3A_78 = arith.constant 0 : i32
        %dma_start3A_79 = tpu.memref_slice %arg11[%dma_start3A_77, %dma_start3A_78] : memref<384x32xf32, #tpu.memory_space<vmem>> -> memref<384x32xf32, #tpu.memory_space<vmem>>
        %dma_start3A_80 = arith.constant 0 : i32
        %dma_start3A_81 = tpu.memref_slice %arg9[%dma_start3A_75, %dma_start3A_76, %dma_start3A_80] : memref<1x2x384xi32, #tpu.memory_space<vmem>> -> memref<1x1x384xi32, #tpu.memory_space<vmem>>
        %dma_start3A_82 = tpu.memref_squeeze %dma_start3A_81 : memref<1x1x384xi32, #tpu.memory_space<vmem>> -> memref<384xi32, #tpu.memory_space<vmem>>
        %dma_start3A_83 = arith.constant 0 : i32
        %dma_start3A_84 = arith.constant 0 : i32
        %dma_start3A_85 = tpu.memref_slice %arg13[%dma_start3A_83, %dma_start3A_84] : memref<25000x32xf32, #tpu.memory_space<vmem_shared>> -> memref<25000x32xf32, #tpu.memory_space<vmem_shared>>
        tpu.enqueue_indirect_dma source(%dma_start3A_85 : memref<25000x32xf32, #tpu.memory_space<vmem_shared>>) target(%dma_start3A_79 : memref<384x32xf32, #tpu.memory_space<vmem>>) offsets(%dma_start3A_82 : memref<384xi32, #tpu.memory_space<vmem>>) semaphore(%arg15 : memref<!tpu.dma_semaphore, #tpu.memory_space<semaphore_mem>>)
        %dma_wait3A_86 = arith.constant 0 : i32
        %dma_wait3A_87 = arith.constant 0 : i32
        %dma_wait3A_88 = arith.constant 0 : i32
        %dma_wait3A_89 = arith.constant 0 : i32
        %dma_wait3A_90 = tpu.memref_slice %arg10[%dma_wait3A_88, %dma_wait3A_89] : memref<384x32xf32, #tpu.memory_space<vmem>> -> memref<384x32xf32, #tpu.memory_space<vmem>>
        %dma_wait3A_91 = arith.constant 0 : i32
        %dma_wait3A_92 = tpu.memref_slice %arg8[%dma_wait3A_86, %dma_wait3A_87, %dma_wait3A_91] : memref<1x2x384xi32, #tpu.memory_space<vmem>> -> memref<1x1x384xi32, #tpu.memory_space<vmem>>
        %dma_wait3A_93 = tpu.memref_squeeze %dma_wait3A_92 : memref<1x1x384xi32, #tpu.memory_space<vmem>> -> memref<384xi32, #tpu.memory_space<vmem>>
        %dma_wait3A_94 = arith.constant 0 : i32
        %dma_wait3A_95 = arith.constant 0 : i32
        %dma_wait3A_96 = tpu.memref_slice %arg13[%dma_wait3A_94, %dma_wait3A_95] : memref<25000x32xf32, #tpu.memory_space<vmem_shared>> -> memref<25000x32xf32, #tpu.memory_space<vmem_shared>>
        tpu.wait_indirect_dma semaphore(%arg14 : memref<!tpu.dma_semaphore, #tpu.memory_space<semaphore_mem>>) src(%dma_wait3A_96 : memref<25000x32xf32, #tpu.memory_space<vmem_shared>>) dst(%dma_wait3A_90 : memref<384x32xf32, #tpu.memory_space<vmem>>)
        %dma_start3A_97 = arith.constant 0 : i32
        %dma_start3A_98 = arith.constant 1 : i32
        %dma_start3A_99 = arith.constant 0 : i32
        %dma_start3A_100 = arith.constant 0 : i32
        %dma_start3A_101 = tpu.memref_slice %arg10[%dma_start3A_99, %dma_start3A_100] : memref<384x32xf32, #tpu.memory_space<vmem>> -> memref<384x32xf32, #tpu.memory_space<vmem>>
        %dma_start3A_102 = arith.constant 0 : i32
        %dma_start3A_103 = tpu.memref_slice %arg8[%dma_start3A_97, %dma_start3A_98, %dma_start3A_102] : memref<1x2x384xi32, #tpu.memory_space<vmem>> -> memref<1x1x384xi32, #tpu.memory_space<vmem>>
        %dma_start3A_104 = tpu.memref_squeeze %dma_start3A_103 : memref<1x1x384xi32, #tpu.memory_space<vmem>> -> memref<384xi32, #tpu.memory_space<vmem>>
        %dma_start3A_105 = arith.constant 0 : i32
        %dma_start3A_106 = arith.constant 0 : i32
        %dma_start3A_107 = tpu.memref_slice %arg12[%dma_start3A_105, %dma_start3A_106] : memref<26000x32xf32, #tpu.memory_space<vmem_shared>> -> memref<26000x32xf32, #tpu.memory_space<vmem_shared>>
        tpu.enqueue_indirect_dma source(%dma_start3A_101 : memref<384x32xf32, #tpu.memory_space<vmem>>) target(%dma_start3A_107 : memref<26000x32xf32, #tpu.memory_space<vmem_shared>>) offsets(%dma_start3A_104 : memref<384xi32, #tpu.memory_space<vmem>>) semaphore(%arg16 : memref<!tpu.dma_semaphore, #tpu.memory_space<semaphore_mem>>) {add = true}
        %dma_wait3A_108 = arith.constant 0 : i32
        %dma_wait3A_109 = arith.constant 0 : i32
        %dma_wait3A_110 = arith.constant 0 : i32
        %dma_wait3A_111 = arith.constant 0 : i32
        %dma_wait3A_112 = tpu.memref_slice %arg11[%dma_wait3A_110, %dma_wait3A_111] : memref<384x32xf32, #tpu.memory_space<vmem>> -> memref<384x32xf32, #tpu.memory_space<vmem>>
        %dma_wait3A_113 = arith.constant 0 : i32
        %dma_wait3A_114 = tpu.memref_slice %arg9[%dma_wait3A_108, %dma_wait3A_109, %dma_wait3A_113] : memref<1x2x384xi32, #tpu.memory_space<vmem>> -> memref<1x1x384xi32, #tpu.memory_space<vmem>>
        %dma_wait3A_115 = tpu.memref_squeeze %dma_wait3A_114 : memref<1x1x384xi32, #tpu.memory_space<vmem>> -> memref<384xi32, #tpu.memory_space<vmem>>
        %dma_wait3A_116 = arith.constant 0 : i32
        %dma_wait3A_117 = arith.constant 0 : i32
        %dma_wait3A_118 = tpu.memref_slice %arg13[%dma_wait3A_116, %dma_wait3A_117] : memref<25000x32xf32, #tpu.memory_space<vmem_shared>> -> memref<25000x32xf32, #tpu.memory_space<vmem_shared>>
        tpu.wait_indirect_dma semaphore(%arg15 : memref<!tpu.dma_semaphore, #tpu.memory_space<semaphore_mem>>) src(%dma_wait3A_118 : memref<25000x32xf32, #tpu.memory_space<vmem_shared>>) dst(%dma_wait3A_112 : memref<384x32xf32, #tpu.memory_space<vmem>>)
        %dma_start3A_119 = arith.constant 0 : i32
        %dma_start3A_120 = arith.constant 1 : i32
        %dma_start3A_121 = arith.constant 0 : i32
        %dma_start3A_122 = arith.constant 0 : i32
        %dma_start3A_123 = tpu.memref_slice %arg11[%dma_start3A_121, %dma_start3A_122] : memref<384x32xf32, #tpu.memory_space<vmem>> -> memref<384x32xf32, #tpu.memory_space<vmem>>
        %dma_start3A_124 = arith.constant 0 : i32
        %dma_start3A_125 = tpu.memref_slice %arg9[%dma_start3A_119, %dma_start3A_120, %dma_start3A_124] : memref<1x2x384xi32, #tpu.memory_space<vmem>> -> memref<1x1x384xi32, #tpu.memory_space<vmem>>
        %dma_start3A_126 = tpu.memref_squeeze %dma_start3A_125 : memref<1x1x384xi32, #tpu.memory_space<vmem>> -> memref<384xi32, #tpu.memory_space<vmem>>
        %dma_start3A_127 = arith.constant 0 : i32
        %dma_start3A_128 = arith.constant 0 : i32
        %dma_start3A_129 = tpu.memref_slice %arg12[%dma_start3A_127, %dma_start3A_128] : memref<26000x32xf32, #tpu.memory_space<vmem_shared>> -> memref<26000x32xf32, #tpu.memory_space<vmem_shared>>
        tpu.enqueue_indirect_dma source(%dma_start3A_123 : memref<384x32xf32, #tpu.memory_space<vmem>>) target(%dma_start3A_129 : memref<26000x32xf32, #tpu.memory_space<vmem_shared>>) offsets(%dma_start3A_126 : memref<384xi32, #tpu.memory_space<vmem>>) semaphore(%arg17 : memref<!tpu.dma_semaphore, #tpu.memory_space<semaphore_mem>>) {add = true}
      }
      %scan3A_38 = arith.constant 33 : i32
      %dma_wait3A = arith.constant 0 : i32
      %dma_wait3A_39 = arith.constant 0 : i32
      %dma_wait3A_40 = tpu.memref_slice %arg3[%dma_wait3A, %dma_wait3A_39] : memref<25000x32xf32, #tpu.memory_space<hbm>> -> memref<384x32xf32, #tpu.memory_space<hbm>>
      %dma_wait3A_41 = arith.constant 0 : i32
      %dma_wait3A_42 = arith.constant 0 : i32
      %dma_wait3A_43 = tpu.memref_slice %arg3[%dma_wait3A_41, %dma_wait3A_42] : memref<25000x32xf32, #tpu.memory_space<hbm>> -> memref<384x32xf32, #tpu.memory_space<hbm>>
      tpu.wait_dma2 semaphore(%arg16 : memref<!tpu.dma_semaphore, #tpu.memory_space<semaphore_mem>>) src(%dma_wait3A_43 : memref<384x32xf32, #tpu.memory_space<hbm>>) dst(%arg10 : memref<384x32xf32, #tpu.memory_space<vmem>>)
      %dma_wait3A_44 = arith.constant 0 : i32
      %dma_wait3A_45 = arith.constant 0 : i32
      %dma_wait3A_46 = tpu.memref_slice %arg3[%dma_wait3A_44, %dma_wait3A_45] : memref<25000x32xf32, #tpu.memory_space<hbm>> -> memref<384x32xf32, #tpu.memory_space<hbm>>
      %dma_wait3A_47 = arith.constant 0 : i32
      %dma_wait3A_48 = arith.constant 0 : i32
      %dma_wait3A_49 = tpu.memref_slice %arg3[%dma_wait3A_47, %dma_wait3A_48] : memref<25000x32xf32, #tpu.memory_space<hbm>> -> memref<384x32xf32, #tpu.memory_space<hbm>>
      tpu.wait_dma2 semaphore(%arg17 : memref<!tpu.dma_semaphore, #tpu.memory_space<semaphore_mem>>) src(%dma_wait3A_49 : memref<384x32xf32, #tpu.memory_space<hbm>>) dst(%arg11 : memref<384x32xf32, #tpu.memory_space<vmem>>)
    } else {
    }
    %barrier3A_22 = arith.constant 0 : index
    tpu.barrier barrier_id(%barrier3A_22)
    %eq3A_23 = arith.constant 0 : i32
    %eq3A_24 = arith.cmpi eq, %arg0, %eq3A_23 : i32
    %convert_element_type3A_25 = arith.extui %eq3A_24 : i1 to i32
    %cond3A_26 = arith.constant 0 : i32
    %cond3A_27 = arith.cmpi ne, %convert_element_type3A_25, %cond3A_26 : i32
    scf.if %cond3A_27 {
      %scan3A_33 = arith.constant 0 : i32
      %scan3A_34 = arith.constant 0 : i32
      %scan3A_35 = arith.constant 25 : i32
      %scan3A_36 = arith.addi %scan3A_34, %scan3A_35 : i32
      %scan3A_37 = arith.constant 1 : i32
      scf.for %scan3A_39 = %scan3A_34 to %scan3A_36 step %scan3A_37  : i32 {
        %rem3A = arith.constant 16 : i32
        %rem3A_40 = arith.remsi %scan3A_39, %rem3A : i32
        %eq3A_41 = arith.cmpi eq, %rem3A_40, %arg1 : i32
        %convert_element_type3A_42 = arith.extui %eq3A_41 : i1 to i32
        %cond3A_43 = arith.constant 0 : i32
        %cond3A_44 = arith.cmpi ne, %convert_element_type3A_42, %cond3A_43 : i32
        scf.if %cond3A_44 {
          %mul3A = arith.constant 1000 : i32
          %mul3A_45 = arith.muli %scan3A_39, %mul3A : i32
          %mul3A_46 = arith.constant 1000 : i32
          %mul3A_47 = arith.muli %scan3A_39, %mul3A_46 : i32
          "tpu.region"() ({
            %run_scoped3A = tpu.sem_alloc : memref<!tpu.dma_semaphore, #tpu.memory_space<semaphore_mem>>
            %dma_start3A = arith.constant 0 : i32
            %dma_start3A_48 = tpu.memref_slice %arg6[%mul3A_47, %dma_start3A] : memref<25000x32xf32, #tpu.memory_space<hbm>> -> memref<1000x32xf32, #tpu.memory_space<hbm>>
            %dma_start3A_49 = arith.constant 0 : i32
            %dma_start3A_50 = tpu.memref_slice %arg12[%mul3A_45, %dma_start3A_49] : memref<26000x32xf32, #tpu.memory_space<vmem_shared>> -> memref<1000x32xf32, #tpu.memory_space<vmem_shared>>
            tpu.enqueue_dma source(%dma_start3A_50 : memref<1000x32xf32, #tpu.memory_space<vmem_shared>>) target(%dma_start3A_48 : memref<1000x32xf32, #tpu.memory_space<hbm>>) target_semaphore(%run_scoped3A : memref<!tpu.dma_semaphore, #tpu.memory_space<semaphore_mem>>)
            %dma_wait3A = arith.constant 0 : i32
            %dma_wait3A_51 = tpu.memref_slice %arg6[%mul3A_47, %dma_wait3A] : memref<25000x32xf32, #tpu.memory_space<hbm>> -> memref<1000x32xf32, #tpu.memory_space<hbm>>
            %dma_wait3A_52 = arith.constant 0 : i32
            %dma_wait3A_53 = tpu.memref_slice %arg12[%mul3A_45, %dma_wait3A_52] : memref<26000x32xf32, #tpu.memory_space<vmem_shared>> -> memref<1000x32xf32, #tpu.memory_space<vmem_shared>>
            tpu.wait_dma2 semaphore(%run_scoped3A : memref<!tpu.dma_semaphore, #tpu.memory_space<semaphore_mem>>) src(%dma_wait3A_53 : memref<1000x32xf32, #tpu.memory_space<vmem_shared>>) dst(%dma_wait3A_51 : memref<1000x32xf32, #tpu.memory_space<hbm>>)
            tpu.yield
          }) : () -> ()
        } else {
        }
      }
      %scan3A_38 = arith.constant 25 : i32
    } else {
    }
    %eq3A_28 = arith.constant 1 : i32
    %eq3A_29 = arith.cmpi eq, %arg0, %eq3A_28 : i32
    %convert_element_type3A_30 = arith.extui %eq3A_29 : i1 to i32
    %cond3A_31 = arith.constant 0 : i32
    %cond3A_32 = arith.cmpi ne, %convert_element_type3A_30, %cond3A_31 : i32
    scf.if %cond3A_32 {
      %scan3A_33 = arith.constant 0 : i32
      %scan3A_34 = arith.constant 0 : i32
      %scan3A_35 = arith.constant 25 : i32
      %scan3A_36 = arith.addi %scan3A_34, %scan3A_35 : i32
      %scan3A_37 = arith.constant 1 : i32
      scf.for %scan3A_39 = %scan3A_34 to %scan3A_36 step %scan3A_37  : i32 {
        %rem3A = arith.constant 16 : i32
        %rem3A_40 = arith.remsi %scan3A_39, %rem3A : i32
        %eq3A_41 = arith.cmpi eq, %rem3A_40, %arg1 : i32
        %convert_element_type3A_42 = arith.extui %eq3A_41 : i1 to i32
        %cond3A_43 = arith.constant 0 : i32
        %cond3A_44 = arith.cmpi ne, %convert_element_type3A_42, %cond3A_43 : i32
        scf.if %cond3A_44 {
          %mul3A = arith.constant 1000 : i32
          %mul3A_45 = arith.muli %scan3A_39, %mul3A : i32
          %mul3A_46 = arith.constant 1000 : i32
          %mul3A_47 = arith.muli %scan3A_39, %mul3A_46 : i32
          "tpu.region"() ({
            %run_scoped3A = tpu.sem_alloc : memref<!tpu.dma_semaphore, #tpu.memory_space<semaphore_mem>>
            %dma_start3A = arith.constant 0 : i32
            %dma_start3A_48 = tpu.memref_slice %arg7[%mul3A_47, %dma_start3A] : memref<25000x32xf32, #tpu.memory_space<hbm>> -> memref<1000x32xf32, #tpu.memory_space<hbm>>
            %dma_start3A_49 = arith.constant 0 : i32
            %dma_start3A_50 = tpu.memref_slice %arg12[%mul3A_45, %dma_start3A_49] : memref<26000x32xf32, #tpu.memory_space<vmem_shared>> -> memref<1000x32xf32, #tpu.memory_space<vmem_shared>>
            tpu.enqueue_dma source(%dma_start3A_50 : memref<1000x32xf32, #tpu.memory_space<vmem_shared>>) target(%dma_start3A_48 : memref<1000x32xf32, #tpu.memory_space<hbm>>) target_semaphore(%run_scoped3A : memref<!tpu.dma_semaphore, #tpu.memory_space<semaphore_mem>>)
            %dma_wait3A = arith.constant 0 : i32
            %dma_wait3A_51 = tpu.memref_slice %arg7[%mul3A_47, %dma_wait3A] : memref<25000x32xf32, #tpu.memory_space<hbm>> -> memref<1000x32xf32, #tpu.memory_space<hbm>>
            %dma_wait3A_52 = arith.constant 0 : i32
            %dma_wait3A_53 = tpu.memref_slice %arg12[%mul3A_45, %dma_wait3A_52] : memref<26000x32xf32, #tpu.memory_space<vmem_shared>> -> memref<1000x32xf32, #tpu.memory_space<vmem_shared>>
            tpu.wait_dma2 semaphore(%run_scoped3A : memref<!tpu.dma_semaphore, #tpu.memory_space<semaphore_mem>>) src(%dma_wait3A_53 : memref<1000x32xf32, #tpu.memory_space<vmem_shared>>) dst(%dma_wait3A_51 : memref<1000x32xf32, #tpu.memory_space<hbm>>)
            tpu.yield
          }) : () -> ()
        } else {
        }
      }
      %scan3A_38 = arith.constant 25 : i32
    } else {
    }
    return
  }
}

#map = affine_map<(d0, d1) -> (0, 0)>
#map1 = affine_map<(d0, d1) -> (0, 0, 0)>
module attributes {stable_mosaic.version = 14 : i64} {
  func.func @agg(%arg0: i32, %arg1: i32, %arg2: memref<50000x32xf32, #tpu.memory_space<hbm>>, %arg3: memref<50000x32xf32, #tpu.memory_space<hbm>>, %arg4: memref<2112x2x384xi32, #tpu.memory_space<hbm>>, %arg5: memref<1000x32xf32, #tpu.memory_space<hbm>>, %arg6: memref<50000x32xf32, #tpu.memory_space<hbm>>, %arg7: memref<50000x32xf32, #tpu.memory_space<hbm>>, %arg8: memref<1x2x384xi32, #tpu.memory_space<vmem>>, %arg9: memref<1x2x384xi32, #tpu.memory_space<vmem>>, %arg10: memref<384x32xf32, #tpu.memory_space<vmem>>, %arg11: memref<384x32xf32, #tpu.memory_space<vmem>>, %arg12: memref<51000x32xf32, #tpu.memory_space<vmem_shared>>, %arg13: memref<!tpu.dma_semaphore, #tpu.memory_space<semaphore_mem>>, %arg14: memref<!tpu.dma_semaphore, #tpu.memory_space<semaphore_mem>>, %arg15: memref<!tpu.dma_semaphore, #tpu.memory_space<semaphore_mem>>, %arg16: memref<!tpu.dma_semaphore, #tpu.memory_space<semaphore_mem>>) attributes {dimension_semantics = [#tpu.dimension_semantics<core_parallel>, #tpu.dimension_semantics<subcore_parallel>], iteration_bounds = array<i64: 2, 16>, scalar_prefetch = 0 : i64, scratch_operands = 9 : i64, tpu.core_type = #tpu.core_type<sc_vector_subcore>, window_params = [{transform_indices = #map}, {transform_indices = #map}, {transform_indices = #map1}, {transform_indices = #map}, {transform_indices = #map}, {transform_indices = #map}]} {
    %scan3A = arith.constant 0 : i32
    %scan3A_0 = arith.constant 0 : i32
    %scan3A_1 = arith.constant 51 : i32
    %scan3A_2 = arith.addi %scan3A_0, %scan3A_1 : i32
    %scan3A_3 = arith.constant 1 : i32
    scf.for %scan3A_23 = %scan3A_0 to %scan3A_2 step %scan3A_3  : i32 {
      %rem3A = arith.constant 16 : i32
      %rem3A_24 = arith.remsi %scan3A_23, %rem3A : i32
      %eq3A_25 = arith.cmpi eq, %rem3A_24, %arg1 : i32
      %convert_element_type3A_26 = arith.extui %eq3A_25 : i1 to i32
      %cond3A_27 = arith.constant 0 : i32
      %cond3A_28 = arith.cmpi ne, %convert_element_type3A_26, %cond3A_27 : i32
      scf.if %cond3A_28 {
        %mul3A = arith.constant 1000 : i32
        %mul3A_29 = arith.muli %scan3A_23, %mul3A : i32
        "tpu.region"() ({
          %run_scoped3A = tpu.sem_alloc : memref<!tpu.dma_semaphore, #tpu.memory_space<semaphore_mem>>
          %dma_start3A = arith.constant 0 : i32
          %dma_start3A_30 = tpu.memref_slice %arg12[%mul3A_29, %dma_start3A] : memref<51000x32xf32, #tpu.memory_space<vmem_shared>> -> memref<1000x32xf32, #tpu.memory_space<vmem_shared>>
          tpu.enqueue_dma source(%arg5 : memref<1000x32xf32, #tpu.memory_space<hbm>>) target(%dma_start3A_30 : memref<1000x32xf32, #tpu.memory_space<vmem_shared>>) target_semaphore(%run_scoped3A : memref<!tpu.dma_semaphore, #tpu.memory_space<semaphore_mem>>)
          %dma_wait3A = arith.constant 0 : i32
          %dma_wait3A_31 = tpu.memref_slice %arg12[%mul3A_29, %dma_wait3A] : memref<51000x32xf32, #tpu.memory_space<vmem_shared>> -> memref<1000x32xf32, #tpu.memory_space<vmem_shared>>
          tpu.wait_dma2 semaphore(%run_scoped3A : memref<!tpu.dma_semaphore, #tpu.memory_space<semaphore_mem>>) src(%arg5 : memref<1000x32xf32, #tpu.memory_space<hbm>>) dst(%dma_wait3A_31 : memref<1000x32xf32, #tpu.memory_space<vmem_shared>>)
          tpu.yield
        }) : () -> ()
      } else {
      }
    }
    %scan3A_4 = arith.constant 51 : i32
    %barrier3A = arith.constant 0 : index
    tpu.barrier barrier_id(%barrier3A)
    %eq3A = arith.constant 0 : i32
    %eq3A_5 = arith.cmpi eq, %arg0, %eq3A : i32
    %convert_element_type3A = arith.extui %eq3A_5 : i1 to i32
    %cond3A = arith.constant 0 : i32
    %cond3A_6 = arith.cmpi ne, %convert_element_type3A, %cond3A : i32
    scf.if %cond3A_6 {
      %scan3A_23 = arith.constant 0 : i32
      %scan3A_24 = arith.constant 0 : i32
      %scan3A_25 = arith.constant 66 : i32
      %scan3A_26 = arith.addi %scan3A_24, %scan3A_25 : i32
      %scan3A_27 = arith.constant 1 : i32
      scf.for %scan3A_40 = %scan3A_24 to %scan3A_26 step %scan3A_27  : i32 {
        %mul3A = arith.constant 132 : i32
        %mul3A_41 = arith.muli %arg1, %mul3A : i32
        %mul3A_42 = arith.constant 2 : i32
        %mul3A_43 = arith.muli %scan3A_40, %mul3A_42 : i32
        %add3A = arith.addi %mul3A_41, %mul3A_43 : i32
        %gt3A = arith.constant 0 : i32
        %gt3A_44 = arith.cmpi sgt, %scan3A_40, %gt3A : i32
        %convert_element_type3A_45 = arith.extui %gt3A_44 : i1 to i32
        %cond3A_46 = arith.constant 0 : i32
        %cond3A_47 = arith.cmpi ne, %convert_element_type3A_45, %cond3A_46 : i32
        scf.if %cond3A_47 {
          %dma_wait3A_120 = arith.constant 0 : i32
          %dma_wait3A_121 = arith.constant 0 : i32
          %dma_wait3A_122 = tpu.memref_slice %arg2[%dma_wait3A_120, %dma_wait3A_121] : memref<50000x32xf32, #tpu.memory_space<hbm>> -> memref<384x32xf32, #tpu.memory_space<hbm>>
          %dma_wait3A_123 = arith.constant 0 : i32
          %dma_wait3A_124 = arith.constant 0 : i32
          %dma_wait3A_125 = tpu.memref_slice %arg2[%dma_wait3A_123, %dma_wait3A_124] : memref<50000x32xf32, #tpu.memory_space<hbm>> -> memref<384x32xf32, #tpu.memory_space<hbm>>
          tpu.wait_dma2 semaphore(%arg15 : memref<!tpu.dma_semaphore, #tpu.memory_space<semaphore_mem>>) src(%dma_wait3A_125 : memref<384x32xf32, #tpu.memory_space<hbm>>) dst(%arg10 : memref<384x32xf32, #tpu.memory_space<vmem>>)
        } else {
        }
        "tpu.region"() ({
          %run_scoped3A = tpu.sem_alloc : memref<!tpu.dma_semaphore, #tpu.memory_space<semaphore_mem>>
          %dma_start3A_120 = arith.constant 0 : i32
          %dma_start3A_121 = arith.constant 0 : i32
          %dma_start3A_122 = tpu.memref_slice %arg4[%add3A, %dma_start3A_120, %dma_start3A_121] : memref<2112x2x384xi32, #tpu.memory_space<hbm>> -> memref<1x2x384xi32, #tpu.memory_space<hbm>>
          %dma_start3A_123 = arith.constant 0 : i32
          %dma_start3A_124 = arith.constant 0 : i32
          %dma_start3A_125 = tpu.memref_slice %arg4[%add3A, %dma_start3A_123, %dma_start3A_124] : memref<2112x2x384xi32, #tpu.memory_space<hbm>> -> memref<1x2x384xi32, #tpu.memory_space<hbm>>
          tpu.enqueue_dma source(%dma_start3A_125 : memref<1x2x384xi32, #tpu.memory_space<hbm>>) target(%arg8 : memref<1x2x384xi32, #tpu.memory_space<vmem>>) target_semaphore(%run_scoped3A : memref<!tpu.dma_semaphore, #tpu.memory_space<semaphore_mem>>)
          %dma_wait3A_126 = arith.constant 0 : i32
          %dma_wait3A_127 = arith.constant 0 : i32
          %dma_wait3A_128 = tpu.memref_slice %arg4[%add3A, %dma_wait3A_126, %dma_wait3A_127] : memref<2112x2x384xi32, #tpu.memory_space<hbm>> -> memref<1x2x384xi32, #tpu.memory_space<hbm>>
          %dma_wait3A_129 = arith.constant 0 : i32
          %dma_wait3A_130 = arith.constant 0 : i32
          %dma_wait3A_131 = tpu.memref_slice %arg4[%add3A, %dma_wait3A_129, %dma_wait3A_130] : memref<2112x2x384xi32, #tpu.memory_space<hbm>> -> memref<1x2x384xi32, #tpu.memory_space<hbm>>
          tpu.wait_dma2 semaphore(%run_scoped3A : memref<!tpu.dma_semaphore, #tpu.memory_space<semaphore_mem>>) src(%dma_wait3A_131 : memref<1x2x384xi32, #tpu.memory_space<hbm>>) dst(%arg8 : memref<1x2x384xi32, #tpu.memory_space<vmem>>)
          tpu.yield
        }) : () -> ()
        %dma_start3A = arith.constant 0 : i32
        %dma_start3A_48 = arith.constant 0 : i32
        %dma_start3A_49 = arith.constant 0 : i32
        %dma_start3A_50 = arith.constant 0 : i32
        %dma_start3A_51 = tpu.memref_slice %arg10[%dma_start3A_49, %dma_start3A_50] : memref<384x32xf32, #tpu.memory_space<vmem>> -> memref<384x32xf32, #tpu.memory_space<vmem>>
        %dma_start3A_52 = arith.constant 0 : i32
        %dma_start3A_53 = tpu.memref_slice %arg8[%dma_start3A, %dma_start3A_48, %dma_start3A_52] : memref<1x2x384xi32, #tpu.memory_space<vmem>> -> memref<1x1x384xi32, #tpu.memory_space<vmem>>
        %dma_start3A_54 = tpu.memref_squeeze %dma_start3A_53 : memref<1x1x384xi32, #tpu.memory_space<vmem>> -> memref<384xi32, #tpu.memory_space<vmem>>
        %dma_start3A_55 = arith.constant 0 : i32
        %dma_start3A_56 = arith.constant 0 : i32
        %dma_start3A_57 = tpu.memref_slice %arg2[%dma_start3A_55, %dma_start3A_56] : memref<50000x32xf32, #tpu.memory_space<hbm>> -> memref<50000x32xf32, #tpu.memory_space<hbm>>
        tpu.enqueue_indirect_dma source(%dma_start3A_57 : memref<50000x32xf32, #tpu.memory_space<hbm>>) target(%dma_start3A_51 : memref<384x32xf32, #tpu.memory_space<vmem>>) offsets(%dma_start3A_54 : memref<384xi32, #tpu.memory_space<vmem>>) semaphore(%arg13 : memref<!tpu.dma_semaphore, #tpu.memory_space<semaphore_mem>>)
        %add3A_58 = arith.constant 1 : i32
        %add3A_59 = arith.addi %add3A, %add3A_58 : i32
        %gt3A_60 = arith.constant 0 : i32
        %gt3A_61 = arith.cmpi sgt, %scan3A_40, %gt3A_60 : i32
        %convert_element_type3A_62 = arith.extui %gt3A_61 : i1 to i32
        %cond3A_63 = arith.constant 0 : i32
        %cond3A_64 = arith.cmpi ne, %convert_element_type3A_62, %cond3A_63 : i32
        scf.if %cond3A_64 {
          %dma_wait3A_120 = arith.constant 0 : i32
          %dma_wait3A_121 = arith.constant 0 : i32
          %dma_wait3A_122 = tpu.memref_slice %arg2[%dma_wait3A_120, %dma_wait3A_121] : memref<50000x32xf32, #tpu.memory_space<hbm>> -> memref<384x32xf32, #tpu.memory_space<hbm>>
          %dma_wait3A_123 = arith.constant 0 : i32
          %dma_wait3A_124 = arith.constant 0 : i32
          %dma_wait3A_125 = tpu.memref_slice %arg2[%dma_wait3A_123, %dma_wait3A_124] : memref<50000x32xf32, #tpu.memory_space<hbm>> -> memref<384x32xf32, #tpu.memory_space<hbm>>
          tpu.wait_dma2 semaphore(%arg16 : memref<!tpu.dma_semaphore, #tpu.memory_space<semaphore_mem>>) src(%dma_wait3A_125 : memref<384x32xf32, #tpu.memory_space<hbm>>) dst(%arg11 : memref<384x32xf32, #tpu.memory_space<vmem>>)
        } else {
        }
        "tpu.region"() ({
          %run_scoped3A = tpu.sem_alloc : memref<!tpu.dma_semaphore, #tpu.memory_space<semaphore_mem>>
          %dma_start3A_120 = arith.constant 0 : i32
          %dma_start3A_121 = arith.constant 0 : i32
          %dma_start3A_122 = tpu.memref_slice %arg4[%add3A_59, %dma_start3A_120, %dma_start3A_121] : memref<2112x2x384xi32, #tpu.memory_space<hbm>> -> memref<1x2x384xi32, #tpu.memory_space<hbm>>
          %dma_start3A_123 = arith.constant 0 : i32
          %dma_start3A_124 = arith.constant 0 : i32
          %dma_start3A_125 = tpu.memref_slice %arg4[%add3A_59, %dma_start3A_123, %dma_start3A_124] : memref<2112x2x384xi32, #tpu.memory_space<hbm>> -> memref<1x2x384xi32, #tpu.memory_space<hbm>>
          tpu.enqueue_dma source(%dma_start3A_125 : memref<1x2x384xi32, #tpu.memory_space<hbm>>) target(%arg9 : memref<1x2x384xi32, #tpu.memory_space<vmem>>) target_semaphore(%run_scoped3A : memref<!tpu.dma_semaphore, #tpu.memory_space<semaphore_mem>>)
          %dma_wait3A_126 = arith.constant 0 : i32
          %dma_wait3A_127 = arith.constant 0 : i32
          %dma_wait3A_128 = tpu.memref_slice %arg4[%add3A_59, %dma_wait3A_126, %dma_wait3A_127] : memref<2112x2x384xi32, #tpu.memory_space<hbm>> -> memref<1x2x384xi32, #tpu.memory_space<hbm>>
          %dma_wait3A_129 = arith.constant 0 : i32
          %dma_wait3A_130 = arith.constant 0 : i32
          %dma_wait3A_131 = tpu.memref_slice %arg4[%add3A_59, %dma_wait3A_129, %dma_wait3A_130] : memref<2112x2x384xi32, #tpu.memory_space<hbm>> -> memref<1x2x384xi32, #tpu.memory_space<hbm>>
          tpu.wait_dma2 semaphore(%run_scoped3A : memref<!tpu.dma_semaphore, #tpu.memory_space<semaphore_mem>>) src(%dma_wait3A_131 : memref<1x2x384xi32, #tpu.memory_space<hbm>>) dst(%arg9 : memref<1x2x384xi32, #tpu.memory_space<vmem>>)
          tpu.yield
        }) : () -> ()
        %dma_start3A_65 = arith.constant 0 : i32
        %dma_start3A_66 = arith.constant 0 : i32
        %dma_start3A_67 = arith.constant 0 : i32
        %dma_start3A_68 = arith.constant 0 : i32
        %dma_start3A_69 = tpu.memref_slice %arg11[%dma_start3A_67, %dma_start3A_68] : memref<384x32xf32, #tpu.memory_space<vmem>> -> memref<384x32xf32, #tpu.memory_space<vmem>>
        %dma_start3A_70 = arith.constant 0 : i32
        %dma_start3A_71 = tpu.memref_slice %arg9[%dma_start3A_65, %dma_start3A_66, %dma_start3A_70] : memref<1x2x384xi32, #tpu.memory_space<vmem>> -> memref<1x1x384xi32, #tpu.memory_space<vmem>>
        %dma_start3A_72 = tpu.memref_squeeze %dma_start3A_71 : memref<1x1x384xi32, #tpu.memory_space<vmem>> -> memref<384xi32, #tpu.memory_space<vmem>>
        %dma_start3A_73 = arith.constant 0 : i32
        %dma_start3A_74 = arith.constant 0 : i32
        %dma_start3A_75 = tpu.memref_slice %arg2[%dma_start3A_73, %dma_start3A_74] : memref<50000x32xf32, #tpu.memory_space<hbm>> -> memref<50000x32xf32, #tpu.memory_space<hbm>>
        tpu.enqueue_indirect_dma source(%dma_start3A_75 : memref<50000x32xf32, #tpu.memory_space<hbm>>) target(%dma_start3A_69 : memref<384x32xf32, #tpu.memory_space<vmem>>) offsets(%dma_start3A_72 : memref<384xi32, #tpu.memory_space<vmem>>) semaphore(%arg14 : memref<!tpu.dma_semaphore, #tpu.memory_space<semaphore_mem>>)
        %dma_wait3A_76 = arith.constant 0 : i32
        %dma_wait3A_77 = arith.constant 0 : i32
        %dma_wait3A_78 = arith.constant 0 : i32
        %dma_wait3A_79 = arith.constant 0 : i32
        %dma_wait3A_80 = tpu.memref_slice %arg10[%dma_wait3A_78, %dma_wait3A_79] : memref<384x32xf32, #tpu.memory_space<vmem>> -> memref<384x32xf32, #tpu.memory_space<vmem>>
        %dma_wait3A_81 = arith.constant 0 : i32
        %dma_wait3A_82 = tpu.memref_slice %arg8[%dma_wait3A_76, %dma_wait3A_77, %dma_wait3A_81] : memref<1x2x384xi32, #tpu.memory_space<vmem>> -> memref<1x1x384xi32, #tpu.memory_space<vmem>>
        %dma_wait3A_83 = tpu.memref_squeeze %dma_wait3A_82 : memref<1x1x384xi32, #tpu.memory_space<vmem>> -> memref<384xi32, #tpu.memory_space<vmem>>
        %dma_wait3A_84 = arith.constant 0 : i32
        %dma_wait3A_85 = arith.constant 0 : i32
        %dma_wait3A_86 = tpu.memref_slice %arg2[%dma_wait3A_84, %dma_wait3A_85] : memref<50000x32xf32, #tpu.memory_space<hbm>> -> memref<50000x32xf32, #tpu.memory_space<hbm>>
        tpu.wait_indirect_dma semaphore(%arg13 : memref<!tpu.dma_semaphore, #tpu.memory_space<semaphore_mem>>) src(%dma_wait3A_86 : memref<50000x32xf32, #tpu.memory_space<hbm>>) dst(%dma_wait3A_80 : memref<384x32xf32, #tpu.memory_space<vmem>>)
        %dma_start3A_87 = arith.constant 0 : i32
        %dma_start3A_88 = arith.constant 1 : i32
        %dma_start3A_89 = arith.constant 0 : i32
        %dma_start3A_90 = arith.constant 0 : i32
        %dma_start3A_91 = tpu.memref_slice %arg10[%dma_start3A_89, %dma_start3A_90] : memref<384x32xf32, #tpu.memory_space<vmem>> -> memref<384x32xf32, #tpu.memory_space<vmem>>
        %dma_start3A_92 = arith.constant 0 : i32
        %dma_start3A_93 = tpu.memref_slice %arg8[%dma_start3A_87, %dma_start3A_88, %dma_start3A_92] : memref<1x2x384xi32, #tpu.memory_space<vmem>> -> memref<1x1x384xi32, #tpu.memory_space<vmem>>
        %dma_start3A_94 = tpu.memref_squeeze %dma_start3A_93 : memref<1x1x384xi32, #tpu.memory_space<vmem>> -> memref<384xi32, #tpu.memory_space<vmem>>
        %dma_start3A_95 = arith.constant 0 : i32
        %dma_start3A_96 = arith.constant 0 : i32
        %dma_start3A_97 = tpu.memref_slice %arg12[%dma_start3A_95, %dma_start3A_96] : memref<51000x32xf32, #tpu.memory_space<vmem_shared>> -> memref<51000x32xf32, #tpu.memory_space<vmem_shared>>
        tpu.enqueue_indirect_dma source(%dma_start3A_91 : memref<384x32xf32, #tpu.memory_space<vmem>>) target(%dma_start3A_97 : memref<51000x32xf32, #tpu.memory_space<vmem_shared>>) offsets(%dma_start3A_94 : memref<384xi32, #tpu.memory_space<vmem>>) semaphore(%arg15 : memref<!tpu.dma_semaphore, #tpu.memory_space<semaphore_mem>>) {add = true}
        %dma_wait3A_98 = arith.constant 0 : i32
        %dma_wait3A_99 = arith.constant 0 : i32
        %dma_wait3A_100 = arith.constant 0 : i32
        %dma_wait3A_101 = arith.constant 0 : i32
        %dma_wait3A_102 = tpu.memref_slice %arg11[%dma_wait3A_100, %dma_wait3A_101] : memref<384x32xf32, #tpu.memory_space<vmem>> -> memref<384x32xf32, #tpu.memory_space<vmem>>
        %dma_wait3A_103 = arith.constant 0 : i32
        %dma_wait3A_104 = tpu.memref_slice %arg9[%dma_wait3A_98, %dma_wait3A_99, %dma_wait3A_103] : memref<1x2x384xi32, #tpu.memory_space<vmem>> -> memref<1x1x384xi32, #tpu.memory_space<vmem>>
        %dma_wait3A_105 = tpu.memref_squeeze %dma_wait3A_104 : memref<1x1x384xi32, #tpu.memory_space<vmem>> -> memref<384xi32, #tpu.memory_space<vmem>>
        %dma_wait3A_106 = arith.constant 0 : i32
        %dma_wait3A_107 = arith.constant 0 : i32
        %dma_wait3A_108 = tpu.memref_slice %arg2[%dma_wait3A_106, %dma_wait3A_107] : memref<50000x32xf32, #tpu.memory_space<hbm>> -> memref<50000x32xf32, #tpu.memory_space<hbm>>
        tpu.wait_indirect_dma semaphore(%arg14 : memref<!tpu.dma_semaphore, #tpu.memory_space<semaphore_mem>>) src(%dma_wait3A_108 : memref<50000x32xf32, #tpu.memory_space<hbm>>) dst(%dma_wait3A_102 : memref<384x32xf32, #tpu.memory_space<vmem>>)
        %dma_start3A_109 = arith.constant 0 : i32
        %dma_start3A_110 = arith.constant 1 : i32
        %dma_start3A_111 = arith.constant 0 : i32
        %dma_start3A_112 = arith.constant 0 : i32
        %dma_start3A_113 = tpu.memref_slice %arg11[%dma_start3A_111, %dma_start3A_112] : memref<384x32xf32, #tpu.memory_space<vmem>> -> memref<384x32xf32, #tpu.memory_space<vmem>>
        %dma_start3A_114 = arith.constant 0 : i32
        %dma_start3A_115 = tpu.memref_slice %arg9[%dma_start3A_109, %dma_start3A_110, %dma_start3A_114] : memref<1x2x384xi32, #tpu.memory_space<vmem>> -> memref<1x1x384xi32, #tpu.memory_space<vmem>>
        %dma_start3A_116 = tpu.memref_squeeze %dma_start3A_115 : memref<1x1x384xi32, #tpu.memory_space<vmem>> -> memref<384xi32, #tpu.memory_space<vmem>>
        %dma_start3A_117 = arith.constant 0 : i32
        %dma_start3A_118 = arith.constant 0 : i32
        %dma_start3A_119 = tpu.memref_slice %arg12[%dma_start3A_117, %dma_start3A_118] : memref<51000x32xf32, #tpu.memory_space<vmem_shared>> -> memref<51000x32xf32, #tpu.memory_space<vmem_shared>>
        tpu.enqueue_indirect_dma source(%dma_start3A_113 : memref<384x32xf32, #tpu.memory_space<vmem>>) target(%dma_start3A_119 : memref<51000x32xf32, #tpu.memory_space<vmem_shared>>) offsets(%dma_start3A_116 : memref<384xi32, #tpu.memory_space<vmem>>) semaphore(%arg16 : memref<!tpu.dma_semaphore, #tpu.memory_space<semaphore_mem>>) {add = true}
      }
      %scan3A_28 = arith.constant 66 : i32
      %dma_wait3A = arith.constant 0 : i32
      %dma_wait3A_29 = arith.constant 0 : i32
      %dma_wait3A_30 = tpu.memref_slice %arg2[%dma_wait3A, %dma_wait3A_29] : memref<50000x32xf32, #tpu.memory_space<hbm>> -> memref<384x32xf32, #tpu.memory_space<hbm>>
      %dma_wait3A_31 = arith.constant 0 : i32
      %dma_wait3A_32 = arith.constant 0 : i32
      %dma_wait3A_33 = tpu.memref_slice %arg2[%dma_wait3A_31, %dma_wait3A_32] : memref<50000x32xf32, #tpu.memory_space<hbm>> -> memref<384x32xf32, #tpu.memory_space<hbm>>
      tpu.wait_dma2 semaphore(%arg15 : memref<!tpu.dma_semaphore, #tpu.memory_space<semaphore_mem>>) src(%dma_wait3A_33 : memref<384x32xf32, #tpu.memory_space<hbm>>) dst(%arg10 : memref<384x32xf32, #tpu.memory_space<vmem>>)
      %dma_wait3A_34 = arith.constant 0 : i32
      %dma_wait3A_35 = arith.constant 0 : i32
      %dma_wait3A_36 = tpu.memref_slice %arg2[%dma_wait3A_34, %dma_wait3A_35] : memref<50000x32xf32, #tpu.memory_space<hbm>> -> memref<384x32xf32, #tpu.memory_space<hbm>>
      %dma_wait3A_37 = arith.constant 0 : i32
      %dma_wait3A_38 = arith.constant 0 : i32
      %dma_wait3A_39 = tpu.memref_slice %arg2[%dma_wait3A_37, %dma_wait3A_38] : memref<50000x32xf32, #tpu.memory_space<hbm>> -> memref<384x32xf32, #tpu.memory_space<hbm>>
      tpu.wait_dma2 semaphore(%arg16 : memref<!tpu.dma_semaphore, #tpu.memory_space<semaphore_mem>>) src(%dma_wait3A_39 : memref<384x32xf32, #tpu.memory_space<hbm>>) dst(%arg11 : memref<384x32xf32, #tpu.memory_space<vmem>>)
    } else {
    }
    %eq3A_7 = arith.constant 1 : i32
    %eq3A_8 = arith.cmpi eq, %arg0, %eq3A_7 : i32
    %convert_element_type3A_9 = arith.extui %eq3A_8 : i1 to i32
    %cond3A_10 = arith.constant 0 : i32
    %cond3A_11 = arith.cmpi ne, %convert_element_type3A_9, %cond3A_10 : i32
    scf.if %cond3A_11 {
      %scan3A_23 = arith.constant 0 : i32
      %scan3A_24 = arith.constant 0 : i32
      %scan3A_25 = arith.constant 66 : i32
      %scan3A_26 = arith.addi %scan3A_24, %scan3A_25 : i32
      %scan3A_27 = arith.constant 1 : i32
      scf.for %scan3A_40 = %scan3A_24 to %scan3A_26 step %scan3A_27  : i32 {
        %mul3A = arith.constant 132 : i32
        %mul3A_41 = arith.muli %arg1, %mul3A : i32
        %mul3A_42 = arith.constant 2 : i32
        %mul3A_43 = arith.muli %scan3A_40, %mul3A_42 : i32
        %add3A = arith.addi %mul3A_41, %mul3A_43 : i32
        %gt3A = arith.constant 0 : i32
        %gt3A_44 = arith.cmpi sgt, %scan3A_40, %gt3A : i32
        %convert_element_type3A_45 = arith.extui %gt3A_44 : i1 to i32
        %cond3A_46 = arith.constant 0 : i32
        %cond3A_47 = arith.cmpi ne, %convert_element_type3A_45, %cond3A_46 : i32
        scf.if %cond3A_47 {
          %dma_wait3A_120 = arith.constant 0 : i32
          %dma_wait3A_121 = arith.constant 0 : i32
          %dma_wait3A_122 = tpu.memref_slice %arg3[%dma_wait3A_120, %dma_wait3A_121] : memref<50000x32xf32, #tpu.memory_space<hbm>> -> memref<384x32xf32, #tpu.memory_space<hbm>>
          %dma_wait3A_123 = arith.constant 0 : i32
          %dma_wait3A_124 = arith.constant 0 : i32
          %dma_wait3A_125 = tpu.memref_slice %arg3[%dma_wait3A_123, %dma_wait3A_124] : memref<50000x32xf32, #tpu.memory_space<hbm>> -> memref<384x32xf32, #tpu.memory_space<hbm>>
          tpu.wait_dma2 semaphore(%arg15 : memref<!tpu.dma_semaphore, #tpu.memory_space<semaphore_mem>>) src(%dma_wait3A_125 : memref<384x32xf32, #tpu.memory_space<hbm>>) dst(%arg10 : memref<384x32xf32, #tpu.memory_space<vmem>>)
        } else {
        }
        "tpu.region"() ({
          %run_scoped3A = tpu.sem_alloc : memref<!tpu.dma_semaphore, #tpu.memory_space<semaphore_mem>>
          %dma_start3A_120 = arith.constant 0 : i32
          %dma_start3A_121 = arith.constant 0 : i32
          %dma_start3A_122 = tpu.memref_slice %arg4[%add3A, %dma_start3A_120, %dma_start3A_121] : memref<2112x2x384xi32, #tpu.memory_space<hbm>> -> memref<1x2x384xi32, #tpu.memory_space<hbm>>
          %dma_start3A_123 = arith.constant 0 : i32
          %dma_start3A_124 = arith.constant 0 : i32
          %dma_start3A_125 = tpu.memref_slice %arg4[%add3A, %dma_start3A_123, %dma_start3A_124] : memref<2112x2x384xi32, #tpu.memory_space<hbm>> -> memref<1x2x384xi32, #tpu.memory_space<hbm>>
          tpu.enqueue_dma source(%dma_start3A_125 : memref<1x2x384xi32, #tpu.memory_space<hbm>>) target(%arg8 : memref<1x2x384xi32, #tpu.memory_space<vmem>>) target_semaphore(%run_scoped3A : memref<!tpu.dma_semaphore, #tpu.memory_space<semaphore_mem>>)
          %dma_wait3A_126 = arith.constant 0 : i32
          %dma_wait3A_127 = arith.constant 0 : i32
          %dma_wait3A_128 = tpu.memref_slice %arg4[%add3A, %dma_wait3A_126, %dma_wait3A_127] : memref<2112x2x384xi32, #tpu.memory_space<hbm>> -> memref<1x2x384xi32, #tpu.memory_space<hbm>>
          %dma_wait3A_129 = arith.constant 0 : i32
          %dma_wait3A_130 = arith.constant 0 : i32
          %dma_wait3A_131 = tpu.memref_slice %arg4[%add3A, %dma_wait3A_129, %dma_wait3A_130] : memref<2112x2x384xi32, #tpu.memory_space<hbm>> -> memref<1x2x384xi32, #tpu.memory_space<hbm>>
          tpu.wait_dma2 semaphore(%run_scoped3A : memref<!tpu.dma_semaphore, #tpu.memory_space<semaphore_mem>>) src(%dma_wait3A_131 : memref<1x2x384xi32, #tpu.memory_space<hbm>>) dst(%arg8 : memref<1x2x384xi32, #tpu.memory_space<vmem>>)
          tpu.yield
        }) : () -> ()
        %dma_start3A = arith.constant 0 : i32
        %dma_start3A_48 = arith.constant 0 : i32
        %dma_start3A_49 = arith.constant 0 : i32
        %dma_start3A_50 = arith.constant 0 : i32
        %dma_start3A_51 = tpu.memref_slice %arg10[%dma_start3A_49, %dma_start3A_50] : memref<384x32xf32, #tpu.memory_space<vmem>> -> memref<384x32xf32, #tpu.memory_space<vmem>>
        %dma_start3A_52 = arith.constant 0 : i32
        %dma_start3A_53 = tpu.memref_slice %arg8[%dma_start3A, %dma_start3A_48, %dma_start3A_52] : memref<1x2x384xi32, #tpu.memory_space<vmem>> -> memref<1x1x384xi32, #tpu.memory_space<vmem>>
        %dma_start3A_54 = tpu.memref_squeeze %dma_start3A_53 : memref<1x1x384xi32, #tpu.memory_space<vmem>> -> memref<384xi32, #tpu.memory_space<vmem>>
        %dma_start3A_55 = arith.constant 0 : i32
        %dma_start3A_56 = arith.constant 0 : i32
        %dma_start3A_57 = tpu.memref_slice %arg3[%dma_start3A_55, %dma_start3A_56] : memref<50000x32xf32, #tpu.memory_space<hbm>> -> memref<50000x32xf32, #tpu.memory_space<hbm>>
        tpu.enqueue_indirect_dma source(%dma_start3A_57 : memref<50000x32xf32, #tpu.memory_space<hbm>>) target(%dma_start3A_51 : memref<384x32xf32, #tpu.memory_space<vmem>>) offsets(%dma_start3A_54 : memref<384xi32, #tpu.memory_space<vmem>>) semaphore(%arg13 : memref<!tpu.dma_semaphore, #tpu.memory_space<semaphore_mem>>)
        %add3A_58 = arith.constant 1 : i32
        %add3A_59 = arith.addi %add3A, %add3A_58 : i32
        %gt3A_60 = arith.constant 0 : i32
        %gt3A_61 = arith.cmpi sgt, %scan3A_40, %gt3A_60 : i32
        %convert_element_type3A_62 = arith.extui %gt3A_61 : i1 to i32
        %cond3A_63 = arith.constant 0 : i32
        %cond3A_64 = arith.cmpi ne, %convert_element_type3A_62, %cond3A_63 : i32
        scf.if %cond3A_64 {
          %dma_wait3A_120 = arith.constant 0 : i32
          %dma_wait3A_121 = arith.constant 0 : i32
          %dma_wait3A_122 = tpu.memref_slice %arg3[%dma_wait3A_120, %dma_wait3A_121] : memref<50000x32xf32, #tpu.memory_space<hbm>> -> memref<384x32xf32, #tpu.memory_space<hbm>>
          %dma_wait3A_123 = arith.constant 0 : i32
          %dma_wait3A_124 = arith.constant 0 : i32
          %dma_wait3A_125 = tpu.memref_slice %arg3[%dma_wait3A_123, %dma_wait3A_124] : memref<50000x32xf32, #tpu.memory_space<hbm>> -> memref<384x32xf32, #tpu.memory_space<hbm>>
          tpu.wait_dma2 semaphore(%arg16 : memref<!tpu.dma_semaphore, #tpu.memory_space<semaphore_mem>>) src(%dma_wait3A_125 : memref<384x32xf32, #tpu.memory_space<hbm>>) dst(%arg11 : memref<384x32xf32, #tpu.memory_space<vmem>>)
        } else {
        }
        "tpu.region"() ({
          %run_scoped3A = tpu.sem_alloc : memref<!tpu.dma_semaphore, #tpu.memory_space<semaphore_mem>>
          %dma_start3A_120 = arith.constant 0 : i32
          %dma_start3A_121 = arith.constant 0 : i32
          %dma_start3A_122 = tpu.memref_slice %arg4[%add3A_59, %dma_start3A_120, %dma_start3A_121] : memref<2112x2x384xi32, #tpu.memory_space<hbm>> -> memref<1x2x384xi32, #tpu.memory_space<hbm>>
          %dma_start3A_123 = arith.constant 0 : i32
          %dma_start3A_124 = arith.constant 0 : i32
          %dma_start3A_125 = tpu.memref_slice %arg4[%add3A_59, %dma_start3A_123, %dma_start3A_124] : memref<2112x2x384xi32, #tpu.memory_space<hbm>> -> memref<1x2x384xi32, #tpu.memory_space<hbm>>
          tpu.enqueue_dma source(%dma_start3A_125 : memref<1x2x384xi32, #tpu.memory_space<hbm>>) target(%arg9 : memref<1x2x384xi32, #tpu.memory_space<vmem>>) target_semaphore(%run_scoped3A : memref<!tpu.dma_semaphore, #tpu.memory_space<semaphore_mem>>)
          %dma_wait3A_126 = arith.constant 0 : i32
          %dma_wait3A_127 = arith.constant 0 : i32
          %dma_wait3A_128 = tpu.memref_slice %arg4[%add3A_59, %dma_wait3A_126, %dma_wait3A_127] : memref<2112x2x384xi32, #tpu.memory_space<hbm>> -> memref<1x2x384xi32, #tpu.memory_space<hbm>>
          %dma_wait3A_129 = arith.constant 0 : i32
          %dma_wait3A_130 = arith.constant 0 : i32
          %dma_wait3A_131 = tpu.memref_slice %arg4[%add3A_59, %dma_wait3A_129, %dma_wait3A_130] : memref<2112x2x384xi32, #tpu.memory_space<hbm>> -> memref<1x2x384xi32, #tpu.memory_space<hbm>>
          tpu.wait_dma2 semaphore(%run_scoped3A : memref<!tpu.dma_semaphore, #tpu.memory_space<semaphore_mem>>) src(%dma_wait3A_131 : memref<1x2x384xi32, #tpu.memory_space<hbm>>) dst(%arg9 : memref<1x2x384xi32, #tpu.memory_space<vmem>>)
          tpu.yield
        }) : () -> ()
        %dma_start3A_65 = arith.constant 0 : i32
        %dma_start3A_66 = arith.constant 0 : i32
        %dma_start3A_67 = arith.constant 0 : i32
        %dma_start3A_68 = arith.constant 0 : i32
        %dma_start3A_69 = tpu.memref_slice %arg11[%dma_start3A_67, %dma_start3A_68] : memref<384x32xf32, #tpu.memory_space<vmem>> -> memref<384x32xf32, #tpu.memory_space<vmem>>
        %dma_start3A_70 = arith.constant 0 : i32
        %dma_start3A_71 = tpu.memref_slice %arg9[%dma_start3A_65, %dma_start3A_66, %dma_start3A_70] : memref<1x2x384xi32, #tpu.memory_space<vmem>> -> memref<1x1x384xi32, #tpu.memory_space<vmem>>
        %dma_start3A_72 = tpu.memref_squeeze %dma_start3A_71 : memref<1x1x384xi32, #tpu.memory_space<vmem>> -> memref<384xi32, #tpu.memory_space<vmem>>
        %dma_start3A_73 = arith.constant 0 : i32
        %dma_start3A_74 = arith.constant 0 : i32
        %dma_start3A_75 = tpu.memref_slice %arg3[%dma_start3A_73, %dma_start3A_74] : memref<50000x32xf32, #tpu.memory_space<hbm>> -> memref<50000x32xf32, #tpu.memory_space<hbm>>
        tpu.enqueue_indirect_dma source(%dma_start3A_75 : memref<50000x32xf32, #tpu.memory_space<hbm>>) target(%dma_start3A_69 : memref<384x32xf32, #tpu.memory_space<vmem>>) offsets(%dma_start3A_72 : memref<384xi32, #tpu.memory_space<vmem>>) semaphore(%arg14 : memref<!tpu.dma_semaphore, #tpu.memory_space<semaphore_mem>>)
        %dma_wait3A_76 = arith.constant 0 : i32
        %dma_wait3A_77 = arith.constant 0 : i32
        %dma_wait3A_78 = arith.constant 0 : i32
        %dma_wait3A_79 = arith.constant 0 : i32
        %dma_wait3A_80 = tpu.memref_slice %arg10[%dma_wait3A_78, %dma_wait3A_79] : memref<384x32xf32, #tpu.memory_space<vmem>> -> memref<384x32xf32, #tpu.memory_space<vmem>>
        %dma_wait3A_81 = arith.constant 0 : i32
        %dma_wait3A_82 = tpu.memref_slice %arg8[%dma_wait3A_76, %dma_wait3A_77, %dma_wait3A_81] : memref<1x2x384xi32, #tpu.memory_space<vmem>> -> memref<1x1x384xi32, #tpu.memory_space<vmem>>
        %dma_wait3A_83 = tpu.memref_squeeze %dma_wait3A_82 : memref<1x1x384xi32, #tpu.memory_space<vmem>> -> memref<384xi32, #tpu.memory_space<vmem>>
        %dma_wait3A_84 = arith.constant 0 : i32
        %dma_wait3A_85 = arith.constant 0 : i32
        %dma_wait3A_86 = tpu.memref_slice %arg3[%dma_wait3A_84, %dma_wait3A_85] : memref<50000x32xf32, #tpu.memory_space<hbm>> -> memref<50000x32xf32, #tpu.memory_space<hbm>>
        tpu.wait_indirect_dma semaphore(%arg13 : memref<!tpu.dma_semaphore, #tpu.memory_space<semaphore_mem>>) src(%dma_wait3A_86 : memref<50000x32xf32, #tpu.memory_space<hbm>>) dst(%dma_wait3A_80 : memref<384x32xf32, #tpu.memory_space<vmem>>)
        %dma_start3A_87 = arith.constant 0 : i32
        %dma_start3A_88 = arith.constant 1 : i32
        %dma_start3A_89 = arith.constant 0 : i32
        %dma_start3A_90 = arith.constant 0 : i32
        %dma_start3A_91 = tpu.memref_slice %arg10[%dma_start3A_89, %dma_start3A_90] : memref<384x32xf32, #tpu.memory_space<vmem>> -> memref<384x32xf32, #tpu.memory_space<vmem>>
        %dma_start3A_92 = arith.constant 0 : i32
        %dma_start3A_93 = tpu.memref_slice %arg8[%dma_start3A_87, %dma_start3A_88, %dma_start3A_92] : memref<1x2x384xi32, #tpu.memory_space<vmem>> -> memref<1x1x384xi32, #tpu.memory_space<vmem>>
        %dma_start3A_94 = tpu.memref_squeeze %dma_start3A_93 : memref<1x1x384xi32, #tpu.memory_space<vmem>> -> memref<384xi32, #tpu.memory_space<vmem>>
        %dma_start3A_95 = arith.constant 0 : i32
        %dma_start3A_96 = arith.constant 0 : i32
        %dma_start3A_97 = tpu.memref_slice %arg12[%dma_start3A_95, %dma_start3A_96] : memref<51000x32xf32, #tpu.memory_space<vmem_shared>> -> memref<51000x32xf32, #tpu.memory_space<vmem_shared>>
        tpu.enqueue_indirect_dma source(%dma_start3A_91 : memref<384x32xf32, #tpu.memory_space<vmem>>) target(%dma_start3A_97 : memref<51000x32xf32, #tpu.memory_space<vmem_shared>>) offsets(%dma_start3A_94 : memref<384xi32, #tpu.memory_space<vmem>>) semaphore(%arg15 : memref<!tpu.dma_semaphore, #tpu.memory_space<semaphore_mem>>) {add = true}
        %dma_wait3A_98 = arith.constant 0 : i32
        %dma_wait3A_99 = arith.constant 0 : i32
        %dma_wait3A_100 = arith.constant 0 : i32
        %dma_wait3A_101 = arith.constant 0 : i32
        %dma_wait3A_102 = tpu.memref_slice %arg11[%dma_wait3A_100, %dma_wait3A_101] : memref<384x32xf32, #tpu.memory_space<vmem>> -> memref<384x32xf32, #tpu.memory_space<vmem>>
        %dma_wait3A_103 = arith.constant 0 : i32
        %dma_wait3A_104 = tpu.memref_slice %arg9[%dma_wait3A_98, %dma_wait3A_99, %dma_wait3A_103] : memref<1x2x384xi32, #tpu.memory_space<vmem>> -> memref<1x1x384xi32, #tpu.memory_space<vmem>>
        %dma_wait3A_105 = tpu.memref_squeeze %dma_wait3A_104 : memref<1x1x384xi32, #tpu.memory_space<vmem>> -> memref<384xi32, #tpu.memory_space<vmem>>
        %dma_wait3A_106 = arith.constant 0 : i32
        %dma_wait3A_107 = arith.constant 0 : i32
        %dma_wait3A_108 = tpu.memref_slice %arg3[%dma_wait3A_106, %dma_wait3A_107] : memref<50000x32xf32, #tpu.memory_space<hbm>> -> memref<50000x32xf32, #tpu.memory_space<hbm>>
        tpu.wait_indirect_dma semaphore(%arg14 : memref<!tpu.dma_semaphore, #tpu.memory_space<semaphore_mem>>) src(%dma_wait3A_108 : memref<50000x32xf32, #tpu.memory_space<hbm>>) dst(%dma_wait3A_102 : memref<384x32xf32, #tpu.memory_space<vmem>>)
        %dma_start3A_109 = arith.constant 0 : i32
        %dma_start3A_110 = arith.constant 1 : i32
        %dma_start3A_111 = arith.constant 0 : i32
        %dma_start3A_112 = arith.constant 0 : i32
        %dma_start3A_113 = tpu.memref_slice %arg11[%dma_start3A_111, %dma_start3A_112] : memref<384x32xf32, #tpu.memory_space<vmem>> -> memref<384x32xf32, #tpu.memory_space<vmem>>
        %dma_start3A_114 = arith.constant 0 : i32
        %dma_start3A_115 = tpu.memref_slice %arg9[%dma_start3A_109, %dma_start3A_110, %dma_start3A_114] : memref<1x2x384xi32, #tpu.memory_space<vmem>> -> memref<1x1x384xi32, #tpu.memory_space<vmem>>
        %dma_start3A_116 = tpu.memref_squeeze %dma_start3A_115 : memref<1x1x384xi32, #tpu.memory_space<vmem>> -> memref<384xi32, #tpu.memory_space<vmem>>
        %dma_start3A_117 = arith.constant 0 : i32
        %dma_start3A_118 = arith.constant 0 : i32
        %dma_start3A_119 = tpu.memref_slice %arg12[%dma_start3A_117, %dma_start3A_118] : memref<51000x32xf32, #tpu.memory_space<vmem_shared>> -> memref<51000x32xf32, #tpu.memory_space<vmem_shared>>
        tpu.enqueue_indirect_dma source(%dma_start3A_113 : memref<384x32xf32, #tpu.memory_space<vmem>>) target(%dma_start3A_119 : memref<51000x32xf32, #tpu.memory_space<vmem_shared>>) offsets(%dma_start3A_116 : memref<384xi32, #tpu.memory_space<vmem>>) semaphore(%arg16 : memref<!tpu.dma_semaphore, #tpu.memory_space<semaphore_mem>>) {add = true}
      }
      %scan3A_28 = arith.constant 66 : i32
      %dma_wait3A = arith.constant 0 : i32
      %dma_wait3A_29 = arith.constant 0 : i32
      %dma_wait3A_30 = tpu.memref_slice %arg3[%dma_wait3A, %dma_wait3A_29] : memref<50000x32xf32, #tpu.memory_space<hbm>> -> memref<384x32xf32, #tpu.memory_space<hbm>>
      %dma_wait3A_31 = arith.constant 0 : i32
      %dma_wait3A_32 = arith.constant 0 : i32
      %dma_wait3A_33 = tpu.memref_slice %arg3[%dma_wait3A_31, %dma_wait3A_32] : memref<50000x32xf32, #tpu.memory_space<hbm>> -> memref<384x32xf32, #tpu.memory_space<hbm>>
      tpu.wait_dma2 semaphore(%arg15 : memref<!tpu.dma_semaphore, #tpu.memory_space<semaphore_mem>>) src(%dma_wait3A_33 : memref<384x32xf32, #tpu.memory_space<hbm>>) dst(%arg10 : memref<384x32xf32, #tpu.memory_space<vmem>>)
      %dma_wait3A_34 = arith.constant 0 : i32
      %dma_wait3A_35 = arith.constant 0 : i32
      %dma_wait3A_36 = tpu.memref_slice %arg3[%dma_wait3A_34, %dma_wait3A_35] : memref<50000x32xf32, #tpu.memory_space<hbm>> -> memref<384x32xf32, #tpu.memory_space<hbm>>
      %dma_wait3A_37 = arith.constant 0 : i32
      %dma_wait3A_38 = arith.constant 0 : i32
      %dma_wait3A_39 = tpu.memref_slice %arg3[%dma_wait3A_37, %dma_wait3A_38] : memref<50000x32xf32, #tpu.memory_space<hbm>> -> memref<384x32xf32, #tpu.memory_space<hbm>>
      tpu.wait_dma2 semaphore(%arg16 : memref<!tpu.dma_semaphore, #tpu.memory_space<semaphore_mem>>) src(%dma_wait3A_39 : memref<384x32xf32, #tpu.memory_space<hbm>>) dst(%arg11 : memref<384x32xf32, #tpu.memory_space<vmem>>)
    } else {
    }
    %barrier3A_12 = arith.constant 0 : index
    tpu.barrier barrier_id(%barrier3A_12)
    %eq3A_13 = arith.constant 0 : i32
    %eq3A_14 = arith.cmpi eq, %arg0, %eq3A_13 : i32
    %convert_element_type3A_15 = arith.extui %eq3A_14 : i1 to i32
    %cond3A_16 = arith.constant 0 : i32
    %cond3A_17 = arith.cmpi ne, %convert_element_type3A_15, %cond3A_16 : i32
    scf.if %cond3A_17 {
      %scan3A_23 = arith.constant 0 : i32
      %scan3A_24 = arith.constant 0 : i32
      %scan3A_25 = arith.constant 50 : i32
      %scan3A_26 = arith.addi %scan3A_24, %scan3A_25 : i32
      %scan3A_27 = arith.constant 1 : i32
      scf.for %scan3A_29 = %scan3A_24 to %scan3A_26 step %scan3A_27  : i32 {
        %rem3A = arith.constant 16 : i32
        %rem3A_30 = arith.remsi %scan3A_29, %rem3A : i32
        %eq3A_31 = arith.cmpi eq, %rem3A_30, %arg1 : i32
        %convert_element_type3A_32 = arith.extui %eq3A_31 : i1 to i32
        %cond3A_33 = arith.constant 0 : i32
        %cond3A_34 = arith.cmpi ne, %convert_element_type3A_32, %cond3A_33 : i32
        scf.if %cond3A_34 {
          %mul3A = arith.constant 1000 : i32
          %mul3A_35 = arith.muli %scan3A_29, %mul3A : i32
          %mul3A_36 = arith.constant 1000 : i32
          %mul3A_37 = arith.muli %scan3A_29, %mul3A_36 : i32
          "tpu.region"() ({
            %run_scoped3A = tpu.sem_alloc : memref<!tpu.dma_semaphore, #tpu.memory_space<semaphore_mem>>
            %dma_start3A = arith.constant 0 : i32
            %dma_start3A_38 = tpu.memref_slice %arg6[%mul3A_37, %dma_start3A] : memref<50000x32xf32, #tpu.memory_space<hbm>> -> memref<1000x32xf32, #tpu.memory_space<hbm>>
            %dma_start3A_39 = arith.constant 0 : i32
            %dma_start3A_40 = tpu.memref_slice %arg12[%mul3A_35, %dma_start3A_39] : memref<51000x32xf32, #tpu.memory_space<vmem_shared>> -> memref<1000x32xf32, #tpu.memory_space<vmem_shared>>
            tpu.enqueue_dma source(%dma_start3A_40 : memref<1000x32xf32, #tpu.memory_space<vmem_shared>>) target(%dma_start3A_38 : memref<1000x32xf32, #tpu.memory_space<hbm>>) target_semaphore(%run_scoped3A : memref<!tpu.dma_semaphore, #tpu.memory_space<semaphore_mem>>)
            %dma_wait3A = arith.constant 0 : i32
            %dma_wait3A_41 = tpu.memref_slice %arg6[%mul3A_37, %dma_wait3A] : memref<50000x32xf32, #tpu.memory_space<hbm>> -> memref<1000x32xf32, #tpu.memory_space<hbm>>
            %dma_wait3A_42 = arith.constant 0 : i32
            %dma_wait3A_43 = tpu.memref_slice %arg12[%mul3A_35, %dma_wait3A_42] : memref<51000x32xf32, #tpu.memory_space<vmem_shared>> -> memref<1000x32xf32, #tpu.memory_space<vmem_shared>>
            tpu.wait_dma2 semaphore(%run_scoped3A : memref<!tpu.dma_semaphore, #tpu.memory_space<semaphore_mem>>) src(%dma_wait3A_43 : memref<1000x32xf32, #tpu.memory_space<vmem_shared>>) dst(%dma_wait3A_41 : memref<1000x32xf32, #tpu.memory_space<hbm>>)
            tpu.yield
          }) : () -> ()
        } else {
        }
      }
      %scan3A_28 = arith.constant 50 : i32
    } else {
    }
    %eq3A_18 = arith.constant 1 : i32
    %eq3A_19 = arith.cmpi eq, %arg0, %eq3A_18 : i32
    %convert_element_type3A_20 = arith.extui %eq3A_19 : i1 to i32
    %cond3A_21 = arith.constant 0 : i32
    %cond3A_22 = arith.cmpi ne, %convert_element_type3A_20, %cond3A_21 : i32
    scf.if %cond3A_22 {
      %scan3A_23 = arith.constant 0 : i32
      %scan3A_24 = arith.constant 0 : i32
      %scan3A_25 = arith.constant 50 : i32
      %scan3A_26 = arith.addi %scan3A_24, %scan3A_25 : i32
      %scan3A_27 = arith.constant 1 : i32
      scf.for %scan3A_29 = %scan3A_24 to %scan3A_26 step %scan3A_27  : i32 {
        %rem3A = arith.constant 16 : i32
        %rem3A_30 = arith.remsi %scan3A_29, %rem3A : i32
        %eq3A_31 = arith.cmpi eq, %rem3A_30, %arg1 : i32
        %convert_element_type3A_32 = arith.extui %eq3A_31 : i1 to i32
        %cond3A_33 = arith.constant 0 : i32
        %cond3A_34 = arith.cmpi ne, %convert_element_type3A_32, %cond3A_33 : i32
        scf.if %cond3A_34 {
          %mul3A = arith.constant 1000 : i32
          %mul3A_35 = arith.muli %scan3A_29, %mul3A : i32
          %mul3A_36 = arith.constant 1000 : i32
          %mul3A_37 = arith.muli %scan3A_29, %mul3A_36 : i32
          "tpu.region"() ({
            %run_scoped3A = tpu.sem_alloc : memref<!tpu.dma_semaphore, #tpu.memory_space<semaphore_mem>>
            %dma_start3A = arith.constant 0 : i32
            %dma_start3A_38 = tpu.memref_slice %arg7[%mul3A_37, %dma_start3A] : memref<50000x32xf32, #tpu.memory_space<hbm>> -> memref<1000x32xf32, #tpu.memory_space<hbm>>
            %dma_start3A_39 = arith.constant 0 : i32
            %dma_start3A_40 = tpu.memref_slice %arg12[%mul3A_35, %dma_start3A_39] : memref<51000x32xf32, #tpu.memory_space<vmem_shared>> -> memref<1000x32xf32, #tpu.memory_space<vmem_shared>>
            tpu.enqueue_dma source(%dma_start3A_40 : memref<1000x32xf32, #tpu.memory_space<vmem_shared>>) target(%dma_start3A_38 : memref<1000x32xf32, #tpu.memory_space<hbm>>) target_semaphore(%run_scoped3A : memref<!tpu.dma_semaphore, #tpu.memory_space<semaphore_mem>>)
            %dma_wait3A = arith.constant 0 : i32
            %dma_wait3A_41 = tpu.memref_slice %arg7[%mul3A_37, %dma_wait3A] : memref<50000x32xf32, #tpu.memory_space<hbm>> -> memref<1000x32xf32, #tpu.memory_space<hbm>>
            %dma_wait3A_42 = arith.constant 0 : i32
            %dma_wait3A_43 = tpu.memref_slice %arg12[%mul3A_35, %dma_wait3A_42] : memref<51000x32xf32, #tpu.memory_space<vmem_shared>> -> memref<1000x32xf32, #tpu.memory_space<vmem_shared>>
            tpu.wait_dma2 semaphore(%run_scoped3A : memref<!tpu.dma_semaphore, #tpu.memory_space<semaphore_mem>>) src(%dma_wait3A_43 : memref<1000x32xf32, #tpu.memory_space<vmem_shared>>) dst(%dma_wait3A_41 : memref<1000x32xf32, #tpu.memory_space<hbm>>)
            tpu.yield
          }) : () -> ()
        } else {
        }
      }
      %scan3A_28 = arith.constant 50 : i32
    } else {
    }
    return
  }
}

module attributes {stable_mosaic.version = 14 : i64} {
  func.func @body(%arg0: i32, %arg1: memref<1000x64xf32, #tpu.memory_space<vmem>>, %arg2: memref<64x64xf32, #tpu.memory_space<vmem>>, %arg3: memref<1000x32xf32, #tpu.memory_space<vmem>>, %arg4: memref<1000x32xf32, #tpu.memory_space<vmem>>) attributes {dimension_semantics = [#tpu.dimension_semantics<arbitrary>], iteration_bounds = array<i64: 25>, scalar_prefetch = 0 : i64, scratch_operands = 0 : i64, tpu.core_type = #tpu.core_type<tc>, window_params = [{transform_indices = @transform_0, window_bounds = array<i64: 1000, 64>}, {pipeline_mode = #tpu.pipeline_mode<synchronous>, transform_indices = @transform_1, window_bounds = array<i64: 64, 64>}, {transform_indices = @transform_2, window_bounds = array<i64: 1000, 32>}, {transform_indices = @transform_3, window_bounds = array<i64: 1000, 32>}]} {
    %get3A = arith.constant 0 : index
    %get3A_0 = arith.constant 0 : index
    %get3A_1 = vector.load %arg1[%get3A, %get3A_0] : memref<1000x64xf32, #tpu.memory_space<vmem>>, vector<1000x64xf32>
    %get3A_2 = arith.constant 0 : index
    %get3A_3 = arith.constant 0 : index
    %get3A_4 = vector.load %arg2[%get3A_2, %get3A_3] : memref<64x64xf32, #tpu.memory_space<vmem>>, vector<64x64xf32>
    %dot_general3A = arith.constant dense<0.000000e+00> : vector<1000x64xf32>
    %dot_general3A_5 = tpu.matmul %get3A_1, %get3A_4, %dot_general3A {dimension_numbers = #tpu.dot_dimension_numbers<[1], [0], [0], [1], [0, 0, 1, 1], [], []>, transpose_lhs_hint = false} : vector<1000x64xf32>, vector<64x64xf32>, vector<1000x64xf32> -> vector<1000x64xf32>
    %slice3A = vector.extract_strided_slice %dot_general3A_5 {offsets = [0, 0], sizes = [1000, 32], strides = [1, 1]} : vector<1000x64xf32> to vector<1000x32xf32>
    %swap3A = arith.constant 0 : index
    %swap3A_6 = arith.constant 0 : index
    %swap3A_7 = vector.load %arg3[%swap3A, %swap3A_6] : memref<1000x32xf32, #tpu.memory_space<vmem>>, vector<1000x32xf32>
    tpu.vector_store %arg3[%swap3A, %swap3A_6], %slice3A {strides = array<i32>} : memref<1000x32xf32, #tpu.memory_space<vmem>>, vector<1000x32xf32>,
    %slice3A_8 = vector.extract_strided_slice %dot_general3A_5 {offsets = [0, 32], sizes = [1000, 32], strides = [1, 1]} : vector<1000x64xf32> to vector<1000x32xf32>
    %swap3A_9 = arith.constant 0 : index
    %swap3A_10 = arith.constant 0 : index
    %swap3A_11 = vector.load %arg4[%swap3A_9, %swap3A_10] : memref<1000x32xf32, #tpu.memory_space<vmem>>, vector<1000x32xf32>
    tpu.vector_store %arg4[%swap3A_9, %swap3A_10], %slice3A_8 {strides = array<i32>} : memref<1000x32xf32, #tpu.memory_space<vmem>>, vector<1000x32xf32>,
    return
  }
  func.func @transform_0(%arg0: i32) -> (i32, i32) {
    %c0_i32 = arith.constant 0 : i32
    %c0_i32_0 = arith.constant 0 : i32
    return %arg0, %c0_i32 : i32, i32
  }
  func.func @transform_1(%arg0: i32) -> (i32, i32) {
    %c0_i32 = arith.constant 0 : i32
    %c0_i32_0 = arith.constant 0 : i32
    %c0_i32_1 = arith.constant 0 : i32
    return %c0_i32, %c0_i32_0 : i32, i32
  }
  func.func @transform_2(%arg0: i32) -> (i32, i32) {
    %c0_i32 = arith.constant 0 : i32
    %c0_i32_0 = arith.constant 0 : i32
    return %arg0, %c0_i32 : i32, i32
  }
  func.func @transform_3(%arg0: i32) -> (i32, i32) {
    %c0_i32 = arith.constant 0 : i32
    %c0_i32_0 = arith.constant 0 : i32
    return %arg0, %c0_i32 : i32, i32
  }
}

module attributes {stable_mosaic.version = 14 : i64} {
  func.func @body(%arg0: i32, %arg1: memref<1000x64xf32, #tpu.memory_space<vmem>>, %arg2: memref<64x64xf32, #tpu.memory_space<vmem>>, %arg3: memref<1000x32xf32, #tpu.memory_space<vmem>>, %arg4: memref<1000x32xf32, #tpu.memory_space<vmem>>) attributes {dimension_semantics = [#tpu.dimension_semantics<arbitrary>], iteration_bounds = array<i64: 50>, scalar_prefetch = 0 : i64, scratch_operands = 0 : i64, tpu.core_type = #tpu.core_type<tc>, window_params = [{transform_indices = @transform_0, window_bounds = array<i64: 1000, 64>}, {pipeline_mode = #tpu.pipeline_mode<synchronous>, transform_indices = @transform_1, window_bounds = array<i64: 64, 64>}, {transform_indices = @transform_2, window_bounds = array<i64: 1000, 32>}, {transform_indices = @transform_3, window_bounds = array<i64: 1000, 32>}]} {
    %get3A = arith.constant 0 : index
    %get3A_0 = arith.constant 0 : index
    %get3A_1 = vector.load %arg1[%get3A, %get3A_0] : memref<1000x64xf32, #tpu.memory_space<vmem>>, vector<1000x64xf32>
    %get3A_2 = arith.constant 0 : index
    %get3A_3 = arith.constant 0 : index
    %get3A_4 = vector.load %arg2[%get3A_2, %get3A_3] : memref<64x64xf32, #tpu.memory_space<vmem>>, vector<64x64xf32>
    %dot_general3A = arith.constant dense<0.000000e+00> : vector<1000x64xf32>
    %dot_general3A_5 = tpu.matmul %get3A_1, %get3A_4, %dot_general3A {dimension_numbers = #tpu.dot_dimension_numbers<[1], [0], [0], [1], [0, 0, 1, 1], [], []>, transpose_lhs_hint = false} : vector<1000x64xf32>, vector<64x64xf32>, vector<1000x64xf32> -> vector<1000x64xf32>
    %slice3A = vector.extract_strided_slice %dot_general3A_5 {offsets = [0, 0], sizes = [1000, 32], strides = [1, 1]} : vector<1000x64xf32> to vector<1000x32xf32>
    %swap3A = arith.constant 0 : index
    %swap3A_6 = arith.constant 0 : index
    %swap3A_7 = vector.load %arg3[%swap3A, %swap3A_6] : memref<1000x32xf32, #tpu.memory_space<vmem>>, vector<1000x32xf32>
    tpu.vector_store %arg3[%swap3A, %swap3A_6], %slice3A {strides = array<i32>} : memref<1000x32xf32, #tpu.memory_space<vmem>>, vector<1000x32xf32>,
    %slice3A_8 = vector.extract_strided_slice %dot_general3A_5 {offsets = [0, 32], sizes = [1000, 32], strides = [1, 1]} : vector<1000x64xf32> to vector<1000x32xf32>
    %swap3A_9 = arith.constant 0 : index
    %swap3A_10 = arith.constant 0 : index
    %swap3A_11 = vector.load %arg4[%swap3A_9, %swap3A_10] : memref<1000x32xf32, #tpu.memory_space<vmem>>, vector<1000x32xf32>
    tpu.vector_store %arg4[%swap3A_9, %swap3A_10], %slice3A_8 {strides = array<i32>} : memref<1000x32xf32, #tpu.memory_space<vmem>>, vector<1000x32xf32>,
    return
  }
  func.func @transform_0(%arg0: i32) -> (i32, i32) {
    %c0_i32 = arith.constant 0 : i32
    %c0_i32_0 = arith.constant 0 : i32
    return %arg0, %c0_i32 : i32, i32
  }
  func.func @transform_1(%arg0: i32) -> (i32, i32) {
    %c0_i32 = arith.constant 0 : i32
    %c0_i32_0 = arith.constant 0 : i32
    %c0_i32_1 = arith.constant 0 : i32
    return %c0_i32, %c0_i32_0 : i32, i32
  }
  func.func @transform_2(%arg0: i32) -> (i32, i32) {
    %c0_i32 = arith.constant 0 : i32
    %c0_i32_0 = arith.constant 0 : i32
    return %arg0, %c0_i32 : i32, i32
  }
  func.func @transform_3(%arg0: i32) -> (i32, i32) {
    %c0_i32 = arith.constant 0 : i32
    %c0_i32_0 = arith.constant 0 : i32
    return %arg0, %c0_i32 : i32, i32
  }
}

module attributes {stable_mosaic.version = 14 : i64} {
  func.func @body(%arg0: i32, %arg1: memref<1000x32xf32, #tpu.memory_space<vmem>>, %arg2: memref<1000x32xf32, #tpu.memory_space<vmem>>, %arg3: memref<64x64xf32, #tpu.memory_space<vmem>>, %arg4: memref<1000x64xf32, #tpu.memory_space<vmem>>, %arg5: memref<1000x32xf32, #tpu.memory_space<vmem>>, %arg6: memref<1000x32xf32, #tpu.memory_space<vmem>>) attributes {dimension_semantics = [#tpu.dimension_semantics<arbitrary>], iteration_bounds = array<i64: 25>, scalar_prefetch = 0 : i64, scratch_operands = 0 : i64, tpu.core_type = #tpu.core_type<tc>, window_params = [{transform_indices = @transform_0, window_bounds = array<i64: 1000, 32>}, {transform_indices = @transform_1, window_bounds = array<i64: 1000, 32>}, {pipeline_mode = #tpu.pipeline_mode<synchronous>, transform_indices = @transform_2, window_bounds = array<i64: 64, 64>}, {transform_indices = @transform_3, window_bounds = array<i64: 1000, 64>}, {transform_indices = @transform_4, window_bounds = array<i64: 1000, 32>}, {transform_indices = @transform_5, window_bounds = array<i64: 1000, 32>}]} {
    %get3A = arith.constant 0 : index
    %get3A_0 = arith.constant 0 : index
    %get3A_1 = vector.load %arg1[%get3A, %get3A_0] : memref<1000x32xf32, #tpu.memory_space<vmem>>, vector<1000x32xf32>
    %ge3A = arith.constant 0.000000e+00 : f32
    %ge3A_2 = vector.broadcast %ge3A : f32 to vector<1000x32xf32>
    %ge3A_3 = arith.cmpf oge, %get3A_1, %ge3A_2 : vector<1000x32xf32>
    %mul3A = arith.constant 5.000000e-01 : f32
    %mul3A_4 = vector.broadcast %mul3A : f32 to vector<1000x32xf32>
    %mul3A_5 = arith.mulf %mul3A_4, %get3A_1 : vector<1000x32xf32>
    %select_n3A = arith.select %ge3A_3, %get3A_1, %mul3A_5 : vector<1000x32xi1>, vector<1000x32xf32>
    %get3A_6 = arith.constant 0 : index
    %get3A_7 = arith.constant 0 : index
    %get3A_8 = vector.load %arg2[%get3A_6, %get3A_7] : memref<1000x32xf32, #tpu.memory_space<vmem>>, vector<1000x32xf32>
    %ge3A_9 = arith.constant 0.000000e+00 : f32
    %ge3A_10 = vector.broadcast %ge3A_9 : f32 to vector<1000x32xf32>
    %ge3A_11 = arith.cmpf oge, %get3A_8, %ge3A_10 : vector<1000x32xf32>
    %mul3A_12 = arith.constant 5.000000e-01 : f32
    %mul3A_13 = vector.broadcast %mul3A_12 : f32 to vector<1000x32xf32>
    %mul3A_14 = arith.mulf %mul3A_13, %get3A_8 : vector<1000x32xf32>
    %select_n3A_15 = arith.select %ge3A_11, %get3A_8, %mul3A_14 : vector<1000x32xi1>, vector<1000x32xf32>
    %concatenate3A = tpu.concatenate %select_n3A, %select_n3A_15 in 1 : vector<1000x32xf32>, vector<1000x32xf32> -> vector<1000x64xf32>
    %mul3A_16 = arith.mulf %concatenate3A, %concatenate3A : vector<1000x64xf32>
    %reduce_sum3A = arith.constant dense<0.000000e+00> : vector<1000xf32>
    %reduce_sum3A_17 = vector.multi_reduction <add>, %mul3A_16, %reduce_sum3A [1] : vector<1000x64xf32> to vector<1000xf32>
    %broadcast_in_dim3A = vector.shape_cast %reduce_sum3A_17 : vector<1000xf32> to vector<1000x1xf32>
    %sqrt3A = math.sqrt %broadcast_in_dim3A : vector<1000x1xf32>
    %max3A = arith.constant 9.99999996E-13 : f32
    %max3A_18 = vector.broadcast %max3A : f32 to vector<1000x1xf32>
    %max3A_19 = arith.maximumf %sqrt3A, %max3A_18 : vector<1000x1xf32>
    %div3A = vector.broadcast %max3A_19 : vector<1000x1xf32> to vector<1000x64xf32>
    %div3A_20 = arith.divf %concatenate3A, %div3A : vector<1000x64xf32>
    %swap3A = arith.constant 0 : index
    %swap3A_21 = arith.constant 0 : index
    %swap3A_22 = vector.load %arg4[%swap3A, %swap3A_21] : memref<1000x64xf32, #tpu.memory_space<vmem>>, vector<1000x64xf32>
    tpu.vector_store %arg4[%swap3A, %swap3A_21], %div3A_20 {strides = array<i32>} : memref<1000x64xf32, #tpu.memory_space<vmem>>, vector<1000x64xf32>,
    %get3A_23 = arith.constant 0 : index
    %get3A_24 = arith.constant 0 : index
    %get3A_25 = vector.load %arg3[%get3A_23, %get3A_24] : memref<64x64xf32, #tpu.memory_space<vmem>>, vector<64x64xf32>
    %dot_general3A = arith.constant dense<0.000000e+00> : vector<1000x64xf32>
    %dot_general3A_26 = tpu.matmul %concatenate3A, %get3A_25, %dot_general3A {dimension_numbers = #tpu.dot_dimension_numbers<[1], [0], [0], [1], [0, 0, 1, 1], [], []>, transpose_lhs_hint = false} : vector<1000x64xf32>, vector<64x64xf32>, vector<1000x64xf32> -> vector<1000x64xf32>
    %slice3A = vector.extract_strided_slice %dot_general3A_26 {offsets = [0, 0], sizes = [1000, 32], strides = [1, 1]} : vector<1000x64xf32> to vector<1000x32xf32>
    %swap3A_27 = arith.constant 0 : index
    %swap3A_28 = arith.constant 0 : index
    %swap3A_29 = vector.load %arg5[%swap3A_27, %swap3A_28] : memref<1000x32xf32, #tpu.memory_space<vmem>>, vector<1000x32xf32>
    tpu.vector_store %arg5[%swap3A_27, %swap3A_28], %slice3A {strides = array<i32>} : memref<1000x32xf32, #tpu.memory_space<vmem>>, vector<1000x32xf32>,
    %slice3A_30 = vector.extract_strided_slice %dot_general3A_26 {offsets = [0, 32], sizes = [1000, 32], strides = [1, 1]} : vector<1000x64xf32> to vector<1000x32xf32>
    %swap3A_31 = arith.constant 0 : index
    %swap3A_32 = arith.constant 0 : index
    %swap3A_33 = vector.load %arg6[%swap3A_31, %swap3A_32] : memref<1000x32xf32, #tpu.memory_space<vmem>>, vector<1000x32xf32>
    tpu.vector_store %arg6[%swap3A_31, %swap3A_32], %slice3A_30 {strides = array<i32>} : memref<1000x32xf32, #tpu.memory_space<vmem>>, vector<1000x32xf32>,
    return
  }
  func.func @transform_0(%arg0: i32) -> (i32, i32) {
    %c0_i32 = arith.constant 0 : i32
    %c0_i32_0 = arith.constant 0 : i32
    return %arg0, %c0_i32 : i32, i32
  }
  func.func @transform_1(%arg0: i32) -> (i32, i32) {
    %c0_i32 = arith.constant 0 : i32
    %c0_i32_0 = arith.constant 0 : i32
    return %arg0, %c0_i32 : i32, i32
  }
  func.func @transform_2(%arg0: i32) -> (i32, i32) {
    %c0_i32 = arith.constant 0 : i32
    %c0_i32_0 = arith.constant 0 : i32
    %c0_i32_1 = arith.constant 0 : i32
    return %c0_i32, %c0_i32_0 : i32, i32
  }
  func.func @transform_3(%arg0: i32) -> (i32, i32) {
    %c0_i32 = arith.constant 0 : i32
    %c0_i32_0 = arith.constant 0 : i32
    return %arg0, %c0_i32 : i32, i32
  }
  func.func @transform_4(%arg0: i32) -> (i32, i32) {
    %c0_i32 = arith.constant 0 : i32
    %c0_i32_0 = arith.constant 0 : i32
    return %arg0, %c0_i32 : i32, i32
  }
  func.func @transform_5(%arg0: i32) -> (i32, i32) {
    %c0_i32 = arith.constant 0 : i32
    %c0_i32_0 = arith.constant 0 : i32
    return %arg0, %c0_i32 : i32, i32
  }
}

module attributes {stable_mosaic.version = 14 : i64} {
  func.func @body(%arg0: i32, %arg1: memref<1000x32xf32, #tpu.memory_space<vmem>>, %arg2: memref<1000x32xf32, #tpu.memory_space<vmem>>, %arg3: memref<64x64xf32, #tpu.memory_space<vmem>>, %arg4: memref<1000x64xf32, #tpu.memory_space<vmem>>, %arg5: memref<1000x32xf32, #tpu.memory_space<vmem>>, %arg6: memref<1000x32xf32, #tpu.memory_space<vmem>>) attributes {dimension_semantics = [#tpu.dimension_semantics<arbitrary>], iteration_bounds = array<i64: 50>, scalar_prefetch = 0 : i64, scratch_operands = 0 : i64, tpu.core_type = #tpu.core_type<tc>, window_params = [{transform_indices = @transform_0, window_bounds = array<i64: 1000, 32>}, {transform_indices = @transform_1, window_bounds = array<i64: 1000, 32>}, {pipeline_mode = #tpu.pipeline_mode<synchronous>, transform_indices = @transform_2, window_bounds = array<i64: 64, 64>}, {transform_indices = @transform_3, window_bounds = array<i64: 1000, 64>}, {transform_indices = @transform_4, window_bounds = array<i64: 1000, 32>}, {transform_indices = @transform_5, window_bounds = array<i64: 1000, 32>}]} {
    %get3A = arith.constant 0 : index
    %get3A_0 = arith.constant 0 : index
    %get3A_1 = vector.load %arg1[%get3A, %get3A_0] : memref<1000x32xf32, #tpu.memory_space<vmem>>, vector<1000x32xf32>
    %ge3A = arith.constant 0.000000e+00 : f32
    %ge3A_2 = vector.broadcast %ge3A : f32 to vector<1000x32xf32>
    %ge3A_3 = arith.cmpf oge, %get3A_1, %ge3A_2 : vector<1000x32xf32>
    %mul3A = arith.constant 5.000000e-01 : f32
    %mul3A_4 = vector.broadcast %mul3A : f32 to vector<1000x32xf32>
    %mul3A_5 = arith.mulf %mul3A_4, %get3A_1 : vector<1000x32xf32>
    %select_n3A = arith.select %ge3A_3, %get3A_1, %mul3A_5 : vector<1000x32xi1>, vector<1000x32xf32>
    %get3A_6 = arith.constant 0 : index
    %get3A_7 = arith.constant 0 : index
    %get3A_8 = vector.load %arg2[%get3A_6, %get3A_7] : memref<1000x32xf32, #tpu.memory_space<vmem>>, vector<1000x32xf32>
    %ge3A_9 = arith.constant 0.000000e+00 : f32
    %ge3A_10 = vector.broadcast %ge3A_9 : f32 to vector<1000x32xf32>
    %ge3A_11 = arith.cmpf oge, %get3A_8, %ge3A_10 : vector<1000x32xf32>
    %mul3A_12 = arith.constant 5.000000e-01 : f32
    %mul3A_13 = vector.broadcast %mul3A_12 : f32 to vector<1000x32xf32>
    %mul3A_14 = arith.mulf %mul3A_13, %get3A_8 : vector<1000x32xf32>
    %select_n3A_15 = arith.select %ge3A_11, %get3A_8, %mul3A_14 : vector<1000x32xi1>, vector<1000x32xf32>
    %concatenate3A = tpu.concatenate %select_n3A, %select_n3A_15 in 1 : vector<1000x32xf32>, vector<1000x32xf32> -> vector<1000x64xf32>
    %mul3A_16 = arith.mulf %concatenate3A, %concatenate3A : vector<1000x64xf32>
    %reduce_sum3A = arith.constant dense<0.000000e+00> : vector<1000xf32>
    %reduce_sum3A_17 = vector.multi_reduction <add>, %mul3A_16, %reduce_sum3A [1] : vector<1000x64xf32> to vector<1000xf32>
    %broadcast_in_dim3A = vector.shape_cast %reduce_sum3A_17 : vector<1000xf32> to vector<1000x1xf32>
    %sqrt3A = math.sqrt %broadcast_in_dim3A : vector<1000x1xf32>
    %max3A = arith.constant 9.99999996E-13 : f32
    %max3A_18 = vector.broadcast %max3A : f32 to vector<1000x1xf32>
    %max3A_19 = arith.maximumf %sqrt3A, %max3A_18 : vector<1000x1xf32>
    %div3A = vector.broadcast %max3A_19 : vector<1000x1xf32> to vector<1000x64xf32>
    %div3A_20 = arith.divf %concatenate3A, %div3A : vector<1000x64xf32>
    %swap3A = arith.constant 0 : index
    %swap3A_21 = arith.constant 0 : index
    %swap3A_22 = vector.load %arg4[%swap3A, %swap3A_21] : memref<1000x64xf32, #tpu.memory_space<vmem>>, vector<1000x64xf32>
    tpu.vector_store %arg4[%swap3A, %swap3A_21], %div3A_20 {strides = array<i32>} : memref<1000x64xf32, #tpu.memory_space<vmem>>, vector<1000x64xf32>,
    %get3A_23 = arith.constant 0 : index
    %get3A_24 = arith.constant 0 : index
    %get3A_25 = vector.load %arg3[%get3A_23, %get3A_24] : memref<64x64xf32, #tpu.memory_space<vmem>>, vector<64x64xf32>
    %dot_general3A = arith.constant dense<0.000000e+00> : vector<1000x64xf32>
    %dot_general3A_26 = tpu.matmul %concatenate3A, %get3A_25, %dot_general3A {dimension_numbers = #tpu.dot_dimension_numbers<[1], [0], [0], [1], [0, 0, 1, 1], [], []>, transpose_lhs_hint = false} : vector<1000x64xf32>, vector<64x64xf32>, vector<1000x64xf32> -> vector<1000x64xf32>
    %slice3A = vector.extract_strided_slice %dot_general3A_26 {offsets = [0, 0], sizes = [1000, 32], strides = [1, 1]} : vector<1000x64xf32> to vector<1000x32xf32>
    %swap3A_27 = arith.constant 0 : index
    %swap3A_28 = arith.constant 0 : index
    %swap3A_29 = vector.load %arg5[%swap3A_27, %swap3A_28] : memref<1000x32xf32, #tpu.memory_space<vmem>>, vector<1000x32xf32>
    tpu.vector_store %arg5[%swap3A_27, %swap3A_28], %slice3A {strides = array<i32>} : memref<1000x32xf32, #tpu.memory_space<vmem>>, vector<1000x32xf32>,
    %slice3A_30 = vector.extract_strided_slice %dot_general3A_26 {offsets = [0, 32], sizes = [1000, 32], strides = [1, 1]} : vector<1000x64xf32> to vector<1000x32xf32>
    %swap3A_31 = arith.constant 0 : index
    %swap3A_32 = arith.constant 0 : index
    %swap3A_33 = vector.load %arg6[%swap3A_31, %swap3A_32] : memref<1000x32xf32, #tpu.memory_space<vmem>>, vector<1000x32xf32>
    tpu.vector_store %arg6[%swap3A_31, %swap3A_32], %slice3A_30 {strides = array<i32>} : memref<1000x32xf32, #tpu.memory_space<vmem>>, vector<1000x32xf32>,
    return
  }
  func.func @transform_0(%arg0: i32) -> (i32, i32) {
    %c0_i32 = arith.constant 0 : i32
    %c0_i32_0 = arith.constant 0 : i32
    return %arg0, %c0_i32 : i32, i32
  }
  func.func @transform_1(%arg0: i32) -> (i32, i32) {
    %c0_i32 = arith.constant 0 : i32
    %c0_i32_0 = arith.constant 0 : i32
    return %arg0, %c0_i32 : i32, i32
  }
  func.func @transform_2(%arg0: i32) -> (i32, i32) {
    %c0_i32 = arith.constant 0 : i32
    %c0_i32_0 = arith.constant 0 : i32
    %c0_i32_1 = arith.constant 0 : i32
    return %c0_i32, %c0_i32_0 : i32, i32
  }
  func.func @transform_3(%arg0: i32) -> (i32, i32) {
    %c0_i32 = arith.constant 0 : i32
    %c0_i32_0 = arith.constant 0 : i32
    return %arg0, %c0_i32 : i32, i32
  }
  func.func @transform_4(%arg0: i32) -> (i32, i32) {
    %c0_i32 = arith.constant 0 : i32
    %c0_i32_0 = arith.constant 0 : i32
    return %arg0, %c0_i32 : i32, i32
  }
  func.func @transform_5(%arg0: i32) -> (i32, i32) {
    %c0_i32 = arith.constant 0 : i32
    %c0_i32_0 = arith.constant 0 : i32
    return %arg0, %c0_i32 : i32, i32
  }
}

module attributes {stable_mosaic.version = 14 : i64} {
  func.func @body(%arg0: i32, %arg1: memref<1000x32xf32, #tpu.memory_space<vmem>>, %arg2: memref<1000x32xf32, #tpu.memory_space<vmem>>, %arg3: memref<1000x64xf32, #tpu.memory_space<vmem>>, %arg4: memref<1000x64xf32, #tpu.memory_space<vmem>>, %arg5: memref<1000x64xf32, #tpu.memory_space<vmem>>) attributes {dimension_semantics = [#tpu.dimension_semantics<arbitrary>], iteration_bounds = array<i64: 25>, scalar_prefetch = 0 : i64, scratch_operands = 0 : i64, tpu.core_type = #tpu.core_type<tc>, window_params = [{transform_indices = @transform_0, window_bounds = array<i64: 1000, 32>}, {transform_indices = @transform_1, window_bounds = array<i64: 1000, 32>}, {transform_indices = @transform_2, window_bounds = array<i64: 1000, 64>}, {transform_indices = @transform_3, window_bounds = array<i64: 1000, 64>}, {transform_indices = @transform_4, window_bounds = array<i64: 1000, 64>}]} {
    %get3A = arith.constant 0 : index
    %get3A_0 = arith.constant 0 : index
    %get3A_1 = vector.load %arg1[%get3A, %get3A_0] : memref<1000x32xf32, #tpu.memory_space<vmem>>, vector<1000x32xf32>
    %ge3A = arith.constant 0.000000e+00 : f32
    %ge3A_2 = vector.broadcast %ge3A : f32 to vector<1000x32xf32>
    %ge3A_3 = arith.cmpf oge, %get3A_1, %ge3A_2 : vector<1000x32xf32>
    %mul3A = arith.constant 5.000000e-01 : f32
    %mul3A_4 = vector.broadcast %mul3A : f32 to vector<1000x32xf32>
    %mul3A_5 = arith.mulf %mul3A_4, %get3A_1 : vector<1000x32xf32>
    %select_n3A = arith.select %ge3A_3, %get3A_1, %mul3A_5 : vector<1000x32xi1>, vector<1000x32xf32>
    %get3A_6 = arith.constant 0 : index
    %get3A_7 = arith.constant 0 : index
    %get3A_8 = vector.load %arg2[%get3A_6, %get3A_7] : memref<1000x32xf32, #tpu.memory_space<vmem>>, vector<1000x32xf32>
    %ge3A_9 = arith.constant 0.000000e+00 : f32
    %ge3A_10 = vector.broadcast %ge3A_9 : f32 to vector<1000x32xf32>
    %ge3A_11 = arith.cmpf oge, %get3A_8, %ge3A_10 : vector<1000x32xf32>
    %mul3A_12 = arith.constant 5.000000e-01 : f32
    %mul3A_13 = vector.broadcast %mul3A_12 : f32 to vector<1000x32xf32>
    %mul3A_14 = arith.mulf %mul3A_13, %get3A_8 : vector<1000x32xf32>
    %select_n3A_15 = arith.select %ge3A_11, %get3A_8, %mul3A_14 : vector<1000x32xi1>, vector<1000x32xf32>
    %concatenate3A = tpu.concatenate %select_n3A, %select_n3A_15 in 1 : vector<1000x32xf32>, vector<1000x32xf32> -> vector<1000x64xf32>
    %mul3A_16 = arith.mulf %concatenate3A, %concatenate3A : vector<1000x64xf32>
    %reduce_sum3A = arith.constant dense<0.000000e+00> : vector<1000xf32>
    %reduce_sum3A_17 = vector.multi_reduction <add>, %mul3A_16, %reduce_sum3A [1] : vector<1000x64xf32> to vector<1000xf32>
    %broadcast_in_dim3A = vector.shape_cast %reduce_sum3A_17 : vector<1000xf32> to vector<1000x1xf32>
    %sqrt3A = math.sqrt %broadcast_in_dim3A : vector<1000x1xf32>
    %get3A_18 = arith.constant 0 : index
    %get3A_19 = arith.constant 0 : index
    %get3A_20 = vector.load %arg3[%get3A_18, %get3A_19] : memref<1000x64xf32, #tpu.memory_space<vmem>>, vector<1000x64xf32>
    %get3A_21 = arith.constant 0 : index
    %get3A_22 = arith.constant 0 : index
    %get3A_23 = vector.load %arg4[%get3A_21, %get3A_22] : memref<1000x64xf32, #tpu.memory_space<vmem>>, vector<1000x64xf32>
    %add3A = arith.addf %get3A_20, %get3A_23 : vector<1000x64xf32>
    %max3A = arith.constant 9.99999996E-13 : f32
    %max3A_24 = vector.broadcast %max3A : f32 to vector<1000x1xf32>
    %max3A_25 = arith.maximumf %sqrt3A, %max3A_24 : vector<1000x1xf32>
    %div3A = vector.broadcast %max3A_25 : vector<1000x1xf32> to vector<1000x64xf32>
    %div3A_26 = arith.divf %concatenate3A, %div3A : vector<1000x64xf32>
    %add3A_27 = arith.addf %add3A, %div3A_26 : vector<1000x64xf32>
    %swap3A = arith.constant 0 : index
    %swap3A_28 = arith.constant 0 : index
    %swap3A_29 = vector.load %arg5[%swap3A, %swap3A_28] : memref<1000x64xf32, #tpu.memory_space<vmem>>, vector<1000x64xf32>
    tpu.vector_store %arg5[%swap3A, %swap3A_28], %add3A_27 {strides = array<i32>} : memref<1000x64xf32, #tpu.memory_space<vmem>>, vector<1000x64xf32>,
    return
  }
  func.func @transform_0(%arg0: i32) -> (i32, i32) {
    %c0_i32 = arith.constant 0 : i32
    %c0_i32_0 = arith.constant 0 : i32
    return %arg0, %c0_i32 : i32, i32
  }
  func.func @transform_1(%arg0: i32) -> (i32, i32) {
    %c0_i32 = arith.constant 0 : i32
    %c0_i32_0 = arith.constant 0 : i32
    return %arg0, %c0_i32 : i32, i32
  }
  func.func @transform_2(%arg0: i32) -> (i32, i32) {
    %c0_i32 = arith.constant 0 : i32
    %c0_i32_0 = arith.constant 0 : i32
    return %arg0, %c0_i32 : i32, i32
  }
  func.func @transform_3(%arg0: i32) -> (i32, i32) {
    %c0_i32 = arith.constant 0 : i32
    %c0_i32_0 = arith.constant 0 : i32
    return %arg0, %c0_i32 : i32, i32
  }
  func.func @transform_4(%arg0: i32) -> (i32, i32) {
    %c0_i32 = arith.constant 0 : i32
    %c0_i32_0 = arith.constant 0 : i32
    return %arg0, %c0_i32 : i32, i32
  }
}

module attributes {stable_mosaic.version = 14 : i64} {
  func.func @body(%arg0: i32, %arg1: memref<1000x32xf32, #tpu.memory_space<vmem>>, %arg2: memref<1000x32xf32, #tpu.memory_space<vmem>>, %arg3: memref<1000x64xf32, #tpu.memory_space<vmem>>, %arg4: memref<1000x64xf32, #tpu.memory_space<vmem>>, %arg5: memref<1000x64xf32, #tpu.memory_space<vmem>>) attributes {dimension_semantics = [#tpu.dimension_semantics<arbitrary>], iteration_bounds = array<i64: 50>, scalar_prefetch = 0 : i64, scratch_operands = 0 : i64, tpu.core_type = #tpu.core_type<tc>, window_params = [{transform_indices = @transform_0, window_bounds = array<i64: 1000, 32>}, {transform_indices = @transform_1, window_bounds = array<i64: 1000, 32>}, {transform_indices = @transform_2, window_bounds = array<i64: 1000, 64>}, {transform_indices = @transform_3, window_bounds = array<i64: 1000, 64>}, {transform_indices = @transform_4, window_bounds = array<i64: 1000, 64>}]} {
    %get3A = arith.constant 0 : index
    %get3A_0 = arith.constant 0 : index
    %get3A_1 = vector.load %arg1[%get3A, %get3A_0] : memref<1000x32xf32, #tpu.memory_space<vmem>>, vector<1000x32xf32>
    %ge3A = arith.constant 0.000000e+00 : f32
    %ge3A_2 = vector.broadcast %ge3A : f32 to vector<1000x32xf32>
    %ge3A_3 = arith.cmpf oge, %get3A_1, %ge3A_2 : vector<1000x32xf32>
    %mul3A = arith.constant 5.000000e-01 : f32
    %mul3A_4 = vector.broadcast %mul3A : f32 to vector<1000x32xf32>
    %mul3A_5 = arith.mulf %mul3A_4, %get3A_1 : vector<1000x32xf32>
    %select_n3A = arith.select %ge3A_3, %get3A_1, %mul3A_5 : vector<1000x32xi1>, vector<1000x32xf32>
    %get3A_6 = arith.constant 0 : index
    %get3A_7 = arith.constant 0 : index
    %get3A_8 = vector.load %arg2[%get3A_6, %get3A_7] : memref<1000x32xf32, #tpu.memory_space<vmem>>, vector<1000x32xf32>
    %ge3A_9 = arith.constant 0.000000e+00 : f32
    %ge3A_10 = vector.broadcast %ge3A_9 : f32 to vector<1000x32xf32>
    %ge3A_11 = arith.cmpf oge, %get3A_8, %ge3A_10 : vector<1000x32xf32>
    %mul3A_12 = arith.constant 5.000000e-01 : f32
    %mul3A_13 = vector.broadcast %mul3A_12 : f32 to vector<1000x32xf32>
    %mul3A_14 = arith.mulf %mul3A_13, %get3A_8 : vector<1000x32xf32>
    %select_n3A_15 = arith.select %ge3A_11, %get3A_8, %mul3A_14 : vector<1000x32xi1>, vector<1000x32xf32>
    %concatenate3A = tpu.concatenate %select_n3A, %select_n3A_15 in 1 : vector<1000x32xf32>, vector<1000x32xf32> -> vector<1000x64xf32>
    %mul3A_16 = arith.mulf %concatenate3A, %concatenate3A : vector<1000x64xf32>
    %reduce_sum3A = arith.constant dense<0.000000e+00> : vector<1000xf32>
    %reduce_sum3A_17 = vector.multi_reduction <add>, %mul3A_16, %reduce_sum3A [1] : vector<1000x64xf32> to vector<1000xf32>
    %broadcast_in_dim3A = vector.shape_cast %reduce_sum3A_17 : vector<1000xf32> to vector<1000x1xf32>
    %sqrt3A = math.sqrt %broadcast_in_dim3A : vector<1000x1xf32>
    %get3A_18 = arith.constant 0 : index
    %get3A_19 = arith.constant 0 : index
    %get3A_20 = vector.load %arg3[%get3A_18, %get3A_19] : memref<1000x64xf32, #tpu.memory_space<vmem>>, vector<1000x64xf32>
    %get3A_21 = arith.constant 0 : index
    %get3A_22 = arith.constant 0 : index
    %get3A_23 = vector.load %arg4[%get3A_21, %get3A_22] : memref<1000x64xf32, #tpu.memory_space<vmem>>, vector<1000x64xf32>
    %add3A = arith.addf %get3A_20, %get3A_23 : vector<1000x64xf32>
    %max3A = arith.constant 9.99999996E-13 : f32
    %max3A_24 = vector.broadcast %max3A : f32 to vector<1000x1xf32>
    %max3A_25 = arith.maximumf %sqrt3A, %max3A_24 : vector<1000x1xf32>
    %div3A = vector.broadcast %max3A_25 : vector<1000x1xf32> to vector<1000x64xf32>
    %div3A_26 = arith.divf %concatenate3A, %div3A : vector<1000x64xf32>
    %add3A_27 = arith.addf %add3A, %div3A_26 : vector<1000x64xf32>
    %swap3A = arith.constant 0 : index
    %swap3A_28 = arith.constant 0 : index
    %swap3A_29 = vector.load %arg5[%swap3A, %swap3A_28] : memref<1000x64xf32, #tpu.memory_space<vmem>>, vector<1000x64xf32>
    tpu.vector_store %arg5[%swap3A, %swap3A_28], %add3A_27 {strides = array<i32>} : memref<1000x64xf32, #tpu.memory_space<vmem>>, vector<1000x64xf32>,
    return
  }
  func.func @transform_0(%arg0: i32) -> (i32, i32) {
    %c0_i32 = arith.constant 0 : i32
    %c0_i32_0 = arith.constant 0 : i32
    return %arg0, %c0_i32 : i32, i32
  }
  func.func @transform_1(%arg0: i32) -> (i32, i32) {
    %c0_i32 = arith.constant 0 : i32
    %c0_i32_0 = arith.constant 0 : i32
    return %arg0, %c0_i32 : i32, i32
  }
  func.func @transform_2(%arg0: i32) -> (i32, i32) {
    %c0_i32 = arith.constant 0 : i32
    %c0_i32_0 = arith.constant 0 : i32
    return %arg0, %c0_i32 : i32, i32
  }
  func.func @transform_3(%arg0: i32) -> (i32, i32) {
    %c0_i32 = arith.constant 0 : i32
    %c0_i32_0 = arith.constant 0 : i32
    return %arg0, %c0_i32 : i32, i32
  }
  func.func @transform_4(%arg0: i32) -> (i32, i32) {
    %c0_i32 = arith.constant 0 : i32
    %c0_i32_0 = arith.constant 0 : i32
    return %arg0, %c0_i32 : i32, i32
  }
}

</mosaic_0001>

<sc_bundles>
// kernel: kernel.12.cloned.1.call-start
scs
__scs_entry_jumppad:
0x0: {  	(pc) =	sbr.rel $0x88, $3  }
0x1: {  	(tag) =	ssettag $0x0;
	lr =	simm.s32 $0x1  }
0x2: {  	[smem:$0x3F99] =	sst lr;
	_ =	strace $0xD0000000  }
0x3: {  	_ = 	snop  }
0x4: {  	_ = 	snop  }
0x5: {  	_ = 	snop  }
0x6: {  	_ = 	snop  }
0x7: {  	_ = 	snop  }
__scs_overlays_trampoline_lowered:
0x8: {  	[smem:$0x3FA8] =	sst s0  }
0x9: {  	[smem:$0x3FA9] =	sst s1  }
0xa: {  	[smem:$0x3FAA] =	sst s2  }
0xb: {  	[smem:$0x3FAB] =	sst s3  }
0xc: {  	[smem:$0x3FAC] =	sst s4  }
0xd: {  	[smem:$0x3FAD] =	sst s5  }
0xe: {  	[smem:$0x3FAE] =	sst s6  }
0xf: {  	[smem:$0x3FAF] =	sst s7  }
0x10: {  	[smem:$0x3FB0] =	sst s8  }
0x11: {  	[smem:$0x3FB1] =	sst s9;
	s0 =	simm.s32 @!p0 $0x0  }
0x12: {  	s1 =	sld [smem:$0x3F97];
	s0 =	simm.s32 @p0 $0x1  }
0x13: {  	[smem:$0x3FB2] =	sst s0;
	s0 =	simm.s32 @!p1 $0x0  }
0x14: {  	s2 =	sld [smem:$0x3F96];
	s0 =	simm.s32 @p1 $0x1  }
0x15: {  	[smem:$0x3FB3] =	sst s0;
	s0 =	simm.s32 @!p2 $0x0  }
0x16: {  	s3 =	sld [smem:$0x3FDB];
	s0 =	simm.s32 @p2 $0x1  }
0x17: {  	s4 =	simm.s32 $0x1BF5;
	[smem:$0x3FB5] =	sst s0  }
0x18: {  	s0 =	sld [smem:$0x3F98];
	_ =	swait.ge [sflag:s4], $0x0  }
0x19: {  	s7 =	sld [smem:$0x3F99]  }
0x1a: {  	s8 =	sadd.s32 $0xFFFFE003, lr  }
0x1b: {  	s9 =	sadd.s32 $0xFFFFFEF7, lr;
	s5 =	simm.s32 $0xFFFFFFFF;
	p2 =	slt.u32 s8, $0xFFFFF086  }
0x1c: {  	p1 =	slt.u32 s9, $0xF7A;
	s5 =	simm.s32 @!p2 $0x0  }
0x1d: {  	s5 =	simm.s32 @p1 $0x1;
	p0 =	seq.s32 s7, s2  }
0x1e: {  	s7 =	smul.u32 @!p0 $0xF7A, s2;
	p2 =	seq.s32 @!p0 s5, $0x0  }
0x1f: {  	s9 =	smul.u32 $0xF7A, s1;
	s8 =	simm.s32 @!p0 $0x1BF5;
	p2 =	por !p2, p0  }
0x20: {  	[sflag:s8] =	ssyncset.s32 @!p0 $0xFFFFF086;
	s6 =	sadd.s32 @!p0 s3, s7;
	s7 =	simm.s32 @!p0 $0x108  }
0x21: {  	s3 =	sadd.s32 s3, s9;
	s6 =	sadd.s32 @!p0 $0x88, s6;
	s7 =	simm.s32 @p2 $0x1082  }
0x22: {  	[simem:s7], [sflag:s8] =	dma.local @!p0 [hbm:s6], $0xF7A  }
0x23: {  	s9 =	sor.u32 $0xD0000000, s2;
	s6 =	simm.s32 $0x108;
	_ =	swait.ge @!p0 [sflag:s8], $0x0  }
0x24: {  	s3 =	sadd.s32 $0x88, s3;
	s6 =	simm.s32 @!p1 $0x1082;
	[sflag:s4] =	ssyncset.s32 $0xFFFFF086  }
0x25: {  	[simem:s6], [sflag:s4] =	dma.local [hbm:s3], $0xF7A  }
0x26: {  	[smem:$0x3F99] =	sst s1;
	(tag) =	ssettag s2;
	_ =	strace s9  }
0x27: {  	s1 =	sld [smem:$0x3FA9]  }
0x28: {  	s2 =	sld [smem:$0x3FAA]  }
0x29: {  	s4 =	sld [smem:$0x3FAC]  }
0x2a: {  	p0 =	seq.s32 s5, $0x0;
	s5 =	sld [smem:$0x3FAD]  }
0x2b: {  	s6 =	sld [smem:$0x3FAE]  }
0x2c: {  	s7 =	sld [smem:$0x3FAF]  }
0x2d: {  	s3 =	simm.s32 $0x108;
	s8 =	sld [smem:$0x3FB0]  }
0x2e: {  	s3 =	simm.s32 @!p0 $0x1082;
	s9 =	sld [smem:$0x3FB1]  }
0x2f: {  	lr =	sadd.s32 s0, s3;
	s0 =	sld [smem:$0x3FA8]  }
0x30: {  	s3 =	sld [smem:$0x3FAB]  }
0x31: {  	[smem:$0x3FB4] =	sst s10  }
0x32: {  	s10 =	sld [smem:$0x3FB2];
	_ =	sdelay $0x3  }
0x33: {  	p0 =	seq.s32 s10, $0x1;
	s10 =	sld [smem:$0x3FB4];
	_ =	sdelay $0x3  }
0x34: {  	[smem:$0x3FB4] =	sst s10  }
0x35: {  	s10 =	sld [smem:$0x3FB3];
	_ =	sdelay $0x3  }
0x36: {  	p1 =	seq.s32 s10, $0x1;
	s10 =	sld [smem:$0x3FB4];
	_ =	sdelay $0x3  }
0x37: {  	[smem:$0x3FB4] =	sst s10  }
0x38: {  	s10 =	sld [smem:$0x3FB5]  }
0x39: {  	_ = 	snop;
	(pc) =	sbr.ind lr, $3  }
0x3a: {  	_ = 	snop  }
0x3b: {  	_ = 	snop  }
0x3c: {  	p2 =	seq.s32 s10, $0x1;
	s10 =	sld [smem:$0x3FB4]  }
0x3d: {  	_ =	shalt  }
0x3e: {  	_ =	shalt  }
0x3f: {  	_ =	shalt  }
0x40: {  	_ =	shalt  }
0x41: {  	_ =	shalt  }
0x42: {  	_ =	shalt  }
0x43: {  	_ =	shalt  }
0x44: {  	_ =	shalt  }
0x45: {  	_ =	shalt  }
0x46: {  	_ =	shalt  }
0x47: {  	_ =	shalt  }
0x48: {  	_ =	shalt  }
0x49: {  	_ =	shalt  }
0x4a: {  	_ =	shalt  }
0x4b: {  	_ =	shalt  }
0x4c: {  	_ =	shalt  }
0x4d: {  	_ =	shalt  }
0x4e: {  	_ =	shalt  }
0x4f: {  	_ =	shalt  }
0x50: {  	_ =	shalt  }
0x51: {  	_ =	shalt  }
0x52: {  	_ =	shalt  }
0x53: {  	_ =	shalt  }
0x54: {  	_ =	shalt  }
0x55: {  	_ =	shalt  }
0x56: {  	_ =	shalt  }
0x57: {  	_ =	shalt  }
0x58: {  	_ =	shalt  }
0x59: {  	_ =	shalt  }
0x5a: {  	_ =	shalt  }
0x5b: {  	_ =	shalt  }
0x5c: {  	_ =	shalt  }
0x5d: {  	_ =	shalt  }
0x5e: {  	_ =	shalt  }
0x5f: {  	_ =	shalt  }
0x60: {  	_ =	shalt  }
0x61: {  	_ =	shalt  }
0x62: {  	_ =	shalt  }
0x63: {  	_ =	shalt  }
0x64: {  	_ =	shalt  }
0x65: {  	_ =	shalt  }
0x66: {  	_ =	shalt  }
0x67: {  	_ =	shalt  }
0x68: {  	_ =	shalt  }
0x69: {  	_ =	shalt  }
0x6a: {  	_ =	shalt  }
0x6b: {  	_ =	shalt  }
0x6c: {  	_ =	shalt  }
0x6d: {  	_ =	shalt  }
0x6e: {  	_ =	shalt  }
0x6f: {  	_ =	shalt  }
0x70: {  	_ =	shalt  }
0x71: {  	_ =	shalt  }
0x72: {  	_ =	shalt  }
0x73: {  	_ =	shalt  }
0x74: {  	_ =	shalt  }
0x75: {  	_ =	shalt  }
0x76: {  	_ =	shalt  }
0x77: {  	_ =	shalt  }
0x78: {  	_ =	shalt  }
0x79: {  	_ =	shalt  }
0x7a: {  	_ =	shalt  }
0x7b: {  	_ =	shalt  }
0x7c: {  	_ =	shalt  }
0x7d: {  	_ =	shalt  }
0x7e: {  	_ =	shalt  }
0x7f: {  	_ =	shalt  }
0x80: {  	_ =	shalt  }
0x81: {  	_ =	shalt  }
0x82: {  	_ =	shalt  }
0x83: {  	_ =	shalt  }
0x84: {  	_ =	shalt  }
0x85: {  	_ =	shalt  }
0x86: {  	_ =	shalt  }
0x87: {  	_ =	shalt  }
.Lfunc_end0:
.L_simem_size_0:
called_computation_lowered:
.L_overlay_start_0:
0x88: {  	s2 =	sld [smem:$0x3FD9]  }
0x89: {  	s3 =	sld [smem:$0x3FFE];
	_ =	sdelay $0x1  }
0x8a: {  	s1 =	srdreg.scid  }
0x8b: {  	s0 =	sand.u32 $0x1, s1  }
0x8c: {  	s15 =	sshll.u32 s0, $0xA;
	s2 =	sadd.s32 s3, s2  }
0x8d: {  	s2 =	sadd.s32 s2, s15  }
0x8e: {  	[smem:$0x3FC0] =	sst s2  }
0x8f: {  	_ = 	snop  }
0x90: {  	s2 =	sld [smem:$0x3FD0];
	_ =	sdelay $0x2  }
0x91: {  	s16 =	simm.s32 $0xB;
	s4 =	simm.s32 $0x10  }
0x92: {  	[smem:s4], [sflag:s16] =	dma.local [hbm:s2], $0x1  }
0x93: {  	_ =	swait.eq [sflag:s16], $0x1  }
0x94: {  	[sflag:s16] =	ssyncset.done $0x0  }
0x95: {  	[sflag:s16] =	ssyncadd.s32 $0xFFFFFFFF  }
0x96: {  	s17 =	sld [smem:$0x11];
	(tm) =	ssettm $0x1  }
0x97: {  	s18 =	sld [smem:$0x3FFB];
	_ =	sdelay $0x3  }
0x98: {  	_ =	strace s18  }
0x99: {  	s2 =	sld [smem:$0x3FFC];
	_ =	sdelay $0x3  }
0x9a: {  	_ =	strace s2  }
0x9b: {  	s2 =	sld [smem:$0x3FFD];
	_ =	sdelay $0x3  }
0x9c: {  	_ =	strace s2  }
0x9d: {  	_ =	strace $0x8FFFFFFF  }
0x9e: {  	s19 =	sld [smem:$0x3FDB];
	_ =	sdelay $0x1  }
0x9f: {  	s20 =	simm.s32 $_scs_section_size  }
0xa0: {  	s5 =	simm.s32 $_size__tile_overlayer_lowered;
	s6 =	simm.s32 $_tile_overlayer_lowered  }
0xa1: {  	s7 =	simm.s32 $0x1BFF;
	s21 =	sshll.u32 s6, $0x1;
	s4 =	sadd.s32 s20, s19  }
0xa2: {  	s22 =	simm.s32 $0x0;
	s5 =	sshll.u32 s5, $0x1;
	s6 =	sadd.s32 s21, s4  }
0xa3: {  	[timem:s22], [sflag:s7] =	dma.local [hbm:s6], s5  }
0xa4: {  	_ =	swait.ge [sflag:s7], s5  }
0xa5: {  	s5 =	ssub.s32 $0x0, s5;
	[sflag:s7] =	ssyncset.done $0x0  }
0xa6: {  	[sflag:s7] =	ssyncadd.s32 s5;
	_ =	sdelay $0x1  }
0xa7: {  	s23 =	simm.s32 $0x1B8B  }
0xa8: {  	_ =	swait.ge [sflag:s23], $0x1  }
0xa9: {  	[sflag:s23] =	ssyncset.done $0x0  }
0xaa: {  	[sflag:s23] =	ssyncadd.s32 $0xFFFFFFFF  }
0xab: {  	s5 =	sld [smem:$0x0]  }
0xac: {  	s6 =	sand.u32 $0xFFFFFFFE, s1  }
0xad: {  	p0 =	sne.s32 s1, s6  }
0xae: {  	s6 =	sshll.u32 @p0 s6, $0xE  }
0xaf: {  	s6 =	sadd.s32 @p0 $0x11B8D, s6;
	s7 =	sshll.u32 @p0 s5, $0x11  }
0xb0: {  	s6 =	sor.u32 @p0 s7, s6  }
0xb1: {  	[sflag:s6] =	ssyncadd.remote.s32 @p0 $0x1;
	_ =	sdelay $0x1  }
0xb2: {  	s6 =	simm.s32 @p0 $0x1B8D  }
0xb3: {  	_ =	swait.eq @p0 [sflag:s6], $0x1  }
0xb4: {  	[sflag:s6] =	ssyncadd.s32 @p0 $0xFFFFFFFF  }
0xb5: {  	s7 =	sshll.u32 @!p0 s1, $0xE  }
0xb6: {  	s7 =	sor.u32 @!p0 $0x4000, s7;
	s6 =	simm.s32 @!p0 $0x1B8D  }
0xb7: {  	s5 =	sshll.u32 @!p0 s5, $0x11;
	s7 =	sadd.s32 @!p0 $0x11B8D, s7;
	_ =	swait.eq @!p0 [sflag:s6], $0x1  }
0xb8: {  	s5 =	sor.u32 @!p0 s5, s7;
	[sflag:s6] =	ssyncadd.s32 @!p0 $0xFFFFFFFF  }
0xb9: {  	s25 =	simm.s32 $0x1B8E;
	s24 =	sld [smem:$0x3FFE];
	[sflag:s5] =	ssyncadd.remote.s32 @!p0 $0x1  }
0xba: {  	s26 =	simm.s32 $execute0_lowered;
	[smem:$0x3FD2] =	sst s25  }
0xbb: {  	s6 =	sshll.u32 s26, $0x1;
	_ =	strace $0x80000049;
	[dreg:$0x1] =	wrdreg $0xFFFFFFFF  }
0xbc: {  	s28 =	simm.s32 $_size_execute0_lowered;
	s4 =	sadd.s32 s4, s6;
	[dreg:$0x0] =	wrdreg $0x0  }
0xbd: {  	s6 =	sshll.u32 s28, $0x1;
	[dreg:$0x2] =	wrdreg s4  }
0xbe: {  	[dreg:$0x3] =	wrdreg s6  }
0xbf: {  	[dreg:$0x4] =	wrdreg $0xC0  }
0xc0: {  	_ =	task [dreg:s22], $0x5FFFF  }
0xc1: {  	[dreg:$0x1] =	wrdreg $0xFFFFFFFF  }
0xc2: {  	[dreg:$0x0] =	wrdreg $0x60  }
0xc3: {  	[dreg:$0x2] =	wrdreg s17  }
0xc4: {  	[dreg:$0x3] =	wrdreg s24  }
0xc5: {  	[dreg:$0x4] =	wrdreg $0x66000  }
0xc6: {  	[dreg:$0x5] =	wrdreg $0x9  }
0xc7: {  	_ =	task.clear_ibuf [dreg:s22], $0x6FFFF;
	_ =	strace $0x90000049  }
0xc8: {  	s29 =	simm.s32 $0x9;
	_ =	strace $0x8000004B  }
0xc9: {  	_ =	swait.ge [sflag:s29], $0x1  }
0xca: {  	[sflag:s29] =	ssyncadd.s32 $0xFFFFFFFF  }
0xcb: {  	_ =	strace $0x9000004B  }
0xcc: {  	_ =	sfence  }
0xcd: {  	s30 =	sld [smem:$0x0];
	_ =	sdelay $0x2  }
0xce: {  	s31 =	sshll.u32 s1, $0xD;
	s1 =	sshrl.u32 s1, $0x2  }
0xcf: {  	s4 =	sand.u32 $0x4000, s31;
	s1 =	sadd.s32 s1, s30  }
0xd0: {  	s0 =	sor.u32 s4, s0;
	s1 =	sshll.u32 s1, $0x11  }
0xd1: {  	s0 =	sor.u32 s1, s0  }
0xd2: {  	s0 =	sadd.s32 $0x8F2B, s0  }
0xd3: {  	[sflag:s0] =	ssyncadd.remote.s32 $0x1  }
0xd4: {  	_ =	sfence.sel $0xFFFF  }
0xd5: {  	[dreg:$0x0] =	wrdreg $0xFFFFFFFF;
	(pc) =	sbr.abs _section_cstart, $3  }
0xd6: {  	[dreg:$0x1] =	wrdreg $0xFFFFFFFF  }
0xd7: {  	_ =	task.clear_ibuf [dreg:s22], $0x2FFFF;
	_ =	strace $0x9FFFFFFF  }
0xd8: {  	(tm) =	ssettm $0x7FFFFFFF  }
0xd9: {  	_ =	shalt  }
tec
execute0_lowered:
.L_overlay_start_1:
0x0: {  	(tag) =	ssettag $0x1  }
0x1: {  	s1 =	rddreg [dreg:$0x0]  }
0x2: {  	s8 =	rddreg [dreg:$0x1]  }
0x3: {  	s3 =	rddreg [dreg:$0x2]  }
0x4: {  	s0 =	rddreg [dreg:$0x3];
	s4 =	simm.s32 $0x0  }
0x5: {  	s2 =	stileid.u32;
	s5 =	srdreg.scid;
	s13 =	simm.s32 $0x180  }
0x6: {  	s14 =	simm.s32 $0x600;
	s15 =	simm.s32 $0x300;
	s16 =	simm.s32 $0x3600  }
0x7: {  	s17 =	simm.s32 $0x1;
	s18 =	simm.s32 $0x2;
	s19 =	simm.s32 $0x480  }
0x8: {  	s20 =	simm.s32 $0x3;
	s21 =	simm.s32 $0x4;
	s22 =	simm.s32 $0x0  }
0x9: {  	s6 =	smul.u32 $0x3180, s2;
	s12 =	sand.u32 $0x1, s5;
	s5 =	sadd.s32 $0x18D600, s8  }
.Ltmp0:
0xa: {  	[smem:$0x7FF] =	sst s4;
	s7 =	sadd.s32 $0x1EF200, s8;
	(pc) =	sbr.rel .LBB2_1-.Ltmp0, $4  }
0xb: {  	_ =	strace $0x8000004A;
	s9 =	ssub.s32 $0x2, s12;
	p0 =	seq.s32 s12, $0x0  }
0xc: {  	s12 =	simm.s32 $0x5;
	s11 =	sadd.s32 s6, s8;
	s10 =	sshrl.u32 s9, $0x1  }
0xd: {  	s6 =	sadd.s32 $0x36C00, s8;
	s8 =	sadd.s32 $0x1BE400, s8;
	s9 =	ssub.s32 s9, s10  }
0xe: {  	s10 =	sadd.s32 $0x98800, s11;
	s11 =	sadd.s32 $0x98860, s11;
	s9 =	smax.u32 s9, $0x1  }
.LBB2_8:
0xf: {  	p2 =	sne.s32 s28, s2  }
0x10: {  	[sflag:s26] =	ssyncadd.s32 @!p1 $0xFFFFF060;
	s24 =	sshll.u32 @!p2 s2, $0x6  }
0x11: {  	s25 =	sshrl.u32 @!p2 s25, $0x3;
	s26 =	simm.s32 @!p2 $0x5;
	s24 =	sor.u32 @!p2 $0x1C05, s24  }
0x12: {  	[hbm:s23], [sflag:s24] =	dma.local @!p2 [spmem:s25], $0xFA0  }
0x13: {  	_ =	swait.ge @!p2 [sflag:s26], $0xFA0  }
0x14: {  	[sflag:s26] =	ssyncset.done @!p2 $0x0  }
0x15: {  	[sflag:s26] =	ssyncadd.s32 @!p2 $0xFFFFF060  }
.LBB2_14:
0x16: {  	s22 =	sadd.s32 $0x1, s22  }
0x17: {  	p1 =	sne.s32 s22, s9  }
.Ltmp1:
0x18: {  	_ = 	snop;
	(pc) =	sbr.rel @!p1 .LBB2_15-.Ltmp1, $1  }
0x19: {  	_ =	sdelay $0x3  }
.LBB2_1:
0x1a: {  	s23 =	sand.u32 $0xF, s4  }
0x1b: {  	p1 =	sne.s32 s23, s2  }
0x1c: {  	s31 =	simm.s32 $0x1;
	s23 =	sshll.u32 @!p1 s2, $0x6  }
0x1d: {  	s24 =	sshrl.u32 @!p1 s3, $0x3;
	s25 =	simm.s32 @!p1 $0x5;
	s23 =	sor.u32 @!p1 $0x1C05, s23  }
0x1e: {  	[spmem:s24], [sflag:s23] =	dma.local @!p1 [hbm:s6], $0xFA0  }
0x1f: {  	s26 =	sand.u32 $0xF, s31;
	_ =	swait.ge @!p1 [sflag:s25], $0xFA0  }
0x20: {  	s24 =	simm.s32 $0x2;
	s23 =	sadd.s32 $0x7D00, s3;
	[sflag:s25] =	ssyncset.done @!p1 $0x0  }
.LBB2_2:
0x21: {  	[sflag:s25] =	ssyncadd.s32 @!p1 $0xFFFFF060  }
0x22: {  	p1 =	sne.s32 s26, s2;
	s26 =	smov.u32 s24;
	s24 =	sadd.s32 $0x1, s24  }
0x23: {  	p2 =	sne.s32 s24, $0x33  }
.Ltmp2:
0x24: {  	s25 =	sshll.u32 @!p1 s2, $0x6;
	s28 =	sshrl.u32 @!p1 s23, $0x3;
	(pc) =	sbr.rel @p2 .LBB2_2-.Ltmp2, $4  }
0x25: {  	s29 =	sor.u32 @!p1 $0x1C05, s25;
	s25 =	simm.s32 @!p1 $0x5  }
0x26: {  	[spmem:s28], [sflag:s29] =	dma.local @!p1 [hbm:s6], $0xFA0  }
0x27: {  	_ =	swait.ge @!p1 [sflag:s25], $0xFA0  }
0x28: {  	s26 =	sand.u32 $0xF, s26;
	s23 =	sadd.s32 $0x7D00, s23;
	[sflag:s25] =	ssyncset.done @!p1 $0x0  }
0x29: {  	p2 =	sne.s32 s26, s2  }
0x2a: {  	[sflag:s25] =	ssyncadd.s32 @!p1 $0xFFFFF060;
	s24 =	sshll.u32 @!p2 s2, $0x6  }
0x2b: {  	s23 =	sshrl.u32 @!p2 s23, $0x3;
	s25 =	simm.s32 @!p2 $0x5;
	s24 =	sor.u32 @!p2 $0x1C05, s24  }
0x2c: {  	[spmem:s23], [sflag:s24] =	dma.local @!p2 [hbm:s6], $0xFA0  }
.Ltmp3:
0x2d: {  	_ =	swait.ge @!p2 [sflag:s25], $0xFA0;
	(pc) =	sbr.rel @!p0 .LBB2_4-.Ltmp3, $3  }
0x2e: {  	[sflag:s25] =	ssyncset.done @!p2 $0x0  }
0x2f: {  	[sflag:s25] =	ssyncadd.s32 @!p2 $0xFFFFF060  }
0x30: {  	[bflag:$0x0] =	sbarrier.arrive $0xFFFF;
	_ =	sdelay $0x1  }
0x31: {  	[tilespmem:s4], [sflag:$0x5] =	stream.linear.gather [hbm4b:s10+s4], $0x300, $0x38;
	[tilespmem:$0x1F470] =	vst v63  }
0x32: {  	_ =	swait.ge [sflag:s12], $0x300  }
0x33: {  	[sflag:s12] =	ssyncset.done $0x0  }
0x34: {  	[sflag:s12] =	ssyncadd.s32 $0xFFFFFD00  }
0x35: {  	[tilespmem:s14], [sflag:$0x1] =	stream.indirect.gather [hbm4b:s1+s13], $0x20, s4, s13, $0xb8;
	[tilespmem:$0x1F470] =	vst v63  }
0x36: {  	_ = 	snop  }
0x37: {  	[tilespmem:s15], [sflag:$0x5] =	stream.linear.gather [hbm4b:s11+s4], $0x300, $0x38;
	[tilespmem:$0x1F470] =	vst v63  }
0x38: {  	_ =	swait.ge [sflag:s12], $0x300  }
0x39: {  	[sflag:s12] =	ssyncset.done $0x0  }
0x3a: {  	[sflag:s12] =	ssyncadd.s32 $0xFFFFFD00  }
0x3b: {  	[tilespmem:s16], [sflag:$0x2] =	stream.indirect.gather [hbm4b:s1+s13], $0x20, s15, s13, $0xb8;
	[tilespmem:$0x1F470] =	vst v63  }
0x3c: {  	_ =	swait.ge [sflag:s17], $0x3000  }
0x3d: {  	[sflag:s17] =	ssyncset.done $0x0  }
0x3e: {  	[sflag:s17] =	ssyncadd.s32 $0xFFFFD000  }
0x3f: {  	[spmem:s3] =	stream.indirect.scatter.add.f32 [tilespmem:s14], [sflag:$0x3], $0x20, s13, s13, $0xb8;
	[tilespmem:$0x1F470] =	vst v63  }
0x40: {  	_ =	swait.ge [sflag:s18], $0x3000  }
0x41: {  	[sflag:s18] =	ssyncset.done $0x0  }
0x42: {  	[sflag:s18] =	ssyncadd.s32 $0xFFFFD000  }
0x43: {  	[spmem:s3] =	stream.indirect.scatter.add.f32 [tilespmem:s16], [sflag:$0x4], $0x20, s19, s13, $0xb8;
	[tilespmem:$0x1F470] =	vst v63  }
0x44: {  	_ =	swait.ge [sflag:s20], $0x3000  }
0x45: {  	s23 =	sadd.s32 $0xFFFFCF40, s10;
	[sflag:s20] =	ssyncset.done $0x0  }
0x46: {  	s24 =	sadd.s32 $0x3180, s23;
	[sflag:s20] =	ssyncadd.s32 $0xFFFFD000  }
0x47: {  	[tilespmem:s4], [sflag:$0x5] =	stream.linear.gather [hbm4b:s24+s4], $0x300, $0x38;
	[tilespmem:$0x1F470] =	vst v63  }
0x48: {  	_ =	swait.ge [sflag:s12], $0x300  }
0x49: {  	[sflag:s12] =	ssyncset.done $0x0  }
0x4a: {  	[sflag:s12] =	ssyncadd.s32 $0xFFFFFD00  }
0x4b: {  	[tilespmem:s14], [sflag:$0x1] =	stream.indirect.gather [hbm4b:s1+s13], $0x20, s4, s13, $0xb8;
	[tilespmem:$0x1F470] =	vst v63  }
0x4c: {  	_ =	swait.ge [sflag:s21], $0x3000  }
0x4d: {  	[sflag:s21] =	ssyncset.done $0x0  }
0x4e: {  	s23 =	sadd.s32 $0x31E0, s23;
	[sflag:s21] =	ssyncadd.s32 $0xFFFFD000  }
0x4f: {  	[tilespmem:s15], [sflag:$0x5] =	stream.linear.gather [hbm4b:s23+s4], $0x300, $0x38;
	[tilespmem:$0x1F470] =	vst v63  }
0x50: {  	_ =	swait.ge [sflag:s12], $0x300  }
0x51: {  	[sflag:s12] =	ssyncset.done $0x0  }
0x52: {  	[sflag:s12] =	ssyncadd.s32 $0xFFFFFD00  }
0x53: {  	[tilespmem:s16], [sflag:$0x2] =	stream.indirect.gather [hbm4b:s1+s13], $0x20, s15, s13, $0xb8;
	[tilespmem:$0x1F470] =	vst v63  }
0x54: {  	_ =	swait.ge [sflag:s17], $0x3000  }
0x55: {  	[sflag:s17] =	ssyncset.done $0x0  }
0x56: {  	[sflag:s17] =	ssyncadd.s32 $0xFFFFD000  }
0x57: {  	[spmem:s3] =	stream.indirect.scatter.add.f32 [tilespmem:s14], [sflag:$0x3], $0x20, s13, s13, $0xb8;
	[tilespmem:$0x1F470] =	vst v63  }
0x58: {  	_ =	swait.ge [sflag:s18], $0x3000  }
0x59: {  	[sflag:s18] =	ssyncset.done $0x0  }
0x5a: {  	s23 =	simm.s32 $0xFFFFD000;
	[sflag:s18] =	ssyncadd.s32 $0xFFFFD000  }
.LBB2_10:
0x5b: {  	[spmem:s3] =	stream.indirect.scatter.add.f32 [tilespmem:s16], [sflag:$0x4], $0x20, s19, s13, $0xb8;
	[tilespmem:$0x1F470] =	vst v63  }
0x5c: {  	s24 =	smov.u32 s23  }
0x5d: {  	p1 =	sne.s32 s23, $0xFFFFFF40;
	s23 =	sadd.s32 $0xC0, s23;
	_ =	swait.ge [sflag:s20], $0x3000  }
0x5e: {  	s24 =	sadd.s32 s24, s10;
	[sflag:s20] =	ssyncset.done $0x0  }
0x5f: {  	s25 =	sadd.s32 $0x3180, s24;
	[sflag:s20] =	ssyncadd.s32 $0xFFFFD000  }
0x60: {  	[tilespmem:s4], [sflag:$0x5] =	stream.linear.gather [hbm4b:s25+s4], $0x300, $0x38;
	[tilespmem:$0x1F470] =	vst v63  }
0x61: {  	_ =	swait.ge [sflag:s12], $0x300  }
0x62: {  	[sflag:s12] =	ssyncset.done $0x0  }
0x63: {  	[sflag:s12] =	ssyncadd.s32 $0xFFFFFD00  }
0x64: {  	[tilespmem:s14], [sflag:$0x1] =	stream.indirect.gather [hbm4b:s1+s13], $0x20, s4, s13, $0xb8;
	[tilespmem:$0x1F470] =	vst v63  }
0x65: {  	_ =	swait.ge [sflag:s21], $0x3000  }
0x66: {  	[sflag:s21] =	ssyncset.done $0x0  }
0x67: {  	s24 =	sadd.s32 $0x31E0, s24;
	[sflag:s21] =	ssyncadd.s32 $0xFFFFD000  }
0x68: {  	[tilespmem:s15], [sflag:$0x5] =	stream.linear.gather [hbm4b:s24+s4], $0x300, $0x38;
	[tilespmem:$0x1F470] =	vst v63  }
0x69: {  	_ =	swait.ge [sflag:s12], $0x300  }
0x6a: {  	[sflag:s12] =	ssyncset.done $0x0  }
0x6b: {  	[sflag:s12] =	ssyncadd.s32 $0xFFFFFD00  }
0x6c: {  	[tilespmem:s16], [sflag:$0x2] =	stream.indirect.gather [hbm4b:s1+s13], $0x20, s15, s13, $0xb8;
	[tilespmem:$0x1F470] =	vst v63  }
0x6d: {  	_ =	swait.ge [sflag:s17], $0x3000  }
0x6e: {  	[sflag:s17] =	ssyncset.done $0x0  }
.Ltmp4:
0x6f: {  	[sflag:s17] =	ssyncadd.s32 $0xFFFFD000;
	(pc) =	sbr.rel @p1 .LBB2_10-.Ltmp4, $4  }
0x70: {  	[spmem:s3] =	stream.indirect.scatter.add.f32 [tilespmem:s14], [sflag:$0x3], $0x20, s13, s13, $0xb8;
	[tilespmem:$0x1F470] =	vst v63  }
0x71: {  	_ =	swait.ge [sflag:s18], $0x3000  }
0x72: {  	[sflag:s18] =	ssyncset.done $0x0  }
0x73: {  	[sflag:s18] =	ssyncadd.s32 $0xFFFFD000  }
0x74: {  	[spmem:s3] =	stream.indirect.scatter.add.f32 [tilespmem:s16], [sflag:$0x4], $0x20, s19, s13, $0xb8;
	[tilespmem:$0x1F470] =	vst v63  }
0x75: {  	_ =	swait.ge [sflag:s20], $0x3000  }
0x76: {  	[sflag:s20] =	ssyncset.done $0x0  }
0x77: {  	s23 =	simm.s32 $0x0;
	[sflag:s20] =	ssyncadd.s32 $0xFFFFD000  }
0x78: {  	s23 =	sand.u32 $0xF, s23;
	_ =	swait.ge [sflag:s21], $0x3000  }
0x79: {  	s25 =	simm.s32 $0x1;
	p1 =	sne.s32 s23, s2;
	[sflag:s21] =	ssyncset.done $0x0  }
0x7a: {  	s23 =	sshll.u32 @!p1 s2, $0x6;
	s24 =	sshrl.u32 @!p1 s3, $0x3;
	[sflag:s21] =	ssyncadd.s32 $0xFFFFD000  }
0x7b: {  	s26 =	simm.s32 @!p1 $0x5;
	s23 =	sor.u32 @!p1 $0x1C05, s23;
	[bflag:$0x0] =	sbarrier.arrive $0xFFFF  }
0x7c: {  	[hbm:s7], [sflag:s23] =	dma.local @!p1 [spmem:s24], $0xFA0  }
0x7d: {  	s28 =	sand.u32 $0xF, s25;
	s25 =	sadd.s32 $0x7D00, s3;
	_ =	swait.ge @!p1 [sflag:s26], $0xFA0  }
0x7e: {  	s24 =	simm.s32 $0x2;
	s23 =	sadd.s32 $0xFA0, s7;
	[sflag:s26] =	ssyncset.done @!p1 $0x0  }
.LBB2_12:
0x7f: {  	[sflag:s26] =	ssyncadd.s32 @!p1 $0xFFFFF060  }
0x80: {  	p1 =	sne.s32 s28, s2;
	s28 =	smov.u32 s24;
	s24 =	sadd.s32 $0x1, s24  }
0x81: {  	p2 =	seq.s32 s24, $0x32  }
.Ltmp5:
0x82: {  	s26 =	sshll.u32 @!p1 s2, $0x6;
	s29 =	sshrl.u32 @!p1 s25, $0x3;
	(pc) =	sbr.rel @!p2 .LBB2_12-.Ltmp5, $4  }
0x83: {  	s30 =	sor.u32 @!p1 $0x1C05, s26;
	s26 =	simm.s32 @!p1 $0x5  }
0x84: {  	[hbm:s23], [sflag:s30] =	dma.local @!p1 [spmem:s29], $0xFA0  }
0x85: {  	s23 =	sadd.s32 $0xFA0, s23;
	_ =	swait.ge @!p1 [sflag:s26], $0xFA0  }
0x86: {  	s28 =	sand.u32 $0xF, s28;
	s25 =	sadd.s32 $0x7D00, s25;
	[sflag:s26] =	ssyncset.done @!p1 $0x0  }
0x87: {  	p2 =	sne.s32 s28, s2  }
0x88: {  	[sflag:s26] =	ssyncadd.s32 @!p1 $0xFFFFF060;
	s24 =	sshll.u32 @!p2 s2, $0x6;
	s25 =	sshrl.u32 @!p2 s25, $0x3  }
.Ltmp6:
0x89: {  	s26 =	simm.s32 @!p2 $0x5;
	s24 =	sor.u32 @!p2 $0x1C05, s24;
	(pc) =	sbr.rel .LBB2_14-.Ltmp6, $4  }
0x8a: {  	[hbm:s23], [sflag:s24] =	dma.local @!p2 [spmem:s25], $0xFA0  }
0x8b: {  	_ =	swait.ge @!p2 [sflag:s26], $0xFA0  }
0x8c: {  	[sflag:s26] =	ssyncset.done @!p2 $0x0  }
0x8d: {  	[sflag:s26] =	ssyncadd.s32 @!p2 $0xFFFFF060  }
.LBB2_4:
0x8e: {  	[tilespmem:s4], [sflag:$0x5] =	stream.linear.gather [hbm4b:s10+s4], $0x300, $0x38;
	[tilespmem:$0x1F470] =	vst v63  }
0x8f: {  	_ =	swait.ge [sflag:s12], $0x300  }
0x90: {  	[sflag:s12] =	ssyncset.done $0x0  }
0x91: {  	[sflag:s12] =	ssyncadd.s32 $0xFFFFFD00  }
0x92: {  	[tilespmem:s14], [sflag:$0x1] =	stream.indirect.gather [hbm4b:s5+s13], $0x20, s4, s13, $0xb8;
	[tilespmem:$0x1F470] =	vst v63  }
0x93: {  	_ = 	snop  }
0x94: {  	[tilespmem:s15], [sflag:$0x5] =	stream.linear.gather [hbm4b:s11+s4], $0x300, $0x38;
	[tilespmem:$0x1F470] =	vst v63  }
0x95: {  	_ =	swait.ge [sflag:s12], $0x300  }
0x96: {  	[sflag:s12] =	ssyncset.done $0x0  }
0x97: {  	[sflag:s12] =	ssyncadd.s32 $0xFFFFFD00  }
0x98: {  	[tilespmem:s16], [sflag:$0x2] =	stream.indirect.gather [hbm4b:s5+s13], $0x20, s15, s13, $0xb8;
	[tilespmem:$0x1F470] =	vst v63  }
0x99: {  	_ =	swait.ge [sflag:s17], $0x3000  }
0x9a: {  	[sflag:s17] =	ssyncset.done $0x0  }
0x9b: {  	[sflag:s17] =	ssyncadd.s32 $0xFFFFD000  }
0x9c: {  	[spmem:s3] =	stream.indirect.scatter.add.f32 [tilespmem:s14], [sflag:$0x3], $0x20, s13, s13, $0xb8;
	[tilespmem:$0x1F470] =	vst v63  }
0x9d: {  	_ =	swait.ge [sflag:s18], $0x3000  }
0x9e: {  	[sflag:s18] =	ssyncset.done $0x0  }
0x9f: {  	[sflag:s18] =	ssyncadd.s32 $0xFFFFD000  }
0xa0: {  	[spmem:s3] =	stream.indirect.scatter.add.f32 [tilespmem:s16], [sflag:$0x4], $0x20, s19, s13, $0xb8;
	[tilespmem:$0x1F470] =	vst v63  }
0xa1: {  	_ =	swait.ge [sflag:s20], $0x3000  }
0xa2: {  	s23 =	sadd.s32 $0xFFFFCF40, s10;
	[sflag:s20] =	ssyncset.done $0x0  }
0xa3: {  	s24 =	sadd.s32 $0x3180, s23;
	[sflag:s20] =	ssyncadd.s32 $0xFFFFD000  }
0xa4: {  	[tilespmem:s4], [sflag:$0x5] =	stream.linear.gather [hbm4b:s24+s4], $0x300, $0x38;
	[tilespmem:$0x1F470] =	vst v63  }
0xa5: {  	_ =	swait.ge [sflag:s12], $0x300  }
0xa6: {  	[sflag:s12] =	ssyncset.done $0x0  }
0xa7: {  	[sflag:s12] =	ssyncadd.s32 $0xFFFFFD00  }
0xa8: {  	[tilespmem:s14], [sflag:$0x1] =	stream.indirect.gather [hbm4b:s5+s13], $0x20, s4, s13, $0xb8;
	[tilespmem:$0x1F470] =	vst v63  }
0xa9: {  	_ =	swait.ge [sflag:s21], $0x3000  }
0xaa: {  	[sflag:s21] =	ssyncset.done $0x0  }
0xab: {  	s23 =	sadd.s32 $0x31E0, s23;
	[sflag:s21] =	ssyncadd.s32 $0xFFFFD000  }
0xac: {  	[tilespmem:s15], [sflag:$0x5] =	stream.linear.gather [hbm4b:s23+s4], $0x300, $0x38;
	[tilespmem:$0x1F470] =	vst v63  }
0xad: {  	_ =	swait.ge [sflag:s12], $0x300  }
0xae: {  	[sflag:s12] =	ssyncset.done $0x0  }
0xaf: {  	[sflag:s12] =	ssyncadd.s32 $0xFFFFFD00  }
0xb0: {  	[tilespmem:s16], [sflag:$0x2] =	stream.indirect.gather [hbm4b:s5+s13], $0x20, s15, s13, $0xb8;
	[tilespmem:$0x1F470] =	vst v63  }
0xb1: {  	_ =	swait.ge [sflag:s17], $0x3000  }
0xb2: {  	[sflag:s17] =	ssyncset.done $0x0  }
0xb3: {  	[sflag:s17] =	ssyncadd.s32 $0xFFFFD000  }
0xb4: {  	[spmem:s3] =	stream.indirect.scatter.add.f32 [tilespmem:s14], [sflag:$0x3], $0x20, s13, s13, $0xb8;
	[tilespmem:$0x1F470] =	vst v63  }
0xb5: {  	_ =	swait.ge [sflag:s18], $0x3000  }
0xb6: {  	[sflag:s18] =	ssyncset.done $0x0  }
0xb7: {  	s23 =	simm.s32 $0xFFFFD000;
	[sflag:s18] =	ssyncadd.s32 $0xFFFFD000  }
.LBB2_5:
0xb8: {  	[spmem:s3] =	stream.indirect.scatter.add.f32 [tilespmem:s16], [sflag:$0x4], $0x20, s19, s13, $0xb8;
	[tilespmem:$0x1F470] =	vst v63  }
0xb9: {  	s24 =	smov.u32 s23  }
0xba: {  	p1 =	seq.s32 s23, $0xFFFFFF40;
	s23 =	sadd.s32 $0xC0, s23;
	_ =	swait.ge [sflag:s20], $0x3000  }
0xbb: {  	s24 =	sadd.s32 s24, s10;
	[sflag:s20] =	ssyncset.done $0x0  }
0xbc: {  	s25 =	sadd.s32 $0x3180, s24;
	[sflag:s20] =	ssyncadd.s32 $0xFFFFD000  }
0xbd: {  	[tilespmem:s4], [sflag:$0x5] =	stream.linear.gather [hbm4b:s25+s4], $0x300, $0x38;
	[tilespmem:$0x1F470] =	vst v63  }
0xbe: {  	_ =	swait.ge [sflag:s12], $0x300  }
0xbf: {  	[sflag:s12] =	ssyncset.done $0x0  }
0xc0: {  	[sflag:s12] =	ssyncadd.s32 $0xFFFFFD00  }
0xc1: {  	[tilespmem:s14], [sflag:$0x1] =	stream.indirect.gather [hbm4b:s5+s13], $0x20, s4, s13, $0xb8;
	[tilespmem:$0x1F470] =	vst v63  }
0xc2: {  	_ =	swait.ge [sflag:s21], $0x3000  }
0xc3: {  	[sflag:s21] =	ssyncset.done $0x0  }
0xc4: {  	s24 =	sadd.s32 $0x31E0, s24;
	[sflag:s21] =	ssyncadd.s32 $0xFFFFD000  }
0xc5: {  	[tilespmem:s15], [sflag:$0x5] =	stream.linear.gather [hbm4b:s24+s4], $0x300, $0x38;
	[tilespmem:$0x1F470] =	vst v63  }
0xc6: {  	_ =	swait.ge [sflag:s12], $0x300  }
0xc7: {  	[sflag:s12] =	ssyncset.done $0x0  }
0xc8: {  	[sflag:s12] =	ssyncadd.s32 $0xFFFFFD00  }
0xc9: {  	[tilespmem:s16], [sflag:$0x2] =	stream.indirect.gather [hbm4b:s5+s13], $0x20, s15, s13, $0xb8;
	[tilespmem:$0x1F470] =	vst v63  }
0xca: {  	_ =	swait.ge [sflag:s17], $0x3000  }
0xcb: {  	[sflag:s17] =	ssyncset.done $0x0  }
.Ltmp7:
0xcc: {  	[sflag:s17] =	ssyncadd.s32 $0xFFFFD000;
	(pc) =	sbr.rel @!p1 .LBB2_5-.Ltmp7, $4  }
0xcd: {  	[spmem:s3] =	stream.indirect.scatter.add.f32 [tilespmem:s14], [sflag:$0x3], $0x20, s13, s13, $0xb8;
	[tilespmem:$0x1F470] =	vst v63  }
0xce: {  	_ =	swait.ge [sflag:s18], $0x3000  }
0xcf: {  	[sflag:s18] =	ssyncset.done $0x0  }
0xd0: {  	[sflag:s18] =	ssyncadd.s32 $0xFFFFD000  }
0xd1: {  	[spmem:s3] =	stream.indirect.scatter.add.f32 [tilespmem:s16], [sflag:$0x4], $0x20, s19, s13, $0xb8;
	[tilespmem:$0x1F470] =	vst v63  }
0xd2: {  	_ =	swait.ge [sflag:s20], $0x3000  }
0xd3: {  	[sflag:s20] =	ssyncset.done $0x0  }
0xd4: {  	s23 =	simm.s32 $0x0;
	[sflag:s20] =	ssyncadd.s32 $0xFFFFD000  }
0xd5: {  	s23 =	sand.u32 $0xF, s23;
	_ =	swait.ge [sflag:s21], $0x3000  }
0xd6: {  	s25 =	simm.s32 $0x1;
	p1 =	sne.s32 s23, s2;
	[sflag:s21] =	ssyncset.done $0x0  }
0xd7: {  	s23 =	sshll.u32 @!p1 s2, $0x6;
	s24 =	sshrl.u32 @!p1 s3, $0x3;
	[sflag:s21] =	ssyncadd.s32 $0xFFFFD000  }
0xd8: {  	s26 =	simm.s32 @!p1 $0x5;
	s23 =	sor.u32 @!p1 $0x1C05, s23;
	[bflag:$0x0] =	sbarrier.arrive $0xFFFF  }
0xd9: {  	[hbm:s8], [sflag:s23] =	dma.local @!p1 [spmem:s24], $0xFA0  }
0xda: {  	s28 =	sand.u32 $0xF, s25;
	s25 =	sadd.s32 $0x7D00, s3;
	_ =	swait.ge @!p1 [sflag:s26], $0xFA0  }
0xdb: {  	s24 =	simm.s32 $0x2;
	s23 =	sadd.s32 $0xFA0, s8;
	[sflag:s26] =	ssyncset.done @!p1 $0x0  }
.LBB2_7:
0xdc: {  	[sflag:s26] =	ssyncadd.s32 @!p1 $0xFFFFF060  }
0xdd: {  	p1 =	sne.s32 s28, s2;
	s28 =	smov.u32 s24;
	s24 =	sadd.s32 $0x1, s24  }
0xde: {  	p2 =	sne.s32 s24, $0x32  }
.Ltmp8:
0xdf: {  	s26 =	sshll.u32 @!p1 s2, $0x6;
	s29 =	sshrl.u32 @!p1 s25, $0x3;
	(pc) =	sbr.rel @p2 .LBB2_7-.Ltmp8, $4  }
0xe0: {  	s30 =	sor.u32 @!p1 $0x1C05, s26;
	s26 =	simm.s32 @!p1 $0x5  }
0xe1: {  	[hbm:s23], [sflag:s30] =	dma.local @!p1 [spmem:s29], $0xFA0  }
0xe2: {  	s23 =	sadd.s32 $0xFA0, s23;
	_ =	swait.ge @!p1 [sflag:s26], $0xFA0  }
0xe3: {  	s28 =	sand.u32 $0xF, s28;
	s25 =	sadd.s32 $0x7D00, s25;
	[sflag:s26] =	ssyncset.done @!p1 $0x0  }
.Ltmp9:
0xe4: {  	_ = 	snop;
	(pc) =	sbr.rel .LBB2_8-.Ltmp9, $1  }
0xe5: {  	_ =	sdelay $0x3  }
.LBB2_15:
0xe6: {  	_ =	sfence.sel $0x180000  }
0xe7: {  	[bflag:$0x0] =	sbarrier.arrive $0xFFFF  }
0xe8: {  	p0 =	sne.s32 s2, $0x0;
	_ =	strace $0x9000004A  }
0xe9: {  	s0 =	sadd.s32 @!p0 $0x100000, s0;
	[bflag:$0x2] =	sbarrier.arrive $0xFFFF  }
0xea: {  	[sflag:s0] =	ssyncadd.tile.s32 @!p0 $0x1;
	_ =	shalt  }
.Lfunc_end2:
_tile_overlayer_lowered:
.L_overlay_start_2:
0xeb: {  	(tag) =	ssettag $0x2  }
0xec: {  	s0 =	rddreg [dreg:$0x0];
	s2 =	stileid.u32  }
0xed: {  	s1 =	rddreg [dreg:$0x1];
	p0 =	sne.s32 s2, $0x0  }
0xee: {  	s3 =	rddreg [dreg:$0x2];
	[bflag:$0x3] =	sbarrier.arrive $0xFFFF;
	s2 =	simm.s32 @!p0 $0x1C05  }
0xef: {  	[timem:s3], [sflag:s2] =	dma.local @!p0 [hbm:s0], s1  }
0xf0: {  	s0 =	simm.s32 @!p0 $0x5  }
0xf1: {  	_ =	swait.ge @!p0 [sflag:s0], s1  }
0xf2: {  	s1 =	ssub.s32 @!p0 $0x0, s1;
	[sflag:s0] =	ssyncset.done @!p0 $0x0  }
0xf3: {  	[sflag:s0] =	ssyncadd.s32 @!p0 s1  }
0xf4: {  	[bflag:$0x3] =	sbarrier.arrive $0xFFFF  }
0xf5: {  	_ =	shalt  }

// kernel: kernel.15.cloned.1.call-start
scs
__scs_entry_jumppad:
0x0: {  	(pc) =	sbr.rel $0x88, $3  }
0x1: {  	(tag) =	ssettag $0x0;
	lr =	simm.s32 $0x1  }
0x2: {  	[smem:$0x3F99] =	sst lr;
	_ =	strace $0xD0000000  }
0x3: {  	_ = 	snop  }
0x4: {  	_ = 	snop  }
0x5: {  	_ = 	snop  }
0x6: {  	_ = 	snop  }
0x7: {  	_ = 	snop  }
__scs_overlays_trampoline_lowered:
0x8: {  	[smem:$0x3FA8] =	sst s0  }
0x9: {  	[smem:$0x3FA9] =	sst s1  }
0xa: {  	[smem:$0x3FAA] =	sst s2  }
0xb: {  	[smem:$0x3FAB] =	sst s3  }
0xc: {  	[smem:$0x3FAC] =	sst s4  }
0xd: {  	[smem:$0x3FAD] =	sst s5  }
0xe: {  	[smem:$0x3FAE] =	sst s6  }
0xf: {  	[smem:$0x3FAF] =	sst s7  }
0x10: {  	[smem:$0x3FB0] =	sst s8  }
0x11: {  	[smem:$0x3FB1] =	sst s9;
	s0 =	simm.s32 @!p0 $0x0  }
0x12: {  	s1 =	sld [smem:$0x3F97];
	s0 =	simm.s32 @p0 $0x1  }
0x13: {  	[smem:$0x3FB2] =	sst s0;
	s0 =	simm.s32 @!p1 $0x0  }
0x14: {  	s2 =	sld [smem:$0x3F96];
	s0 =	simm.s32 @p1 $0x1  }
0x15: {  	[smem:$0x3FB3] =	sst s0;
	s0 =	simm.s32 @!p2 $0x0  }
0x16: {  	s3 =	sld [smem:$0x3FDB];
	s0 =	simm.s32 @p2 $0x1  }
0x17: {  	s4 =	simm.s32 $0x1BF5;
	[smem:$0x3FB5] =	sst s0  }
0x18: {  	s0 =	sld [smem:$0x3F98];
	_ =	swait.ge [sflag:s4], $0x0  }
0x19: {  	s7 =	sld [smem:$0x3F99]  }
0x1a: {  	s8 =	sadd.s32 $0xFFFFE003, lr  }
0x1b: {  	s9 =	sadd.s32 $0xFFFFFEF7, lr;
	s5 =	simm.s32 $0xFFFFFFFF;
	p2 =	slt.u32 s8, $0xFFFFF086  }
0x1c: {  	p1 =	slt.u32 s9, $0xF7A;
	s5 =	simm.s32 @!p2 $0x0  }
0x1d: {  	s5 =	simm.s32 @p1 $0x1;
	p0 =	seq.s32 s7, s2  }
0x1e: {  	s7 =	smul.u32 @!p0 $0xF7A, s2;
	p2 =	seq.s32 @!p0 s5, $0x0  }
0x1f: {  	s9 =	smul.u32 $0xF7A, s1;
	s8 =	simm.s32 @!p0 $0x1BF5;
	p2 =	por !p2, p0  }
0x20: {  	[sflag:s8] =	ssyncset.s32 @!p0 $0xFFFFF086;
	s6 =	sadd.s32 @!p0 s3, s7;
	s7 =	simm.s32 @!p0 $0x108  }
0x21: {  	s3 =	sadd.s32 s3, s9;
	s6 =	sadd.s32 @!p0 $0x88, s6;
	s7 =	simm.s32 @p2 $0x1082  }
0x22: {  	[simem:s7], [sflag:s8] =	dma.local @!p0 [hbm:s6], $0xF7A  }
0x23: {  	s9 =	sor.u32 $0xD0000000, s2;
	s6 =	simm.s32 $0x108;
	_ =	swait.ge @!p0 [sflag:s8], $0x0  }
0x24: {  	s3 =	sadd.s32 $0x88, s3;
	s6 =	simm.s32 @!p1 $0x1082;
	[sflag:s4] =	ssyncset.s32 $0xFFFFF086  }
0x25: {  	[simem:s6], [sflag:s4] =	dma.local [hbm:s3], $0xF7A  }
0x26: {  	[smem:$0x3F99] =	sst s1;
	(tag) =	ssettag s2;
	_ =	strace s9  }
0x27: {  	s1 =	sld [smem:$0x3FA9]  }
0x28: {  	s2 =	sld [smem:$0x3FAA]  }
0x29: {  	s4 =	sld [smem:$0x3FAC]  }
0x2a: {  	p0 =	seq.s32 s5, $0x0;
	s5 =	sld [smem:$0x3FAD]  }
0x2b: {  	s6 =	sld [smem:$0x3FAE]  }
0x2c: {  	s7 =	sld [smem:$0x3FAF]  }
0x2d: {  	s3 =	simm.s32 $0x108;
	s8 =	sld [smem:$0x3FB0]  }
0x2e: {  	s3 =	simm.s32 @!p0 $0x1082;
	s9 =	sld [smem:$0x3FB1]  }
0x2f: {  	lr =	sadd.s32 s0, s3;
	s0 =	sld [smem:$0x3FA8]  }
0x30: {  	s3 =	sld [smem:$0x3FAB]  }
0x31: {  	[smem:$0x3FB4] =	sst s10  }
0x32: {  	s10 =	sld [smem:$0x3FB2];
	_ =	sdelay $0x3  }
0x33: {  	p0 =	seq.s32 s10, $0x1;
	s10 =	sld [smem:$0x3FB4];
	_ =	sdelay $0x3  }
0x34: {  	[smem:$0x3FB4] =	sst s10  }
0x35: {  	s10 =	sld [smem:$0x3FB3];
	_ =	sdelay $0x3  }
0x36: {  	p1 =	seq.s32 s10, $0x1;
	s10 =	sld [smem:$0x3FB4];
	_ =	sdelay $0x3  }
0x37: {  	[smem:$0x3FB4] =	sst s10  }
0x38: {  	s10 =	sld [smem:$0x3FB5]  }
0x39: {  	_ = 	snop;
	(pc) =	sbr.ind lr, $3  }
0x3a: {  	_ = 	snop  }
0x3b: {  	_ = 	snop  }
0x3c: {  	p2 =	seq.s32 s10, $0x1;
	s10 =	sld [smem:$0x3FB4]  }
0x3d: {  	_ =	shalt  }
0x3e: {  	_ =	shalt  }
0x3f: {  	_ =	shalt  }
0x40: {  	_ =	shalt  }
0x41: {  	_ =	shalt  }
0x42: {  	_ =	shalt  }
0x43: {  	_ =	shalt  }
0x44: {  	_ =	shalt  }
0x45: {  	_ =	shalt  }
0x46: {  	_ =	shalt  }
0x47: {  	_ =	shalt  }
0x48: {  	_ =	shalt  }
0x49: {  	_ =	shalt  }
0x4a: {  	_ =	shalt  }
0x4b: {  	_ =	shalt  }
0x4c: {  	_ =	shalt  }
0x4d: {  	_ =	shalt  }
0x4e: {  	_ =	shalt  }
0x4f: {  	_ =	shalt  }
0x50: {  	_ =	shalt  }
0x51: {  	_ =	shalt  }
0x52: {  	_ =	shalt  }
0x53: {  	_ =	shalt  }
0x54: {  	_ =	shalt  }
0x55: {  	_ =	shalt  }
0x56: {  	_ =	shalt  }
0x57: {  	_ =	shalt  }
0x58: {  	_ =	shalt  }
0x59: {  	_ =	shalt  }
0x5a: {  	_ =	shalt  }
0x5b: {  	_ =	shalt  }
0x5c: {  	_ =	shalt  }
0x5d: {  	_ =	shalt  }
0x5e: {  	_ =	shalt  }
0x5f: {  	_ =	shalt  }
0x60: {  	_ =	shalt  }
0x61: {  	_ =	shalt  }
0x62: {  	_ =	shalt  }
0x63: {  	_ =	shalt  }
0x64: {  	_ =	shalt  }
0x65: {  	_ =	shalt  }
0x66: {  	_ =	shalt  }
0x67: {  	_ =	shalt  }
0x68: {  	_ =	shalt  }
0x69: {  	_ =	shalt  }
0x6a: {  	_ =	shalt  }
0x6b: {  	_ =	shalt  }
0x6c: {  	_ =	shalt  }
0x6d: {  	_ =	shalt  }
0x6e: {  	_ =	shalt  }
0x6f: {  	_ =	shalt  }
0x70: {  	_ =	shalt  }
0x71: {  	_ =	shalt  }
0x72: {  	_ =	shalt  }
0x73: {  	_ =	shalt  }
0x74: {  	_ =	shalt  }
0x75: {  	_ =	shalt  }
0x76: {  	_ =	shalt  }
0x77: {  	_ =	shalt  }
0x78: {  	_ =	shalt  }
0x79: {  	_ =	shalt  }
0x7a: {  	_ =	shalt  }
0x7b: {  	_ =	shalt  }
0x7c: {  	_ =	shalt  }
0x7d: {  	_ =	shalt  }
0x7e: {  	_ =	shalt  }
0x7f: {  	_ =	shalt  }
0x80: {  	_ =	shalt  }
0x81: {  	_ =	shalt  }
0x82: {  	_ =	shalt  }
0x83: {  	_ =	shalt  }
0x84: {  	_ =	shalt  }
0x85: {  	_ =	shalt  }
0x86: {  	_ =	shalt  }
0x87: {  	_ =	shalt  }
.Lfunc_end0:
.L_simem_size_0:
called_computation.1_lowered:
.L_overlay_start_0:
0x88: {  	s2 =	sld [smem:$0x3FD9]  }
0x89: {  	s3 =	sld [smem:$0x3FFE];
	_ =	sdelay $0x1  }
0x8a: {  	s1 =	srdreg.scid  }
0x8b: {  	s0 =	sand.u32 $0x1, s1  }
0x8c: {  	s17 =	sshll.u32 s0, $0xA;
	s2 =	sadd.s32 s3, s2  }
0x8d: {  	s2 =	sadd.s32 s2, s17  }
0x8e: {  	[smem:$0x3FC0] =	sst s2  }
0x8f: {  	_ = 	snop  }
0x90: {  	(tm) =	ssettm $0x1  }
0x91: {  	s18 =	sld [smem:$0x3FFB];
	_ =	sdelay $0x3  }
0x92: {  	_ =	strace s18  }
0x93: {  	s2 =	sld [smem:$0x3FFC];
	_ =	sdelay $0x3  }
0x94: {  	_ =	strace s2  }
0x95: {  	s2 =	sld [smem:$0x3FFD];
	_ =	sdelay $0x3  }
0x96: {  	_ =	strace s2  }
0x97: {  	_ =	strace $0x8FFFFFFF  }
0x98: {  	s19 =	sld [smem:$0x3FDB];
	_ =	sdelay $0x1  }
0x99: {  	s20 =	simm.s32 $_scs_section_size  }
0x9a: {  	s4 =	simm.s32 $_size__tile_overlayer_lowered;
	s5 =	simm.s32 $_tile_overlayer_lowered  }
0x9b: {  	s6 =	simm.s32 $0x1BFF;
	s21 =	sshll.u32 s5, $0x1;
	s3 =	sadd.s32 s20, s19  }
0x9c: {  	s22 =	simm.s32 $0x0;
	s4 =	sshll.u32 s4, $0x1;
	s5 =	sadd.s32 s21, s3  }
0x9d: {  	[timem:s22], [sflag:s6] =	dma.local [hbm:s5], s4  }
0x9e: {  	_ =	swait.ge [sflag:s6], s4  }
0x9f: {  	s4 =	ssub.s32 $0x0, s4;
	[sflag:s6] =	ssyncset.done $0x0  }
0xa0: {  	[sflag:s6] =	ssyncadd.s32 s4;
	_ =	sdelay $0x1  }
0xa1: {  	s23 =	simm.s32 $0x1B8B  }
0xa2: {  	_ =	swait.ge [sflag:s23], $0x1  }
0xa3: {  	[sflag:s23] =	ssyncset.done $0x0  }
0xa4: {  	[sflag:s23] =	ssyncadd.s32 $0xFFFFFFFF  }
0xa5: {  	s4 =	sld [smem:$0x0]  }
0xa6: {  	s5 =	sand.u32 $0xFFFFFFFE, s1  }
0xa7: {  	p0 =	sne.s32 s1, s5  }
0xa8: {  	s5 =	sshll.u32 @p0 s5, $0xE  }
0xa9: {  	s5 =	sadd.s32 @p0 $0x11B8D, s5;
	s6 =	sshll.u32 @p0 s4, $0x11  }
0xaa: {  	s5 =	sor.u32 @p0 s6, s5  }
0xab: {  	[sflag:s5] =	ssyncadd.remote.s32 @p0 $0x1;
	_ =	sdelay $0x1  }
0xac: {  	s5 =	simm.s32 @p0 $0x1B8D  }
0xad: {  	_ =	swait.eq @p0 [sflag:s5], $0x1  }
0xae: {  	[sflag:s5] =	ssyncadd.s32 @p0 $0xFFFFFFFF  }
0xaf: {  	s6 =	sshll.u32 @!p0 s1, $0xE  }
0xb0: {  	s6 =	sor.u32 @!p0 $0x4000, s6;
	s5 =	simm.s32 @!p0 $0x1B8D  }
0xb1: {  	s4 =	sshll.u32 @!p0 s4, $0x11;
	s6 =	sadd.s32 @!p0 $0x11B8D, s6;
	_ =	swait.eq @!p0 [sflag:s5], $0x1  }
0xb2: {  	s4 =	sor.u32 @!p0 s4, s6;
	[sflag:s5] =	ssyncadd.s32 @!p0 $0xFFFFFFFF  }
0xb3: {  	s25 =	simm.s32 $0x1B8E;
	s24 =	sld [smem:$0x3FFE];
	[sflag:s4] =	ssyncadd.remote.s32 @!p0 $0x1  }
0xb4: {  	s26 =	simm.s32 $execute0_lowered;
	[smem:$0x3FD2] =	sst s25  }
0xb5: {  	s5 =	sshll.u32 s26, $0x1;
	_ =	strace $0x8000004F;
	[dreg:$0x1] =	wrdreg $0xFFFFFFFF  }
0xb6: {  	s28 =	simm.s32 $_size_execute0_lowered;
	s3 =	sadd.s32 s3, s5;
	[dreg:$0x0] =	wrdreg $0x0  }
0xb7: {  	s5 =	sshll.u32 s28, $0x1;
	[dreg:$0x2] =	wrdreg s3  }
0xb8: {  	[dreg:$0x3] =	wrdreg s5  }
0xb9: {  	[dreg:$0x4] =	wrdreg $0xC0  }
0xba: {  	_ =	task [dreg:s22], $0x5FFFF  }
0xbb: {  	[dreg:$0x1] =	wrdreg $0xFFFFFFFF  }
0xbc: {  	[dreg:$0x0] =	wrdreg $0x60  }
0xbd: {  	[dreg:$0x2] =	wrdreg s24  }
0xbe: {  	[dreg:$0x3] =	wrdreg $0x66000  }
0xbf: {  	[dreg:$0x4] =	wrdreg $0x9  }
0xc0: {  	_ =	task.clear_ibuf [dreg:s22], $0x5FFFF;
	_ =	strace $0x9000004F  }
0xc1: {  	s29 =	simm.s32 $0x9;
	_ =	strace $0x80000051  }
0xc2: {  	_ =	swait.ge [sflag:s29], $0x1  }
0xc3: {  	[sflag:s29] =	ssyncadd.s32 $0xFFFFFFFF  }
0xc4: {  	_ =	strace $0x90000051  }
0xc5: {  	_ =	sfence  }
0xc6: {  	s30 =	sld [smem:$0x0];
	_ =	sdelay $0x2  }
0xc7: {  	s31 =	sshll.u32 s1, $0xD;
	s1 =	sshrl.u32 s1, $0x2  }
0xc8: {  	s4 =	sand.u32 $0x4000, s31;
	s1 =	sadd.s32 s1, s30  }
0xc9: {  	s0 =	sor.u32 s4, s0;
	s1 =	sshll.u32 s1, $0x11  }
0xca: {  	s0 =	sor.u32 s1, s0  }
0xcb: {  	s0 =	sadd.s32 $0x8F2B, s0  }
0xcc: {  	[sflag:s0] =	ssyncadd.remote.s32 $0x1  }
0xcd: {  	_ =	sfence.sel $0xFFFF  }
0xce: {  	[dreg:$0x0] =	wrdreg $0xFFFFFFFF;
	(pc) =	sbr.abs _section_cstart, $3  }
0xcf: {  	[dreg:$0x1] =	wrdreg $0xFFFFFFFF  }
0xd0: {  	_ =	task.clear_ibuf [dreg:s22], $0x2FFFF;
	_ =	strace $0x9FFFFFFF  }
0xd1: {  	(tm) =	ssettm $0x7FFFFFFF  }
tec
execute0_lowered:
.L_overlay_start_1:
0x0: {  	(tag) =	ssettag $0x1  }
0x1: {  	s8 =	rddreg [dreg:$0x0]  }
0x2: {  	s2 =	rddreg [dreg:$0x1]  }
0x3: {  	s0 =	rddreg [dreg:$0x2];
	s3 =	simm.s32 $0x0;
	s1 =	stileid.u32  }
0x4: {  	s4 =	srdreg.scid;
	s13 =	simm.s32 $0x180;
	s14 =	simm.s32 $0x600  }
0x5: {  	s15 =	simm.s32 $0x300;
	s16 =	simm.s32 $0x3600;
	s17 =	simm.s32 $0x1  }
0x6: {  	s18 =	simm.s32 $0x2;
	s19 =	simm.s32 $0x480;
	s20 =	simm.s32 $0x3  }
0x7: {  	s21 =	simm.s32 $0x4;
	s22 =	simm.s32 $0x0;
	s6 =	smul.u32 $0x3180, s1  }
0x8: {  	s12 =	sand.u32 $0x1, s4;
	s4 =	sadd.s32 $0x18D600, s8;
	s5 =	sadd.s32 $0x1BE400, s8  }
.Ltmp0:
0x9: {  	[smem:$0x7FF] =	sst s3;
	s7 =	sadd.s32 $0x281C00, s8;
	(pc) =	sbr.rel .LBB2_1-.Ltmp0, $4  }
0xa: {  	_ =	strace $0x80000050;
	s9 =	ssub.s32 $0x2, s12;
	p0 =	seq.s32 s12, $0x0  }
0xb: {  	s12 =	simm.s32 $0x5;
	s11 =	sadd.s32 s6, s8;
	s10 =	sshrl.u32 s9, $0x1  }
0xc: {  	s6 =	sadd.s32 $0x36C00, s8;
	s8 =	sadd.s32 $0x1EF200, s8;
	s9 =	ssub.s32 s9, s10  }
0xd: {  	s10 =	sadd.s32 $0x98800, s11;
	s11 =	sadd.s32 $0x98860, s11;
	s9 =	smax.u32 s9, $0x1  }
.LBB2_8:
0xe: {  	p2 =	sne.s32 s28, s1  }
0xf: {  	[sflag:s26] =	ssyncadd.s32 @!p1 $0xFFFFF060;
	s24 =	sshll.u32 @!p2 s1, $0x6  }
0x10: {  	s25 =	sshrl.u32 @!p2 s25, $0x3;
	s26 =	simm.s32 @!p2 $0x5;
	s24 =	sor.u32 @!p2 $0x1C05, s24  }
0x11: {  	[hbm:s23], [sflag:s24] =	dma.local @!p2 [spmem:s25], $0xFA0  }
0x12: {  	_ =	swait.ge @!p2 [sflag:s26], $0xFA0  }
0x13: {  	[sflag:s26] =	ssyncset.done @!p2 $0x0  }
0x14: {  	[sflag:s26] =	ssyncadd.s32 @!p2 $0xFFFFF060  }
.LBB2_14:
0x15: {  	s22 =	sadd.s32 $0x1, s22  }
0x16: {  	p1 =	sne.s32 s22, s9  }
.Ltmp1:
0x17: {  	_ = 	snop;
	(pc) =	sbr.rel @!p1 .LBB2_15-.Ltmp1, $1  }
0x18: {  	_ =	sdelay $0x3  }
.LBB2_1:
0x19: {  	s23 =	sand.u32 $0xF, s3  }
0x1a: {  	p1 =	sne.s32 s23, s1  }
0x1b: {  	s31 =	simm.s32 $0x1;
	s23 =	sshll.u32 @!p1 s1, $0x6  }
0x1c: {  	s24 =	sshrl.u32 @!p1 s2, $0x3;
	s25 =	simm.s32 @!p1 $0x5;
	s23 =	sor.u32 @!p1 $0x1C05, s23  }
0x1d: {  	[spmem:s24], [sflag:s23] =	dma.local @!p1 [hbm:s6], $0xFA0  }
0x1e: {  	s26 =	sand.u32 $0xF, s31;
	_ =	swait.ge @!p1 [sflag:s25], $0xFA0  }
0x1f: {  	s24 =	simm.s32 $0x2;
	s23 =	sadd.s32 $0x7D00, s2;
	[sflag:s25] =	ssyncset.done @!p1 $0x0  }
.LBB2_2:
0x20: {  	[sflag:s25] =	ssyncadd.s32 @!p1 $0xFFFFF060  }
0x21: {  	p1 =	sne.s32 s26, s1;
	s26 =	smov.u32 s24;
	s24 =	sadd.s32 $0x1, s24  }
0x22: {  	p2 =	sne.s32 s24, $0x33  }
.Ltmp2:
0x23: {  	s25 =	sshll.u32 @!p1 s1, $0x6;
	s28 =	sshrl.u32 @!p1 s23, $0x3;
	(pc) =	sbr.rel @p2 .LBB2_2-.Ltmp2, $4  }
0x24: {  	s29 =	sor.u32 @!p1 $0x1C05, s25;
	s25 =	simm.s32 @!p1 $0x5  }
0x25: {  	[spmem:s28], [sflag:s29] =	dma.local @!p1 [hbm:s6], $0xFA0  }
0x26: {  	_ =	swait.ge @!p1 [sflag:s25], $0xFA0  }
0x27: {  	s26 =	sand.u32 $0xF, s26;
	s23 =	sadd.s32 $0x7D00, s23;
	[sflag:s25] =	ssyncset.done @!p1 $0x0  }
0x28: {  	p2 =	sne.s32 s26, s1  }
0x29: {  	[sflag:s25] =	ssyncadd.s32 @!p1 $0xFFFFF060;
	s24 =	sshll.u32 @!p2 s1, $0x6  }
0x2a: {  	s23 =	sshrl.u32 @!p2 s23, $0x3;
	s25 =	simm.s32 @!p2 $0x5;
	s24 =	sor.u32 @!p2 $0x1C05, s24  }
0x2b: {  	[spmem:s23], [sflag:s24] =	dma.local @!p2 [hbm:s6], $0xFA0  }
.Ltmp3:
0x2c: {  	_ =	swait.ge @!p2 [sflag:s25], $0xFA0;
	(pc) =	sbr.rel @!p0 .LBB2_4-.Ltmp3, $3  }
0x2d: {  	[sflag:s25] =	ssyncset.done @!p2 $0x0  }
0x2e: {  	[sflag:s25] =	ssyncadd.s32 @!p2 $0xFFFFF060  }
0x2f: {  	[bflag:$0x0] =	sbarrier.arrive $0xFFFF;
	_ =	sdelay $0x1  }
0x30: {  	[tilespmem:s3], [sflag:$0x5] =	stream.linear.gather [hbm4b:s10+s3], $0x300, $0x38;
	[tilespmem:$0x1F470] =	vst v63  }
0x31: {  	_ =	swait.ge [sflag:s12], $0x300  }
0x32: {  	[sflag:s12] =	ssyncset.done $0x0  }
0x33: {  	[sflag:s12] =	ssyncadd.s32 $0xFFFFFD00  }
0x34: {  	[tilespmem:s14], [sflag:$0x1] =	stream.indirect.gather [hbm4b:s4+s13], $0x20, s3, s13, $0xb8;
	[tilespmem:$0x1F470] =	vst v63  }
0x35: {  	_ = 	snop  }
0x36: {  	[tilespmem:s15], [sflag:$0x5] =	stream.linear.gather [hbm4b:s11+s3], $0x300, $0x38;
	[tilespmem:$0x1F470] =	vst v63  }
0x37: {  	_ =	swait.ge [sflag:s12], $0x300  }
0x38: {  	[sflag:s12] =	ssyncset.done $0x0  }
0x39: {  	[sflag:s12] =	ssyncadd.s32 $0xFFFFFD00  }
0x3a: {  	[tilespmem:s16], [sflag:$0x2] =	stream.indirect.gather [hbm4b:s4+s13], $0x20, s15, s13, $0xb8;
	[tilespmem:$0x1F470] =	vst v63  }
0x3b: {  	_ =	swait.ge [sflag:s17], $0x3000  }
0x3c: {  	[sflag:s17] =	ssyncset.done $0x0  }
0x3d: {  	[sflag:s17] =	ssyncadd.s32 $0xFFFFD000  }
0x3e: {  	[spmem:s2] =	stream.indirect.scatter.add.f32 [tilespmem:s14], [sflag:$0x3], $0x20, s13, s13, $0xb8;
	[tilespmem:$0x1F470] =	vst v63  }
0x3f: {  	_ =	swait.ge [sflag:s18], $0x3000  }
0x40: {  	[sflag:s18] =	ssyncset.done $0x0  }
0x41: {  	[sflag:s18] =	ssyncadd.s32 $0xFFFFD000  }
0x42: {  	[spmem:s2] =	stream.indirect.scatter.add.f32 [tilespmem:s16], [sflag:$0x4], $0x20, s19, s13, $0xb8;
	[tilespmem:$0x1F470] =	vst v63  }
0x43: {  	_ =	swait.ge [sflag:s20], $0x3000  }
0x44: {  	s23 =	sadd.s32 $0xFFFFCF40, s10;
	[sflag:s20] =	ssyncset.done $0x0  }
0x45: {  	s24 =	sadd.s32 $0x3180, s23;
	[sflag:s20] =	ssyncadd.s32 $0xFFFFD000  }
0x46: {  	[tilespmem:s3], [sflag:$0x5] =	stream.linear.gather [hbm4b:s24+s3], $0x300, $0x38;
	[tilespmem:$0x1F470] =	vst v63  }
0x47: {  	_ =	swait.ge [sflag:s12], $0x300  }
0x48: {  	[sflag:s12] =	ssyncset.done $0x0  }
0x49: {  	[sflag:s12] =	ssyncadd.s32 $0xFFFFFD00  }
0x4a: {  	[tilespmem:s14], [sflag:$0x1] =	stream.indirect.gather [hbm4b:s4+s13], $0x20, s3, s13, $0xb8;
	[tilespmem:$0x1F470] =	vst v63  }
0x4b: {  	_ =	swait.ge [sflag:s21], $0x3000  }
0x4c: {  	[sflag:s21] =	ssyncset.done $0x0  }
0x4d: {  	s23 =	sadd.s32 $0x31E0, s23;
	[sflag:s21] =	ssyncadd.s32 $0xFFFFD000  }
0x4e: {  	[tilespmem:s15], [sflag:$0x5] =	stream.linear.gather [hbm4b:s23+s3], $0x300, $0x38;
	[tilespmem:$0x1F470] =	vst v63  }
0x4f: {  	_ =	swait.ge [sflag:s12], $0x300  }
0x50: {  	[sflag:s12] =	ssyncset.done $0x0  }
0x51: {  	[sflag:s12] =	ssyncadd.s32 $0xFFFFFD00  }
0x52: {  	[tilespmem:s16], [sflag:$0x2] =	stream.indirect.gather [hbm4b:s4+s13], $0x20, s15, s13, $0xb8;
	[tilespmem:$0x1F470] =	vst v63  }
0x53: {  	_ =	swait.ge [sflag:s17], $0x3000  }
0x54: {  	[sflag:s17] =	ssyncset.done $0x0  }
0x55: {  	[sflag:s17] =	ssyncadd.s32 $0xFFFFD000  }
0x56: {  	[spmem:s2] =	stream.indirect.scatter.add.f32 [tilespmem:s14], [sflag:$0x3], $0x20, s13, s13, $0xb8;
	[tilespmem:$0x1F470] =	vst v63  }
0x57: {  	_ =	swait.ge [sflag:s18], $0x3000  }
0x58: {  	[sflag:s18] =	ssyncset.done $0x0  }
0x59: {  	s23 =	simm.s32 $0xFFFFD000;
	[sflag:s18] =	ssyncadd.s32 $0xFFFFD000  }
.LBB2_10:
0x5a: {  	[spmem:s2] =	stream.indirect.scatter.add.f32 [tilespmem:s16], [sflag:$0x4], $0x20, s19, s13, $0xb8;
	[tilespmem:$0x1F470] =	vst v63  }
0x5b: {  	s24 =	smov.u32 s23  }
0x5c: {  	p1 =	sne.s32 s23, $0xFFFFFF40;
	s23 =	sadd.s32 $0xC0, s23;
	_ =	swait.ge [sflag:s20], $0x3000  }
0x5d: {  	s24 =	sadd.s32 s24, s10;
	[sflag:s20] =	ssyncset.done $0x0  }
0x5e: {  	s25 =	sadd.s32 $0x3180, s24;
	[sflag:s20] =	ssyncadd.s32 $0xFFFFD000  }
0x5f: {  	[tilespmem:s3], [sflag:$0x5] =	stream.linear.gather [hbm4b:s25+s3], $0x300, $0x38;
	[tilespmem:$0x1F470] =	vst v63  }
0x60: {  	_ =	swait.ge [sflag:s12], $0x300  }
0x61: {  	[sflag:s12] =	ssyncset.done $0x0  }
0x62: {  	[sflag:s12] =	ssyncadd.s32 $0xFFFFFD00  }
0x63: {  	[tilespmem:s14], [sflag:$0x1] =	stream.indirect.gather [hbm4b:s4+s13], $0x20, s3, s13, $0xb8;
	[tilespmem:$0x1F470] =	vst v63  }
0x64: {  	_ =	swait.ge [sflag:s21], $0x3000  }
0x65: {  	[sflag:s21] =	ssyncset.done $0x0  }
0x66: {  	s24 =	sadd.s32 $0x31E0, s24;
	[sflag:s21] =	ssyncadd.s32 $0xFFFFD000  }
0x67: {  	[tilespmem:s15], [sflag:$0x5] =	stream.linear.gather [hbm4b:s24+s3], $0x300, $0x38;
	[tilespmem:$0x1F470] =	vst v63  }
0x68: {  	_ =	swait.ge [sflag:s12], $0x300  }
0x69: {  	[sflag:s12] =	ssyncset.done $0x0  }
0x6a: {  	[sflag:s12] =	ssyncadd.s32 $0xFFFFFD00  }
0x6b: {  	[tilespmem:s16], [sflag:$0x2] =	stream.indirect.gather [hbm4b:s4+s13], $0x20, s15, s13, $0xb8;
	[tilespmem:$0x1F470] =	vst v63  }
0x6c: {  	_ =	swait.ge [sflag:s17], $0x3000  }
0x6d: {  	[sflag:s17] =	ssyncset.done $0x0  }
.Ltmp4:
0x6e: {  	[sflag:s17] =	ssyncadd.s32 $0xFFFFD000;
	(pc) =	sbr.rel @p1 .LBB2_10-.Ltmp4, $4  }
0x6f: {  	[spmem:s2] =	stream.indirect.scatter.add.f32 [tilespmem:s14], [sflag:$0x3], $0x20, s13, s13, $0xb8;
	[tilespmem:$0x1F470] =	vst v63  }
0x70: {  	_ =	swait.ge [sflag:s18], $0x3000  }
0x71: {  	[sflag:s18] =	ssyncset.done $0x0  }
0x72: {  	[sflag:s18] =	ssyncadd.s32 $0xFFFFD000  }
0x73: {  	[spmem:s2] =	stream.indirect.scatter.add.f32 [tilespmem:s16], [sflag:$0x4], $0x20, s19, s13, $0xb8;
	[tilespmem:$0x1F470] =	vst v63  }
0x74: {  	_ =	swait.ge [sflag:s20], $0x3000  }
0x75: {  	[sflag:s20] =	ssyncset.done $0x0  }
0x76: {  	s23 =	simm.s32 $0x0;
	[sflag:s20] =	ssyncadd.s32 $0xFFFFD000  }
0x77: {  	s23 =	sand.u32 $0xF, s23;
	_ =	swait.ge [sflag:s21], $0x3000  }
0x78: {  	s25 =	simm.s32 $0x1;
	p1 =	sne.s32 s23, s1;
	[sflag:s21] =	ssyncset.done $0x0  }
0x79: {  	s23 =	sshll.u32 @!p1 s1, $0x6;
	s24 =	sshrl.u32 @!p1 s2, $0x3;
	[sflag:s21] =	ssyncadd.s32 $0xFFFFD000  }
0x7a: {  	s26 =	simm.s32 @!p1 $0x5;
	s23 =	sor.u32 @!p1 $0x1C05, s23;
	[bflag:$0x0] =	sbarrier.arrive $0xFFFF  }
0x7b: {  	[hbm:s7], [sflag:s23] =	dma.local @!p1 [spmem:s24], $0xFA0  }
0x7c: {  	s28 =	sand.u32 $0xF, s25;
	s25 =	sadd.s32 $0x7D00, s2;
	_ =	swait.ge @!p1 [sflag:s26], $0xFA0  }
0x7d: {  	s24 =	simm.s32 $0x2;
	s23 =	sadd.s32 $0xFA0, s7;
	[sflag:s26] =	ssyncset.done @!p1 $0x0  }
.LBB2_12:
0x7e: {  	[sflag:s26] =	ssyncadd.s32 @!p1 $0xFFFFF060  }
0x7f: {  	p1 =	sne.s32 s28, s1;
	s28 =	smov.u32 s24;
	s24 =	sadd.s32 $0x1, s24  }
0x80: {  	p2 =	seq.s32 s24, $0x32  }
.Ltmp5:
0x81: {  	s26 =	sshll.u32 @!p1 s1, $0x6;
	s29 =	sshrl.u32 @!p1 s25, $0x3;
	(pc) =	sbr.rel @!p2 .LBB2_12-.Ltmp5, $4  }
0x82: {  	s30 =	sor.u32 @!p1 $0x1C05, s26;
	s26 =	simm.s32 @!p1 $0x5  }
0x83: {  	[hbm:s23], [sflag:s30] =	dma.local @!p1 [spmem:s29], $0xFA0  }
0x84: {  	s23 =	sadd.s32 $0xFA0, s23;
	_ =	swait.ge @!p1 [sflag:s26], $0xFA0  }
0x85: {  	s28 =	sand.u32 $0xF, s28;
	s25 =	sadd.s32 $0x7D00, s25;
	[sflag:s26] =	ssyncset.done @!p1 $0x0  }
0x86: {  	p2 =	sne.s32 s28, s1  }
0x87: {  	[sflag:s26] =	ssyncadd.s32 @!p1 $0xFFFFF060;
	s24 =	sshll.u32 @!p2 s1, $0x6;
	s25 =	sshrl.u32 @!p2 s25, $0x3  }
.Ltmp6:
0x88: {  	s26 =	simm.s32 @!p2 $0x5;
	s24 =	sor.u32 @!p2 $0x1C05, s24;
	(pc) =	sbr.rel .LBB2_14-.Ltmp6, $4  }
0x89: {  	[hbm:s23], [sflag:s24] =	dma.local @!p2 [spmem:s25], $0xFA0  }
0x8a: {  	_ =	swait.ge @!p2 [sflag:s26], $0xFA0  }
0x8b: {  	[sflag:s26] =	ssyncset.done @!p2 $0x0  }
0x8c: {  	[sflag:s26] =	ssyncadd.s32 @!p2 $0xFFFFF060  }
.LBB2_4:
0x8d: {  	[tilespmem:s3], [sflag:$0x5] =	stream.linear.gather [hbm4b:s10+s3], $0x300, $0x38;
	[tilespmem:$0x1F470] =	vst v63  }
0x8e: {  	_ =	swait.ge [sflag:s12], $0x300  }
0x8f: {  	[sflag:s12] =	ssyncset.done $0x0  }
0x90: {  	[sflag:s12] =	ssyncadd.s32 $0xFFFFFD00  }
0x91: {  	[tilespmem:s14], [sflag:$0x1] =	stream.indirect.gather [hbm4b:s5+s13], $0x20, s3, s13, $0xb8;
	[tilespmem:$0x1F470] =	vst v63  }
0x92: {  	_ = 	snop  }
0x93: {  	[tilespmem:s15], [sflag:$0x5] =	stream.linear.gather [hbm4b:s11+s3], $0x300, $0x38;
	[tilespmem:$0x1F470] =	vst v63  }
0x94: {  	_ =	swait.ge [sflag:s12], $0x300  }
0x95: {  	[sflag:s12] =	ssyncset.done $0x0  }
0x96: {  	[sflag:s12] =	ssyncadd.s32 $0xFFFFFD00  }
0x97: {  	[tilespmem:s16], [sflag:$0x2] =	stream.indirect.gather [hbm4b:s5+s13], $0x20, s15, s13, $0xb8;
	[tilespmem:$0x1F470] =	vst v63  }
0x98: {  	_ =	swait.ge [sflag:s17], $0x3000  }
0x99: {  	[sflag:s17] =	ssyncset.done $0x0  }
0x9a: {  	[sflag:s17] =	ssyncadd.s32 $0xFFFFD000  }
0x9b: {  	[spmem:s2] =	stream.indirect.scatter.add.f32 [tilespmem:s14], [sflag:$0x3], $0x20, s13, s13, $0xb8;
	[tilespmem:$0x1F470] =	vst v63  }
0x9c: {  	_ =	swait.ge [sflag:s18], $0x3000  }
0x9d: {  	[sflag:s18] =	ssyncset.done $0x0  }
0x9e: {  	[sflag:s18] =	ssyncadd.s32 $0xFFFFD000  }
0x9f: {  	[spmem:s2] =	stream.indirect.scatter.add.f32 [tilespmem:s16], [sflag:$0x4], $0x20, s19, s13, $0xb8;
	[tilespmem:$0x1F470] =	vst v63  }
0xa0: {  	_ =	swait.ge [sflag:s20], $0x3000  }
0xa1: {  	s23 =	sadd.s32 $0xFFFFCF40, s10;
	[sflag:s20] =	ssyncset.done $0x0  }
0xa2: {  	s24 =	sadd.s32 $0x3180, s23;
	[sflag:s20] =	ssyncadd.s32 $0xFFFFD000  }
0xa3: {  	[tilespmem:s3], [sflag:$0x5] =	stream.linear.gather [hbm4b:s24+s3], $0x300, $0x38;
	[tilespmem:$0x1F470] =	vst v63  }
0xa4: {  	_ =	swait.ge [sflag:s12], $0x300  }
0xa5: {  	[sflag:s12] =	ssyncset.done $0x0  }
0xa6: {  	[sflag:s12] =	ssyncadd.s32 $0xFFFFFD00  }
0xa7: {  	[tilespmem:s14], [sflag:$0x1] =	stream.indirect.gather [hbm4b:s5+s13], $0x20, s3, s13, $0xb8;
	[tilespmem:$0x1F470] =	vst v63  }
0xa8: {  	_ =	swait.ge [sflag:s21], $0x3000  }
0xa9: {  	[sflag:s21] =	ssyncset.done $0x0  }
0xaa: {  	s23 =	sadd.s32 $0x31E0, s23;
	[sflag:s21] =	ssyncadd.s32 $0xFFFFD000  }
0xab: {  	[tilespmem:s15], [sflag:$0x5] =	stream.linear.gather [hbm4b:s23+s3], $0x300, $0x38;
	[tilespmem:$0x1F470] =	vst v63  }
0xac: {  	_ =	swait.ge [sflag:s12], $0x300  }
0xad: {  	[sflag:s12] =	ssyncset.done $0x0  }
0xae: {  	[sflag:s12] =	ssyncadd.s32 $0xFFFFFD00  }
0xaf: {  	[tilespmem:s16], [sflag:$0x2] =	stream.indirect.gather [hbm4b:s5+s13], $0x20, s15, s13, $0xb8;
	[tilespmem:$0x1F470] =	vst v63  }
0xb0: {  	_ =	swait.ge [sflag:s17], $0x3000  }
0xb1: {  	[sflag:s17] =	ssyncset.done $0x0  }
0xb2: {  	[sflag:s17] =	ssyncadd.s32 $0xFFFFD000  }
0xb3: {  	[spmem:s2] =	stream.indirect.scatter.add.f32 [tilespmem:s14], [sflag:$0x3], $0x20, s13, s13, $0xb8;
	[tilespmem:$0x1F470] =	vst v63  }
0xb4: {  	_ =	swait.ge [sflag:s18], $0x3000  }
0xb5: {  	[sflag:s18] =	ssyncset.done $0x0  }
0xb6: {  	s23 =	simm.s32 $0xFFFFD000;
	[sflag:s18] =	ssyncadd.s32 $0xFFFFD000  }
.LBB2_5:
0xb7: {  	[spmem:s2] =	stream.indirect.scatter.add.f32 [tilespmem:s16], [sflag:$0x4], $0x20, s19, s13, $0xb8;
	[tilespmem:$0x1F470] =	vst v63  }
0xb8: {  	s24 =	smov.u32 s23  }
0xb9: {  	p1 =	seq.s32 s23, $0xFFFFFF40;
	s23 =	sadd.s32 $0xC0, s23;
	_ =	swait.ge [sflag:s20], $0x3000  }
0xba: {  	s24 =	sadd.s32 s24, s10;
	[sflag:s20] =	ssyncset.done $0x0  }
0xbb: {  	s25 =	sadd.s32 $0x3180, s24;
	[sflag:s20] =	ssyncadd.s32 $0xFFFFD000  }
0xbc: {  	[tilespmem:s3], [sflag:$0x5] =	stream.linear.gather [hbm4b:s25+s3], $0x300, $0x38;
	[tilespmem:$0x1F470] =	vst v63  }
0xbd: {  	_ =	swait.ge [sflag:s12], $0x300  }
0xbe: {  	[sflag:s12] =	ssyncset.done $0x0  }
0xbf: {  	[sflag:s12] =	ssyncadd.s32 $0xFFFFFD00  }
0xc0: {  	[tilespmem:s14], [sflag:$0x1] =	stream.indirect.gather [hbm4b:s5+s13], $0x20, s3, s13, $0xb8;
	[tilespmem:$0x1F470] =	vst v63  }
0xc1: {  	_ =	swait.ge [sflag:s21], $0x3000  }
0xc2: {  	[sflag:s21] =	ssyncset.done $0x0  }
0xc3: {  	s24 =	sadd.s32 $0x31E0, s24;
	[sflag:s21] =	ssyncadd.s32 $0xFFFFD000  }
0xc4: {  	[tilespmem:s15], [sflag:$0x5] =	stream.linear.gather [hbm4b:s24+s3], $0x300, $0x38;
	[tilespmem:$0x1F470] =	vst v63  }
0xc5: {  	_ =	swait.ge [sflag:s12], $0x300  }
0xc6: {  	[sflag:s12] =	ssyncset.done $0x0  }
0xc7: {  	[sflag:s12] =	ssyncadd.s32 $0xFFFFFD00  }
0xc8: {  	[tilespmem:s16], [sflag:$0x2] =	stream.indirect.gather [hbm4b:s5+s13], $0x20, s15, s13, $0xb8;
	[tilespmem:$0x1F470] =	vst v63  }
0xc9: {  	_ =	swait.ge [sflag:s17], $0x3000  }
0xca: {  	[sflag:s17] =	ssyncset.done $0x0  }
.Ltmp7:
0xcb: {  	[sflag:s17] =	ssyncadd.s32 $0xFFFFD000;
	(pc) =	sbr.rel @!p1 .LBB2_5-.Ltmp7, $4  }
0xcc: {  	[spmem:s2] =	stream.indirect.scatter.add.f32 [tilespmem:s14], [sflag:$0x3], $0x20, s13, s13, $0xb8;
	[tilespmem:$0x1F470] =	vst v63  }
0xcd: {  	_ =	swait.ge [sflag:s18], $0x3000  }
0xce: {  	[sflag:s18] =	ssyncset.done $0x0  }
0xcf: {  	[sflag:s18] =	ssyncadd.s32 $0xFFFFD000  }
0xd0: {  	[spmem:s2] =	stream.indirect.scatter.add.f32 [tilespmem:s16], [sflag:$0x4], $0x20, s19, s13, $0xb8;
	[tilespmem:$0x1F470] =	vst v63  }
0xd1: {  	_ =	swait.ge [sflag:s20], $0x3000  }
0xd2: {  	[sflag:s20] =	ssyncset.done $0x0  }
0xd3: {  	s23 =	simm.s32 $0x0;
	[sflag:s20] =	ssyncadd.s32 $0xFFFFD000  }
0xd4: {  	s23 =	sand.u32 $0xF, s23;
	_ =	swait.ge [sflag:s21], $0x3000  }
0xd5: {  	s25 =	simm.s32 $0x1;
	p1 =	sne.s32 s23, s1;
	[sflag:s21] =	ssyncset.done $0x0  }
0xd6: {  	s23 =	sshll.u32 @!p1 s1, $0x6;
	s24 =	sshrl.u32 @!p1 s2, $0x3;
	[sflag:s21] =	ssyncadd.s32 $0xFFFFD000  }
0xd7: {  	s26 =	simm.s32 @!p1 $0x5;
	s23 =	sor.u32 @!p1 $0x1C05, s23;
	[bflag:$0x0] =	sbarrier.arrive $0xFFFF  }
0xd8: {  	[hbm:s8], [sflag:s23] =	dma.local @!p1 [spmem:s24], $0xFA0  }
0xd9: {  	s28 =	sand.u32 $0xF, s25;
	s25 =	sadd.s32 $0x7D00, s2;
	_ =	swait.ge @!p1 [sflag:s26], $0xFA0  }
0xda: {  	s24 =	simm.s32 $0x2;
	s23 =	sadd.s32 $0xFA0, s8;
	[sflag:s26] =	ssyncset.done @!p1 $0x0  }
.LBB2_7:
0xdb: {  	[sflag:s26] =	ssyncadd.s32 @!p1 $0xFFFFF060  }
0xdc: {  	p1 =	sne.s32 s28, s1;
	s28 =	smov.u32 s24;
	s24 =	sadd.s32 $0x1, s24  }
0xdd: {  	p2 =	sne.s32 s24, $0x32  }
.Ltmp8:
0xde: {  	s26 =	sshll.u32 @!p1 s1, $0x6;
	s29 =	sshrl.u32 @!p1 s25, $0x3;
	(pc) =	sbr.rel @p2 .LBB2_7-.Ltmp8, $4  }
0xdf: {  	s30 =	sor.u32 @!p1 $0x1C05, s26;
	s26 =	simm.s32 @!p1 $0x5  }
0xe0: {  	[hbm:s23], [sflag:s30] =	dma.local @!p1 [spmem:s29], $0xFA0  }
0xe1: {  	s23 =	sadd.s32 $0xFA0, s23;
	_ =	swait.ge @!p1 [sflag:s26], $0xFA0  }
0xe2: {  	s28 =	sand.u32 $0xF, s28;
	s25 =	sadd.s32 $0x7D00, s25;
	[sflag:s26] =	ssyncset.done @!p1 $0x0  }
.Ltmp9:
0xe3: {  	_ = 	snop;
	(pc) =	sbr.rel .LBB2_8-.Ltmp9, $1  }
0xe4: {  	_ =	sdelay $0x3  }
.LBB2_15:
0xe5: {  	_ =	sfence.sel $0x180000  }
0xe6: {  	[bflag:$0x0] =	sbarrier.arrive $0xFFFF  }
0xe7: {  	p0 =	sne.s32 s1, $0x0;
	_ =	strace $0x90000050  }
0xe8: {  	s0 =	sadd.s32 @!p0 $0x100000, s0;
	[bflag:$0x2] =	sbarrier.arrive $0xFFFF  }
0xe9: {  	[sflag:s0] =	ssyncadd.tile.s32 @!p0 $0x1;
	_ =	shalt  }
.Lfunc_end2:
_tile_overlayer_lowered:
.L_overlay_start_2:
0xea: {  	(tag) =	ssettag $0x2  }
0xeb: {  	s0 =	rddreg [dreg:$0x0];
	s2 =	stileid.u32  }
0xec: {  	s1 =	rddreg [dreg:$0x1];
	p0 =	sne.s32 s2, $0x0  }
0xed: {  	s3 =	rddreg [dreg:$0x2];
	[bflag:$0x3] =	sbarrier.arrive $0xFFFF;
	s2 =	simm.s32 @!p0 $0x1C05  }
0xee: {  	[timem:s3], [sflag:s2] =	dma.local @!p0 [hbm:s0], s1  }
0xef: {  	s0 =	simm.s32 @!p0 $0x5  }
0xf0: {  	_ =	swait.ge @!p0 [sflag:s0], s1  }
0xf1: {  	s1 =	ssub.s32 @!p0 $0x0, s1;
	[sflag:s0] =	ssyncset.done @!p0 $0x0  }
0xf2: {  	[sflag:s0] =	ssyncadd.s32 @!p0 s1  }
0xf3: {  	[bflag:$0x3] =	sbarrier.arrive $0xFFFF  }
0xf4: {  	_ =	shalt  }

// kernel: kernel.18.cloned.1.call-start
scs
__scs_entry_jumppad:
0x0: {  	(pc) =	sbr.rel $0x88, $3  }
0x1: {  	(tag) =	ssettag $0x0;
	lr =	simm.s32 $0x1  }
0x2: {  	[smem:$0x3F99] =	sst lr;
	_ =	strace $0xD0000000  }
0x3: {  	_ = 	snop  }
0x4: {  	_ = 	snop  }
0x5: {  	_ = 	snop  }
0x6: {  	_ = 	snop  }
0x7: {  	_ = 	snop  }
__scs_overlays_trampoline_lowered:
0x8: {  	[smem:$0x3FA8] =	sst s0  }
0x9: {  	[smem:$0x3FA9] =	sst s1  }
0xa: {  	[smem:$0x3FAA] =	sst s2  }
0xb: {  	[smem:$0x3FAB] =	sst s3  }
0xc: {  	[smem:$0x3FAC] =	sst s4  }
0xd: {  	[smem:$0x3FAD] =	sst s5  }
0xe: {  	[smem:$0x3FAE] =	sst s6  }
0xf: {  	[smem:$0x3FAF] =	sst s7  }
0x10: {  	[smem:$0x3FB0] =	sst s8  }
0x11: {  	[smem:$0x3FB1] =	sst s9;
	s0 =	simm.s32 @!p0 $0x0  }
0x12: {  	s1 =	sld [smem:$0x3F97];
	s0 =	simm.s32 @p0 $0x1  }
0x13: {  	[smem:$0x3FB2] =	sst s0;
	s0 =	simm.s32 @!p1 $0x0  }
0x14: {  	s2 =	sld [smem:$0x3F96];
	s0 =	simm.s32 @p1 $0x1  }
0x15: {  	[smem:$0x3FB3] =	sst s0;
	s0 =	simm.s32 @!p2 $0x0  }
0x16: {  	s3 =	sld [smem:$0x3FDB];
	s0 =	simm.s32 @p2 $0x1  }
0x17: {  	s4 =	simm.s32 $0x1BF5;
	[smem:$0x3FB5] =	sst s0  }
0x18: {  	s0 =	sld [smem:$0x3F98];
	_ =	swait.ge [sflag:s4], $0x0  }
0x19: {  	s7 =	sld [smem:$0x3F99]  }
0x1a: {  	s8 =	sadd.s32 $0xFFFFE003, lr  }
0x1b: {  	s9 =	sadd.s32 $0xFFFFFEF7, lr;
	s5 =	simm.s32 $0xFFFFFFFF;
	p2 =	slt.u32 s8, $0xFFFFF086  }
0x1c: {  	p1 =	slt.u32 s9, $0xF7A;
	s5 =	simm.s32 @!p2 $0x0  }
0x1d: {  	s5 =	simm.s32 @p1 $0x1;
	p0 =	seq.s32 s7, s2  }
0x1e: {  	s7 =	smul.u32 @!p0 $0xF7A, s2;
	p2 =	seq.s32 @!p0 s5, $0x0  }
0x1f: {  	s9 =	smul.u32 $0xF7A, s1;
	s8 =	simm.s32 @!p0 $0x1BF5;
	p2 =	por !p2, p0  }
0x20: {  	[sflag:s8] =	ssyncset.s32 @!p0 $0xFFFFF086;
	s6 =	sadd.s32 @!p0 s3, s7;
	s7 =	simm.s32 @!p0 $0x108  }
0x21: {  	s3 =	sadd.s32 s3, s9;
	s6 =	sadd.s32 @!p0 $0x88, s6;
	s7 =	simm.s32 @p2 $0x1082  }
0x22: {  	[simem:s7], [sflag:s8] =	dma.local @!p0 [hbm:s6], $0xF7A  }
0x23: {  	s9 =	sor.u32 $0xD0000000, s2;
	s6 =	simm.s32 $0x108;
	_ =	swait.ge @!p0 [sflag:s8], $0x0  }
0x24: {  	s3 =	sadd.s32 $0x88, s3;
	s6 =	simm.s32 @!p1 $0x1082;
	[sflag:s4] =	ssyncset.s32 $0xFFFFF086  }
0x25: {  	[simem:s6], [sflag:s4] =	dma.local [hbm:s3], $0xF7A  }
0x26: {  	[smem:$0x3F99] =	sst s1;
	(tag) =	ssettag s2;
	_ =	strace s9  }
0x27: {  	s1 =	sld [smem:$0x3FA9]  }
0x28: {  	s2 =	sld [smem:$0x3FAA]  }
0x29: {  	s4 =	sld [smem:$0x3FAC]  }
0x2a: {  	p0 =	seq.s32 s5, $0x0;
	s5 =	sld [smem:$0x3FAD]  }
0x2b: {  	s6 =	sld [smem:$0x3FAE]  }
0x2c: {  	s7 =	sld [smem:$0x3FAF]  }
0x2d: {  	s3 =	simm.s32 $0x108;
	s8 =	sld [smem:$0x3FB0]  }
0x2e: {  	s3 =	simm.s32 @!p0 $0x1082;
	s9 =	sld [smem:$0x3FB1]  }
0x2f: {  	lr =	sadd.s32 s0, s3;
	s0 =	sld [smem:$0x3FA8]  }
0x30: {  	s3 =	sld [smem:$0x3FAB]  }
0x31: {  	[smem:$0x3FB4] =	sst s10  }
0x32: {  	s10 =	sld [smem:$0x3FB2];
	_ =	sdelay $0x3  }
0x33: {  	p0 =	seq.s32 s10, $0x1;
	s10 =	sld [smem:$0x3FB4];
	_ =	sdelay $0x3  }
0x34: {  	[smem:$0x3FB4] =	sst s10  }
0x35: {  	s10 =	sld [smem:$0x3FB3];
	_ =	sdelay $0x3  }
0x36: {  	p1 =	seq.s32 s10, $0x1;
	s10 =	sld [smem:$0x3FB4];
	_ =	sdelay $0x3  }
0x37: {  	[smem:$0x3FB4] =	sst s10  }
0x38: {  	s10 =	sld [smem:$0x3FB5]  }
0x39: {  	_ = 	snop;
	(pc) =	sbr.ind lr, $3  }
0x3a: {  	_ = 	snop  }
0x3b: {  	_ = 	snop  }
0x3c: {  	p2 =	seq.s32 s10, $0x1;
	s10 =	sld [smem:$0x3FB4]  }
0x3d: {  	_ =	shalt  }
0x3e: {  	_ =	shalt  }
0x3f: {  	_ =	shalt  }
0x40: {  	_ =	shalt  }
0x41: {  	_ =	shalt  }
0x42: {  	_ =	shalt  }
0x43: {  	_ =	shalt  }
0x44: {  	_ =	shalt  }
0x45: {  	_ =	shalt  }
0x46: {  	_ =	shalt  }
0x47: {  	_ =	shalt  }
0x48: {  	_ =	shalt  }
0x49: {  	_ =	shalt  }
0x4a: {  	_ =	shalt  }
0x4b: {  	_ =	shalt  }
0x4c: {  	_ =	shalt  }
0x4d: {  	_ =	shalt  }
0x4e: {  	_ =	shalt  }
0x4f: {  	_ =	shalt  }
0x50: {  	_ =	shalt  }
0x51: {  	_ =	shalt  }
0x52: {  	_ =	shalt  }
0x53: {  	_ =	shalt  }
0x54: {  	_ =	shalt  }
0x55: {  	_ =	shalt  }
0x56: {  	_ =	shalt  }
0x57: {  	_ =	shalt  }
0x58: {  	_ =	shalt  }
0x59: {  	_ =	shalt  }
0x5a: {  	_ =	shalt  }
0x5b: {  	_ =	shalt  }
0x5c: {  	_ =	shalt  }
0x5d: {  	_ =	shalt  }
0x5e: {  	_ =	shalt  }
0x5f: {  	_ =	shalt  }
0x60: {  	_ =	shalt  }
0x61: {  	_ =	shalt  }
0x62: {  	_ =	shalt  }
0x63: {  	_ =	shalt  }
0x64: {  	_ =	shalt  }
0x65: {  	_ =	shalt  }
0x66: {  	_ =	shalt  }
0x67: {  	_ =	shalt  }
0x68: {  	_ =	shalt  }
0x69: {  	_ =	shalt  }
0x6a: {  	_ =	shalt  }
0x6b: {  	_ =	shalt  }
0x6c: {  	_ =	shalt  }
0x6d: {  	_ =	shalt  }
0x6e: {  	_ =	shalt  }
0x6f: {  	_ =	shalt  }
0x70: {  	_ =	shalt  }
0x71: {  	_ =	shalt  }
0x72: {  	_ =	shalt  }
0x73: {  	_ =	shalt  }
0x74: {  	_ =	shalt  }
0x75: {  	_ =	shalt  }
0x76: {  	_ =	shalt  }
0x77: {  	_ =	shalt  }
0x78: {  	_ =	shalt  }
0x79: {  	_ =	shalt  }
0x7a: {  	_ =	shalt  }
0x7b: {  	_ =	shalt  }
0x7c: {  	_ =	shalt  }
0x7d: {  	_ =	shalt  }
0x7e: {  	_ =	shalt  }
0x7f: {  	_ =	shalt  }
0x80: {  	_ =	shalt  }
0x81: {  	_ =	shalt  }
0x82: {  	_ =	shalt  }
0x83: {  	_ =	shalt  }
0x84: {  	_ =	shalt  }
0x85: {  	_ =	shalt  }
0x86: {  	_ =	shalt  }
0x87: {  	_ =	shalt  }
.Lfunc_end0:
.L_simem_size_0:
called_computation.2_lowered:
.L_overlay_start_0:
0x88: {  	s2 =	sld [smem:$0x3FD9]  }
0x89: {  	s3 =	sld [smem:$0x3FFE];
	_ =	sdelay $0x1  }
0x8a: {  	s1 =	srdreg.scid  }
0x8b: {  	s0 =	sand.u32 $0x1, s1  }
0x8c: {  	s16 =	sshll.u32 s0, $0xA;
	s2 =	sadd.s32 s3, s2  }
0x8d: {  	s2 =	sadd.s32 s2, s16  }
0x8e: {  	[smem:$0x3FC0] =	sst s2  }
0x8f: {  	_ = 	snop  }
0x90: {  	(tm) =	ssettm $0x1  }
0x91: {  	s17 =	sld [smem:$0x3FFB];
	_ =	sdelay $0x3  }
0x92: {  	_ =	strace s17  }
0x93: {  	s2 =	sld [smem:$0x3FFC];
	_ =	sdelay $0x3  }
0x94: {  	_ =	strace s2  }
0x95: {  	s2 =	sld [smem:$0x3FFD];
	_ =	sdelay $0x3  }
0x96: {  	_ =	strace s2  }
0x97: {  	_ =	strace $0x8FFFFFFF  }
0x98: {  	s18 =	sld [smem:$0x3FDB];
	_ =	sdelay $0x1  }
0x99: {  	s19 =	simm.s32 $_scs_section_size  }
0x9a: {  	s4 =	simm.s32 $_size__tile_overlayer_lowered;
	s5 =	simm.s32 $_tile_overlayer_lowered  }
0x9b: {  	s22 =	simm.s32 $0x1BFF;
	s21 =	sshll.u32 s5, $0x1;
	s2 =	sadd.s32 s19, s18  }
0x9c: {  	s6 =	simm.s32 $0x0;
	s20 =	sshll.u32 s4, $0x1;
	s4 =	sadd.s32 s21, s2  }
0x9d: {  	[timem:s6], [sflag:s22] =	dma.local [hbm:s4], s20  }
0x9e: {  	_ =	swait.ge [sflag:s22], s20  }
0x9f: {  	s3 =	ssub.s32 $0x0, s20;
	[sflag:s22] =	ssyncset.done $0x0  }
0xa0: {  	[sflag:s22] =	ssyncadd.s32 s3;
	_ =	sdelay $0x1  }
0xa1: {  	s23 =	simm.s32 $0x1B8B  }
0xa2: {  	_ =	swait.ge [sflag:s23], $0x1  }
0xa3: {  	[sflag:s23] =	ssyncset.done $0x0  }
0xa4: {  	s25 =	simm.s32 $0x1B8E;
	s24 =	sld [smem:$0x3FFE];
	[sflag:s23] =	ssyncadd.s32 $0xFFFFFFFF  }
0xa5: {  	s26 =	simm.s32 $execute0_lowered;
	[smem:$0x3FD2] =	sst s25  }
0xa6: {  	s4 =	sshll.u32 s26, $0x1;
	_ =	strace $0x80000046;
	[dreg:$0x1] =	wrdreg $0xFFFFFFFF  }
0xa7: {  	s28 =	simm.s32 $_size_execute0_lowered;
	s2 =	sadd.s32 s2, s4;
	[dreg:$0x0] =	wrdreg $0x0  }
0xa8: {  	s4 =	sshll.u32 s28, $0x1;
	[dreg:$0x2] =	wrdreg s2  }
0xa9: {  	[dreg:$0x3] =	wrdreg s4  }
0xaa: {  	[dreg:$0x4] =	wrdreg $0xC0  }
0xab: {  	_ =	task [dreg:s6], $0x5FFFF  }
0xac: {  	[dreg:$0x1] =	wrdreg $0xFFFFFFFF  }
0xad: {  	[dreg:$0x0] =	wrdreg $0x60  }
0xae: {  	[dreg:$0x2] =	wrdreg s24  }
0xaf: {  	[dreg:$0x3] =	wrdreg $0x66000  }
0xb0: {  	[dreg:$0x4] =	wrdreg $0x131200  }
0xb1: {  	[dreg:$0x5] =	wrdreg $0xA  }
0xb2: {  	_ =	task.clear_ibuf [dreg:s6], $0x6FFFF;
	_ =	strace $0x90000046  }
0xb3: {  	s29 =	simm.s32 $0xA;
	_ =	strace $0x80000048  }
0xb4: {  	_ =	swait.ge [sflag:s29], $0x1  }
0xb5: {  	[sflag:s29] =	ssyncadd.s32 $0xFFFFFFFF  }
0xb6: {  	_ =	strace $0x90000048  }
0xb7: {  	_ =	sfence  }
0xb8: {  	s30 =	sld [smem:$0x0];
	_ =	sdelay $0x2  }
0xb9: {  	s31 =	sshll.u32 s1, $0xD;
	s1 =	sshrl.u32 s1, $0x2  }
0xba: {  	s3 =	sand.u32 $0x4000, s31;
	s1 =	sadd.s32 s1, s30  }
0xbb: {  	s0 =	sor.u32 s3, s0;
	s1 =	sshll.u32 s1, $0x11  }
0xbc: {  	s0 =	sor.u32 s1, s0  }
0xbd: {  	s0 =	sadd.s32 $0x8F2B, s0  }
0xbe: {  	[sflag:s0] =	ssyncadd.remote.s32 $0x1  }
0xbf: {  	_ =	sfence.sel $0xFFFF  }
0xc0: {  	[dreg:$0x0] =	wrdreg $0xFFFFFFFF;
	(pc) =	sbr.abs _section_cstart, $3  }
0xc1: {  	[dreg:$0x1] =	wrdreg $0xFFFFFFFF  }
0xc2: {  	_ =	task.clear_ibuf [dreg:s6], $0x2FFFF;
	_ =	strace $0x9FFFFFFF  }
0xc3: {  	(tm) =	ssettm $0x7FFFFFFF  }
tec
execute0_lowered:
.L_overlay_start_1:
0x0: {  	(tag) =	ssettag $0x1  }
0x1: {  	s9 =	rddreg [dreg:$0x0]  }
0x2: {  	s1 =	rddreg [dreg:$0x1]  }
0x3: {  	s2 =	rddreg [dreg:$0x2]  }
0x4: {  	s0 =	rddreg [dreg:$0x3];
	s3 =	simm.s32 $0x0;
	s7 =	srdreg.scid  }
0x5: {  	s4 =	stileid.u32;
	s16 =	simm.s32 $0x300;
	s17 =	simm.s32 $0x3600  }
0x6: {  	s18 =	simm.s32 $0x1;
	s19 =	simm.s32 $0x2;
	s20 =	simm.s32 $0x480  }
0x7: {  	s21 =	simm.s32 $0x3;
	s22 =	simm.s32 $0x4;
	s23 =	simm.s32 $0x0  }
0x8: {  	[smem:$0x7FF] =	sst s3;
	s5 =	sadd.s32 $0x80000, s9;
	s6 =	sadd.s32 $0x1E400, s9  }
0x9: {  	s11 =	sadd.s32 $0x5800, s9;
	s13 =	sand.u32 $0x1, s7;
	s10 =	smul.u32 $0xC600, s4  }
0xa: {  	s7 =	sadd.s32 $0x36C00, s9;
	s8 =	sadd.s32 $0x50400, s9;
	s15 =	smul.u32 $0x18C0, s4  }
.Ltmp0:
0xb: {  	s9 =	sadd.s32 $0x37C00, s9;
	s12 =	ssub.s32 $0x2, s13;
	(pc) =	sbr.rel .LBB2_1-.Ltmp0, $4  }
0xc: {  	_ =	strace $0x80000047;
	p0 =	sne.s32 s13, $0x0;
	s14 =	sshrl.u32 s12, $0x1  }
0xd: {  	s13 =	simm.s32 $0x5;
	s10 =	sshrl.u32 s10, $0x3;
	s12 =	ssub.s32 s12, s14  }
0xe: {  	s31 =	sadd.s32 s11, s10;
	s11 =	sadd.s32 s11, s15;
	s14 =	simm.s32 $0x180  }
0xf: {  	s15 =	simm.s32 $0x600;
	s10 =	smax.u32 s12, $0x1;
	s12 =	sadd.s32 $0x60, s31  }
.LBB2_17:
0x10: {  	p2 =	sne.s32 s29, s4  }
0x11: {  	[sflag:s28] =	ssyncadd.s32 @!p1 $0xFFFFF060;
	s25 =	sshll.u32 @!p2 s4, $0x6  }
0x12: {  	s26 =	sshrl.u32 @!p2 s26, $0x3;
	s28 =	simm.s32 @!p2 $0x5;
	s25 =	sor.u32 @!p2 $0x1C05, s25  }
0x13: {  	[hbm:s24], [sflag:s25] =	dma.local @!p2 [spmem:s26], $0xFA0  }
0x14: {  	_ =	swait.ge @!p2 [sflag:s28], $0xFA0  }
0x15: {  	[sflag:s28] =	ssyncset.done @!p2 $0x0  }
0x16: {  	[sflag:s28] =	ssyncadd.s32 @!p2 $0xFFFFF060  }
.LBB2_18:
0x17: {  	s23 =	sadd.s32 $0x1, s23  }
0x18: {  	p1 =	sne.s32 s23, s10  }
.Ltmp1:
0x19: {  	_ = 	snop;
	(pc) =	sbr.rel @!p1 .LBB2_19-.Ltmp1, $1  }
0x1a: {  	_ =	sdelay $0x3  }
.LBB2_1:
0x1b: {  	s24 =	sand.u32 $0xF, s3  }
0x1c: {  	p1 =	sne.s32 s24, s4  }
0x1d: {  	s31 =	simm.s32 $0x1;
	s24 =	sshll.u32 @!p1 s4, $0x6  }
0x1e: {  	s25 =	sshrl.u32 @!p1 s1, $0x3;
	s26 =	simm.s32 @!p1 $0x5;
	s24 =	sor.u32 @!p1 $0x1C05, s24  }
0x1f: {  	[spmem:s25], [sflag:s24] =	dma.local @!p1 [hbm:s7], $0xFA0  }
0x20: {  	s28 =	sand.u32 $0xF, s31;
	_ =	swait.ge @!p1 [sflag:s26], $0xFA0  }
0x21: {  	s25 =	simm.s32 $0x2;
	s24 =	sadd.s32 $0x7D00, s1;
	[sflag:s26] =	ssyncset.done @!p1 $0x0  }
.LBB2_2:
0x22: {  	[sflag:s26] =	ssyncadd.s32 @!p1 $0xFFFFF060  }
0x23: {  	p1 =	sne.s32 s28, s4;
	s28 =	smov.u32 s25;
	s25 =	sadd.s32 $0x1, s25  }
0x24: {  	p2 =	sne.s32 s25, $0x1A  }
.Ltmp2:
0x25: {  	s26 =	sshll.u32 @!p1 s4, $0x6;
	s29 =	sshrl.u32 @!p1 s24, $0x3;
	(pc) =	sbr.rel @p2 .LBB2_2-.Ltmp2, $4  }
0x26: {  	s30 =	sor.u32 @!p1 $0x1C05, s26;
	s26 =	simm.s32 @!p1 $0x5  }
0x27: {  	[spmem:s29], [sflag:s30] =	dma.local @!p1 [hbm:s7], $0xFA0  }
0x28: {  	_ =	swait.ge @!p1 [sflag:s26], $0xFA0  }
0x29: {  	s28 =	sand.u32 $0xF, s28;
	s24 =	sadd.s32 $0x7D00, s24;
	[sflag:s26] =	ssyncset.done @!p1 $0x0  }
0x2a: {  	p2 =	sne.s32 s28, s4  }
0x2b: {  	[sflag:s26] =	ssyncadd.s32 @!p1 $0xFFFFF060;
	s25 =	sshll.u32 @!p2 s4, $0x6;
	s24 =	sshrl.u32 @!p2 s24, $0x3  }
.Ltmp3:
0x2c: {  	s26 =	simm.s32 @!p2 $0x5;
	s25 =	sor.u32 @!p2 $0x1C05, s25;
	(pc) =	sbr.rel @p0 .LBB2_11-.Ltmp3, $4  }
0x2d: {  	[spmem:s24], [sflag:s25] =	dma.local @!p2 [hbm:s7], $0xFA0  }
0x2e: {  	s31 =	simm.s32 $0x0;
	_ =	swait.ge @!p2 [sflag:s26], $0xFA0  }
0x2f: {  	s24 =	sand.u32 $0xF, s31;
	[sflag:s26] =	ssyncset.done @!p2 $0x0  }
0x30: {  	s25 =	simm.s32 $0x1;
	p1 =	sne.s32 s24, s4;
	[sflag:s26] =	ssyncadd.s32 @!p2 $0xFFFFF060  }
0x31: {  	s24 =	sshll.u32 @!p1 s4, $0x6  }
0x32: {  	s26 =	sshrl.u32 @!p1 s2, $0x3;
	s28 =	simm.s32 @!p1 $0x5;
	s24 =	sor.u32 @!p1 $0x1C05, s24  }
0x33: {  	[spmem:s26], [sflag:s24] =	dma.local @!p1 [hbm:s5], $0xFA0  }
0x34: {  	s29 =	sand.u32 $0xF, s25;
	s25 =	sadd.s32 $0xFA0, s5;
	_ =	swait.ge @!p1 [sflag:s28], $0xFA0  }
0x35: {  	s26 =	simm.s32 $0x2;
	s24 =	sadd.s32 $0x7D00, s2;
	[sflag:s28] =	ssyncset.done @!p1 $0x0  }
.LBB2_5:
0x36: {  	[sflag:s28] =	ssyncadd.s32 @!p1 $0xFFFFF060  }
0x37: {  	p1 =	sne.s32 s29, s4;
	s29 =	smov.u32 s26;
	s26 =	sadd.s32 $0x1, s26  }
0x38: {  	p2 =	seq.s32 s26, $0x19  }
.Ltmp4:
0x39: {  	s28 =	sshll.u32 @!p1 s4, $0x6;
	s30 =	sshrl.u32 @!p1 s24, $0x3;
	(pc) =	sbr.rel @!p2 .LBB2_5-.Ltmp4, $4  }
0x3a: {  	s31 =	sor.u32 @!p1 $0x1C05, s28;
	s28 =	simm.s32 @!p1 $0x5  }
0x3b: {  	[spmem:s30], [sflag:s31] =	dma.local @!p1 [hbm:s25], $0xFA0  }
0x3c: {  	s24 =	sadd.s32 $0x7D00, s24;
	_ =	swait.ge @!p1 [sflag:s28], $0xFA0  }
0x3d: {  	s29 =	sand.u32 $0xF, s29;
	s25 =	sadd.s32 $0xFA0, s25;
	[sflag:s28] =	ssyncset.done @!p1 $0x0  }
0x3e: {  	p2 =	sne.s32 s29, s4  }
0x3f: {  	[sflag:s28] =	ssyncadd.s32 @!p1 $0xFFFFF060;
	s26 =	sshll.u32 @!p2 s4, $0x6  }
0x40: {  	s24 =	sshrl.u32 @!p2 s24, $0x3;
	s28 =	simm.s32 @!p2 $0x5;
	s26 =	sor.u32 @!p2 $0x1C05, s26  }
0x41: {  	[spmem:s24], [sflag:s26] =	dma.local @!p2 [hbm:s25], $0xFA0  }
0x42: {  	_ =	swait.ge @!p2 [sflag:s28], $0xFA0  }
0x43: {  	[sflag:s28] =	ssyncset.done @!p2 $0x0  }
0x44: {  	[sflag:s28] =	ssyncadd.s32 @!p2 $0xFFFFF060  }
0x45: {  	[bflag:$0x0] =	sbarrier.arrive $0xFFFF  }
0x46: {  	[tilespmem:s3], [sflag:$0x5] =	stream.linear.gather [hbm4b:s11+s3], $0x300, $0x38;
	[tilespmem:$0x1F470] =	vst v63  }
0x47: {  	_ =	swait.ge [sflag:s13], $0x300  }
0x48: {  	[sflag:s13] =	ssyncset.done $0x0  }
0x49: {  	[sflag:s13] =	ssyncadd.s32 $0xFFFFFD00  }
0x4a: {  	[tilespmem:s15], [sflag:$0x1] =	stream.indirect.gather [spmem:s2], $0x20, s3, s14, $0xb8;
	[tilespmem:$0x1F470] =	vst v63  }
0x4b: {  	_ = 	snop  }
0x4c: {  	[tilespmem:s16], [sflag:$0x5] =	stream.linear.gather [hbm4b:s12+s3], $0x300, $0x38;
	[tilespmem:$0x1F470] =	vst v63  }
0x4d: {  	_ =	swait.ge [sflag:s13], $0x300  }
0x4e: {  	[sflag:s13] =	ssyncset.done $0x0  }
0x4f: {  	[sflag:s13] =	ssyncadd.s32 $0xFFFFFD00  }
0x50: {  	[tilespmem:s17], [sflag:$0x2] =	stream.indirect.gather [spmem:s2], $0x20, s16, s14, $0xb8;
	[tilespmem:$0x1F470] =	vst v63  }
0x51: {  	_ =	swait.ge [sflag:s18], $0x3000  }
0x52: {  	[sflag:s18] =	ssyncset.done $0x0  }
0x53: {  	[sflag:s18] =	ssyncadd.s32 $0xFFFFD000  }
0x54: {  	[spmem:s1] =	stream.indirect.scatter.add.f32 [tilespmem:s15], [sflag:$0x3], $0x20, s14, s14, $0xb8;
	[tilespmem:$0x1F470] =	vst v63  }
0x55: {  	_ =	swait.ge [sflag:s19], $0x3000  }
0x56: {  	[sflag:s19] =	ssyncset.done $0x0  }
0x57: {  	[sflag:s19] =	ssyncadd.s32 $0xFFFFD000  }
0x58: {  	[spmem:s1] =	stream.indirect.scatter.add.f32 [tilespmem:s17], [sflag:$0x4], $0x20, s20, s14, $0xb8;
	[tilespmem:$0x1F470] =	vst v63  }
0x59: {  	_ =	swait.ge [sflag:s21], $0x3000  }
0x5a: {  	s30 =	sadd.s32 $0xFFFFE800, s11;
	[sflag:s21] =	ssyncset.done $0x0  }
0x5b: {  	s31 =	sadd.s32 $0x18C0, s30;
	[sflag:s21] =	ssyncadd.s32 $0xFFFFD000  }
0x5c: {  	[tilespmem:s3], [sflag:$0x5] =	stream.linear.gather [hbm4b:s31+s3], $0x300, $0x38;
	[tilespmem:$0x1F470] =	vst v63  }
0x5d: {  	_ =	swait.ge [sflag:s13], $0x300  }
0x5e: {  	[sflag:s13] =	ssyncset.done $0x0  }
0x5f: {  	[sflag:s13] =	ssyncadd.s32 $0xFFFFFD00  }
0x60: {  	[tilespmem:s15], [sflag:$0x1] =	stream.indirect.gather [spmem:s2], $0x20, s3, s14, $0xb8;
	[tilespmem:$0x1F470] =	vst v63  }
0x61: {  	_ =	swait.ge [sflag:s22], $0x3000  }
0x62: {  	[sflag:s22] =	ssyncset.done $0x0  }
0x63: {  	s24 =	sadd.s32 $0x1920, s30;
	[sflag:s22] =	ssyncadd.s32 $0xFFFFD000  }
0x64: {  	[tilespmem:s16], [sflag:$0x5] =	stream.linear.gather [hbm4b:s24+s3], $0x300, $0x38;
	[tilespmem:$0x1F470] =	vst v63  }
0x65: {  	_ =	swait.ge [sflag:s13], $0x300  }
0x66: {  	[sflag:s13] =	ssyncset.done $0x0  }
0x67: {  	[sflag:s13] =	ssyncadd.s32 $0xFFFFFD00  }
0x68: {  	[tilespmem:s17], [sflag:$0x2] =	stream.indirect.gather [spmem:s2], $0x20, s16, s14, $0xb8;
	[tilespmem:$0x1F470] =	vst v63  }
0x69: {  	_ =	swait.ge [sflag:s18], $0x3000  }
0x6a: {  	[sflag:s18] =	ssyncset.done $0x0  }
0x6b: {  	[sflag:s18] =	ssyncadd.s32 $0xFFFFD000  }
0x6c: {  	[spmem:s1] =	stream.indirect.scatter.add.f32 [tilespmem:s15], [sflag:$0x3], $0x20, s14, s14, $0xb8;
	[tilespmem:$0x1F470] =	vst v63  }
0x6d: {  	_ =	swait.ge [sflag:s19], $0x3000  }
0x6e: {  	[sflag:s19] =	ssyncset.done $0x0  }
0x6f: {  	s24 =	simm.s32 $0xFFFFE8C0;
	[sflag:s19] =	ssyncadd.s32 $0xFFFFD000  }
.LBB2_7:
0x70: {  	[spmem:s1] =	stream.indirect.scatter.add.f32 [tilespmem:s17], [sflag:$0x4], $0x20, s20, s14, $0xb8;
	[tilespmem:$0x1F470] =	vst v63  }
0x71: {  	s25 =	smov.u32 s24  }
0x72: {  	p1 =	seq.s32 s24, $0xFFFFFF40;
	s24 =	sadd.s32 $0xC0, s24;
	_ =	swait.ge [sflag:s21], $0x3000  }
0x73: {  	s25 =	sadd.s32 s25, s11;
	[sflag:s21] =	ssyncset.done $0x0  }
0x74: {  	s26 =	sadd.s32 $0x18C0, s25;
	[sflag:s21] =	ssyncadd.s32 $0xFFFFD000  }
0x75: {  	[tilespmem:s3], [sflag:$0x5] =	stream.linear.gather [hbm4b:s26+s3], $0x300, $0x38;
	[tilespmem:$0x1F470] =	vst v63  }
0x76: {  	_ =	swait.ge [sflag:s13], $0x300  }
0x77: {  	[sflag:s13] =	ssyncset.done $0x0  }
0x78: {  	[sflag:s13] =	ssyncadd.s32 $0xFFFFFD00  }
0x79: {  	[tilespmem:s15], [sflag:$0x1] =	stream.indirect.gather [spmem:s2], $0x20, s3, s14, $0xb8;
	[tilespmem:$0x1F470] =	vst v63  }
0x7a: {  	_ =	swait.ge [sflag:s22], $0x3000  }
0x7b: {  	[sflag:s22] =	ssyncset.done $0x0  }
0x7c: {  	s25 =	sadd.s32 $0x1920, s25;
	[sflag:s22] =	ssyncadd.s32 $0xFFFFD000  }
0x7d: {  	[tilespmem:s16], [sflag:$0x5] =	stream.linear.gather [hbm4b:s25+s3], $0x300, $0x38;
	[tilespmem:$0x1F470] =	vst v63  }
0x7e: {  	_ =	swait.ge [sflag:s13], $0x300  }
0x7f: {  	[sflag:s13] =	ssyncset.done $0x0  }
0x80: {  	[sflag:s13] =	ssyncadd.s32 $0xFFFFFD00  }
0x81: {  	[tilespmem:s17], [sflag:$0x2] =	stream.indirect.gather [spmem:s2], $0x20, s16, s14, $0xb8;
	[tilespmem:$0x1F470] =	vst v63  }
0x82: {  	_ =	swait.ge [sflag:s18], $0x3000  }
0x83: {  	[sflag:s18] =	ssyncset.done $0x0  }
.Ltmp5:
0x84: {  	[sflag:s18] =	ssyncadd.s32 $0xFFFFD000;
	(pc) =	sbr.rel @!p1 .LBB2_7-.Ltmp5, $4  }
0x85: {  	[spmem:s1] =	stream.indirect.scatter.add.f32 [tilespmem:s15], [sflag:$0x3], $0x20, s14, s14, $0xb8;
	[tilespmem:$0x1F470] =	vst v63  }
0x86: {  	_ =	swait.ge [sflag:s19], $0x3000  }
0x87: {  	[sflag:s19] =	ssyncset.done $0x0  }
0x88: {  	[sflag:s19] =	ssyncadd.s32 $0xFFFFD000  }
0x89: {  	[spmem:s1] =	stream.indirect.scatter.add.f32 [tilespmem:s17], [sflag:$0x4], $0x20, s20, s14, $0xb8;
	[tilespmem:$0x1F470] =	vst v63  }
0x8a: {  	_ =	swait.ge [sflag:s21], $0x3000  }
0x8b: {  	[sflag:s21] =	ssyncset.done $0x0  }
0x8c: {  	s24 =	simm.s32 $0x0;
	[sflag:s21] =	ssyncadd.s32 $0xFFFFD000  }
0x8d: {  	s24 =	sand.u32 $0xF, s24;
	_ =	swait.ge [sflag:s22], $0x3000  }
0x8e: {  	s26 =	simm.s32 $0x1;
	p1 =	sne.s32 s24, s4;
	[sflag:s22] =	ssyncset.done $0x0  }
0x8f: {  	s24 =	sshll.u32 @!p1 s4, $0x6;
	s25 =	sshrl.u32 @!p1 s1, $0x3;
	[sflag:s22] =	ssyncadd.s32 $0xFFFFD000  }
0x90: {  	s28 =	simm.s32 @!p1 $0x5;
	s24 =	sor.u32 @!p1 $0x1C05, s24;
	[bflag:$0x0] =	sbarrier.arrive $0xFFFF  }
0x91: {  	[hbm:s8], [sflag:s24] =	dma.local @!p1 [spmem:s25], $0xFA0  }
0x92: {  	s29 =	sand.u32 $0xF, s26;
	s26 =	sadd.s32 $0x7D00, s1;
	_ =	swait.ge @!p1 [sflag:s28], $0xFA0  }
0x93: {  	s25 =	simm.s32 $0x2;
	s24 =	sadd.s32 $0xFA0, s8;
	[sflag:s28] =	ssyncset.done @!p1 $0x0  }
.LBB2_9:
0x94: {  	[sflag:s28] =	ssyncadd.s32 @!p1 $0xFFFFF060  }
0x95: {  	p1 =	sne.s32 s29, s4;
	s29 =	smov.u32 s25;
	s25 =	sadd.s32 $0x1, s25  }
0x96: {  	p2 =	seq.s32 s25, $0x19  }
.Ltmp6:
0x97: {  	s28 =	sshll.u32 @!p1 s4, $0x6;
	s30 =	sshrl.u32 @!p1 s26, $0x3;
	(pc) =	sbr.rel @!p2 .LBB2_9-.Ltmp6, $4  }
0x98: {  	s31 =	sor.u32 @!p1 $0x1C05, s28;
	s28 =	simm.s32 @!p1 $0x5  }
0x99: {  	[hbm:s24], [sflag:s31] =	dma.local @!p1 [spmem:s30], $0xFA0  }
0x9a: {  	s24 =	sadd.s32 $0xFA0, s24;
	_ =	swait.ge @!p1 [sflag:s28], $0xFA0  }
0x9b: {  	s29 =	sand.u32 $0xF, s29;
	s26 =	sadd.s32 $0x7D00, s26;
	[sflag:s28] =	ssyncset.done @!p1 $0x0  }
0x9c: {  	p2 =	sne.s32 s29, s4  }
0x9d: {  	[sflag:s28] =	ssyncadd.s32 @!p1 $0xFFFFF060;
	s25 =	sshll.u32 @!p2 s4, $0x6;
	s26 =	sshrl.u32 @!p2 s26, $0x3  }
.Ltmp7:
0x9e: {  	s28 =	simm.s32 @!p2 $0x5;
	s25 =	sor.u32 @!p2 $0x1C05, s25;
	(pc) =	sbr.rel .LBB2_18-.Ltmp7, $4  }
0x9f: {  	[hbm:s24], [sflag:s25] =	dma.local @!p2 [spmem:s26], $0xFA0  }
0xa0: {  	_ =	swait.ge @!p2 [sflag:s28], $0xFA0  }
0xa1: {  	[sflag:s28] =	ssyncset.done @!p2 $0x0  }
0xa2: {  	[sflag:s28] =	ssyncadd.s32 @!p2 $0xFFFFF060  }
.LBB2_11:
0xa3: {  	s24 =	sshll.u32 @!p1 s4, $0x6  }
0xa4: {  	s26 =	sshrl.u32 @!p1 s2, $0x3;
	s28 =	simm.s32 @!p1 $0x5;
	s24 =	sor.u32 @!p1 $0x1C05, s24  }
0xa5: {  	[spmem:s26], [sflag:s24] =	dma.local @!p1 [hbm:s6], $0xFA0  }
0xa6: {  	s29 =	sand.u32 $0xF, s25;
	s25 =	sadd.s32 $0xFA0, s6;
	_ =	swait.ge @!p1 [sflag:s28], $0xFA0  }
0xa7: {  	s26 =	simm.s32 $0x2;
	s24 =	sadd.s32 $0x7D00, s2;
	[sflag:s28] =	ssyncset.done @!p1 $0x0  }
.LBB2_12:
0xa8: {  	[sflag:s28] =	ssyncadd.s32 @!p1 $0xFFFFF060  }
0xa9: {  	p1 =	sne.s32 s29, s4;
	s29 =	smov.u32 s26;
	s26 =	sadd.s32 $0x1, s26  }
0xaa: {  	p2 =	seq.s32 s26, $0x19  }
.Ltmp8:
0xab: {  	s28 =	sshll.u32 @!p1 s4, $0x6;
	s30 =	sshrl.u32 @!p1 s24, $0x3;
	(pc) =	sbr.rel @!p2 .LBB2_12-.Ltmp8, $4  }
0xac: {  	s31 =	sor.u32 @!p1 $0x1C05, s28;
	s28 =	simm.s32 @!p1 $0x5  }
0xad: {  	[spmem:s30], [sflag:s31] =	dma.local @!p1 [hbm:s25], $0xFA0  }
0xae: {  	s24 =	sadd.s32 $0x7D00, s24;
	_ =	swait.ge @!p1 [sflag:s28], $0xFA0  }
0xaf: {  	s29 =	sand.u32 $0xF, s29;
	s25 =	sadd.s32 $0xFA0, s25;
	[sflag:s28] =	ssyncset.done @!p1 $0x0  }
0xb0: {  	p2 =	sne.s32 s29, s4  }
0xb1: {  	[sflag:s28] =	ssyncadd.s32 @!p1 $0xFFFFF060;
	s26 =	sshll.u32 @!p2 s4, $0x6  }
0xb2: {  	s24 =	sshrl.u32 @!p2 s24, $0x3;
	s28 =	simm.s32 @!p2 $0x5;
	s26 =	sor.u32 @!p2 $0x1C05, s26  }
0xb3: {  	[spmem:s24], [sflag:s26] =	dma.local @!p2 [hbm:s25], $0xFA0  }
0xb4: {  	_ =	swait.ge @!p2 [sflag:s28], $0xFA0  }
0xb5: {  	[sflag:s28] =	ssyncset.done @!p2 $0x0  }
0xb6: {  	[sflag:s28] =	ssyncadd.s32 @!p2 $0xFFFFF060  }
0xb7: {  	[bflag:$0x0] =	sbarrier.arrive $0xFFFF  }
0xb8: {  	[tilespmem:s3], [sflag:$0x5] =	stream.linear.gather [hbm4b:s11+s3], $0x300, $0x38;
	[tilespmem:$0x1F470] =	vst v63  }
0xb9: {  	_ =	swait.ge [sflag:s13], $0x300  }
0xba: {  	[sflag:s13] =	ssyncset.done $0x0  }
0xbb: {  	[sflag:s13] =	ssyncadd.s32 $0xFFFFFD00  }
0xbc: {  	[tilespmem:s15], [sflag:$0x1] =	stream.indirect.gather [spmem:s2], $0x20, s3, s14, $0xb8;
	[tilespmem:$0x1F470] =	vst v63  }
0xbd: {  	_ = 	snop  }
0xbe: {  	[tilespmem:s16], [sflag:$0x5] =	stream.linear.gather [hbm4b:s12+s3], $0x300, $0x38;
	[tilespmem:$0x1F470] =	vst v63  }
0xbf: {  	_ =	swait.ge [sflag:s13], $0x300  }
0xc0: {  	[sflag:s13] =	ssyncset.done $0x0  }
0xc1: {  	[sflag:s13] =	ssyncadd.s32 $0xFFFFFD00  }
0xc2: {  	[tilespmem:s17], [sflag:$0x2] =	stream.indirect.gather [spmem:s2], $0x20, s16, s14, $0xb8;
	[tilespmem:$0x1F470] =	vst v63  }
0xc3: {  	_ =	swait.ge [sflag:s18], $0x3000  }
0xc4: {  	[sflag:s18] =	ssyncset.done $0x0  }
0xc5: {  	[sflag:s18] =	ssyncadd.s32 $0xFFFFD000  }
0xc6: {  	[spmem:s1] =	stream.indirect.scatter.add.f32 [tilespmem:s15], [sflag:$0x3], $0x20, s14, s14, $0xb8;
	[tilespmem:$0x1F470] =	vst v63  }
0xc7: {  	_ =	swait.ge [sflag:s19], $0x3000  }
0xc8: {  	[sflag:s19] =	ssyncset.done $0x0  }
0xc9: {  	[sflag:s19] =	ssyncadd.s32 $0xFFFFD000  }
0xca: {  	[spmem:s1] =	stream.indirect.scatter.add.f32 [tilespmem:s17], [sflag:$0x4], $0x20, s20, s14, $0xb8;
	[tilespmem:$0x1F470] =	vst v63  }
0xcb: {  	_ =	swait.ge [sflag:s21], $0x3000  }
0xcc: {  	s30 =	sadd.s32 $0xFFFFE800, s11;
	[sflag:s21] =	ssyncset.done $0x0  }
0xcd: {  	s31 =	sadd.s32 $0x18C0, s30;
	[sflag:s21] =	ssyncadd.s32 $0xFFFFD000  }
0xce: {  	[tilespmem:s3], [sflag:$0x5] =	stream.linear.gather [hbm4b:s31+s3], $0x300, $0x38;
	[tilespmem:$0x1F470] =	vst v63  }
0xcf: {  	_ =	swait.ge [sflag:s13], $0x300  }
0xd0: {  	[sflag:s13] =	ssyncset.done $0x0  }
0xd1: {  	[sflag:s13] =	ssyncadd.s32 $0xFFFFFD00  }
0xd2: {  	[tilespmem:s15], [sflag:$0x1] =	stream.indirect.gather [spmem:s2], $0x20, s3, s14, $0xb8;
	[tilespmem:$0x1F470] =	vst v63  }
0xd3: {  	_ =	swait.ge [sflag:s22], $0x3000  }
0xd4: {  	[sflag:s22] =	ssyncset.done $0x0  }
0xd5: {  	s24 =	sadd.s32 $0x1920, s30;
	[sflag:s22] =	ssyncadd.s32 $0xFFFFD000  }
0xd6: {  	[tilespmem:s16], [sflag:$0x5] =	stream.linear.gather [hbm4b:s24+s3], $0x300, $0x38;
	[tilespmem:$0x1F470] =	vst v63  }
0xd7: {  	_ =	swait.ge [sflag:s13], $0x300  }
0xd8: {  	[sflag:s13] =	ssyncset.done $0x0  }
0xd9: {  	[sflag:s13] =	ssyncadd.s32 $0xFFFFFD00  }
0xda: {  	[tilespmem:s17], [sflag:$0x2] =	stream.indirect.gather [spmem:s2], $0x20, s16, s14, $0xb8;
	[tilespmem:$0x1F470] =	vst v63  }
0xdb: {  	_ =	swait.ge [sflag:s18], $0x3000  }
0xdc: {  	[sflag:s18] =	ssyncset.done $0x0  }
0xdd: {  	[sflag:s18] =	ssyncadd.s32 $0xFFFFD000  }
0xde: {  	[spmem:s1] =	stream.indirect.scatter.add.f32 [tilespmem:s15], [sflag:$0x3], $0x20, s14, s14, $0xb8;
	[tilespmem:$0x1F470] =	vst v63  }
0xdf: {  	_ =	swait.ge [sflag:s19], $0x3000  }
0xe0: {  	[sflag:s19] =	ssyncset.done $0x0  }
0xe1: {  	s24 =	simm.s32 $0xFFFFE8C0;
	[sflag:s19] =	ssyncadd.s32 $0xFFFFD000  }
.LBB2_14:
0xe2: {  	[spmem:s1] =	stream.indirect.scatter.add.f32 [tilespmem:s17], [sflag:$0x4], $0x20, s20, s14, $0xb8;
	[tilespmem:$0x1F470] =	vst v63  }
0xe3: {  	s25 =	smov.u32 s24  }
0xe4: {  	p1 =	sne.s32 s24, $0xFFFFFF40;
	s24 =	sadd.s32 $0xC0, s24;
	_ =	swait.ge [sflag:s21], $0x3000  }
0xe5: {  	s25 =	sadd.s32 s25, s11;
	[sflag:s21] =	ssyncset.done $0x0  }
0xe6: {  	s26 =	sadd.s32 $0x18C0, s25;
	[sflag:s21] =	ssyncadd.s32 $0xFFFFD000  }
0xe7: {  	[tilespmem:s3], [sflag:$0x5] =	stream.linear.gather [hbm4b:s26+s3], $0x300, $0x38;
	[tilespmem:$0x1F470] =	vst v63  }
0xe8: {  	_ =	swait.ge [sflag:s13], $0x300  }
0xe9: {  	[sflag:s13] =	ssyncset.done $0x0  }
0xea: {  	[sflag:s13] =	ssyncadd.s32 $0xFFFFFD00  }
0xeb: {  	[tilespmem:s15], [sflag:$0x1] =	stream.indirect.gather [spmem:s2], $0x20, s3, s14, $0xb8;
	[tilespmem:$0x1F470] =	vst v63  }
0xec: {  	_ =	swait.ge [sflag:s22], $0x3000  }
0xed: {  	[sflag:s22] =	ssyncset.done $0x0  }
0xee: {  	s25 =	sadd.s32 $0x1920, s25;
	[sflag:s22] =	ssyncadd.s32 $0xFFFFD000  }
0xef: {  	[tilespmem:s16], [sflag:$0x5] =	stream.linear.gather [hbm4b:s25+s3], $0x300, $0x38;
	[tilespmem:$0x1F470] =	vst v63  }
0xf0: {  	_ =	swait.ge [sflag:s13], $0x300  }
0xf1: {  	[sflag:s13] =	ssyncset.done $0x0  }
0xf2: {  	[sflag:s13] =	ssyncadd.s32 $0xFFFFFD00  }
0xf3: {  	[tilespmem:s17], [sflag:$0x2] =	stream.indirect.gather [spmem:s2], $0x20, s16, s14, $0xb8;
	[tilespmem:$0x1F470] =	vst v63  }
0xf4: {  	_ =	swait.ge [sflag:s18], $0x3000  }
0xf5: {  	[sflag:s18] =	ssyncset.done $0x0  }
.Ltmp9:
0xf6: {  	[sflag:s18] =	ssyncadd.s32 $0xFFFFD000;
	(pc) =	sbr.rel @p1 .LBB2_14-.Ltmp9, $4  }
0xf7: {  	[spmem:s1] =	stream.indirect.scatter.add.f32 [tilespmem:s15], [sflag:$0x3], $0x20, s14, s14, $0xb8;
	[tilespmem:$0x1F470] =	vst v63  }
0xf8: {  	_ =	swait.ge [sflag:s19], $0x3000  }
0xf9: {  	[sflag:s19] =	ssyncset.done $0x0  }
0xfa: {  	[sflag:s19] =	ssyncadd.s32 $0xFFFFD000  }
0xfb: {  	[spmem:s1] =	stream.indirect.scatter.add.f32 [tilespmem:s17], [sflag:$0x4], $0x20, s20, s14, $0xb8;
	[tilespmem:$0x1F470] =	vst v63  }
0xfc: {  	_ =	swait.ge [sflag:s21], $0x3000  }
0xfd: {  	[sflag:s21] =	ssyncset.done $0x0  }
0xfe: {  	s24 =	simm.s32 $0x0;
	[sflag:s21] =	ssyncadd.s32 $0xFFFFD000  }
0xff: {  	s24 =	sand.u32 $0xF, s24;
	_ =	swait.ge [sflag:s22], $0x3000  }
0x100: {  	s26 =	simm.s32 $0x1;
	p1 =	sne.s32 s24, s4;
	[sflag:s22] =	ssyncset.done $0x0  }
0x101: {  	s24 =	sshll.u32 @!p1 s4, $0x6;
	s25 =	sshrl.u32 @!p1 s1, $0x3;
	[sflag:s22] =	ssyncadd.s32 $0xFFFFD000  }
0x102: {  	s28 =	simm.s32 @!p1 $0x5;
	s24 =	sor.u32 @!p1 $0x1C05, s24;
	[bflag:$0x0] =	sbarrier.arrive $0xFFFF  }
0x103: {  	[hbm:s9], [sflag:s24] =	dma.local @!p1 [spmem:s25], $0xFA0  }
0x104: {  	s29 =	sand.u32 $0xF, s26;
	s26 =	sadd.s32 $0x7D00, s1;
	_ =	swait.ge @!p1 [sflag:s28], $0xFA0  }
0x105: {  	s25 =	simm.s32 $0x2;
	s24 =	sadd.s32 $0xFA0, s9;
	[sflag:s28] =	ssyncset.done @!p1 $0x0  }
.LBB2_16:
0x106: {  	[sflag:s28] =	ssyncadd.s32 @!p1 $0xFFFFF060  }
0x107: {  	p1 =	sne.s32 s29, s4;
	s29 =	smov.u32 s25;
	s25 =	sadd.s32 $0x1, s25  }
0x108: {  	p2 =	sne.s32 s25, $0x19  }
.Ltmp10:
0x109: {  	s28 =	sshll.u32 @!p1 s4, $0x6;
	s30 =	sshrl.u32 @!p1 s26, $0x3;
	(pc) =	sbr.rel @p2 .LBB2_16-.Ltmp10, $4  }
0x10a: {  	s31 =	sor.u32 @!p1 $0x1C05, s28;
	s28 =	simm.s32 @!p1 $0x5  }
0x10b: {  	[hbm:s24], [sflag:s31] =	dma.local @!p1 [spmem:s30], $0xFA0  }
0x10c: {  	s24 =	sadd.s32 $0xFA0, s24;
	_ =	swait.ge @!p1 [sflag:s28], $0xFA0  }
0x10d: {  	s29 =	sand.u32 $0xF, s29;
	s26 =	sadd.s32 $0x7D00, s26;
	[sflag:s28] =	ssyncset.done @!p1 $0x0  }
.Ltmp11:
0x10e: {  	_ = 	snop;
	(pc) =	sbr.rel .LBB2_17-.Ltmp11, $1  }
0x10f: {  	_ =	sdelay $0x3  }
.LBB2_19:
0x110: {  	_ =	sfence.sel $0x180000  }
0x111: {  	[bflag:$0x0] =	sbarrier.arrive $0xFFFF  }
0x112: {  	p0 =	sne.s32 s4, $0x0;
	_ =	strace $0x90000047  }
0x113: {  	s0 =	sadd.s32 @!p0 $0x100000, s0;
	[bflag:$0x2] =	sbarrier.arrive $0xFFFF  }
0x114: {  	[sflag:s0] =	ssyncadd.tile.s32 @!p0 $0x1;
	_ =	shalt  }
.Lfunc_end2:
_tile_overlayer_lowered:
.L_overlay_start_2:
0x115: {  	(tag) =	ssettag $0x2  }
0x116: {  	s0 =	rddreg [dreg:$0x0];
	s2 =	stileid.u32  }
0x117: {  	s1 =	rddreg [dreg:$0x1];
	p0 =	sne.s32 s2, $0x0  }
0x118: {  	s3 =	rddreg [dreg:$0x2];
	[bflag:$0x3] =	sbarrier.arrive $0xFFFF;
	s2 =	simm.s32 @!p0 $0x1C05  }
0x119: {  	[timem:s3], [sflag:s2] =	dma.local @!p0 [hbm:s0], s1  }
0x11a: {  	s0 =	simm.s32 @!p0 $0x5  }
0x11b: {  	_ =	swait.ge @!p0 [sflag:s0], s1  }
0x11c: {  	s1 =	ssub.s32 @!p0 $0x0, s1;
	[sflag:s0] =	ssyncset.done @!p0 $0x0  }
0x11d: {  	[sflag:s0] =	ssyncadd.s32 @!p0 s1  }
0x11e: {  	[bflag:$0x3] =	sbarrier.arrive $0xFFFF  }
0x11f: {  	_ =	shalt  }

// kernel: kernel.21.cloned.1.call-start
scs
__scs_entry_jumppad:
0x0: {  	(pc) =	sbr.rel $0x88, $3  }
0x1: {  	(tag) =	ssettag $0x0;
	lr =	simm.s32 $0x1  }
0x2: {  	[smem:$0x3F99] =	sst lr;
	_ =	strace $0xD0000000  }
0x3: {  	_ = 	snop  }
0x4: {  	_ = 	snop  }
0x5: {  	_ = 	snop  }
0x6: {  	_ = 	snop  }
0x7: {  	_ = 	snop  }
__scs_overlays_trampoline_lowered:
0x8: {  	[smem:$0x3FA8] =	sst s0  }
0x9: {  	[smem:$0x3FA9] =	sst s1  }
0xa: {  	[smem:$0x3FAA] =	sst s2  }
0xb: {  	[smem:$0x3FAB] =	sst s3  }
0xc: {  	[smem:$0x3FAC] =	sst s4  }
0xd: {  	[smem:$0x3FAD] =	sst s5  }
0xe: {  	[smem:$0x3FAE] =	sst s6  }
0xf: {  	[smem:$0x3FAF] =	sst s7  }
0x10: {  	[smem:$0x3FB0] =	sst s8  }
0x11: {  	[smem:$0x3FB1] =	sst s9;
	s0 =	simm.s32 @!p0 $0x0  }
0x12: {  	s1 =	sld [smem:$0x3F97];
	s0 =	simm.s32 @p0 $0x1  }
0x13: {  	[smem:$0x3FB2] =	sst s0;
	s0 =	simm.s32 @!p1 $0x0  }
0x14: {  	s2 =	sld [smem:$0x3F96];
	s0 =	simm.s32 @p1 $0x1  }
0x15: {  	[smem:$0x3FB3] =	sst s0;
	s0 =	simm.s32 @!p2 $0x0  }
0x16: {  	s3 =	sld [smem:$0x3FDB];
	s0 =	simm.s32 @p2 $0x1  }
0x17: {  	s4 =	simm.s32 $0x1BF5;
	[smem:$0x3FB5] =	sst s0  }
0x18: {  	s0 =	sld [smem:$0x3F98];
	_ =	swait.ge [sflag:s4], $0x0  }
0x19: {  	s7 =	sld [smem:$0x3F99]  }
0x1a: {  	s8 =	sadd.s32 $0xFFFFE003, lr  }
0x1b: {  	s9 =	sadd.s32 $0xFFFFFEF7, lr;
	s5 =	simm.s32 $0xFFFFFFFF;
	p2 =	slt.u32 s8, $0xFFFFF086  }
0x1c: {  	p1 =	slt.u32 s9, $0xF7A;
	s5 =	simm.s32 @!p2 $0x0  }
0x1d: {  	s5 =	simm.s32 @p1 $0x1;
	p0 =	seq.s32 s7, s2  }
0x1e: {  	s7 =	smul.u32 @!p0 $0xF7A, s2;
	p2 =	seq.s32 @!p0 s5, $0x0  }
0x1f: {  	s9 =	smul.u32 $0xF7A, s1;
	s8 =	simm.s32 @!p0 $0x1BF5;
	p2 =	por !p2, p0  }
0x20: {  	[sflag:s8] =	ssyncset.s32 @!p0 $0xFFFFF086;
	s6 =	sadd.s32 @!p0 s3, s7;
	s7 =	simm.s32 @!p0 $0x108  }
0x21: {  	s3 =	sadd.s32 s3, s9;
	s6 =	sadd.s32 @!p0 $0x88, s6;
	s7 =	simm.s32 @p2 $0x1082  }
0x22: {  	[simem:s7], [sflag:s8] =	dma.local @!p0 [hbm:s6], $0xF7A  }
0x23: {  	s9 =	sor.u32 $0xD0000000, s2;
	s6 =	simm.s32 $0x108;
	_ =	swait.ge @!p0 [sflag:s8], $0x0  }
0x24: {  	s3 =	sadd.s32 $0x88, s3;
	s6 =	simm.s32 @!p1 $0x1082;
	[sflag:s4] =	ssyncset.s32 $0xFFFFF086  }
0x25: {  	[simem:s6], [sflag:s4] =	dma.local [hbm:s3], $0xF7A  }
0x26: {  	[smem:$0x3F99] =	sst s1;
	(tag) =	ssettag s2;
	_ =	strace s9  }
0x27: {  	s1 =	sld [smem:$0x3FA9]  }
0x28: {  	s2 =	sld [smem:$0x3FAA]  }
0x29: {  	s4 =	sld [smem:$0x3FAC]  }
0x2a: {  	p0 =	seq.s32 s5, $0x0;
	s5 =	sld [smem:$0x3FAD]  }
0x2b: {  	s6 =	sld [smem:$0x3FAE]  }
0x2c: {  	s7 =	sld [smem:$0x3FAF]  }
0x2d: {  	s3 =	simm.s32 $0x108;
	s8 =	sld [smem:$0x3FB0]  }
0x2e: {  	s3 =	simm.s32 @!p0 $0x1082;
	s9 =	sld [smem:$0x3FB1]  }
0x2f: {  	lr =	sadd.s32 s0, s3;
	s0 =	sld [smem:$0x3FA8]  }
0x30: {  	s3 =	sld [smem:$0x3FAB]  }
0x31: {  	[smem:$0x3FB4] =	sst s10  }
0x32: {  	s10 =	sld [smem:$0x3FB2];
	_ =	sdelay $0x3  }
0x33: {  	p0 =	seq.s32 s10, $0x1;
	s10 =	sld [smem:$0x3FB4];
	_ =	sdelay $0x3  }
0x34: {  	[smem:$0x3FB4] =	sst s10  }
0x35: {  	s10 =	sld [smem:$0x3FB3];
	_ =	sdelay $0x3  }
0x36: {  	p1 =	seq.s32 s10, $0x1;
	s10 =	sld [smem:$0x3FB4];
	_ =	sdelay $0x3  }
0x37: {  	[smem:$0x3FB4] =	sst s10  }
0x38: {  	s10 =	sld [smem:$0x3FB5]  }
0x39: {  	_ = 	snop;
	(pc) =	sbr.ind lr, $3  }
0x3a: {  	_ = 	snop  }
0x3b: {  	_ = 	snop  }
0x3c: {  	p2 =	seq.s32 s10, $0x1;
	s10 =	sld [smem:$0x3FB4]  }
0x3d: {  	_ =	shalt  }
0x3e: {  	_ =	shalt  }
0x3f: {  	_ =	shalt  }
0x40: {  	_ =	shalt  }
0x41: {  	_ =	shalt  }
0x42: {  	_ =	shalt  }
0x43: {  	_ =	shalt  }
0x44: {  	_ =	shalt  }
0x45: {  	_ =	shalt  }
0x46: {  	_ =	shalt  }
0x47: {  	_ =	shalt  }
0x48: {  	_ =	shalt  }
0x49: {  	_ =	shalt  }
0x4a: {  	_ =	shalt  }
0x4b: {  	_ =	shalt  }
0x4c: {  	_ =	shalt  }
0x4d: {  	_ =	shalt  }
0x4e: {  	_ =	shalt  }
0x4f: {  	_ =	shalt  }
0x50: {  	_ =	shalt  }
0x51: {  	_ =	shalt  }
0x52: {  	_ =	shalt  }
0x53: {  	_ =	shalt  }
0x54: {  	_ =	shalt  }
0x55: {  	_ =	shalt  }
0x56: {  	_ =	shalt  }
0x57: {  	_ =	shalt  }
0x58: {  	_ =	shalt  }
0x59: {  	_ =	shalt  }
0x5a: {  	_ =	shalt  }
0x5b: {  	_ =	shalt  }
0x5c: {  	_ =	shalt  }
0x5d: {  	_ =	shalt  }
0x5e: {  	_ =	shalt  }
0x5f: {  	_ =	shalt  }
0x60: {  	_ =	shalt  }
0x61: {  	_ =	shalt  }
0x62: {  	_ =	shalt  }
0x63: {  	_ =	shalt  }
0x64: {  	_ =	shalt  }
0x65: {  	_ =	shalt  }
0x66: {  	_ =	shalt  }
0x67: {  	_ =	shalt  }
0x68: {  	_ =	shalt  }
0x69: {  	_ =	shalt  }
0x6a: {  	_ =	shalt  }
0x6b: {  	_ =	shalt  }
0x6c: {  	_ =	shalt  }
0x6d: {  	_ =	shalt  }
0x6e: {  	_ =	shalt  }
0x6f: {  	_ =	shalt  }
0x70: {  	_ =	shalt  }
0x71: {  	_ =	shalt  }
0x72: {  	_ =	shalt  }
0x73: {  	_ =	shalt  }
0x74: {  	_ =	shalt  }
0x75: {  	_ =	shalt  }
0x76: {  	_ =	shalt  }
0x77: {  	_ =	shalt  }
0x78: {  	_ =	shalt  }
0x79: {  	_ =	shalt  }
0x7a: {  	_ =	shalt  }
0x7b: {  	_ =	shalt  }
0x7c: {  	_ =	shalt  }
0x7d: {  	_ =	shalt  }
0x7e: {  	_ =	shalt  }
0x7f: {  	_ =	shalt  }
0x80: {  	_ =	shalt  }
0x81: {  	_ =	shalt  }
0x82: {  	_ =	shalt  }
0x83: {  	_ =	shalt  }
0x84: {  	_ =	shalt  }
0x85: {  	_ =	shalt  }
0x86: {  	_ =	shalt  }
0x87: {  	_ =	shalt  }
.Lfunc_end0:
.L_simem_size_0:
called_computation.3_lowered:
.L_overlay_start_0:
0x88: {  	s2 =	sld [smem:$0x3FD9]  }
0x89: {  	s3 =	sld [smem:$0x3FFE];
	_ =	sdelay $0x1  }
0x8a: {  	s1 =	srdreg.scid  }
0x8b: {  	s0 =	sand.u32 $0x1, s1  }
0x8c: {  	s17 =	sshll.u32 s0, $0xA;
	s2 =	sadd.s32 s3, s2  }
0x8d: {  	s2 =	sadd.s32 s2, s17  }
0x8e: {  	[smem:$0x3FC0] =	sst s2  }
0x8f: {  	_ = 	snop  }
0x90: {  	(tm) =	ssettm $0x1  }
0x91: {  	s18 =	sld [smem:$0x3FFB];
	_ =	sdelay $0x3  }
0x92: {  	_ =	strace s18  }
0x93: {  	s2 =	sld [smem:$0x3FFC];
	_ =	sdelay $0x3  }
0x94: {  	_ =	strace s2  }
0x95: {  	s2 =	sld [smem:$0x3FFD];
	_ =	sdelay $0x3  }
0x96: {  	_ =	strace s2  }
0x97: {  	_ =	strace $0x8FFFFFFF  }
0x98: {  	s19 =	sld [smem:$0x3FDB];
	_ =	sdelay $0x1  }
0x99: {  	s20 =	simm.s32 $_scs_section_size  }
0x9a: {  	s4 =	simm.s32 $_size__tile_overlayer_lowered;
	s5 =	simm.s32 $_tile_overlayer_lowered  }
0x9b: {  	s6 =	simm.s32 $0x1BFF;
	s21 =	sshll.u32 s5, $0x1;
	s3 =	sadd.s32 s20, s19  }
0x9c: {  	s22 =	simm.s32 $0x0;
	s4 =	sshll.u32 s4, $0x1;
	s5 =	sadd.s32 s21, s3  }
0x9d: {  	[timem:s22], [sflag:s6] =	dma.local [hbm:s5], s4  }
0x9e: {  	_ =	swait.ge [sflag:s6], s4  }
0x9f: {  	s4 =	ssub.s32 $0x0, s4;
	[sflag:s6] =	ssyncset.done $0x0  }
0xa0: {  	[sflag:s6] =	ssyncadd.s32 s4;
	_ =	sdelay $0x1  }
0xa1: {  	s23 =	simm.s32 $0x1B8B  }
0xa2: {  	_ =	swait.ge [sflag:s23], $0x1  }
0xa3: {  	[sflag:s23] =	ssyncset.done $0x0  }
0xa4: {  	[sflag:s23] =	ssyncadd.s32 $0xFFFFFFFF  }
0xa5: {  	s4 =	sld [smem:$0x0]  }
0xa6: {  	s5 =	sand.u32 $0xFFFFFFFE, s1  }
0xa7: {  	p0 =	sne.s32 s1, s5  }
0xa8: {  	s5 =	sshll.u32 @p0 s5, $0xE  }
0xa9: {  	s5 =	sadd.s32 @p0 $0x11B8D, s5;
	s6 =	sshll.u32 @p0 s4, $0x11  }
0xaa: {  	s5 =	sor.u32 @p0 s6, s5  }
0xab: {  	[sflag:s5] =	ssyncadd.remote.s32 @p0 $0x1;
	_ =	sdelay $0x1  }
0xac: {  	s5 =	simm.s32 @p0 $0x1B8D  }
0xad: {  	_ =	swait.eq @p0 [sflag:s5], $0x1  }
0xae: {  	[sflag:s5] =	ssyncadd.s32 @p0 $0xFFFFFFFF  }
0xaf: {  	s6 =	sshll.u32 @!p0 s1, $0xE  }
0xb0: {  	s6 =	sor.u32 @!p0 $0x4000, s6;
	s5 =	simm.s32 @!p0 $0x1B8D  }
0xb1: {  	s4 =	sshll.u32 @!p0 s4, $0x11;
	s6 =	sadd.s32 @!p0 $0x11B8D, s6;
	_ =	swait.eq @!p0 [sflag:s5], $0x1  }
0xb2: {  	s4 =	sor.u32 @!p0 s4, s6;
	[sflag:s5] =	ssyncadd.s32 @!p0 $0xFFFFFFFF  }
0xb3: {  	s25 =	simm.s32 $0x1B8E;
	s24 =	sld [smem:$0x3FFE];
	[sflag:s4] =	ssyncadd.remote.s32 @!p0 $0x1  }
0xb4: {  	s26 =	simm.s32 $execute0_lowered;
	[smem:$0x3FD2] =	sst s25  }
0xb5: {  	s5 =	sshll.u32 s26, $0x1;
	_ =	strace $0x8000004C;
	[dreg:$0x1] =	wrdreg $0xFFFFFFFF  }
0xb6: {  	s28 =	simm.s32 $_size_execute0_lowered;
	s3 =	sadd.s32 s3, s5;
	[dreg:$0x0] =	wrdreg $0x0  }
0xb7: {  	s5 =	sshll.u32 s28, $0x1;
	[dreg:$0x2] =	wrdreg s3  }
0xb8: {  	[dreg:$0x3] =	wrdreg s5  }
0xb9: {  	[dreg:$0x4] =	wrdreg $0xC0  }
0xba: {  	_ =	task [dreg:s22], $0x5FFFF  }
0xbb: {  	[dreg:$0x1] =	wrdreg $0xFFFFFFFF  }
0xbc: {  	[dreg:$0x0] =	wrdreg $0x60  }
0xbd: {  	[dreg:$0x2] =	wrdreg s24  }
0xbe: {  	[dreg:$0x3] =	wrdreg $0x66000  }
0xbf: {  	[dreg:$0x4] =	wrdreg $0x131200  }
0xc0: {  	[dreg:$0x5] =	wrdreg $0xA  }
0xc1: {  	_ =	task.clear_ibuf [dreg:s22], $0x6FFFF;
	_ =	strace $0x9000004C  }
0xc2: {  	s29 =	simm.s32 $0xA;
	_ =	strace $0x8000004E  }
0xc3: {  	_ =	swait.ge [sflag:s29], $0x1  }
0xc4: {  	[sflag:s29] =	ssyncadd.s32 $0xFFFFFFFF  }
0xc5: {  	_ =	strace $0x9000004E  }
0xc6: {  	_ =	sfence  }
0xc7: {  	s30 =	sld [smem:$0x0];
	_ =	sdelay $0x2  }
0xc8: {  	s31 =	sshll.u32 s1, $0xD;
	s1 =	sshrl.u32 s1, $0x2  }
0xc9: {  	s4 =	sand.u32 $0x4000, s31;
	s1 =	sadd.s32 s1, s30  }
0xca: {  	s0 =	sor.u32 s4, s0;
	s1 =	sshll.u32 s1, $0x11  }
0xcb: {  	s0 =	sor.u32 s1, s0  }
0xcc: {  	s0 =	sadd.s32 $0x8F2B, s0  }
0xcd: {  	[sflag:s0] =	ssyncadd.remote.s32 $0x1  }
0xce: {  	_ =	sfence.sel $0xFFFF  }
0xcf: {  	[dreg:$0x0] =	wrdreg $0xFFFFFFFF;
	(pc) =	sbr.abs _section_cstart, $3  }
0xd0: {  	[dreg:$0x1] =	wrdreg $0xFFFFFFFF  }
0xd1: {  	_ =	task.clear_ibuf [dreg:s22], $0x2FFFF;
	_ =	strace $0x9FFFFFFF  }
0xd2: {  	(tm) =	ssettm $0x7FFFFFFF  }
0xd3: {  	_ =	shalt  }
tec
execute0_lowered:
.L_overlay_start_1:
0x0: {  	(tag) =	ssettag $0x1  }
0x1: {  	s9 =	rddreg [dreg:$0x0]  }
0x2: {  	s1 =	rddreg [dreg:$0x1]  }
0x3: {  	s2 =	rddreg [dreg:$0x2]  }
0x4: {  	s0 =	rddreg [dreg:$0x3];
	s3 =	simm.s32 $0x0;
	s7 =	srdreg.scid  }
0x5: {  	s4 =	stileid.u32;
	s16 =	simm.s32 $0x300;
	s17 =	simm.s32 $0x3600  }
0x6: {  	s18 =	simm.s32 $0x1;
	s19 =	simm.s32 $0x2;
	s20 =	simm.s32 $0x480  }
0x7: {  	s21 =	simm.s32 $0x3;
	s22 =	simm.s32 $0x4;
	s23 =	simm.s32 $0x0  }
0x8: {  	[smem:$0x7FF] =	sst s3;
	s5 =	sadd.s32 $0x1E400, s9;
	s6 =	sadd.s32 $0x37C00, s9  }
0x9: {  	s11 =	sadd.s32 $0x5800, s9;
	s13 =	sand.u32 $0x1, s7;
	s10 =	smul.u32 $0xC600, s4  }
0xa: {  	s7 =	sadd.s32 $0x36C00, s9;
	s8 =	sadd.s32 $0x68C00, s9;
	s15 =	smul.u32 $0x18C0, s4  }
.Ltmp0:
0xb: {  	s9 =	sadd.s32 $0x50400, s9;
	s12 =	ssub.s32 $0x2, s13;
	(pc) =	sbr.rel .LBB2_1-.Ltmp0, $4  }
0xc: {  	_ =	strace $0x8000004D;
	p0 =	sne.s32 s13, $0x0;
	s14 =	sshrl.u32 s12, $0x1  }
0xd: {  	s13 =	simm.s32 $0x5;
	s10 =	sshrl.u32 s10, $0x3;
	s12 =	ssub.s32 s12, s14  }
0xe: {  	s31 =	sadd.s32 s11, s10;
	s11 =	sadd.s32 s11, s15;
	s14 =	simm.s32 $0x180  }
0xf: {  	s15 =	simm.s32 $0x600;
	s10 =	smax.u32 s12, $0x1;
	s12 =	sadd.s32 $0x60, s31  }
.LBB2_17:
0x10: {  	p2 =	sne.s32 s29, s4  }
0x11: {  	[sflag:s28] =	ssyncadd.s32 @!p1 $0xFFFFF060;
	s25 =	sshll.u32 @!p2 s4, $0x6  }
0x12: {  	s26 =	sshrl.u32 @!p2 s26, $0x3;
	s28 =	simm.s32 @!p2 $0x5;
	s25 =	sor.u32 @!p2 $0x1C05, s25  }
0x13: {  	[hbm:s24], [sflag:s25] =	dma.local @!p2 [spmem:s26], $0xFA0  }
0x14: {  	_ =	swait.ge @!p2 [sflag:s28], $0xFA0  }
0x15: {  	[sflag:s28] =	ssyncset.done @!p2 $0x0  }
0x16: {  	[sflag:s28] =	ssyncadd.s32 @!p2 $0xFFFFF060  }
.LBB2_18:
0x17: {  	s23 =	sadd.s32 $0x1, s23  }
0x18: {  	p1 =	sne.s32 s23, s10  }
.Ltmp1:
0x19: {  	_ = 	snop;
	(pc) =	sbr.rel @!p1 .LBB2_19-.Ltmp1, $1  }
0x1a: {  	_ =	sdelay $0x3  }
.LBB2_1:
0x1b: {  	s24 =	sand.u32 $0xF, s3  }
0x1c: {  	p1 =	sne.s32 s24, s4  }
0x1d: {  	s31 =	simm.s32 $0x1;
	s24 =	sshll.u32 @!p1 s4, $0x6  }
0x1e: {  	s25 =	sshrl.u32 @!p1 s1, $0x3;
	s26 =	simm.s32 @!p1 $0x5;
	s24 =	sor.u32 @!p1 $0x1C05, s24  }
0x1f: {  	[spmem:s25], [sflag:s24] =	dma.local @!p1 [hbm:s7], $0xFA0  }
0x20: {  	s28 =	sand.u32 $0xF, s31;
	_ =	swait.ge @!p1 [sflag:s26], $0xFA0  }
0x21: {  	s25 =	simm.s32 $0x2;
	s24 =	sadd.s32 $0x7D00, s1;
	[sflag:s26] =	ssyncset.done @!p1 $0x0  }
.LBB2_2:
0x22: {  	[sflag:s26] =	ssyncadd.s32 @!p1 $0xFFFFF060  }
0x23: {  	p1 =	sne.s32 s28, s4;
	s28 =	smov.u32 s25;
	s25 =	sadd.s32 $0x1, s25  }
0x24: {  	p2 =	sne.s32 s25, $0x1A  }
.Ltmp2:
0x25: {  	s26 =	sshll.u32 @!p1 s4, $0x6;
	s29 =	sshrl.u32 @!p1 s24, $0x3;
	(pc) =	sbr.rel @p2 .LBB2_2-.Ltmp2, $4  }
0x26: {  	s30 =	sor.u32 @!p1 $0x1C05, s26;
	s26 =	simm.s32 @!p1 $0x5  }
0x27: {  	[spmem:s29], [sflag:s30] =	dma.local @!p1 [hbm:s7], $0xFA0  }
0x28: {  	_ =	swait.ge @!p1 [sflag:s26], $0xFA0  }
0x29: {  	s28 =	sand.u32 $0xF, s28;
	s24 =	sadd.s32 $0x7D00, s24;
	[sflag:s26] =	ssyncset.done @!p1 $0x0  }
0x2a: {  	p2 =	sne.s32 s28, s4  }
0x2b: {  	[sflag:s26] =	ssyncadd.s32 @!p1 $0xFFFFF060;
	s25 =	sshll.u32 @!p2 s4, $0x6;
	s24 =	sshrl.u32 @!p2 s24, $0x3  }
.Ltmp3:
0x2c: {  	s26 =	simm.s32 @!p2 $0x5;
	s25 =	sor.u32 @!p2 $0x1C05, s25;
	(pc) =	sbr.rel @p0 .LBB2_11-.Ltmp3, $4  }
0x2d: {  	[spmem:s24], [sflag:s25] =	dma.local @!p2 [hbm:s7], $0xFA0  }
0x2e: {  	s31 =	simm.s32 $0x0;
	_ =	swait.ge @!p2 [sflag:s26], $0xFA0  }
0x2f: {  	s24 =	sand.u32 $0xF, s31;
	[sflag:s26] =	ssyncset.done @!p2 $0x0  }
0x30: {  	s25 =	simm.s32 $0x1;
	p1 =	sne.s32 s24, s4;
	[sflag:s26] =	ssyncadd.s32 @!p2 $0xFFFFF060  }
0x31: {  	s24 =	sshll.u32 @!p1 s4, $0x6  }
0x32: {  	s26 =	sshrl.u32 @!p1 s2, $0x3;
	s28 =	simm.s32 @!p1 $0x5;
	s24 =	sor.u32 @!p1 $0x1C05, s24  }
0x33: {  	[spmem:s26], [sflag:s24] =	dma.local @!p1 [hbm:s5], $0xFA0  }
0x34: {  	s29 =	sand.u32 $0xF, s25;
	s25 =	sadd.s32 $0xFA0, s5;
	_ =	swait.ge @!p1 [sflag:s28], $0xFA0  }
0x35: {  	s26 =	simm.s32 $0x2;
	s24 =	sadd.s32 $0x7D00, s2;
	[sflag:s28] =	ssyncset.done @!p1 $0x0  }
.LBB2_5:
0x36: {  	[sflag:s28] =	ssyncadd.s32 @!p1 $0xFFFFF060  }
0x37: {  	p1 =	sne.s32 s29, s4;
	s29 =	smov.u32 s26;
	s26 =	sadd.s32 $0x1, s26  }
0x38: {  	p2 =	seq.s32 s26, $0x19  }
.Ltmp4:
0x39: {  	s28 =	sshll.u32 @!p1 s4, $0x6;
	s30 =	sshrl.u32 @!p1 s24, $0x3;
	(pc) =	sbr.rel @!p2 .LBB2_5-.Ltmp4, $4  }
0x3a: {  	s31 =	sor.u32 @!p1 $0x1C05, s28;
	s28 =	simm.s32 @!p1 $0x5  }
0x3b: {  	[spmem:s30], [sflag:s31] =	dma.local @!p1 [hbm:s25], $0xFA0  }
0x3c: {  	s24 =	sadd.s32 $0x7D00, s24;
	_ =	swait.ge @!p1 [sflag:s28], $0xFA0  }
0x3d: {  	s29 =	sand.u32 $0xF, s29;
	s25 =	sadd.s32 $0xFA0, s25;
	[sflag:s28] =	ssyncset.done @!p1 $0x0  }
0x3e: {  	p2 =	sne.s32 s29, s4  }
0x3f: {  	[sflag:s28] =	ssyncadd.s32 @!p1 $0xFFFFF060;
	s26 =	sshll.u32 @!p2 s4, $0x6  }
0x40: {  	s24 =	sshrl.u32 @!p2 s24, $0x3;
	s28 =	simm.s32 @!p2 $0x5;
	s26 =	sor.u32 @!p2 $0x1C05, s26  }
0x41: {  	[spmem:s24], [sflag:s26] =	dma.local @!p2 [hbm:s25], $0xFA0  }
0x42: {  	_ =	swait.ge @!p2 [sflag:s28], $0xFA0  }
0x43: {  	[sflag:s28] =	ssyncset.done @!p2 $0x0  }
0x44: {  	[sflag:s28] =	ssyncadd.s32 @!p2 $0xFFFFF060  }
0x45: {  	[bflag:$0x0] =	sbarrier.arrive $0xFFFF  }
0x46: {  	[tilespmem:s3], [sflag:$0x5] =	stream.linear.gather [hbm4b:s11+s3], $0x300, $0x38;
	[tilespmem:$0x1F470] =	vst v63  }
0x47: {  	_ =	swait.ge [sflag:s13], $0x300  }
0x48: {  	[sflag:s13] =	ssyncset.done $0x0  }
0x49: {  	[sflag:s13] =	ssyncadd.s32 $0xFFFFFD00  }
0x4a: {  	[tilespmem:s15], [sflag:$0x1] =	stream.indirect.gather [spmem:s2], $0x20, s3, s14, $0xb8;
	[tilespmem:$0x1F470] =	vst v63  }
0x4b: {  	_ = 	snop  }
0x4c: {  	[tilespmem:s16], [sflag:$0x5] =	stream.linear.gather [hbm4b:s12+s3], $0x300, $0x38;
	[tilespmem:$0x1F470] =	vst v63  }
0x4d: {  	_ =	swait.ge [sflag:s13], $0x300  }
0x4e: {  	[sflag:s13] =	ssyncset.done $0x0  }
0x4f: {  	[sflag:s13] =	ssyncadd.s32 $0xFFFFFD00  }
0x50: {  	[tilespmem:s17], [sflag:$0x2] =	stream.indirect.gather [spmem:s2], $0x20, s16, s14, $0xb8;
	[tilespmem:$0x1F470] =	vst v63  }
0x51: {  	_ =	swait.ge [sflag:s18], $0x3000  }
0x52: {  	[sflag:s18] =	ssyncset.done $0x0  }
0x53: {  	[sflag:s18] =	ssyncadd.s32 $0xFFFFD000  }
0x54: {  	[spmem:s1] =	stream.indirect.scatter.add.f32 [tilespmem:s15], [sflag:$0x3], $0x20, s14, s14, $0xb8;
	[tilespmem:$0x1F470] =	vst v63  }
0x55: {  	_ =	swait.ge [sflag:s19], $0x3000  }
0x56: {  	[sflag:s19] =	ssyncset.done $0x0  }
0x57: {  	[sflag:s19] =	ssyncadd.s32 $0xFFFFD000  }
0x58: {  	[spmem:s1] =	stream.indirect.scatter.add.f32 [tilespmem:s17], [sflag:$0x4], $0x20, s20, s14, $0xb8;
	[tilespmem:$0x1F470] =	vst v63  }
0x59: {  	_ =	swait.ge [sflag:s21], $0x3000  }
0x5a: {  	s30 =	sadd.s32 $0xFFFFE800, s11;
	[sflag:s21] =	ssyncset.done $0x0  }
0x5b: {  	s31 =	sadd.s32 $0x18C0, s30;
	[sflag:s21] =	ssyncadd.s32 $0xFFFFD000  }
0x5c: {  	[tilespmem:s3], [sflag:$0x5] =	stream.linear.gather [hbm4b:s31+s3], $0x300, $0x38;
	[tilespmem:$0x1F470] =	vst v63  }
0x5d: {  	_ =	swait.ge [sflag:s13], $0x300  }
0x5e: {  	[sflag:s13] =	ssyncset.done $0x0  }
0x5f: {  	[sflag:s13] =	ssyncadd.s32 $0xFFFFFD00  }
0x60: {  	[tilespmem:s15], [sflag:$0x1] =	stream.indirect.gather [spmem:s2], $0x20, s3, s14, $0xb8;
	[tilespmem:$0x1F470] =	vst v63  }
0x61: {  	_ =	swait.ge [sflag:s22], $0x3000  }
0x62: {  	[sflag:s22] =	ssyncset.done $0x0  }
0x63: {  	s24 =	sadd.s32 $0x1920, s30;
	[sflag:s22] =	ssyncadd.s32 $0xFFFFD000  }
0x64: {  	[tilespmem:s16], [sflag:$0x5] =	stream.linear.gather [hbm4b:s24+s3], $0x300, $0x38;
	[tilespmem:$0x1F470] =	vst v63  }
0x65: {  	_ =	swait.ge [sflag:s13], $0x300  }
0x66: {  	[sflag:s13] =	ssyncset.done $0x0  }
0x67: {  	[sflag:s13] =	ssyncadd.s32 $0xFFFFFD00  }
0x68: {  	[tilespmem:s17], [sflag:$0x2] =	stream.indirect.gather [spmem:s2], $0x20, s16, s14, $0xb8;
	[tilespmem:$0x1F470] =	vst v63  }
0x69: {  	_ =	swait.ge [sflag:s18], $0x3000  }
0x6a: {  	[sflag:s18] =	ssyncset.done $0x0  }
0x6b: {  	[sflag:s18] =	ssyncadd.s32 $0xFFFFD000  }
0x6c: {  	[spmem:s1] =	stream.indirect.scatter.add.f32 [tilespmem:s15], [sflag:$0x3], $0x20, s14, s14, $0xb8;
	[tilespmem:$0x1F470] =	vst v63  }
0x6d: {  	_ =	swait.ge [sflag:s19], $0x3000  }
0x6e: {  	[sflag:s19] =	ssyncset.done $0x0  }
0x6f: {  	s24 =	simm.s32 $0xFFFFE8C0;
	[sflag:s19] =	ssyncadd.s32 $0xFFFFD000  }
.LBB2_7:
0x70: {  	[spmem:s1] =	stream.indirect.scatter.add.f32 [tilespmem:s17], [sflag:$0x4], $0x20, s20, s14, $0xb8;
	[tilespmem:$0x1F470] =	vst v63  }
0x71: {  	s25 =	smov.u32 s24  }
0x72: {  	p1 =	seq.s32 s24, $0xFFFFFF40;
	s24 =	sadd.s32 $0xC0, s24;
	_ =	swait.ge [sflag:s21], $0x3000  }
0x73: {  	s25 =	sadd.s32 s25, s11;
	[sflag:s21] =	ssyncset.done $0x0  }
0x74: {  	s26 =	sadd.s32 $0x18C0, s25;
	[sflag:s21] =	ssyncadd.s32 $0xFFFFD000  }
0x75: {  	[tilespmem:s3], [sflag:$0x5] =	stream.linear.gather [hbm4b:s26+s3], $0x300, $0x38;
	[tilespmem:$0x1F470] =	vst v63  }
0x76: {  	_ =	swait.ge [sflag:s13], $0x300  }
0x77: {  	[sflag:s13] =	ssyncset.done $0x0  }
0x78: {  	[sflag:s13] =	ssyncadd.s32 $0xFFFFFD00  }
0x79: {  	[tilespmem:s15], [sflag:$0x1] =	stream.indirect.gather [spmem:s2], $0x20, s3, s14, $0xb8;
	[tilespmem:$0x1F470] =	vst v63  }
0x7a: {  	_ =	swait.ge [sflag:s22], $0x3000  }
0x7b: {  	[sflag:s22] =	ssyncset.done $0x0  }
0x7c: {  	s25 =	sadd.s32 $0x1920, s25;
	[sflag:s22] =	ssyncadd.s32 $0xFFFFD000  }
0x7d: {  	[tilespmem:s16], [sflag:$0x5] =	stream.linear.gather [hbm4b:s25+s3], $0x300, $0x38;
	[tilespmem:$0x1F470] =	vst v63  }
0x7e: {  	_ =	swait.ge [sflag:s13], $0x300  }
0x7f: {  	[sflag:s13] =	ssyncset.done $0x0  }
0x80: {  	[sflag:s13] =	ssyncadd.s32 $0xFFFFFD00  }
0x81: {  	[tilespmem:s17], [sflag:$0x2] =	stream.indirect.gather [spmem:s2], $0x20, s16, s14, $0xb8;
	[tilespmem:$0x1F470] =	vst v63  }
0x82: {  	_ =	swait.ge [sflag:s18], $0x3000  }
0x83: {  	[sflag:s18] =	ssyncset.done $0x0  }
.Ltmp5:
0x84: {  	[sflag:s18] =	ssyncadd.s32 $0xFFFFD000;
	(pc) =	sbr.rel @!p1 .LBB2_7-.Ltmp5, $4  }
0x85: {  	[spmem:s1] =	stream.indirect.scatter.add.f32 [tilespmem:s15], [sflag:$0x3], $0x20, s14, s14, $0xb8;
	[tilespmem:$0x1F470] =	vst v63  }
0x86: {  	_ =	swait.ge [sflag:s19], $0x3000  }
0x87: {  	[sflag:s19] =	ssyncset.done $0x0  }
0x88: {  	[sflag:s19] =	ssyncadd.s32 $0xFFFFD000  }
0x89: {  	[spmem:s1] =	stream.indirect.scatter.add.f32 [tilespmem:s17], [sflag:$0x4], $0x20, s20, s14, $0xb8;
	[tilespmem:$0x1F470] =	vst v63  }
0x8a: {  	_ =	swait.ge [sflag:s21], $0x3000  }
0x8b: {  	[sflag:s21] =	ssyncset.done $0x0  }
0x8c: {  	s24 =	simm.s32 $0x0;
	[sflag:s21] =	ssyncadd.s32 $0xFFFFD000  }
0x8d: {  	s24 =	sand.u32 $0xF, s24;
	_ =	swait.ge [sflag:s22], $0x3000  }
0x8e: {  	s26 =	simm.s32 $0x1;
	p1 =	sne.s32 s24, s4;
	[sflag:s22] =	ssyncset.done $0x0  }
0x8f: {  	s24 =	sshll.u32 @!p1 s4, $0x6;
	s25 =	sshrl.u32 @!p1 s1, $0x3;
	[sflag:s22] =	ssyncadd.s32 $0xFFFFD000  }
0x90: {  	s28 =	simm.s32 @!p1 $0x5;
	s24 =	sor.u32 @!p1 $0x1C05, s24;
	[bflag:$0x0] =	sbarrier.arrive $0xFFFF  }
0x91: {  	[hbm:s8], [sflag:s24] =	dma.local @!p1 [spmem:s25], $0xFA0  }
0x92: {  	s29 =	sand.u32 $0xF, s26;
	s26 =	sadd.s32 $0x7D00, s1;
	_ =	swait.ge @!p1 [sflag:s28], $0xFA0  }
0x93: {  	s25 =	simm.s32 $0x2;
	s24 =	sadd.s32 $0xFA0, s8;
	[sflag:s28] =	ssyncset.done @!p1 $0x0  }
.LBB2_9:
0x94: {  	[sflag:s28] =	ssyncadd.s32 @!p1 $0xFFFFF060  }
0x95: {  	p1 =	sne.s32 s29, s4;
	s29 =	smov.u32 s25;
	s25 =	sadd.s32 $0x1, s25  }
0x96: {  	p2 =	seq.s32 s25, $0x19  }
.Ltmp6:
0x97: {  	s28 =	sshll.u32 @!p1 s4, $0x6;
	s30 =	sshrl.u32 @!p1 s26, $0x3;
	(pc) =	sbr.rel @!p2 .LBB2_9-.Ltmp6, $4  }
0x98: {  	s31 =	sor.u32 @!p1 $0x1C05, s28;
	s28 =	simm.s32 @!p1 $0x5  }
0x99: {  	[hbm:s24], [sflag:s31] =	dma.local @!p1 [spmem:s30], $0xFA0  }
0x9a: {  	s24 =	sadd.s32 $0xFA0, s24;
	_ =	swait.ge @!p1 [sflag:s28], $0xFA0  }
0x9b: {  	s29 =	sand.u32 $0xF, s29;
	s26 =	sadd.s32 $0x7D00, s26;
	[sflag:s28] =	ssyncset.done @!p1 $0x0  }
0x9c: {  	p2 =	sne.s32 s29, s4  }
0x9d: {  	[sflag:s28] =	ssyncadd.s32 @!p1 $0xFFFFF060;
	s25 =	sshll.u32 @!p2 s4, $0x6;
	s26 =	sshrl.u32 @!p2 s26, $0x3  }
.Ltmp7:
0x9e: {  	s28 =	simm.s32 @!p2 $0x5;
	s25 =	sor.u32 @!p2 $0x1C05, s25;
	(pc) =	sbr.rel .LBB2_18-.Ltmp7, $4  }
0x9f: {  	[hbm:s24], [sflag:s25] =	dma.local @!p2 [spmem:s26], $0xFA0  }
0xa0: {  	_ =	swait.ge @!p2 [sflag:s28], $0xFA0  }
0xa1: {  	[sflag:s28] =	ssyncset.done @!p2 $0x0  }
0xa2: {  	[sflag:s28] =	ssyncadd.s32 @!p2 $0xFFFFF060  }
.LBB2_11:
0xa3: {  	s24 =	sshll.u32 @!p1 s4, $0x6  }
0xa4: {  	s26 =	sshrl.u32 @!p1 s2, $0x3;
	s28 =	simm.s32 @!p1 $0x5;
	s24 =	sor.u32 @!p1 $0x1C05, s24  }
0xa5: {  	[spmem:s26], [sflag:s24] =	dma.local @!p1 [hbm:s6], $0xFA0  }
0xa6: {  	s29 =	sand.u32 $0xF, s25;
	s25 =	sadd.s32 $0xFA0, s6;
	_ =	swait.ge @!p1 [sflag:s28], $0xFA0  }
0xa7: {  	s26 =	simm.s32 $0x2;
	s24 =	sadd.s32 $0x7D00, s2;
	[sflag:s28] =	ssyncset.done @!p1 $0x0  }
.LBB2_12:
0xa8: {  	[sflag:s28] =	ssyncadd.s32 @!p1 $0xFFFFF060  }
0xa9: {  	p1 =	sne.s32 s29, s4;
	s29 =	smov.u32 s26;
	s26 =	sadd.s32 $0x1, s26  }
0xaa: {  	p2 =	seq.s32 s26, $0x19  }
.Ltmp8:
0xab: {  	s28 =	sshll.u32 @!p1 s4, $0x6;
	s30 =	sshrl.u32 @!p1 s24, $0x3;
	(pc) =	sbr.rel @!p2 .LBB2_12-.Ltmp8, $4  }
0xac: {  	s31 =	sor.u32 @!p1 $0x1C05, s28;
	s28 =	simm.s32 @!p1 $0x5  }
0xad: {  	[spmem:s30], [sflag:s31] =	dma.local @!p1 [hbm:s25], $0xFA0  }
0xae: {  	s24 =	sadd.s32 $0x7D00, s24;
	_ =	swait.ge @!p1 [sflag:s28], $0xFA0  }
0xaf: {  	s29 =	sand.u32 $0xF, s29;
	s25 =	sadd.s32 $0xFA0, s25;
	[sflag:s28] =	ssyncset.done @!p1 $0x0  }
0xb0: {  	p2 =	sne.s32 s29, s4  }
0xb1: {  	[sflag:s28] =	ssyncadd.s32 @!p1 $0xFFFFF060;
	s26 =	sshll.u32 @!p2 s4, $0x6  }
0xb2: {  	s24 =	sshrl.u32 @!p2 s24, $0x3;
	s28 =	simm.s32 @!p2 $0x5;
	s26 =	sor.u32 @!p2 $0x1C05, s26  }
0xb3: {  	[spmem:s24], [sflag:s26] =	dma.local @!p2 [hbm:s25], $0xFA0  }
0xb4: {  	_ =	swait.ge @!p2 [sflag:s28], $0xFA0  }
0xb5: {  	[sflag:s28] =	ssyncset.done @!p2 $0x0  }
0xb6: {  	[sflag:s28] =	ssyncadd.s32 @!p2 $0xFFFFF060  }
0xb7: {  	[bflag:$0x0] =	sbarrier.arrive $0xFFFF  }
0xb8: {  	[tilespmem:s3], [sflag:$0x5] =	stream.linear.gather [hbm4b:s11+s3], $0x300, $0x38;
	[tilespmem:$0x1F470] =	vst v63  }
0xb9: {  	_ =	swait.ge [sflag:s13], $0x300  }
0xba: {  	[sflag:s13] =	ssyncset.done $0x0  }
0xbb: {  	[sflag:s13] =	ssyncadd.s32 $0xFFFFFD00  }
0xbc: {  	[tilespmem:s15], [sflag:$0x1] =	stream.indirect.gather [spmem:s2], $0x20, s3, s14, $0xb8;
	[tilespmem:$0x1F470] =	vst v63  }
0xbd: {  	_ = 	snop  }
0xbe: {  	[tilespmem:s16], [sflag:$0x5] =	stream.linear.gather [hbm4b:s12+s3], $0x300, $0x38;
	[tilespmem:$0x1F470] =	vst v63  }
0xbf: {  	_ =	swait.ge [sflag:s13], $0x300  }
0xc0: {  	[sflag:s13] =	ssyncset.done $0x0  }
0xc1: {  	[sflag:s13] =	ssyncadd.s32 $0xFFFFFD00  }
0xc2: {  	[tilespmem:s17], [sflag:$0x2] =	stream.indirect.gather [spmem:s2], $0x20, s16, s14, $0xb8;
	[tilespmem:$0x1F470] =	vst v63  }
0xc3: {  	_ =	swait.ge [sflag:s18], $0x3000  }
0xc4: {  	[sflag:s18] =	ssyncset.done $0x0  }
0xc5: {  	[sflag:s18] =	ssyncadd.s32 $0xFFFFD000  }
0xc6: {  	[spmem:s1] =	stream.indirect.scatter.add.f32 [tilespmem:s15], [sflag:$0x3], $0x20, s14, s14, $0xb8;
	[tilespmem:$0x1F470] =	vst v63  }
0xc7: {  	_ =	swait.ge [sflag:s19], $0x3000  }
0xc8: {  	[sflag:s19] =	ssyncset.done $0x0  }
0xc9: {  	[sflag:s19] =	ssyncadd.s32 $0xFFFFD000  }
0xca: {  	[spmem:s1] =	stream.indirect.scatter.add.f32 [tilespmem:s17], [sflag:$0x4], $0x20, s20, s14, $0xb8;
	[tilespmem:$0x1F470] =	vst v63  }
0xcb: {  	_ =	swait.ge [sflag:s21], $0x3000  }
0xcc: {  	s30 =	sadd.s32 $0xFFFFE800, s11;
	[sflag:s21] =	ssyncset.done $0x0  }
0xcd: {  	s31 =	sadd.s32 $0x18C0, s30;
	[sflag:s21] =	ssyncadd.s32 $0xFFFFD000  }
0xce: {  	[tilespmem:s3], [sflag:$0x5] =	stream.linear.gather [hbm4b:s31+s3], $0x300, $0x38;
	[tilespmem:$0x1F470] =	vst v63  }
0xcf: {  	_ =	swait.ge [sflag:s13], $0x300  }
0xd0: {  	[sflag:s13] =	ssyncset.done $0x0  }
0xd1: {  	[sflag:s13] =	ssyncadd.s32 $0xFFFFFD00  }
0xd2: {  	[tilespmem:s15], [sflag:$0x1] =	stream.indirect.gather [spmem:s2], $0x20, s3, s14, $0xb8;
	[tilespmem:$0x1F470] =	vst v63  }
0xd3: {  	_ =	swait.ge [sflag:s22], $0x3000  }
0xd4: {  	[sflag:s22] =	ssyncset.done $0x0  }
0xd5: {  	s24 =	sadd.s32 $0x1920, s30;
	[sflag:s22] =	ssyncadd.s32 $0xFFFFD000  }
0xd6: {  	[tilespmem:s16], [sflag:$0x5] =	stream.linear.gather [hbm4b:s24+s3], $0x300, $0x38;
	[tilespmem:$0x1F470] =	vst v63  }
0xd7: {  	_ =	swait.ge [sflag:s13], $0x300  }
0xd8: {  	[sflag:s13] =	ssyncset.done $0x0  }
0xd9: {  	[sflag:s13] =	ssyncadd.s32 $0xFFFFFD00  }
0xda: {  	[tilespmem:s17], [sflag:$0x2] =	stream.indirect.gather [spmem:s2], $0x20, s16, s14, $0xb8;
	[tilespmem:$0x1F470] =	vst v63  }
0xdb: {  	_ =	swait.ge [sflag:s18], $0x3000  }
0xdc: {  	[sflag:s18] =	ssyncset.done $0x0  }
0xdd: {  	[sflag:s18] =	ssyncadd.s32 $0xFFFFD000  }
0xde: {  	[spmem:s1] =	stream.indirect.scatter.add.f32 [tilespmem:s15], [sflag:$0x3], $0x20, s14, s14, $0xb8;
	[tilespmem:$0x1F470] =	vst v63  }
0xdf: {  	_ =	swait.ge [sflag:s19], $0x3000  }
0xe0: {  	[sflag:s19] =	ssyncset.done $0x0  }
0xe1: {  	s24 =	simm.s32 $0xFFFFE8C0;
	[sflag:s19] =	ssyncadd.s32 $0xFFFFD000  }
.LBB2_14:
0xe2: {  	[spmem:s1] =	stream.indirect.scatter.add.f32 [tilespmem:s17], [sflag:$0x4], $0x20, s20, s14, $0xb8;
	[tilespmem:$0x1F470] =	vst v63  }
0xe3: {  	s25 =	smov.u32 s24  }
0xe4: {  	p1 =	sne.s32 s24, $0xFFFFFF40;
	s24 =	sadd.s32 $0xC0, s24;
	_ =	swait.ge [sflag:s21], $0x3000  }
0xe5: {  	s25 =	sadd.s32 s25, s11;
	[sflag:s21] =	ssyncset.done $0x0  }
0xe6: {  	s26 =	sadd.s32 $0x18C0, s25;
	[sflag:s21] =	ssyncadd.s32 $0xFFFFD000  }
0xe7: {  	[tilespmem:s3], [sflag:$0x5] =	stream.linear.gather [hbm4b:s26+s3], $0x300, $0x38;
	[tilespmem:$0x1F470] =	vst v63  }
0xe8: {  	_ =	swait.ge [sflag:s13], $0x300  }
0xe9: {  	[sflag:s13] =	ssyncset.done $0x0  }
0xea: {  	[sflag:s13] =	ssyncadd.s32 $0xFFFFFD00  }
0xeb: {  	[tilespmem:s15], [sflag:$0x1] =	stream.indirect.gather [spmem:s2], $0x20, s3, s14, $0xb8;
	[tilespmem:$0x1F470] =	vst v63  }
0xec: {  	_ =	swait.ge [sflag:s22], $0x3000  }
0xed: {  	[sflag:s22] =	ssyncset.done $0x0  }
0xee: {  	s25 =	sadd.s32 $0x1920, s25;
	[sflag:s22] =	ssyncadd.s32 $0xFFFFD000  }
0xef: {  	[tilespmem:s16], [sflag:$0x5] =	stream.linear.gather [hbm4b:s25+s3], $0x300, $0x38;
	[tilespmem:$0x1F470] =	vst v63  }
0xf0: {  	_ =	swait.ge [sflag:s13], $0x300  }
0xf1: {  	[sflag:s13] =	ssyncset.done $0x0  }
0xf2: {  	[sflag:s13] =	ssyncadd.s32 $0xFFFFFD00  }
0xf3: {  	[tilespmem:s17], [sflag:$0x2] =	stream.indirect.gather [spmem:s2], $0x20, s16, s14, $0xb8;
	[tilespmem:$0x1F470] =	vst v63  }
0xf4: {  	_ =	swait.ge [sflag:s18], $0x3000  }
0xf5: {  	[sflag:s18] =	ssyncset.done $0x0  }
.Ltmp9:
0xf6: {  	[sflag:s18] =	ssyncadd.s32 $0xFFFFD000;
	(pc) =	sbr.rel @p1 .LBB2_14-.Ltmp9, $4  }
0xf7: {  	[spmem:s1] =	stream.indirect.scatter.add.f32 [tilespmem:s15], [sflag:$0x3], $0x20, s14, s14, $0xb8;
	[tilespmem:$0x1F470] =	vst v63  }
0xf8: {  	_ =	swait.ge [sflag:s19], $0x3000  }
0xf9: {  	[sflag:s19] =	ssyncset.done $0x0  }
0xfa: {  	[sflag:s19] =	ssyncadd.s32 $0xFFFFD000  }
0xfb: {  	[spmem:s1] =	stream.indirect.scatter.add.f32 [tilespmem:s17], [sflag:$0x4], $0x20, s20, s14, $0xb8;
	[tilespmem:$0x1F470] =	vst v63  }
0xfc: {  	_ =	swait.ge [sflag:s21], $0x3000  }
0xfd: {  	[sflag:s21] =	ssyncset.done $0x0  }
0xfe: {  	s24 =	simm.s32 $0x0;
	[sflag:s21] =	ssyncadd.s32 $0xFFFFD000  }
0xff: {  	s24 =	sand.u32 $0xF, s24;
	_ =	swait.ge [sflag:s22], $0x3000  }
0x100: {  	s26 =	simm.s32 $0x1;
	p1 =	sne.s32 s24, s4;
	[sflag:s22] =	ssyncset.done $0x0  }
0x101: {  	s24 =	sshll.u32 @!p1 s4, $0x6;
	s25 =	sshrl.u32 @!p1 s1, $0x3;
	[sflag:s22] =	ssyncadd.s32 $0xFFFFD000  }
0x102: {  	s28 =	simm.s32 @!p1 $0x5;
	s24 =	sor.u32 @!p1 $0x1C05, s24;
	[bflag:$0x0] =	sbarrier.arrive $0xFFFF  }
0x103: {  	[hbm:s9], [sflag:s24] =	dma.local @!p1 [spmem:s25], $0xFA0  }
0x104: {  	s29 =	sand.u32 $0xF, s26;
	s26 =	sadd.s32 $0x7D00, s1;
	_ =	swait.ge @!p1 [sflag:s28], $0xFA0  }
0x105: {  	s25 =	simm.s32 $0x2;
	s24 =	sadd.s32 $0xFA0, s9;
	[sflag:s28] =	ssyncset.done @!p1 $0x0  }
.LBB2_16:
0x106: {  	[sflag:s28] =	ssyncadd.s32 @!p1 $0xFFFFF060  }
0x107: {  	p1 =	sne.s32 s29, s4;
	s29 =	smov.u32 s25;
	s25 =	sadd.s32 $0x1, s25  }
0x108: {  	p2 =	sne.s32 s25, $0x19  }
.Ltmp10:
0x109: {  	s28 =	sshll.u32 @!p1 s4, $0x6;
	s30 =	sshrl.u32 @!p1 s26, $0x3;
	(pc) =	sbr.rel @p2 .LBB2_16-.Ltmp10, $4  }
0x10a: {  	s31 =	sor.u32 @!p1 $0x1C05, s28;
	s28 =	simm.s32 @!p1 $0x5  }
0x10b: {  	[hbm:s24], [sflag:s31] =	dma.local @!p1 [spmem:s30], $0xFA0  }
0x10c: {  	s24 =	sadd.s32 $0xFA0, s24;
	_ =	swait.ge @!p1 [sflag:s28], $0xFA0  }
0x10d: {  	s29 =	sand.u32 $0xF, s29;
	s26 =	sadd.s32 $0x7D00, s26;
	[sflag:s28] =	ssyncset.done @!p1 $0x0  }
.Ltmp11:
0x10e: {  	_ = 	snop;
	(pc) =	sbr.rel .LBB2_17-.Ltmp11, $1  }
0x10f: {  	_ =	sdelay $0x3  }
.LBB2_19:
0x110: {  	_ =	sfence.sel $0x180000  }
0x111: {  	[bflag:$0x0] =	sbarrier.arrive $0xFFFF  }
0x112: {  	p0 =	sne.s32 s4, $0x0;
	_ =	strace $0x9000004D  }
0x113: {  	s0 =	sadd.s32 @!p0 $0x100000, s0;
	[bflag:$0x2] =	sbarrier.arrive $0xFFFF  }
0x114: {  	[sflag:s0] =	ssyncadd.tile.s32 @!p0 $0x1;
	_ =	shalt  }
.Lfunc_end2:
_tile_overlayer_lowered:
.L_overlay_start_2:
0x115: {  	(tag) =	ssettag $0x2  }
0x116: {  	s0 =	rddreg [dreg:$0x0];
	s2 =	stileid.u32  }
0x117: {  	s1 =	rddreg [dreg:$0x1];
	p0 =	sne.s32 s2, $0x0  }
0x118: {  	s3 =	rddreg [dreg:$0x2];
	[bflag:$0x3] =	sbarrier.arrive $0xFFFF;
	s2 =	simm.s32 @!p0 $0x1C05  }
0x119: {  	[timem:s3], [sflag:s2] =	dma.local @!p0 [hbm:s0], s1  }
0x11a: {  	s0 =	simm.s32 @!p0 $0x5  }
0x11b: {  	_ =	swait.ge @!p0 [sflag:s0], s1  }
0x11c: {  	s1 =	ssub.s32 @!p0 $0x0, s1;
	[sflag:s0] =	ssyncset.done @!p0 $0x0  }
0x11d: {  	[sflag:s0] =	ssyncadd.s32 @!p0 s1  }
0x11e: {  	[bflag:$0x3] =	sbarrier.arrive $0xFFFF  }
0x11f: {  	_ =	shalt  }

</sc_bundles>
